<compile_context>
chip_gen: v7x
topology: tpu7x:2x2x1
jax: 0.10.2.dev20260603
libtpu: 0.0.44.dev20260713+nightly
codegen_flags: <defaults>
</compile_context>

<pallas_src>
import functools

import jax
import jax.numpy as jnp
from jax import lax
from jax.experimental import pallas as pl
from jax.experimental.pallas import tpu as pltpu
from jax.experimental.pallas import tpu_sc as plsc

_K = 16
_N = 512
_B = 16
_D = 128
_L = 16
_NCHUNK = _N // _L
_NW = 32
_F = 40
_SROWS = 384
_TROWS = _N - _SROWS
_TPB = 2
_RPT = _SROWS // _TPB


def _sc_topk_body(locs_hbm, out_hbm, locv, outbuf):
    cid = lax.axis_index("c")
    sid = lax.axis_index("s")
    wid = sid * 2 + cid
    batch = wid // _TPB
    part = wid % _TPB
    pltpu.sync_copy(locs_hbm.at[batch], locv)

    lane = lax.iota(jnp.int32, _L)
    lane2 = lane * 2
    nway = 4
    grp = _RPT // nway

    def row_body(r, carry):
        idxs = [part * _RPT + r + j * grp for j in range(nway)]
        xis, yis = [], []
        for i in idxs:
            iv = jnp.zeros((_L,), jnp.int32) + 2 * i
            xis.append(plsc.load_gather(locv, [iv]))
            yis.append(plsc.load_gather(locv, [iv + 1]))
        aks = [None] * nway
        avs = [None] * nway
        for c in range(_NCHUNK):
            cols = lane + c * _L
            cols2 = lane2 + c * (2 * _L)
            cx = plsc.load_gather(locv, [cols2])
            cy = plsc.load_gather(locv, [cols2 + 1])
            d2s = []
            for j in range(nway):
                dx = cx - xis[j]
                dy = cy - yis[j]
                d2 = dx * dx + dy * dy
                d2s.append(jnp.where(cols == idxs[j], jnp.float32(jnp.inf), d2))
            if c == 0:
                for j in range(nway):
                    aks[j], avs[j] = plsc.sort_key_val(d2s[j], cols)
            else:
                bs = [plsc.sort_key_val(d2s[j], cols, descending=True)
                      for j in range(nway)]
                for j in range(nway):
                    bk, bv = bs[j]
                    t = bk < aks[j]
                    lk = jnp.where(t, bk, aks[j])
                    lv = jnp.where(t, bv, avs[j])
                    aks[j], avs[j] = plsc.sort_key_val(lk, lv)
        for j in range(nway):
            av2 = avs[j] * 2
            gx = plsc.load_gather(locv, [av2])
            gy = plsc.load_gather(locv, [av2 + 1])
            head = jnp.where(lane == 1, yis[j], xis[j])
            ro = r + j * grp
            outbuf[ro, pl.ds(0, _L)] = head
            rv = jnp.zeros((_L,), jnp.int32) + ro
            plsc.store_scatter(outbuf, [rv, lane2 + 2], gx - xis[j])
            plsc.store_scatter(outbuf, [rv, lane2 + 3], gy - yis[j])
        return carry

    lax.fori_loop(0, grp, row_body, 0)
    pltpu.sync_copy(outbuf, out_hbm.at[pl.ds(wid * _RPT, _RPT)])


_MMG = 4


def _mm_body(feats_ref, tc_ref, W_ref, b_ref, out_ref):
    for j in range(_MMG):
        out_ref[j, 0:_SROWS, :] = (
            jnp.dot(feats_ref[j], W_ref[...],
                    preferred_element_type=jnp.float32)
            + b_ref[...]
        )
        out_ref[j, _SROWS:_N, :] = tc_ref[j]


def _tc_body(locsT_ref, locs_ref, Wp_ref, b_ref, out_ref, feats_ref):
    n = _N
    m = _TROWS
    x_row = locsT_ref[0, 0:1, :]
    y_row = locsT_ref[0, 1:2, :]
    x_col = locs_ref[0, :, 0:1]
    y_col = locs_ref[0, :, 1:2]
    dxm = x_row - x_col
    dym = y_row - y_col
    d2 = dxm * dxm + dym * dym
    colj = jax.lax.broadcasted_iota(jnp.int32, (m, n), 1)
    rowi = jax.lax.broadcasted_iota(jnp.int32, (m, n), 0) + _SROWS
    inf = jnp.float32(jnp.inf)
    d2 = jnp.where(rowi == colj, inf, d2)

    feats_ref[:, 0:2] = locs_ref[0]
    feats_ref[:, 34:_F] = jnp.zeros((m, _F - 34), jnp.float32)
    for k in range(_K):
        mind2 = jnp.min(d2, axis=1, keepdims=True)
        mask = d2 == mind2
        feats_ref[:, 2 + k:3 + k] = jnp.sum(
            jnp.where(mask, dxm, 0.0), axis=1, keepdims=True)
        feats_ref[:, 18 + k:19 + k] = jnp.sum(
            jnp.where(mask, dym, 0.0), axis=1, keepdims=True)
        d2 = jnp.where(mask, inf, d2)

    out_ref[0] = (
        jnp.dot(feats_ref[...], Wp_ref[...], preferred_element_type=jnp.float32)
        + b_ref[...]
    )


@jax.jit
def kernel(locs, W, b):
    B, N, _ = locs.shape
    locs_flat = locs.reshape(B, 2 * N)
    b2 = b.reshape(1, _D)

    mesh = plsc.VectorSubcoreMesh(core_axis_name="c", subcore_axis_name="s")
    feats = pl.kernel(
        _sc_topk_body,
        out_type=jax.ShapeDtypeStruct((_B * _SROWS, _F), jnp.float32),
        mesh=mesh,
        compiler_params=pltpu.CompilerParams(needs_layout_passes=False),
        scratch_types=[
            pltpu.VMEM((2 * N,), jnp.float32),
            pltpu.VMEM((_RPT, _F), jnp.float32),
        ],
    )(locs_flat)

    locsT = locs.transpose(0, 2, 1)
    locs_tc = locs[:, _SROWS:, :]
    order = [0, 1] + [2 + 2 * k for k in range(_K)] + [3 + 2 * k for k in range(_K)]
    Wp = jnp.zeros((_F, _D), W.dtype).at[:34].set(W[jnp.asarray(order)])
    out_tc = pl.pallas_call(
        _tc_body,
        grid=(_B,),
        in_specs=[
            pl.BlockSpec((1, 2, N), lambda i: (i, 0, 0)),
            pl.BlockSpec((1, _TROWS, 2), lambda i: (i, 0, 0)),
            pl.BlockSpec((_F, _D), lambda i: (0, 0)),
            pl.BlockSpec((1, _D), lambda i: (0, 0)),
        ],
        out_specs=pl.BlockSpec((1, _TROWS, _D), lambda i: (i, 0, 0)),
        out_shape=jax.ShapeDtypeStruct((_B, _TROWS, _D), jnp.float32),
        scratch_shapes=[pltpu.VMEM((_TROWS, _F), jnp.float32)],
    )(locsT, locs_tc, Wp, b2)

    Wpad = jnp.zeros((_F, _D), W.dtype).at[:34].set(W)
    feats3 = feats.reshape(_B, _SROWS, _F)
    out = pl.pallas_call(
        _mm_body,
        grid=(_B // _MMG,),
        in_specs=[
            pl.BlockSpec((_MMG, _SROWS, _F), lambda i: (i, 0, 0)),
            pl.BlockSpec((_MMG, _TROWS, _D), lambda i: (i, 0, 0)),
            pl.BlockSpec((_F, _D), lambda i: (0, 0)),
            pl.BlockSpec((1, _D), lambda i: (0, 0)),
        ],
        out_specs=pl.BlockSpec((_MMG, _N, _D), lambda i: (i, 0, 0)),
        out_shape=jax.ShapeDtypeStruct((_B, _N, _D), jnp.float32),
    )(feats3, out_tc, Wpad, b2)
    return out

# --- scband reference (transcript-rebuilt; emitter-appended) ---
"""Pipeline reference for scband-custom-tspinit-embedding-52578989637700 (READ-ONLY COPY).

The authoritative reference and input builder live on the scoring server;
editing this copy changes nothing except your own understanding.
"""

import jax, jax.numpy as jnp
import numpy as np

K = 16
EMBED_DIM = 128


def setup_inputs(seed: int = 0) -> dict:
    key = jax.random.key(seed)
    k1, k2, k3 = jax.random.split(key, 3)
    locs = jax.random.uniform(k1, (16, 512, 2), dtype=jnp.float32)
    node_dim = 2 + 2 * K
    W = jax.random.normal(k2, (node_dim, EMBED_DIM), dtype=jnp.float32) * 0.05
    b = jax.random.normal(k3, (EMBED_DIM,), dtype=jnp.float32) * 0.05
    return {"locs": locs, "W": W, "b": b}


def reference(locs, W, b):
    B, N, _ = locs.shape
    # diff[b, i, j] = locs[b, j] - locs[b, i]  (matches torch unsqueeze(1) - unsqueeze(2))
    diff = locs[:, None, :, :] - locs[:, :, None, :]
    dists = jnp.linalg.norm(diff, axis=-1)
    eye = jnp.eye(N, dtype=bool)[None, :, :]
    dists = jnp.where(eye, jnp.inf, dists)
    # k smallest distances -> top_k of negated distances
    _, neighbors_idx = jax.lax.top_k(-dists, K)
    neighbors_rel = jnp.take_along_axis(diff, neighbors_idx[..., None], axis=2)
    neighbors_rel_flat = neighbors_rel.reshape(B, N, K * 2)
    node_feats = jnp.concatenate([locs, neighbors_rel_flat], axis=-1)
    return node_feats @ W + b

if __name__ == "__main__":
    import jax
    _d = setup_inputs()
    print(jax.jit(kernel)(*tuple(_d.values())))

</pallas_src>

<mosaic_0001>
#map = affine_map<(d0, d1) -> (0, 0)>
module attributes {stable_mosaic.version = 14 : i64} {
  func.func @_sc_topk_body(%arg0: i32, %arg1: i32, %arg2: memref<16x1024xf32, #tpu.memory_space<hbm>>, %arg3: memref<6144x40xf32, #tpu.memory_space<hbm>>, %arg4: memref<1024xf32, #tpu.memory_space<vmem>>, %arg5: memref<192x40xf32, #tpu.memory_space<vmem>>) attributes {dimension_semantics = [#tpu.dimension_semantics<core_parallel>, #tpu.dimension_semantics<subcore_parallel>], iteration_bounds = array<i64: 2, 16>, scalar_prefetch = 0 : i64, scratch_operands = 2 : i64, tpu.core_type = #tpu.core_type<sc_vector_subcore>, window_params = [{transform_indices = #map}, {transform_indices = #map}]} {
    %mul3A = arith.constant 2 : i32
    %mul3A_0 = arith.muli %arg1, %mul3A : i32
    %add3A = arith.addi %mul3A_0, %arg0 : i32
    %jit3A = arith.constant 2 : i32
    %div3A = arith.divsi %add3A, %jit3A : i32
    %sign3A = arith.constant 0 : i32
    %sign3A_1 = arith.cmpi sgt, %add3A, %sign3A : i32
    %sign3A_2 = arith.extui %sign3A_1 : i1 to i32
    %sign3A_3 = arith.constant 0 : i32
    %sign3A_4 = arith.cmpi slt, %add3A, %sign3A_3 : i32
    %sign3A_5 = arith.extui %sign3A_4 : i1 to i32
    %sign3A_6 = arith.subi %sign3A_2, %sign3A_5 : i32
    %sign3A_7 = arith.constant 0 : i32
    %sign3A_8 = arith.cmpi sgt, %jit3A, %sign3A_7 : i32
    %sign3A_9 = arith.extui %sign3A_8 : i1 to i32
    %sign3A_10 = arith.constant 0 : i32
    %sign3A_11 = arith.cmpi slt, %jit3A, %sign3A_10 : i32
    %sign3A_12 = arith.extui %sign3A_11 : i1 to i32
    %sign3A_13 = arith.subi %sign3A_9, %sign3A_12 : i32
    %ne3A = arith.cmpi ne, %sign3A_6, %sign3A_13 : i32
    %rem3A = arith.remsi %add3A, %jit3A : i32
    %ne3A_14 = arith.constant 0 : i32
    %ne3A_15 = arith.cmpi ne, %rem3A, %ne3A_14 : i32
    %and3A = arith.andi %ne3A, %ne3A_15 : i1
    %sub3A = arith.constant 1 : i32
    %sub3A_16 = arith.subi %div3A, %sub3A : i32
    %select_n3A = arith.select %and3A, %sub3A_16, %div3A : i32
    %jit3A_17 = arith.constant 2 : i32
    %eq3A = arith.constant 0 : i32
    %eq3A_18 = arith.cmpi eq, %jit3A_17, %eq3A : i32
    %jit3A_19 = arith.constant 1 : i32
    %select_n3A_20 = arith.select %eq3A_18, %jit3A_19, %jit3A_17 : i32
    %rem3A_21 = arith.remsi %add3A, %select_n3A_20 : i32
    %ne3A_22 = arith.constant 0 : i32
    %ne3A_23 = arith.cmpi ne, %rem3A_21, %ne3A_22 : i32
    %lt3A = arith.constant 0 : i32
    %lt3A_24 = arith.cmpi slt, %rem3A_21, %lt3A : i32
    %lt3A_25 = arith.constant 0 : i32
    %lt3A_26 = arith.cmpi slt, %select_n3A_20, %lt3A_25 : i32
    %ne3A_27 = arith.xori %lt3A_24, %lt3A_26 : i1
    %and3A_28 = arith.andi %ne3A_27, %ne3A_23 : i1
    %add3A_29 = arith.addi %rem3A_21, %select_n3A_20 : i32
    %select_n3A_30 = arith.select %and3A_28, %add3A_29, %rem3A_21 : i32
    "tpu.region"() ({
      %run_scoped3A = tpu.sem_alloc : memref<!tpu.dma_semaphore, #tpu.memory_space<semaphore_mem>>
      %dma_start3A = arith.constant 0 : i32
      %dma_start3A_41 = tpu.memref_slice %arg2[%select_n3A, %dma_start3A] : memref<16x1024xf32, #tpu.memory_space<hbm>> -> memref<1x1024xf32, #tpu.memory_space<hbm>>
      %dma_start3A_42 = tpu.memref_squeeze %dma_start3A_41 : memref<1x1024xf32, #tpu.memory_space<hbm>> -> memref<1024xf32, #tpu.memory_space<hbm>>
      %dma_start3A_43 = arith.constant 0 : i32
      %dma_start3A_44 = tpu.memref_slice %arg2[%select_n3A, %dma_start3A_43] : memref<16x1024xf32, #tpu.memory_space<hbm>> -> memref<1x1024xf32, #tpu.memory_space<hbm>>
      %dma_start3A_45 = tpu.memref_squeeze %dma_start3A_44 : memref<1x1024xf32, #tpu.memory_space<hbm>> -> memref<1024xf32, #tpu.memory_space<hbm>>
      tpu.enqueue_dma source(%dma_start3A_45 : memref<1024xf32, #tpu.memory_space<hbm>>) target(%arg4 : memref<1024xf32, #tpu.memory_space<vmem>>) target_semaphore(%run_scoped3A : memref<!tpu.dma_semaphore, #tpu.memory_space<semaphore_mem>>)
      %dma_wait3A = arith.constant 0 : i32
      %dma_wait3A_46 = tpu.memref_slice %arg2[%select_n3A, %dma_wait3A] : memref<16x1024xf32, #tpu.memory_space<hbm>> -> memref<1x1024xf32, #tpu.memory_space<hbm>>
      %dma_wait3A_47 = tpu.memref_squeeze %dma_wait3A_46 : memref<1x1024xf32, #tpu.memory_space<hbm>> -> memref<1024xf32, #tpu.memory_space<hbm>>
      %dma_wait3A_48 = arith.constant 0 : i32
      %dma_wait3A_49 = tpu.memref_slice %arg2[%select_n3A, %dma_wait3A_48] : memref<16x1024xf32, #tpu.memory_space<hbm>> -> memref<1x1024xf32, #tpu.memory_space<hbm>>
      %dma_wait3A_50 = tpu.memref_squeeze %dma_wait3A_49 : memref<1x1024xf32, #tpu.memory_space<hbm>> -> memref<1024xf32, #tpu.memory_space<hbm>>
      tpu.wait_dma2 semaphore(%run_scoped3A : memref<!tpu.dma_semaphore, #tpu.memory_space<semaphore_mem>>) src(%dma_wait3A_50 : memref<1024xf32, #tpu.memory_space<hbm>>) dst(%arg4 : memref<1024xf32, #tpu.memory_space<vmem>>)
      tpu.yield
    }) : () -> ()
    %iota3A = tpu.iota {dimensions = array<i32: 0>} : vector<16xi32>
    %mul3A_31 = arith.constant 2 : i32
    %mul3A_32 = vector.broadcast %mul3A_31 : i32 to vector<16xi32>
    %mul3A_33 = arith.muli %iota3A, %mul3A_32 : vector<16xi32>
    %scan3A = arith.constant 0 : i32
    %scan3A_34 = arith.constant 0 : i32
    %scan3A_35 = arith.constant 48 : i32
    %scan3A_36 = arith.addi %scan3A_34, %scan3A_35 : i32
    %scan3A_37 = arith.constant 1 : i32
    scf.for %scan3A_41 = %scan3A_34 to %scan3A_36 step %scan3A_37  : i32 {
      %mul3A_42 = arith.constant 192 : i32
      %mul3A_43 = arith.muli %select_n3A_30, %mul3A_42 : i32
      %add3A_44 = arith.addi %mul3A_43, %scan3A_41 : i32
      %add3A_45 = arith.constant 0 : i32
      %add3A_46 = arith.addi %add3A_44, %add3A_45 : i32
      %mul3A_47 = arith.constant 192 : i32
      %mul3A_48 = arith.muli %select_n3A_30, %mul3A_47 : i32
      %add3A_49 = arith.addi %mul3A_48, %scan3A_41 : i32
      %add3A_50 = arith.constant 48 : i32
      %add3A_51 = arith.addi %add3A_49, %add3A_50 : i32
      %mul3A_52 = arith.constant 192 : i32
      %mul3A_53 = arith.muli %select_n3A_30, %mul3A_52 : i32
      %add3A_54 = arith.addi %mul3A_53, %scan3A_41 : i32
      %add3A_55 = arith.constant 96 : i32
      %add3A_56 = arith.addi %add3A_54, %add3A_55 : i32
      %mul3A_57 = arith.constant 192 : i32
      %mul3A_58 = arith.muli %select_n3A_30, %mul3A_57 : i32
      %add3A_59 = arith.addi %mul3A_58, %scan3A_41 : i32
      %add3A_60 = arith.constant 144 : i32
      %add3A_61 = arith.addi %add3A_59, %add3A_60 : i32
      %broadcast_in_dim3A = arith.constant 0 : i32
      %broadcast_in_dim3A_62 = vector.broadcast %broadcast_in_dim3A : i32 to vector<16xi32>
      %mul3A_63 = arith.constant 2 : i32
      %mul3A_64 = arith.muli %mul3A_63, %add3A_46 : i32
      %add3A_65 = vector.broadcast %mul3A_64 : i32 to vector<16xi32>
      %add3A_66 = arith.addi %broadcast_in_dim3A_62, %add3A_65 : vector<16xi32>
      %gather3A = tpu.vector_load_idx %arg4[%add3A_66] : memref<1024xf32, #tpu.memory_space<vmem>>[vector<16xi32>], vector<16xf32>,
      %add3A_67 = arith.constant 1 : i32
      %add3A_68 = vector.broadcast %add3A_67 : i32 to vector<16xi32>
      %add3A_69 = arith.addi %add3A_66, %add3A_68 : vector<16xi32>
      %gather3A_70 = tpu.vector_load_idx %arg4[%add3A_69] : memref<1024xf32, #tpu.memory_space<vmem>>[vector<16xi32>], vector<16xf32>,
      %broadcast_in_dim3A_71 = arith.constant 0 : i32
      %broadcast_in_dim3A_72 = vector.broadcast %broadcast_in_dim3A_71 : i32 to vector<16xi32>
      %mul3A_73 = arith.constant 2 : i32
      %mul3A_74 = arith.muli %mul3A_73, %add3A_51 : i32
      %add3A_75 = vector.broadcast %mul3A_74 : i32 to vector<16xi32>
      %add3A_76 = arith.addi %broadcast_in_dim3A_72, %add3A_75 : vector<16xi32>
      %gather3A_77 = tpu.vector_load_idx %arg4[%add3A_76] : memref<1024xf32, #tpu.memory_space<vmem>>[vector<16xi32>], vector<16xf32>,
      %add3A_78 = arith.constant 1 : i32
      %add3A_79 = vector.broadcast %add3A_78 : i32 to vector<16xi32>
      %add3A_80 = arith.addi %add3A_76, %add3A_79 : vector<16xi32>
      %gather3A_81 = tpu.vector_load_idx %arg4[%add3A_80] : memref<1024xf32, #tpu.memory_space<vmem>>[vector<16xi32>], vector<16xf32>,
      %broadcast_in_dim3A_82 = arith.constant 0 : i32
      %broadcast_in_dim3A_83 = vector.broadcast %broadcast_in_dim3A_82 : i32 to vector<16xi32>
      %mul3A_84 = arith.constant 2 : i32
      %mul3A_85 = arith.muli %mul3A_84, %add3A_56 : i32
      %add3A_86 = vector.broadcast %mul3A_85 : i32 to vector<16xi32>
      %add3A_87 = arith.addi %broadcast_in_dim3A_83, %add3A_86 : vector<16xi32>
      %gather3A_88 = tpu.vector_load_idx %arg4[%add3A_87] : memref<1024xf32, #tpu.memory_space<vmem>>[vector<16xi32>], vector<16xf32>,
      %add3A_89 = arith.constant 1 : i32
      %add3A_90 = vector.broadcast %add3A_89 : i32 to vector<16xi32>
      %add3A_91 = arith.addi %add3A_87, %add3A_90 : vector<16xi32>
      %gather3A_92 = tpu.vector_load_idx %arg4[%add3A_91] : memref<1024xf32, #tpu.memory_space<vmem>>[vector<16xi32>], vector<16xf32>,
      %broadcast_in_dim3A_93 = arith.constant 0 : i32
      %broadcast_in_dim3A_94 = vector.broadcast %broadcast_in_dim3A_93 : i32 to vector<16xi32>
      %mul3A_95 = arith.constant 2 : i32
      %mul3A_96 = arith.muli %mul3A_95, %add3A_61 : i32
      %add3A_97 = vector.broadcast %mul3A_96 : i32 to vector<16xi32>
      %add3A_98 = arith.addi %broadcast_in_dim3A_94, %add3A_97 : vector<16xi32>
      %gather3A_99 = tpu.vector_load_idx %arg4[%add3A_98] : memref<1024xf32, #tpu.memory_space<vmem>>[vector<16xi32>], vector<16xf32>,
      %add3A_100 = arith.constant 1 : i32
      %add3A_101 = vector.broadcast %add3A_100 : i32 to vector<16xi32>
      %add3A_102 = arith.addi %add3A_98, %add3A_101 : vector<16xi32>
      %gather3A_103 = tpu.vector_load_idx %arg4[%add3A_102] : memref<1024xf32, #tpu.memory_space<vmem>>[vector<16xi32>], vector<16xf32>,
      %add3A_104 = arith.constant 0 : i32
      %add3A_105 = vector.broadcast %add3A_104 : i32 to vector<16xi32>
      %add3A_106 = arith.addi %iota3A, %add3A_105 : vector<16xi32>
      %add3A_107 = arith.constant 0 : i32
      %add3A_108 = vector.broadcast %add3A_107 : i32 to vector<16xi32>
      %add3A_109 = arith.addi %mul3A_33, %add3A_108 : vector<16xi32>
      %gather3A_110 = tpu.vector_load_idx %arg4[%add3A_109] : memref<1024xf32, #tpu.memory_space<vmem>>[vector<16xi32>], vector<16xf32>,
      %add3A_111 = arith.constant 1 : i32
      %add3A_112 = vector.broadcast %add3A_111 : i32 to vector<16xi32>
      %add3A_113 = arith.addi %add3A_109, %add3A_112 : vector<16xi32>
      %gather3A_114 = tpu.vector_load_idx %arg4[%add3A_113] : memref<1024xf32, #tpu.memory_space<vmem>>[vector<16xi32>], vector<16xf32>,
      %sub3A_115 = arith.subf %gather3A_110, %gather3A : vector<16xf32>
      %sub3A_116 = arith.subf %gather3A_114, %gather3A_70 : vector<16xf32>
      %mul3A_117 = arith.mulf %sub3A_115, %sub3A_115 : vector<16xf32>
      %mul3A_118 = arith.mulf %sub3A_116, %sub3A_116 : vector<16xf32>
      %add3A_119 = arith.addf %mul3A_117, %mul3A_118 : vector<16xf32>
      %eq3A_120 = vector.broadcast %add3A_46 : i32 to vector<16xi32>
      %eq3A_121 = arith.cmpi eq, %add3A_106, %eq3A_120 : vector<16xi32>
      %jit3A_122 = arith.constant 0x7F800000 : f32
      %broadcast_in_dim3A_123 = vector.broadcast %jit3A_122 : f32 to vector<16xf32>
      %select_n3A_124 = arith.select %eq3A_121, %broadcast_in_dim3A_123, %add3A_119 : vector<16xi1>, vector<16xf32>
      %sub3A_125 = arith.subf %gather3A_110, %gather3A_77 : vector<16xf32>
      %sub3A_126 = arith.subf %gather3A_114, %gather3A_81 : vector<16xf32>
      %mul3A_127 = arith.mulf %sub3A_125, %sub3A_125 : vector<16xf32>
      %mul3A_128 = arith.mulf %sub3A_126, %sub3A_126 : vector<16xf32>
      %add3A_129 = arith.addf %mul3A_127, %mul3A_128 : vector<16xf32>
      %eq3A_130 = vector.broadcast %add3A_51 : i32 to vector<16xi32>
      %eq3A_131 = arith.cmpi eq, %add3A_106, %eq3A_130 : vector<16xi32>
      %jit3A_132 = arith.constant 0x7F800000 : f32
      %broadcast_in_dim3A_133 = vector.broadcast %jit3A_132 : f32 to vector<16xf32>
      %select_n3A_134 = arith.select %eq3A_131, %broadcast_in_dim3A_133, %add3A_129 : vector<16xi1>, vector<16xf32>
      %sub3A_135 = arith.subf %gather3A_110, %gather3A_88 : vector<16xf32>
      %sub3A_136 = arith.subf %gather3A_114, %gather3A_92 : vector<16xf32>
      %mul3A_137 = arith.mulf %sub3A_135, %sub3A_135 : vector<16xf32>
      %mul3A_138 = arith.mulf %sub3A_136, %sub3A_136 : vector<16xf32>
      %add3A_139 = arith.addf %mul3A_137, %mul3A_138 : vector<16xf32>
      %eq3A_140 = vector.broadcast %add3A_56 : i32 to vector<16xi32>
      %eq3A_141 = arith.cmpi eq, %add3A_106, %eq3A_140 : vector<16xi32>
      %jit3A_142 = arith.constant 0x7F800000 : f32
      %broadcast_in_dim3A_143 = vector.broadcast %jit3A_142 : f32 to vector<16xf32>
      %select_n3A_144 = arith.select %eq3A_141, %broadcast_in_dim3A_143, %add3A_139 : vector<16xi1>, vector<16xf32>
      %sub3A_145 = arith.subf %gather3A_110, %gather3A_99 : vector<16xf32>
      %sub3A_146 = arith.subf %gather3A_114, %gather3A_103 : vector<16xf32>
      %mul3A_147 = arith.mulf %sub3A_145, %sub3A_145 : vector<16xf32>
      %mul3A_148 = arith.mulf %sub3A_146, %sub3A_146 : vector<16xf32>
      %add3A_149 = arith.addf %mul3A_147, %mul3A_148 : vector<16xf32>
      %eq3A_150 = vector.broadcast %add3A_61 : i32 to vector<16xi32>
      %eq3A_151 = arith.cmpi eq, %add3A_106, %eq3A_150 : vector<16xi32>
      %jit3A_152 = arith.constant 0x7F800000 : f32
      %broadcast_in_dim3A_153 = vector.broadcast %jit3A_152 : f32 to vector<16xf32>
      %select_n3A_154 = arith.select %eq3A_151, %broadcast_in_dim3A_153, %add3A_149 : vector<16xi1>, vector<16xf32>
      %masked_sort3A = arith.constant dense<true> : vector<16xi1>
      %masked_sort3A_155, %masked_sort3A_156, %masked_sort3A_157 = tpu.sort %select_n3A_124, %add3A_106 masked %masked_sort3A : (vector<16xf32>, vector<16xi32>, vector<16xi1>) -> (vector<16xi1>, vector<16xf32>, vector<16xi32>)
      %masked_sort3A_158 = arith.constant dense<true> : vector<16xi1>
      %masked_sort3A_159, %masked_sort3A_160, %masked_sort3A_161 = tpu.sort %select_n3A_134, %add3A_106 masked %masked_sort3A_158 : (vector<16xf32>, vector<16xi32>, vector<16xi1>) -> (vector<16xi1>, vector<16xf32>, vector<16xi32>)
      %masked_sort3A_162 = arith.constant dense<true> : vector<16xi1>
      %masked_sort3A_163, %masked_sort3A_164, %masked_sort3A_165 = tpu.sort %select_n3A_144, %add3A_106 masked %masked_sort3A_162 : (vector<16xf32>, vector<16xi32>, vector<16xi1>) -> (vector<16xi1>, vector<16xf32>, vector<16xi32>)
      %masked_sort3A_166 = arith.constant dense<true> : vector<16xi1>
      %masked_sort3A_167, %masked_sort3A_168, %masked_sort3A_169 = tpu.sort %select_n3A_154, %add3A_106 masked %masked_sort3A_166 : (vector<16xf32>, vector<16xi32>, vector<16xi1>) -> (vector<16xi1>, vector<16xf32>, vector<16xi32>)
      %add3A_170 = arith.constant 16 : i32
      %add3A_171 = vector.broadcast %add3A_170 : i32 to vector<16xi32>
      %add3A_172 = arith.addi %iota3A, %add3A_171 : vector<16xi32>
      %add3A_173 = arith.constant 32 : i32
      %add3A_174 = vector.broadcast %add3A_173 : i32 to vector<16xi32>
      %add3A_175 = arith.addi %mul3A_33, %add3A_174 : vector<16xi32>
      %gather3A_176 = tpu.vector_load_idx %arg4[%add3A_175] : memref<1024xf32, #tpu.memory_space<vmem>>[vector<16xi32>], vector<16xf32>,
      %add3A_177 = arith.constant 1 : i32
      %add3A_178 = vector.broadcast %add3A_177 : i32 to vector<16xi32>
      %add3A_179 = arith.addi %add3A_175, %add3A_178 : vector<16xi32>
      %gather3A_180 = tpu.vector_load_idx %arg4[%add3A_179] : memref<1024xf32, #tpu.memory_space<vmem>>[vector<16xi32>], vector<16xf32>,
      %sub3A_181 = arith.subf %gather3A_176, %gather3A : vector<16xf32>
      %sub3A_182 = arith.subf %gather3A_180, %gather3A_70 : vector<16xf32>
      %mul3A_183 = arith.mulf %sub3A_181, %sub3A_181 : vector<16xf32>
      %mul3A_184 = arith.mulf %sub3A_182, %sub3A_182 : vector<16xf32>
      %add3A_185 = arith.addf %mul3A_183, %mul3A_184 : vector<16xf32>
      %eq3A_186 = vector.broadcast %add3A_46 : i32 to vector<16xi32>
      %eq3A_187 = arith.cmpi eq, %add3A_172, %eq3A_186 : vector<16xi32>
      %jit3A_188 = arith.constant 0x7F800000 : f32
      %broadcast_in_dim3A_189 = vector.broadcast %jit3A_188 : f32 to vector<16xf32>
      %select_n3A_190 = arith.select %eq3A_187, %broadcast_in_dim3A_189, %add3A_185 : vector<16xi1>, vector<16xf32>
      %sub3A_191 = arith.subf %gather3A_176, %gather3A_77 : vector<16xf32>
      %sub3A_192 = arith.subf %gather3A_180, %gather3A_81 : vector<16xf32>
      %mul3A_193 = arith.mulf %sub3A_191, %sub3A_191 : vector<16xf32>
      %mul3A_194 = arith.mulf %sub3A_192, %sub3A_192 : vector<16xf32>
      %add3A_195 = arith.addf %mul3A_193, %mul3A_194 : vector<16xf32>
      %eq3A_196 = vector.broadcast %add3A_51 : i32 to vector<16xi32>
      %eq3A_197 = arith.cmpi eq, %add3A_172, %eq3A_196 : vector<16xi32>
      %jit3A_198 = arith.constant 0x7F800000 : f32
      %broadcast_in_dim3A_199 = vector.broadcast %jit3A_198 : f32 to vector<16xf32>
      %select_n3A_200 = arith.select %eq3A_197, %broadcast_in_dim3A_199, %add3A_195 : vector<16xi1>, vector<16xf32>
      %sub3A_201 = arith.subf %gather3A_176, %gather3A_88 : vector<16xf32>
      %sub3A_202 = arith.subf %gather3A_180, %gather3A_92 : vector<16xf32>
      %mul3A_203 = arith.mulf %sub3A_201, %sub3A_201 : vector<16xf32>
      %mul3A_204 = arith.mulf %sub3A_202, %sub3A_202 : vector<16xf32>
      %add3A_205 = arith.addf %mul3A_203, %mul3A_204 : vector<16xf32>
      %eq3A_206 = vector.broadcast %add3A_56 : i32 to vector<16xi32>
      %eq3A_207 = arith.cmpi eq, %add3A_172, %eq3A_206 : vector<16xi32>
      %jit3A_208 = arith.constant 0x7F800000 : f32
      %broadcast_in_dim3A_209 = vector.broadcast %jit3A_208 : f32 to vector<16xf32>
      %select_n3A_210 = arith.select %eq3A_207, %broadcast_in_dim3A_209, %add3A_205 : vector<16xi1>, vector<16xf32>
      %sub3A_211 = arith.subf %gather3A_176, %gather3A_99 : vector<16xf32>
      %sub3A_212 = arith.subf %gather3A_180, %gather3A_103 : vector<16xf32>
      %mul3A_213 = arith.mulf %sub3A_211, %sub3A_211 : vector<16xf32>
      %mul3A_214 = arith.mulf %sub3A_212, %sub3A_212 : vector<16xf32>
      %add3A_215 = arith.addf %mul3A_213, %mul3A_214 : vector<16xf32>
      %eq3A_216 = vector.broadcast %add3A_61 : i32 to vector<16xi32>
      %eq3A_217 = arith.cmpi eq, %add3A_172, %eq3A_216 : vector<16xi32>
      %jit3A_218 = arith.constant 0x7F800000 : f32
      %broadcast_in_dim3A_219 = vector.broadcast %jit3A_218 : f32 to vector<16xf32>
      %select_n3A_220 = arith.select %eq3A_217, %broadcast_in_dim3A_219, %add3A_215 : vector<16xi1>, vector<16xf32>
      %masked_sort3A_221 = arith.constant dense<true> : vector<16xi1>
      %masked_sort3A_222, %masked_sort3A_223, %masked_sort3A_224 = tpu.sort %select_n3A_190, %add3A_172 masked %masked_sort3A_221 {descending = true} : (vector<16xf32>, vector<16xi32>, vector<16xi1>) -> (vector<16xi1>, vector<16xf32>, vector<16xi32>)
      %masked_sort3A_225 = arith.constant dense<true> : vector<16xi1>
      %masked_sort3A_226, %masked_sort3A_227, %masked_sort3A_228 = tpu.sort %select_n3A_200, %add3A_172 masked %masked_sort3A_225 {descending = true} : (vector<16xf32>, vector<16xi32>, vector<16xi1>) -> (vector<16xi1>, vector<16xf32>, vector<16xi32>)
      %masked_sort3A_229 = arith.constant dense<true> : vector<16xi1>
      %masked_sort3A_230, %masked_sort3A_231, %masked_sort3A_232 = tpu.sort %select_n3A_210, %add3A_172 masked %masked_sort3A_229 {descending = true} : (vector<16xf32>, vector<16xi32>, vector<16xi1>) -> (vector<16xi1>, vector<16xf32>, vector<16xi32>)
      %masked_sort3A_233 = arith.constant dense<true> : vector<16xi1>
      %masked_sort3A_234, %masked_sort3A_235, %masked_sort3A_236 = tpu.sort %select_n3A_220, %add3A_172 masked %masked_sort3A_233 {descending = true} : (vector<16xf32>, vector<16xi32>, vector<16xi1>) -> (vector<16xi1>, vector<16xf32>, vector<16xi32>)
      %lt3A_237 = arith.cmpf olt, %masked_sort3A_223, %masked_sort3A_156 : vector<16xf32>
      %select_n3A_238 = arith.select %lt3A_237, %masked_sort3A_223, %masked_sort3A_156 : vector<16xi1>, vector<16xf32>
      %select_n3A_239 = arith.select %lt3A_237, %masked_sort3A_224, %masked_sort3A_157 : vector<16xi1>, vector<16xi32>
      %masked_sort3A_240 = arith.constant dense<true> : vector<16xi1>
      %masked_sort3A_241, %masked_sort3A_242, %masked_sort3A_243 = tpu.sort %select_n3A_238, %select_n3A_239 masked %masked_sort3A_240 : (vector<16xf32>, vector<16xi32>, vector<16xi1>) -> (vector<16xi1>, vector<16xf32>, vector<16xi32>)
      %lt3A_244 = arith.cmpf olt, %masked_sort3A_227, %masked_sort3A_160 : vector<16xf32>
      %select_n3A_245 = arith.select %lt3A_244, %masked_sort3A_227, %masked_sort3A_160 : vector<16xi1>, vector<16xf32>
      %select_n3A_246 = arith.select %lt3A_244, %masked_sort3A_228, %masked_sort3A_161 : vector<16xi1>, vector<16xi32>
      %masked_sort3A_247 = arith.constant dense<true> : vector<16xi1>
      %masked_sort3A_248, %masked_sort3A_249, %masked_sort3A_250 = tpu.sort %select_n3A_245, %select_n3A_246 masked %masked_sort3A_247 : (vector<16xf32>, vector<16xi32>, vector<16xi1>) -> (vector<16xi1>, vector<16xf32>, vector<16xi32>)
      %lt3A_251 = arith.cmpf olt, %masked_sort3A_231, %masked_sort3A_164 : vector<16xf32>
      %select_n3A_252 = arith.select %lt3A_251, %masked_sort3A_231, %masked_sort3A_164 : vector<16xi1>, vector<16xf32>
      %select_n3A_253 = arith.select %lt3A_251, %masked_sort3A_232, %masked_sort3A_165 : vector<16xi1>, vector<16xi32>
      %masked_sort3A_254 = arith.constant dense<true> : vector<16xi1>
      %masked_sort3A_255, %masked_sort3A_256, %masked_sort3A_257 = tpu.sort %select_n3A_252, %select_n3A_253 masked %masked_sort3A_254 : (vector<16xf32>, vector<16xi32>, vector<16xi1>) -> (vector<16xi1>, vector<16xf32>, vector<16xi32>)
      %lt3A_258 = arith.cmpf olt, %masked_sort3A_235, %masked_sort3A_168 : vector<16xf32>
      %select_n3A_259 = arith.select %lt3A_258, %masked_sort3A_235, %masked_sort3A_168 : vector<16xi1>, vector<16xf32>
      %select_n3A_260 = arith.select %lt3A_258, %masked_sort3A_236, %masked_sort3A_169 : vector<16xi1>, vector<16xi32>
      %masked_sort3A_261 = arith.constant dense<true> : vector<16xi1>
      %masked_sort3A_262, %masked_sort3A_263, %masked_sort3A_264 = tpu.sort %select_n3A_259, %select_n3A_260 masked %masked_sort3A_261 : (vector<16xf32>, vector<16xi32>, vector<16xi1>) -> (vector<16xi1>, vector<16xf32>, vector<16xi32>)
      %add3A_265 = arith.constant 32 : i32
      %add3A_266 = vector.broadcast %add3A_265 : i32 to vector<16xi32>
      %add3A_267 = arith.addi %iota3A, %add3A_266 : vector<16xi32>
      %add3A_268 = arith.constant 64 : i32
      %add3A_269 = vector.broadcast %add3A_268 : i32 to vector<16xi32>
      %add3A_270 = arith.addi %mul3A_33, %add3A_269 : vector<16xi32>
      %gather3A_271 = tpu.vector_load_idx %arg4[%add3A_270] : memref<1024xf32, #tpu.memory_space<vmem>>[vector<16xi32>], vector<16xf32>,
      %add3A_272 = arith.constant 1 : i32
      %add3A_273 = vector.broadcast %add3A_272 : i32 to vector<16xi32>
      %add3A_274 = arith.addi %add3A_270, %add3A_273 : vector<16xi32>
      %gather3A_275 = tpu.vector_load_idx %arg4[%add3A_274] : memref<1024xf32, #tpu.memory_space<vmem>>[vector<16xi32>], vector<16xf32>,
      %sub3A_276 = arith.subf %gather3A_271, %gather3A : vector<16xf32>
      %sub3A_277 = arith.subf %gather3A_275, %gather3A_70 : vector<16xf32>
      %mul3A_278 = arith.mulf %sub3A_276, %sub3A_276 : vector<16xf32>
      %mul3A_279 = arith.mulf %sub3A_277, %sub3A_277 : vector<16xf32>
      %add3A_280 = arith.addf %mul3A_278, %mul3A_279 : vector<16xf32>
      %eq3A_281 = vector.broadcast %add3A_46 : i32 to vector<16xi32>
      %eq3A_282 = arith.cmpi eq, %add3A_267, %eq3A_281 : vector<16xi32>
      %jit3A_283 = arith.constant 0x7F800000 : f32
      %broadcast_in_dim3A_284 = vector.broadcast %jit3A_283 : f32 to vector<16xf32>
      %select_n3A_285 = arith.select %eq3A_282, %broadcast_in_dim3A_284, %add3A_280 : vector<16xi1>, vector<16xf32>
      %sub3A_286 = arith.subf %gather3A_271, %gather3A_77 : vector<16xf32>
      %sub3A_287 = arith.subf %gather3A_275, %gather3A_81 : vector<16xf32>
      %mul3A_288 = arith.mulf %sub3A_286, %sub3A_286 : vector<16xf32>
      %mul3A_289 = arith.mulf %sub3A_287, %sub3A_287 : vector<16xf32>
      %add3A_290 = arith.addf %mul3A_288, %mul3A_289 : vector<16xf32>
      %eq3A_291 = vector.broadcast %add3A_51 : i32 to vector<16xi32>
      %eq3A_292 = arith.cmpi eq, %add3A_267, %eq3A_291 : vector<16xi32>
      %jit3A_293 = arith.constant 0x7F800000 : f32
      %broadcast_in_dim3A_294 = vector.broadcast %jit3A_293 : f32 to vector<16xf32>
      %select_n3A_295 = arith.select %eq3A_292, %broadcast_in_dim3A_294, %add3A_290 : vector<16xi1>, vector<16xf32>
      %sub3A_296 = arith.subf %gather3A_271, %gather3A_88 : vector<16xf32>
      %sub3A_297 = arith.subf %gather3A_275, %gather3A_92 : vector<16xf32>
      %mul3A_298 = arith.mulf %sub3A_296, %sub3A_296 : vector<16xf32>
      %mul3A_299 = arith.mulf %sub3A_297, %sub3A_297 : vector<16xf32>
      %add3A_300 = arith.addf %mul3A_298, %mul3A_299 : vector<16xf32>
      %eq3A_301 = vector.broadcast %add3A_56 : i32 to vector<16xi32>
      %eq3A_302 = arith.cmpi eq, %add3A_267, %eq3A_301 : vector<16xi32>
      %jit3A_303 = arith.constant 0x7F800000 : f32
      %broadcast_in_dim3A_304 = vector.broadcast %jit3A_303 : f32 to vector<16xf32>
      %select_n3A_305 = arith.select %eq3A_302, %broadcast_in_dim3A_304, %add3A_300 : vector<16xi1>, vector<16xf32>
      %sub3A_306 = arith.subf %gather3A_271, %gather3A_99 : vector<16xf32>
      %sub3A_307 = arith.subf %gather3A_275, %gather3A_103 : vector<16xf32>
      %mul3A_308 = arith.mulf %sub3A_306, %sub3A_306 : vector<16xf32>
      %mul3A_309 = arith.mulf %sub3A_307, %sub3A_307 : vector<16xf32>
      %add3A_310 = arith.addf %mul3A_308, %mul3A_309 : vector<16xf32>
      %eq3A_311 = vector.broadcast %add3A_61 : i32 to vector<16xi32>
      %eq3A_312 = arith.cmpi eq, %add3A_267, %eq3A_311 : vector<16xi32>
      %jit3A_313 = arith.constant 0x7F800000 : f32
      %broadcast_in_dim3A_314 = vector.broadcast %jit3A_313 : f32 to vector<16xf32>
      %select_n3A_315 = arith.select %eq3A_312, %broadcast_in_dim3A_314, %add3A_310 : vector<16xi1>, vector<16xf32>
      %masked_sort3A_316 = arith.constant dense<true> : vector<16xi1>
      %masked_sort3A_317, %masked_sort3A_318, %masked_sort3A_319 = tpu.sort %select_n3A_285, %add3A_267 masked %masked_sort3A_316 {descending = true} : (vector<16xf32>, vector<16xi32>, vector<16xi1>) -> (vector<16xi1>, vector<16xf32>, vector<16xi32>)
      %masked_sort3A_320 = arith.constant dense<true> : vector<16xi1>
      %masked_sort3A_321, %masked_sort3A_322, %masked_sort3A_323 = tpu.sort %select_n3A_295, %add3A_267 masked %masked_sort3A_320 {descending = true} : (vector<16xf32>, vector<16xi32>, vector<16xi1>) -> (vector<16xi1>, vector<16xf32>, vector<16xi32>)
      %masked_sort3A_324 = arith.constant dense<true> : vector<16xi1>
      %masked_sort3A_325, %masked_sort3A_326, %masked_sort3A_327 = tpu.sort %select_n3A_305, %add3A_267 masked %masked_sort3A_324 {descending = true} : (vector<16xf32>, vector<16xi32>, vector<16xi1>) -> (vector<16xi1>, vector<16xf32>, vector<16xi32>)
      %masked_sort3A_328 = arith.constant dense<true> : vector<16xi1>
      %masked_sort3A_329, %masked_sort3A_330, %masked_sort3A_331 = tpu.sort %select_n3A_315, %add3A_267 masked %masked_sort3A_328 {descending = true} : (vector<16xf32>, vector<16xi32>, vector<16xi1>) -> (vector<16xi1>, vector<16xf32>, vector<16xi32>)
      %lt3A_332 = arith.cmpf olt, %masked_sort3A_318, %masked_sort3A_242 : vector<16xf32>
      %select_n3A_333 = arith.select %lt3A_332, %masked_sort3A_318, %masked_sort3A_242 : vector<16xi1>, vector<16xf32>
      %select_n3A_334 = arith.select %lt3A_332, %masked_sort3A_319, %masked_sort3A_243 : vector<16xi1>, vector<16xi32>
      %masked_sort3A_335 = arith.constant dense<true> : vector<16xi1>
      %masked_sort3A_336, %masked_sort3A_337, %masked_sort3A_338 = tpu.sort %select_n3A_333, %select_n3A_334 masked %masked_sort3A_335 : (vector<16xf32>, vector<16xi32>, vector<16xi1>) -> (vector<16xi1>, vector<16xf32>, vector<16xi32>)
      %lt3A_339 = arith.cmpf olt, %masked_sort3A_322, %masked_sort3A_249 : vector<16xf32>
      %select_n3A_340 = arith.select %lt3A_339, %masked_sort3A_322, %masked_sort3A_249 : vector<16xi1>, vector<16xf32>
      %select_n3A_341 = arith.select %lt3A_339, %masked_sort3A_323, %masked_sort3A_250 : vector<16xi1>, vector<16xi32>
      %masked_sort3A_342 = arith.constant dense<true> : vector<16xi1>
      %masked_sort3A_343, %masked_sort3A_344, %masked_sort3A_345 = tpu.sort %select_n3A_340, %select_n3A_341 masked %masked_sort3A_342 : (vector<16xf32>, vector<16xi32>, vector<16xi1>) -> (vector<16xi1>, vector<16xf32>, vector<16xi32>)
      %lt3A_346 = arith.cmpf olt, %masked_sort3A_326, %masked_sort3A_256 : vector<16xf32>
      %select_n3A_347 = arith.select %lt3A_346, %masked_sort3A_326, %masked_sort3A_256 : vector<16xi1>, vector<16xf32>
      %select_n3A_348 = arith.select %lt3A_346, %masked_sort3A_327, %masked_sort3A_257 : vector<16xi1>, vector<16xi32>
      %masked_sort3A_349 = arith.constant dense<true> : vector<16xi1>
      %masked_sort3A_350, %masked_sort3A_351, %masked_sort3A_352 = tpu.sort %select_n3A_347, %select_n3A_348 masked %masked_sort3A_349 : (vector<16xf32>, vector<16xi32>, vector<16xi1>) -> (vector<16xi1>, vector<16xf32>, vector<16xi32>)
      %lt3A_353 = arith.cmpf olt, %masked_sort3A_330, %masked_sort3A_263 : vector<16xf32>
      %select_n3A_354 = arith.select %lt3A_353, %masked_sort3A_330, %masked_sort3A_263 : vector<16xi1>, vector<16xf32>
      %select_n3A_355 = arith.select %lt3A_353, %masked_sort3A_331, %masked_sort3A_264 : vector<16xi1>, vector<16xi32>
      %masked_sort3A_356 = arith.constant dense<true> : vector<16xi1>
      %masked_sort3A_357, %masked_sort3A_358, %masked_sort3A_359 = tpu.sort %select_n3A_354, %select_n3A_355 masked %masked_sort3A_356 : (vector<16xf32>, vector<16xi32>, vector<16xi1>) -> (vector<16xi1>, vector<16xf32>, vector<16xi32>)
      %add3A_360 = arith.constant 48 : i32
      %add3A_361 = vector.broadcast %add3A_360 : i32 to vector<16xi32>
      %add3A_362 = arith.addi %iota3A, %add3A_361 : vector<16xi32>
      %add3A_363 = arith.constant 96 : i32
      %add3A_364 = vector.broadcast %add3A_363 : i32 to vector<16xi32>
      %add3A_365 = arith.addi %mul3A_33, %add3A_364 : vector<16xi32>
      %gather3A_366 = tpu.vector_load_idx %arg4[%add3A_365] : memref<1024xf32, #tpu.memory_space<vmem>>[vector<16xi32>], vector<16xf32>,
      %add3A_367 = arith.constant 1 : i32
      %add3A_368 = vector.broadcast %add3A_367 : i32 to vector<16xi32>
      %add3A_369 = arith.addi %add3A_365, %add3A_368 : vector<16xi32>
      %gather3A_370 = tpu.vector_load_idx %arg4[%add3A_369] : memref<1024xf32, #tpu.memory_space<vmem>>[vector<16xi32>], vector<16xf32>,
      %sub3A_371 = arith.subf %gather3A_366, %gather3A : vector<16xf32>
      %sub3A_372 = arith.subf %gather3A_370, %gather3A_70 : vector<16xf32>
      %mul3A_373 = arith.mulf %sub3A_371, %sub3A_371 : vector<16xf32>
      %mul3A_374 = arith.mulf %sub3A_372, %sub3A_372 : vector<16xf32>
      %add3A_375 = arith.addf %mul3A_373, %mul3A_374 : vector<16xf32>
      %eq3A_376 = vector.broadcast %add3A_46 : i32 to vector<16xi32>
      %eq3A_377 = arith.cmpi eq, %add3A_362, %eq3A_376 : vector<16xi32>
      %jit3A_378 = arith.constant 0x7F800000 : f32
      %broadcast_in_dim3A_379 = vector.broadcast %jit3A_378 : f32 to vector<16xf32>
      %select_n3A_380 = arith.select %eq3A_377, %broadcast_in_dim3A_379, %add3A_375 : vector<16xi1>, vector<16xf32>
      %sub3A_381 = arith.subf %gather3A_366, %gather3A_77 : vector<16xf32>
      %sub3A_382 = arith.subf %gather3A_370, %gather3A_81 : vector<16xf32>
      %mul3A_383 = arith.mulf %sub3A_381, %sub3A_381 : vector<16xf32>
      %mul3A_384 = arith.mulf %sub3A_382, %sub3A_382 : vector<16xf32>
      %add3A_385 = arith.addf %mul3A_383, %mul3A_384 : vector<16xf32>
      %eq3A_386 = vector.broadcast %add3A_51 : i32 to vector<16xi32>
      %eq3A_387 = arith.cmpi eq, %add3A_362, %eq3A_386 : vector<16xi32>
      %jit3A_388 = arith.constant 0x7F800000 : f32
      %broadcast_in_dim3A_389 = vector.broadcast %jit3A_388 : f32 to vector<16xf32>
      %select_n3A_390 = arith.select %eq3A_387, %broadcast_in_dim3A_389, %add3A_385 : vector<16xi1>, vector<16xf32>
      %sub3A_391 = arith.subf %gather3A_366, %gather3A_88 : vector<16xf32>
      %sub3A_392 = arith.subf %gather3A_370, %gather3A_92 : vector<16xf32>
      %mul3A_393 = arith.mulf %sub3A_391, %sub3A_391 : vector<16xf32>
      %mul3A_394 = arith.mulf %sub3A_392, %sub3A_392 : vector<16xf32>
      %add3A_395 = arith.addf %mul3A_393, %mul3A_394 : vector<16xf32>
      %eq3A_396 = vector.broadcast %add3A_56 : i32 to vector<16xi32>
      %eq3A_397 = arith.cmpi eq, %add3A_362, %eq3A_396 : vector<16xi32>
      %jit3A_398 = arith.constant 0x7F800000 : f32
      %broadcast_in_dim3A_399 = vector.broadcast %jit3A_398 : f32 to vector<16xf32>
      %select_n3A_400 = arith.select %eq3A_397, %broadcast_in_dim3A_399, %add3A_395 : vector<16xi1>, vector<16xf32>
      %sub3A_401 = arith.subf %gather3A_366, %gather3A_99 : vector<16xf32>
      %sub3A_402 = arith.subf %gather3A_370, %gather3A_103 : vector<16xf32>
      %mul3A_403 = arith.mulf %sub3A_401, %sub3A_401 : vector<16xf32>
      %mul3A_404 = arith.mulf %sub3A_402, %sub3A_402 : vector<16xf32>
      %add3A_405 = arith.addf %mul3A_403, %mul3A_404 : vector<16xf32>
      %eq3A_406 = vector.broadcast %add3A_61 : i32 to vector<16xi32>
      %eq3A_407 = arith.cmpi eq, %add3A_362, %eq3A_406 : vector<16xi32>
      %jit3A_408 = arith.constant 0x7F800000 : f32
      %broadcast_in_dim3A_409 = vector.broadcast %jit3A_408 : f32 to vector<16xf32>
      %select_n3A_410 = arith.select %eq3A_407, %broadcast_in_dim3A_409, %add3A_405 : vector<16xi1>, vector<16xf32>
      %masked_sort3A_411 = arith.constant dense<true> : vector<16xi1>
      %masked_sort3A_412, %masked_sort3A_413, %masked_sort3A_414 = tpu.sort %select_n3A_380, %add3A_362 masked %masked_sort3A_411 {descending = true} : (vector<16xf32>, vector<16xi32>, vector<16xi1>) -> (vector<16xi1>, vector<16xf32>, vector<16xi32>)
      %masked_sort3A_415 = arith.constant dense<true> : vector<16xi1>
      %masked_sort3A_416, %masked_sort3A_417, %masked_sort3A_418 = tpu.sort %select_n3A_390, %add3A_362 masked %masked_sort3A_415 {descending = true} : (vector<16xf32>, vector<16xi32>, vector<16xi1>) -> (vector<16xi1>, vector<16xf32>, vector<16xi32>)
      %masked_sort3A_419 = arith.constant dense<true> : vector<16xi1>
      %masked_sort3A_420, %masked_sort3A_421, %masked_sort3A_422 = tpu.sort %select_n3A_400, %add3A_362 masked %masked_sort3A_419 {descending = true} : (vector<16xf32>, vector<16xi32>, vector<16xi1>) -> (vector<16xi1>, vector<16xf32>, vector<16xi32>)
      %masked_sort3A_423 = arith.constant dense<true> : vector<16xi1>
      %masked_sort3A_424, %masked_sort3A_425, %masked_sort3A_426 = tpu.sort %select_n3A_410, %add3A_362 masked %masked_sort3A_423 {descending = true} : (vector<16xf32>, vector<16xi32>, vector<16xi1>) -> (vector<16xi1>, vector<16xf32>, vector<16xi32>)
      %lt3A_427 = arith.cmpf olt, %masked_sort3A_413, %masked_sort3A_337 : vector<16xf32>
      %select_n3A_428 = arith.select %lt3A_427, %masked_sort3A_413, %masked_sort3A_337 : vector<16xi1>, vector<16xf32>
      %select_n3A_429 = arith.select %lt3A_427, %masked_sort3A_414, %masked_sort3A_338 : vector<16xi1>, vector<16xi32>
      %masked_sort3A_430 = arith.constant dense<true> : vector<16xi1>
      %masked_sort3A_431, %masked_sort3A_432, %masked_sort3A_433 = tpu.sort %select_n3A_428, %select_n3A_429 masked %masked_sort3A_430 : (vector<16xf32>, vector<16xi32>, vector<16xi1>) -> (vector<16xi1>, vector<16xf32>, vector<16xi32>)
      %lt3A_434 = arith.cmpf olt, %masked_sort3A_417, %masked_sort3A_344 : vector<16xf32>
      %select_n3A_435 = arith.select %lt3A_434, %masked_sort3A_417, %masked_sort3A_344 : vector<16xi1>, vector<16xf32>
      %select_n3A_436 = arith.select %lt3A_434, %masked_sort3A_418, %masked_sort3A_345 : vector<16xi1>, vector<16xi32>
      %masked_sort3A_437 = arith.constant dense<true> : vector<16xi1>
      %masked_sort3A_438, %masked_sort3A_439, %masked_sort3A_440 = tpu.sort %select_n3A_435, %select_n3A_436 masked %masked_sort3A_437 : (vector<16xf32>, vector<16xi32>, vector<16xi1>) -> (vector<16xi1>, vector<16xf32>, vector<16xi32>)
      %lt3A_441 = arith.cmpf olt, %masked_sort3A_421, %masked_sort3A_351 : vector<16xf32>
      %select_n3A_442 = arith.select %lt3A_441, %masked_sort3A_421, %masked_sort3A_351 : vector<16xi1>, vector<16xf32>
      %select_n3A_443 = arith.select %lt3A_441, %masked_sort3A_422, %masked_sort3A_352 : vector<16xi1>, vector<16xi32>
      %masked_sort3A_444 = arith.constant dense<true> : vector<16xi1>
      %masked_sort3A_445, %masked_sort3A_446, %masked_sort3A_447 = tpu.sort %select_n3A_442, %select_n3A_443 masked %masked_sort3A_444 : (vector<16xf32>, vector<16xi32>, vector<16xi1>) -> (vector<16xi1>, vector<16xf32>, vector<16xi32>)
      %lt3A_448 = arith.cmpf olt, %masked_sort3A_425, %masked_sort3A_358 : vector<16xf32>
      %select_n3A_449 = arith.select %lt3A_448, %masked_sort3A_425, %masked_sort3A_358 : vector<16xi1>, vector<16xf32>
      %select_n3A_450 = arith.select %lt3A_448, %masked_sort3A_426, %masked_sort3A_359 : vector<16xi1>, vector<16xi32>
      %masked_sort3A_451 = arith.constant dense<true> : vector<16xi1>
      %masked_sort3A_452, %masked_sort3A_453, %masked_sort3A_454 = tpu.sort %select_n3A_449, %select_n3A_450 masked %masked_sort3A_451 : (vector<16xf32>, vector<16xi32>, vector<16xi1>) -> (vector<16xi1>, vector<16xf32>, vector<16xi32>)
      %add3A_455 = arith.constant 64 : i32
      %add3A_456 = vector.broadcast %add3A_455 : i32 to vector<16xi32>
      %add3A_457 = arith.addi %iota3A, %add3A_456 : vector<16xi32>
      %add3A_458 = arith.constant 128 : i32
      %add3A_459 = vector.broadcast %add3A_458 : i32 to vector<16xi32>
      %add3A_460 = arith.addi %mul3A_33, %add3A_459 : vector<16xi32>
      %gather3A_461 = tpu.vector_load_idx %arg4[%add3A_460] : memref<1024xf32, #tpu.memory_space<vmem>>[vector<16xi32>], vector<16xf32>,
      %add3A_462 = arith.constant 1 : i32
      %add3A_463 = vector.broadcast %add3A_462 : i32 to vector<16xi32>
      %add3A_464 = arith.addi %add3A_460, %add3A_463 : vector<16xi32>
      %gather3A_465 = tpu.vector_load_idx %arg4[%add3A_464] : memref<1024xf32, #tpu.memory_space<vmem>>[vector<16xi32>], vector<16xf32>,
      %sub3A_466 = arith.subf %gather3A_461, %gather3A : vector<16xf32>
      %sub3A_467 = arith.subf %gather3A_465, %gather3A_70 : vector<16xf32>
      %mul3A_468 = arith.mulf %sub3A_466, %sub3A_466 : vector<16xf32>
      %mul3A_469 = arith.mulf %sub3A_467, %sub3A_467 : vector<16xf32>
      %add3A_470 = arith.addf %mul3A_468, %mul3A_469 : vector<16xf32>
      %eq3A_471 = vector.broadcast %add3A_46 : i32 to vector<16xi32>
      %eq3A_472 = arith.cmpi eq, %add3A_457, %eq3A_471 : vector<16xi32>
      %jit3A_473 = arith.constant 0x7F800000 : f32
      %broadcast_in_dim3A_474 = vector.broadcast %jit3A_473 : f32 to vector<16xf32>
      %select_n3A_475 = arith.select %eq3A_472, %broadcast_in_dim3A_474, %add3A_470 : vector<16xi1>, vector<16xf32>
      %sub3A_476 = arith.subf %gather3A_461, %gather3A_77 : vector<16xf32>
      %sub3A_477 = arith.subf %gather3A_465, %gather3A_81 : vector<16xf32>
      %mul3A_478 = arith.mulf %sub3A_476, %sub3A_476 : vector<16xf32>
      %mul3A_479 = arith.mulf %sub3A_477, %sub3A_477 : vector<16xf32>
      %add3A_480 = arith.addf %mul3A_478, %mul3A_479 : vector<16xf32>
      %eq3A_481 = vector.broadcast %add3A_51 : i32 to vector<16xi32>
      %eq3A_482 = arith.cmpi eq, %add3A_457, %eq3A_481 : vector<16xi32>
      %jit3A_483 = arith.constant 0x7F800000 : f32
      %broadcast_in_dim3A_484 = vector.broadcast %jit3A_483 : f32 to vector<16xf32>
      %select_n3A_485 = arith.select %eq3A_482, %broadcast_in_dim3A_484, %add3A_480 : vector<16xi1>, vector<16xf32>
      %sub3A_486 = arith.subf %gather3A_461, %gather3A_88 : vector<16xf32>
      %sub3A_487 = arith.subf %gather3A_465, %gather3A_92 : vector<16xf32>
      %mul3A_488 = arith.mulf %sub3A_486, %sub3A_486 : vector<16xf32>
      %mul3A_489 = arith.mulf %sub3A_487, %sub3A_487 : vector<16xf32>
      %add3A_490 = arith.addf %mul3A_488, %mul3A_489 : vector<16xf32>
      %eq3A_491 = vector.broadcast %add3A_56 : i32 to vector<16xi32>
      %eq3A_492 = arith.cmpi eq, %add3A_457, %eq3A_491 : vector<16xi32>
      %jit3A_493 = arith.constant 0x7F800000 : f32
      %broadcast_in_dim3A_494 = vector.broadcast %jit3A_493 : f32 to vector<16xf32>
      %select_n3A_495 = arith.select %eq3A_492, %broadcast_in_dim3A_494, %add3A_490 : vector<16xi1>, vector<16xf32>
      %sub3A_496 = arith.subf %gather3A_461, %gather3A_99 : vector<16xf32>
      %sub3A_497 = arith.subf %gather3A_465, %gather3A_103 : vector<16xf32>
      %mul3A_498 = arith.mulf %sub3A_496, %sub3A_496 : vector<16xf32>
      %mul3A_499 = arith.mulf %sub3A_497, %sub3A_497 : vector<16xf32>
      %add3A_500 = arith.addf %mul3A_498, %mul3A_499 : vector<16xf32>
      %eq3A_501 = vector.broadcast %add3A_61 : i32 to vector<16xi32>
      %eq3A_502 = arith.cmpi eq, %add3A_457, %eq3A_501 : vector<16xi32>
      %jit3A_503 = arith.constant 0x7F800000 : f32
      %broadcast_in_dim3A_504 = vector.broadcast %jit3A_503 : f32 to vector<16xf32>
      %select_n3A_505 = arith.select %eq3A_502, %broadcast_in_dim3A_504, %add3A_500 : vector<16xi1>, vector<16xf32>
      %masked_sort3A_506 = arith.constant dense<true> : vector<16xi1>
      %masked_sort3A_507, %masked_sort3A_508, %masked_sort3A_509 = tpu.sort %select_n3A_475, %add3A_457 masked %masked_sort3A_506 {descending = true} : (vector<16xf32>, vector<16xi32>, vector<16xi1>) -> (vector<16xi1>, vector<16xf32>, vector<16xi32>)
      %masked_sort3A_510 = arith.constant dense<true> : vector<16xi1>
      %masked_sort3A_511, %masked_sort3A_512, %masked_sort3A_513 = tpu.sort %select_n3A_485, %add3A_457 masked %masked_sort3A_510 {descending = true} : (vector<16xf32>, vector<16xi32>, vector<16xi1>) -> (vector<16xi1>, vector<16xf32>, vector<16xi32>)
      %masked_sort3A_514 = arith.constant dense<true> : vector<16xi1>
      %masked_sort3A_515, %masked_sort3A_516, %masked_sort3A_517 = tpu.sort %select_n3A_495, %add3A_457 masked %masked_sort3A_514 {descending = true} : (vector<16xf32>, vector<16xi32>, vector<16xi1>) -> (vector<16xi1>, vector<16xf32>, vector<16xi32>)
      %masked_sort3A_518 = arith.constant dense<true> : vector<16xi1>
      %masked_sort3A_519, %masked_sort3A_520, %masked_sort3A_521 = tpu.sort %select_n3A_505, %add3A_457 masked %masked_sort3A_518 {descending = true} : (vector<16xf32>, vector<16xi32>, vector<16xi1>) -> (vector<16xi1>, vector<16xf32>, vector<16xi32>)
      %lt3A_522 = arith.cmpf olt, %masked_sort3A_508, %masked_sort3A_432 : vector<16xf32>
      %select_n3A_523 = arith.select %lt3A_522, %masked_sort3A_508, %masked_sort3A_432 : vector<16xi1>, vector<16xf32>
      %select_n3A_524 = arith.select %lt3A_522, %masked_sort3A_509, %masked_sort3A_433 : vector<16xi1>, vector<16xi32>
      %masked_sort3A_525 = arith.constant dense<true> : vector<16xi1>
      %masked_sort3A_526, %masked_sort3A_527, %masked_sort3A_528 = tpu.sort %select_n3A_523, %select_n3A_524 masked %masked_sort3A_525 : (vector<16xf32>, vector<16xi32>, vector<16xi1>) -> (vector<16xi1>, vector<16xf32>, vector<16xi32>)
      %lt3A_529 = arith.cmpf olt, %masked_sort3A_512, %masked_sort3A_439 : vector<16xf32>
      %select_n3A_530 = arith.select %lt3A_529, %masked_sort3A_512, %masked_sort3A_439 : vector<16xi1>, vector<16xf32>
      %select_n3A_531 = arith.select %lt3A_529, %masked_sort3A_513, %masked_sort3A_440 : vector<16xi1>, vector<16xi32>
      %masked_sort3A_532 = arith.constant dense<true> : vector<16xi1>
      %masked_sort3A_533, %masked_sort3A_534, %masked_sort3A_535 = tpu.sort %select_n3A_530, %select_n3A_531 masked %masked_sort3A_532 : (vector<16xf32>, vector<16xi32>, vector<16xi1>) -> (vector<16xi1>, vector<16xf32>, vector<16xi32>)
      %lt3A_536 = arith.cmpf olt, %masked_sort3A_516, %masked_sort3A_446 : vector<16xf32>
      %select_n3A_537 = arith.select %lt3A_536, %masked_sort3A_516, %masked_sort3A_446 : vector<16xi1>, vector<16xf32>
      %select_n3A_538 = arith.select %lt3A_536, %masked_sort3A_517, %masked_sort3A_447 : vector<16xi1>, vector<16xi32>
      %masked_sort3A_539 = arith.constant dense<true> : vector<16xi1>
      %masked_sort3A_540, %masked_sort3A_541, %masked_sort3A_542 = tpu.sort %select_n3A_537, %select_n3A_538 masked %masked_sort3A_539 : (vector<16xf32>, vector<16xi32>, vector<16xi1>) -> (vector<16xi1>, vector<16xf32>, vector<16xi32>)
      %lt3A_543 = arith.cmpf olt, %masked_sort3A_520, %masked_sort3A_453 : vector<16xf32>
      %select_n3A_544 = arith.select %lt3A_543, %masked_sort3A_520, %masked_sort3A_453 : vector<16xi1>, vector<16xf32>
      %select_n3A_545 = arith.select %lt3A_543, %masked_sort3A_521, %masked_sort3A_454 : vector<16xi1>, vector<16xi32>
      %masked_sort3A_546 = arith.constant dense<true> : vector<16xi1>
      %masked_sort3A_547, %masked_sort3A_548, %masked_sort3A_549 = tpu.sort %select_n3A_544, %select_n3A_545 masked %masked_sort3A_546 : (vector<16xf32>, vector<16xi32>, vector<16xi1>) -> (vector<16xi1>, vector<16xf32>, vector<16xi32>)
      %add3A_550 = arith.constant 80 : i32
      %add3A_551 = vector.broadcast %add3A_550 : i32 to vector<16xi32>
      %add3A_552 = arith.addi %iota3A, %add3A_551 : vector<16xi32>
      %add3A_553 = arith.constant 160 : i32
      %add3A_554 = vector.broadcast %add3A_553 : i32 to vector<16xi32>
      %add3A_555 = arith.addi %mul3A_33, %add3A_554 : vector<16xi32>
      %gather3A_556 = tpu.vector_load_idx %arg4[%add3A_555] : memref<1024xf32, #tpu.memory_space<vmem>>[vector<16xi32>], vector<16xf32>,
      %add3A_557 = arith.constant 1 : i32
      %add3A_558 = vector.broadcast %add3A_557 : i32 to vector<16xi32>
      %add3A_559 = arith.addi %add3A_555, %add3A_558 : vector<16xi32>
      %gather3A_560 = tpu.vector_load_idx %arg4[%add3A_559] : memref<1024xf32, #tpu.memory_space<vmem>>[vector<16xi32>], vector<16xf32>,
      %sub3A_561 = arith.subf %gather3A_556, %gather3A : vector<16xf32>
      %sub3A_562 = arith.subf %gather3A_560, %gather3A_70 : vector<16xf32>
      %mul3A_563 = arith.mulf %sub3A_561, %sub3A_561 : vector<16xf32>
      %mul3A_564 = arith.mulf %sub3A_562, %sub3A_562 : vector<16xf32>
      %add3A_565 = arith.addf %mul3A_563, %mul3A_564 : vector<16xf32>
      %eq3A_566 = vector.broadcast %add3A_46 : i32 to vector<16xi32>
      %eq3A_567 = arith.cmpi eq, %add3A_552, %eq3A_566 : vector<16xi32>
      %jit3A_568 = arith.constant 0x7F800000 : f32
      %broadcast_in_dim3A_569 = vector.broadcast %jit3A_568 : f32 to vector<16xf32>
      %select_n3A_570 = arith.select %eq3A_567, %broadcast_in_dim3A_569, %add3A_565 : vector<16xi1>, vector<16xf32>
      %sub3A_571 = arith.subf %gather3A_556, %gather3A_77 : vector<16xf32>
      %sub3A_572 = arith.subf %gather3A_560, %gather3A_81 : vector<16xf32>
      %mul3A_573 = arith.mulf %sub3A_571, %sub3A_571 : vector<16xf32>
      %mul3A_574 = arith.mulf %sub3A_572, %sub3A_572 : vector<16xf32>
      %add3A_575 = arith.addf %mul3A_573, %mul3A_574 : vector<16xf32>
      %eq3A_576 = vector.broadcast %add3A_51 : i32 to vector<16xi32>
      %eq3A_577 = arith.cmpi eq, %add3A_552, %eq3A_576 : vector<16xi32>
      %jit3A_578 = arith.constant 0x7F800000 : f32
      %broadcast_in_dim3A_579 = vector.broadcast %jit3A_578 : f32 to vector<16xf32>
      %select_n3A_580 = arith.select %eq3A_577, %broadcast_in_dim3A_579, %add3A_575 : vector<16xi1>, vector<16xf32>
      %sub3A_581 = arith.subf %gather3A_556, %gather3A_88 : vector<16xf32>
      %sub3A_582 = arith.subf %gather3A_560, %gather3A_92 : vector<16xf32>
      %mul3A_583 = arith.mulf %sub3A_581, %sub3A_581 : vector<16xf32>
      %mul3A_584 = arith.mulf %sub3A_582, %sub3A_582 : vector<16xf32>
      %add3A_585 = arith.addf %mul3A_583, %mul3A_584 : vector<16xf32>
      %eq3A_586 = vector.broadcast %add3A_56 : i32 to vector<16xi32>
      %eq3A_587 = arith.cmpi eq, %add3A_552, %eq3A_586 : vector<16xi32>
      %jit3A_588 = arith.constant 0x7F800000 : f32
      %broadcast_in_dim3A_589 = vector.broadcast %jit3A_588 : f32 to vector<16xf32>
      %select_n3A_590 = arith.select %eq3A_587, %broadcast_in_dim3A_589, %add3A_585 : vector<16xi1>, vector<16xf32>
      %sub3A_591 = arith.subf %gather3A_556, %gather3A_99 : vector<16xf32>
      %sub3A_592 = arith.subf %gather3A_560, %gather3A_103 : vector<16xf32>
      %mul3A_593 = arith.mulf %sub3A_591, %sub3A_591 : vector<16xf32>
      %mul3A_594 = arith.mulf %sub3A_592, %sub3A_592 : vector<16xf32>
      %add3A_595 = arith.addf %mul3A_593, %mul3A_594 : vector<16xf32>
      %eq3A_596 = vector.broadcast %add3A_61 : i32 to vector<16xi32>
      %eq3A_597 = arith.cmpi eq, %add3A_552, %eq3A_596 : vector<16xi32>
      %jit3A_598 = arith.constant 0x7F800000 : f32
      %broadcast_in_dim3A_599 = vector.broadcast %jit3A_598 : f32 to vector<16xf32>
      %select_n3A_600 = arith.select %eq3A_597, %broadcast_in_dim3A_599, %add3A_595 : vector<16xi1>, vector<16xf32>
      %masked_sort3A_601 = arith.constant dense<true> : vector<16xi1>
      %masked_sort3A_602, %masked_sort3A_603, %masked_sort3A_604 = tpu.sort %select_n3A_570, %add3A_552 masked %masked_sort3A_601 {descending = true} : (vector<16xf32>, vector<16xi32>, vector<16xi1>) -> (vector<16xi1>, vector<16xf32>, vector<16xi32>)
      %masked_sort3A_605 = arith.constant dense<true> : vector<16xi1>
      %masked_sort3A_606, %masked_sort3A_607, %masked_sort3A_608 = tpu.sort %select_n3A_580, %add3A_552 masked %masked_sort3A_605 {descending = true} : (vector<16xf32>, vector<16xi32>, vector<16xi1>) -> (vector<16xi1>, vector<16xf32>, vector<16xi32>)
      %masked_sort3A_609 = arith.constant dense<true> : vector<16xi1>
      %masked_sort3A_610, %masked_sort3A_611, %masked_sort3A_612 = tpu.sort %select_n3A_590, %add3A_552 masked %masked_sort3A_609 {descending = true} : (vector<16xf32>, vector<16xi32>, vector<16xi1>) -> (vector<16xi1>, vector<16xf32>, vector<16xi32>)
      %masked_sort3A_613 = arith.constant dense<true> : vector<16xi1>
      %masked_sort3A_614, %masked_sort3A_615, %masked_sort3A_616 = tpu.sort %select_n3A_600, %add3A_552 masked %masked_sort3A_613 {descending = true} : (vector<16xf32>, vector<16xi32>, vector<16xi1>) -> (vector<16xi1>, vector<16xf32>, vector<16xi32>)
      %lt3A_617 = arith.cmpf olt, %masked_sort3A_603, %masked_sort3A_527 : vector<16xf32>
      %select_n3A_618 = arith.select %lt3A_617, %masked_sort3A_603, %masked_sort3A_527 : vector<16xi1>, vector<16xf32>
      %select_n3A_619 = arith.select %lt3A_617, %masked_sort3A_604, %masked_sort3A_528 : vector<16xi1>, vector<16xi32>
      %masked_sort3A_620 = arith.constant dense<true> : vector<16xi1>
      %masked_sort3A_621, %masked_sort3A_622, %masked_sort3A_623 = tpu.sort %select_n3A_618, %select_n3A_619 masked %masked_sort3A_620 : (vector<16xf32>, vector<16xi32>, vector<16xi1>) -> (vector<16xi1>, vector<16xf32>, vector<16xi32>)
      %lt3A_624 = arith.cmpf olt, %masked_sort3A_607, %masked_sort3A_534 : vector<16xf32>
      %select_n3A_625 = arith.select %lt3A_624, %masked_sort3A_607, %masked_sort3A_534 : vector<16xi1>, vector<16xf32>
      %select_n3A_626 = arith.select %lt3A_624, %masked_sort3A_608, %masked_sort3A_535 : vector<16xi1>, vector<16xi32>
      %masked_sort3A_627 = arith.constant dense<true> : vector<16xi1>
      %masked_sort3A_628, %masked_sort3A_629, %masked_sort3A_630 = tpu.sort %select_n3A_625, %select_n3A_626 masked %masked_sort3A_627 : (vector<16xf32>, vector<16xi32>, vector<16xi1>) -> (vector<16xi1>, vector<16xf32>, vector<16xi32>)
      %lt3A_631 = arith.cmpf olt, %masked_sort3A_611, %masked_sort3A_541 : vector<16xf32>
      %select_n3A_632 = arith.select %lt3A_631, %masked_sort3A_611, %masked_sort3A_541 : vector<16xi1>, vector<16xf32>
      %select_n3A_633 = arith.select %lt3A_631, %masked_sort3A_612, %masked_sort3A_542 : vector<16xi1>, vector<16xi32>
      %masked_sort3A_634 = arith.constant dense<true> : vector<16xi1>
      %masked_sort3A_635, %masked_sort3A_636, %masked_sort3A_637 = tpu.sort %select_n3A_632, %select_n3A_633 masked %masked_sort3A_634 : (vector<16xf32>, vector<16xi32>, vector<16xi1>) -> (vector<16xi1>, vector<16xf32>, vector<16xi32>)
      %lt3A_638 = arith.cmpf olt, %masked_sort3A_615, %masked_sort3A_548 : vector<16xf32>
      %select_n3A_639 = arith.select %lt3A_638, %masked_sort3A_615, %masked_sort3A_548 : vector<16xi1>, vector<16xf32>
      %select_n3A_640 = arith.select %lt3A_638, %masked_sort3A_616, %masked_sort3A_549 : vector<16xi1>, vector<16xi32>
      %masked_sort3A_641 = arith.constant dense<true> : vector<16xi1>
      %masked_sort3A_642, %masked_sort3A_643, %masked_sort3A_644 = tpu.sort %select_n3A_639, %select_n3A_640 masked %masked_sort3A_641 : (vector<16xf32>, vector<16xi32>, vector<16xi1>) -> (vector<16xi1>, vector<16xf32>, vector<16xi32>)
      %add3A_645 = arith.constant 96 : i32
      %add3A_646 = vector.broadcast %add3A_645 : i32 to vector<16xi32>
      %add3A_647 = arith.addi %iota3A, %add3A_646 : vector<16xi32>
      %add3A_648 = arith.constant 192 : i32
      %add3A_649 = vector.broadcast %add3A_648 : i32 to vector<16xi32>
      %add3A_650 = arith.addi %mul3A_33, %add3A_649 : vector<16xi32>
      %gather3A_651 = tpu.vector_load_idx %arg4[%add3A_650] : memref<1024xf32, #tpu.memory_space<vmem>>[vector<16xi32>], vector<16xf32>,
      %add3A_652 = arith.constant 1 : i32
      %add3A_653 = vector.broadcast %add3A_652 : i32 to vector<16xi32>
      %add3A_654 = arith.addi %add3A_650, %add3A_653 : vector<16xi32>
      %gather3A_655 = tpu.vector_load_idx %arg4[%add3A_654] : memref<1024xf32, #tpu.memory_space<vmem>>[vector<16xi32>], vector<16xf32>,
      %sub3A_656 = arith.subf %gather3A_651, %gather3A : vector<16xf32>
      %sub3A_657 = arith.subf %gather3A_655, %gather3A_70 : vector<16xf32>
      %mul3A_658 = arith.mulf %sub3A_656, %sub3A_656 : vector<16xf32>
      %mul3A_659 = arith.mulf %sub3A_657, %sub3A_657 : vector<16xf32>
      %add3A_660 = arith.addf %mul3A_658, %mul3A_659 : vector<16xf32>
      %eq3A_661 = vector.broadcast %add3A_46 : i32 to vector<16xi32>
      %eq3A_662 = arith.cmpi eq, %add3A_647, %eq3A_661 : vector<16xi32>
      %jit3A_663 = arith.constant 0x7F800000 : f32
      %broadcast_in_dim3A_664 = vector.broadcast %jit3A_663 : f32 to vector<16xf32>
      %select_n3A_665 = arith.select %eq3A_662, %broadcast_in_dim3A_664, %add3A_660 : vector<16xi1>, vector<16xf32>
      %sub3A_666 = arith.subf %gather3A_651, %gather3A_77 : vector<16xf32>
      %sub3A_667 = arith.subf %gather3A_655, %gather3A_81 : vector<16xf32>
      %mul3A_668 = arith.mulf %sub3A_666, %sub3A_666 : vector<16xf32>
      %mul3A_669 = arith.mulf %sub3A_667, %sub3A_667 : vector<16xf32>
      %add3A_670 = arith.addf %mul3A_668, %mul3A_669 : vector<16xf32>
      %eq3A_671 = vector.broadcast %add3A_51 : i32 to vector<16xi32>
      %eq3A_672 = arith.cmpi eq, %add3A_647, %eq3A_671 : vector<16xi32>
      %jit3A_673 = arith.constant 0x7F800000 : f32
      %broadcast_in_dim3A_674 = vector.broadcast %jit3A_673 : f32 to vector<16xf32>
      %select_n3A_675 = arith.select %eq3A_672, %broadcast_in_dim3A_674, %add3A_670 : vector<16xi1>, vector<16xf32>
      %sub3A_676 = arith.subf %gather3A_651, %gather3A_88 : vector<16xf32>
      %sub3A_677 = arith.subf %gather3A_655, %gather3A_92 : vector<16xf32>
      %mul3A_678 = arith.mulf %sub3A_676, %sub3A_676 : vector<16xf32>
      %mul3A_679 = arith.mulf %sub3A_677, %sub3A_677 : vector<16xf32>
      %add3A_680 = arith.addf %mul3A_678, %mul3A_679 : vector<16xf32>
      %eq3A_681 = vector.broadcast %add3A_56 : i32 to vector<16xi32>
      %eq3A_682 = arith.cmpi eq, %add3A_647, %eq3A_681 : vector<16xi32>
      %jit3A_683 = arith.constant 0x7F800000 : f32
      %broadcast_in_dim3A_684 = vector.broadcast %jit3A_683 : f32 to vector<16xf32>
      %select_n3A_685 = arith.select %eq3A_682, %broadcast_in_dim3A_684, %add3A_680 : vector<16xi1>, vector<16xf32>
      %sub3A_686 = arith.subf %gather3A_651, %gather3A_99 : vector<16xf32>
      %sub3A_687 = arith.subf %gather3A_655, %gather3A_103 : vector<16xf32>
      %mul3A_688 = arith.mulf %sub3A_686, %sub3A_686 : vector<16xf32>
      %mul3A_689 = arith.mulf %sub3A_687, %sub3A_687 : vector<16xf32>
      %add3A_690 = arith.addf %mul3A_688, %mul3A_689 : vector<16xf32>
      %eq3A_691 = vector.broadcast %add3A_61 : i32 to vector<16xi32>
      %eq3A_692 = arith.cmpi eq, %add3A_647, %eq3A_691 : vector<16xi32>
      %jit3A_693 = arith.constant 0x7F800000 : f32
      %broadcast_in_dim3A_694 = vector.broadcast %jit3A_693 : f32 to vector<16xf32>
      %select_n3A_695 = arith.select %eq3A_692, %broadcast_in_dim3A_694, %add3A_690 : vector<16xi1>, vector<16xf32>
      %masked_sort3A_696 = arith.constant dense<true> : vector<16xi1>
      %masked_sort3A_697, %masked_sort3A_698, %masked_sort3A_699 = tpu.sort %select_n3A_665, %add3A_647 masked %masked_sort3A_696 {descending = true} : (vector<16xf32>, vector<16xi32>, vector<16xi1>) -> (vector<16xi1>, vector<16xf32>, vector<16xi32>)
      %masked_sort3A_700 = arith.constant dense<true> : vector<16xi1>
      %masked_sort3A_701, %masked_sort3A_702, %masked_sort3A_703 = tpu.sort %select_n3A_675, %add3A_647 masked %masked_sort3A_700 {descending = true} : (vector<16xf32>, vector<16xi32>, vector<16xi1>) -> (vector<16xi1>, vector<16xf32>, vector<16xi32>)
      %masked_sort3A_704 = arith.constant dense<true> : vector<16xi1>
      %masked_sort3A_705, %masked_sort3A_706, %masked_sort3A_707 = tpu.sort %select_n3A_685, %add3A_647 masked %masked_sort3A_704 {descending = true} : (vector<16xf32>, vector<16xi32>, vector<16xi1>) -> (vector<16xi1>, vector<16xf32>, vector<16xi32>)
      %masked_sort3A_708 = arith.constant dense<true> : vector<16xi1>
      %masked_sort3A_709, %masked_sort3A_710, %masked_sort3A_711 = tpu.sort %select_n3A_695, %add3A_647 masked %masked_sort3A_708 {descending = true} : (vector<16xf32>, vector<16xi32>, vector<16xi1>) -> (vector<16xi1>, vector<16xf32>, vector<16xi32>)
      %lt3A_712 = arith.cmpf olt, %masked_sort3A_698, %masked_sort3A_622 : vector<16xf32>
      %select_n3A_713 = arith.select %lt3A_712, %masked_sort3A_698, %masked_sort3A_622 : vector<16xi1>, vector<16xf32>
      %select_n3A_714 = arith.select %lt3A_712, %masked_sort3A_699, %masked_sort3A_623 : vector<16xi1>, vector<16xi32>
      %masked_sort3A_715 = arith.constant dense<true> : vector<16xi1>
      %masked_sort3A_716, %masked_sort3A_717, %masked_sort3A_718 = tpu.sort %select_n3A_713, %select_n3A_714 masked %masked_sort3A_715 : (vector<16xf32>, vector<16xi32>, vector<16xi1>) -> (vector<16xi1>, vector<16xf32>, vector<16xi32>)
      %lt3A_719 = arith.cmpf olt, %masked_sort3A_702, %masked_sort3A_629 : vector<16xf32>
      %select_n3A_720 = arith.select %lt3A_719, %masked_sort3A_702, %masked_sort3A_629 : vector<16xi1>, vector<16xf32>
      %select_n3A_721 = arith.select %lt3A_719, %masked_sort3A_703, %masked_sort3A_630 : vector<16xi1>, vector<16xi32>
      %masked_sort3A_722 = arith.constant dense<true> : vector<16xi1>
      %masked_sort3A_723, %masked_sort3A_724, %masked_sort3A_725 = tpu.sort %select_n3A_720, %select_n3A_721 masked %masked_sort3A_722 : (vector<16xf32>, vector<16xi32>, vector<16xi1>) -> (vector<16xi1>, vector<16xf32>, vector<16xi32>)
      %lt3A_726 = arith.cmpf olt, %masked_sort3A_706, %masked_sort3A_636 : vector<16xf32>
      %select_n3A_727 = arith.select %lt3A_726, %masked_sort3A_706, %masked_sort3A_636 : vector<16xi1>, vector<16xf32>
      %select_n3A_728 = arith.select %lt3A_726, %masked_sort3A_707, %masked_sort3A_637 : vector<16xi1>, vector<16xi32>
      %masked_sort3A_729 = arith.constant dense<true> : vector<16xi1>
      %masked_sort3A_730, %masked_sort3A_731, %masked_sort3A_732 = tpu.sort %select_n3A_727, %select_n3A_728 masked %masked_sort3A_729 : (vector<16xf32>, vector<16xi32>, vector<16xi1>) -> (vector<16xi1>, vector<16xf32>, vector<16xi32>)
      %lt3A_733 = arith.cmpf olt, %masked_sort3A_710, %masked_sort3A_643 : vector<16xf32>
      %select_n3A_734 = arith.select %lt3A_733, %masked_sort3A_710, %masked_sort3A_643 : vector<16xi1>, vector<16xf32>
      %select_n3A_735 = arith.select %lt3A_733, %masked_sort3A_711, %masked_sort3A_644 : vector<16xi1>, vector<16xi32>
      %masked_sort3A_736 = arith.constant dense<true> : vector<16xi1>
      %masked_sort3A_737, %masked_sort3A_738, %masked_sort3A_739 = tpu.sort %select_n3A_734, %select_n3A_735 masked %masked_sort3A_736 : (vector<16xf32>, vector<16xi32>, vector<16xi1>) -> (vector<16xi1>, vector<16xf32>, vector<16xi32>)
      %add3A_740 = arith.constant 112 : i32
      %add3A_741 = vector.broadcast %add3A_740 : i32 to vector<16xi32>
      %add3A_742 = arith.addi %iota3A, %add3A_741 : vector<16xi32>
      %add3A_743 = arith.constant 224 : i32
      %add3A_744 = vector.broadcast %add3A_743 : i32 to vector<16xi32>
      %add3A_745 = arith.addi %mul3A_33, %add3A_744 : vector<16xi32>
      %gather3A_746 = tpu.vector_load_idx %arg4[%add3A_745] : memref<1024xf32, #tpu.memory_space<vmem>>[vector<16xi32>], vector<16xf32>,
      %add3A_747 = arith.constant 1 : i32
      %add3A_748 = vector.broadcast %add3A_747 : i32 to vector<16xi32>
      %add3A_749 = arith.addi %add3A_745, %add3A_748 : vector<16xi32>
      %gather3A_750 = tpu.vector_load_idx %arg4[%add3A_749] : memref<1024xf32, #tpu.memory_space<vmem>>[vector<16xi32>], vector<16xf32>,
      %sub3A_751 = arith.subf %gather3A_746, %gather3A : vector<16xf32>
      %sub3A_752 = arith.subf %gather3A_750, %gather3A_70 : vector<16xf32>
      %mul3A_753 = arith.mulf %sub3A_751, %sub3A_751 : vector<16xf32>
      %mul3A_754 = arith.mulf %sub3A_752, %sub3A_752 : vector<16xf32>
      %add3A_755 = arith.addf %mul3A_753, %mul3A_754 : vector<16xf32>
      %eq3A_756 = vector.broadcast %add3A_46 : i32 to vector<16xi32>
      %eq3A_757 = arith.cmpi eq, %add3A_742, %eq3A_756 : vector<16xi32>
      %jit3A_758 = arith.constant 0x7F800000 : f32
      %broadcast_in_dim3A_759 = vector.broadcast %jit3A_758 : f32 to vector<16xf32>
      %select_n3A_760 = arith.select %eq3A_757, %broadcast_in_dim3A_759, %add3A_755 : vector<16xi1>, vector<16xf32>
      %sub3A_761 = arith.subf %gather3A_746, %gather3A_77 : vector<16xf32>
      %sub3A_762 = arith.subf %gather3A_750, %gather3A_81 : vector<16xf32>
      %mul3A_763 = arith.mulf %sub3A_761, %sub3A_761 : vector<16xf32>
      %mul3A_764 = arith.mulf %sub3A_762, %sub3A_762 : vector<16xf32>
      %add3A_765 = arith.addf %mul3A_763, %mul3A_764 : vector<16xf32>
      %eq3A_766 = vector.broadcast %add3A_51 : i32 to vector<16xi32>
      %eq3A_767 = arith.cmpi eq, %add3A_742, %eq3A_766 : vector<16xi32>
      %jit3A_768 = arith.constant 0x7F800000 : f32
      %broadcast_in_dim3A_769 = vector.broadcast %jit3A_768 : f32 to vector<16xf32>
      %select_n3A_770 = arith.select %eq3A_767, %broadcast_in_dim3A_769, %add3A_765 : vector<16xi1>, vector<16xf32>
      %sub3A_771 = arith.subf %gather3A_746, %gather3A_88 : vector<16xf32>
      %sub3A_772 = arith.subf %gather3A_750, %gather3A_92 : vector<16xf32>
      %mul3A_773 = arith.mulf %sub3A_771, %sub3A_771 : vector<16xf32>
      %mul3A_774 = arith.mulf %sub3A_772, %sub3A_772 : vector<16xf32>
      %add3A_775 = arith.addf %mul3A_773, %mul3A_774 : vector<16xf32>
      %eq3A_776 = vector.broadcast %add3A_56 : i32 to vector<16xi32>
      %eq3A_777 = arith.cmpi eq, %add3A_742, %eq3A_776 : vector<16xi32>
      %jit3A_778 = arith.constant 0x7F800000 : f32
      %broadcast_in_dim3A_779 = vector.broadcast %jit3A_778 : f32 to vector<16xf32>
      %select_n3A_780 = arith.select %eq3A_777, %broadcast_in_dim3A_779, %add3A_775 : vector<16xi1>, vector<16xf32>
      %sub3A_781 = arith.subf %gather3A_746, %gather3A_99 : vector<16xf32>
      %sub3A_782 = arith.subf %gather3A_750, %gather3A_103 : vector<16xf32>
      %mul3A_783 = arith.mulf %sub3A_781, %sub3A_781 : vector<16xf32>
      %mul3A_784 = arith.mulf %sub3A_782, %sub3A_782 : vector<16xf32>
      %add3A_785 = arith.addf %mul3A_783, %mul3A_784 : vector<16xf32>
      %eq3A_786 = vector.broadcast %add3A_61 : i32 to vector<16xi32>
      %eq3A_787 = arith.cmpi eq, %add3A_742, %eq3A_786 : vector<16xi32>
      %jit3A_788 = arith.constant 0x7F800000 : f32
      %broadcast_in_dim3A_789 = vector.broadcast %jit3A_788 : f32 to vector<16xf32>
      %select_n3A_790 = arith.select %eq3A_787, %broadcast_in_dim3A_789, %add3A_785 : vector<16xi1>, vector<16xf32>
      %masked_sort3A_791 = arith.constant dense<true> : vector<16xi1>
      %masked_sort3A_792, %masked_sort3A_793, %masked_sort3A_794 = tpu.sort %select_n3A_760, %add3A_742 masked %masked_sort3A_791 {descending = true} : (vector<16xf32>, vector<16xi32>, vector<16xi1>) -> (vector<16xi1>, vector<16xf32>, vector<16xi32>)
      %masked_sort3A_795 = arith.constant dense<true> : vector<16xi1>
      %masked_sort3A_796, %masked_sort3A_797, %masked_sort3A_798 = tpu.sort %select_n3A_770, %add3A_742 masked %masked_sort3A_795 {descending = true} : (vector<16xf32>, vector<16xi32>, vector<16xi1>) -> (vector<16xi1>, vector<16xf32>, vector<16xi32>)
      %masked_sort3A_799 = arith.constant dense<true> : vector<16xi1>
      %masked_sort3A_800, %masked_sort3A_801, %masked_sort3A_802 = tpu.sort %select_n3A_780, %add3A_742 masked %masked_sort3A_799 {descending = true} : (vector<16xf32>, vector<16xi32>, vector<16xi1>) -> (vector<16xi1>, vector<16xf32>, vector<16xi32>)
      %masked_sort3A_803 = arith.constant dense<true> : vector<16xi1>
      %masked_sort3A_804, %masked_sort3A_805, %masked_sort3A_806 = tpu.sort %select_n3A_790, %add3A_742 masked %masked_sort3A_803 {descending = true} : (vector<16xf32>, vector<16xi32>, vector<16xi1>) -> (vector<16xi1>, vector<16xf32>, vector<16xi32>)
      %lt3A_807 = arith.cmpf olt, %masked_sort3A_793, %masked_sort3A_717 : vector<16xf32>
      %select_n3A_808 = arith.select %lt3A_807, %masked_sort3A_793, %masked_sort3A_717 : vector<16xi1>, vector<16xf32>
      %select_n3A_809 = arith.select %lt3A_807, %masked_sort3A_794, %masked_sort3A_718 : vector<16xi1>, vector<16xi32>
      %masked_sort3A_810 = arith.constant dense<true> : vector<16xi1>
      %masked_sort3A_811, %masked_sort3A_812, %masked_sort3A_813 = tpu.sort %select_n3A_808, %select_n3A_809 masked %masked_sort3A_810 : (vector<16xf32>, vector<16xi32>, vector<16xi1>) -> (vector<16xi1>, vector<16xf32>, vector<16xi32>)
      %lt3A_814 = arith.cmpf olt, %masked_sort3A_797, %masked_sort3A_724 : vector<16xf32>
      %select_n3A_815 = arith.select %lt3A_814, %masked_sort3A_797, %masked_sort3A_724 : vector<16xi1>, vector<16xf32>
      %select_n3A_816 = arith.select %lt3A_814, %masked_sort3A_798, %masked_sort3A_725 : vector<16xi1>, vector<16xi32>
      %masked_sort3A_817 = arith.constant dense<true> : vector<16xi1>
      %masked_sort3A_818, %masked_sort3A_819, %masked_sort3A_820 = tpu.sort %select_n3A_815, %select_n3A_816 masked %masked_sort3A_817 : (vector<16xf32>, vector<16xi32>, vector<16xi1>) -> (vector<16xi1>, vector<16xf32>, vector<16xi32>)
      %lt3A_821 = arith.cmpf olt, %masked_sort3A_801, %masked_sort3A_731 : vector<16xf32>
      %select_n3A_822 = arith.select %lt3A_821, %masked_sort3A_801, %masked_sort3A_731 : vector<16xi1>, vector<16xf32>
      %select_n3A_823 = arith.select %lt3A_821, %masked_sort3A_802, %masked_sort3A_732 : vector<16xi1>, vector<16xi32>
      %masked_sort3A_824 = arith.constant dense<true> : vector<16xi1>
      %masked_sort3A_825, %masked_sort3A_826, %masked_sort3A_827 = tpu.sort %select_n3A_822, %select_n3A_823 masked %masked_sort3A_824 : (vector<16xf32>, vector<16xi32>, vector<16xi1>) -> (vector<16xi1>, vector<16xf32>, vector<16xi32>)
      %lt3A_828 = arith.cmpf olt, %masked_sort3A_805, %masked_sort3A_738 : vector<16xf32>
      %select_n3A_829 = arith.select %lt3A_828, %masked_sort3A_805, %masked_sort3A_738 : vector<16xi1>, vector<16xf32>
      %select_n3A_830 = arith.select %lt3A_828, %masked_sort3A_806, %masked_sort3A_739 : vector<16xi1>, vector<16xi32>
      %masked_sort3A_831 = arith.constant dense<true> : vector<16xi1>
      %masked_sort3A_832, %masked_sort3A_833, %masked_sort3A_834 = tpu.sort %select_n3A_829, %select_n3A_830 masked %masked_sort3A_831 : (vector<16xf32>, vector<16xi32>, vector<16xi1>) -> (vector<16xi1>, vector<16xf32>, vector<16xi32>)
      %add3A_835 = arith.constant 128 : i32
      %add3A_836 = vector.broadcast %add3A_835 : i32 to vector<16xi32>
      %add3A_837 = arith.addi %iota3A, %add3A_836 : vector<16xi32>
      %add3A_838 = arith.constant 256 : i32
      %add3A_839 = vector.broadcast %add3A_838 : i32 to vector<16xi32>
      %add3A_840 = arith.addi %mul3A_33, %add3A_839 : vector<16xi32>
      %gather3A_841 = tpu.vector_load_idx %arg4[%add3A_840] : memref<1024xf32, #tpu.memory_space<vmem>>[vector<16xi32>], vector<16xf32>,
      %add3A_842 = arith.constant 1 : i32
      %add3A_843 = vector.broadcast %add3A_842 : i32 to vector<16xi32>
      %add3A_844 = arith.addi %add3A_840, %add3A_843 : vector<16xi32>
      %gather3A_845 = tpu.vector_load_idx %arg4[%add3A_844] : memref<1024xf32, #tpu.memory_space<vmem>>[vector<16xi32>], vector<16xf32>,
      %sub3A_846 = arith.subf %gather3A_841, %gather3A : vector<16xf32>
      %sub3A_847 = arith.subf %gather3A_845, %gather3A_70 : vector<16xf32>
      %mul3A_848 = arith.mulf %sub3A_846, %sub3A_846 : vector<16xf32>
      %mul3A_849 = arith.mulf %sub3A_847, %sub3A_847 : vector<16xf32>
      %add3A_850 = arith.addf %mul3A_848, %mul3A_849 : vector<16xf32>
      %eq3A_851 = vector.broadcast %add3A_46 : i32 to vector<16xi32>
      %eq3A_852 = arith.cmpi eq, %add3A_837, %eq3A_851 : vector<16xi32>
      %jit3A_853 = arith.constant 0x7F800000 : f32
      %broadcast_in_dim3A_854 = vector.broadcast %jit3A_853 : f32 to vector<16xf32>
      %select_n3A_855 = arith.select %eq3A_852, %broadcast_in_dim3A_854, %add3A_850 : vector<16xi1>, vector<16xf32>
      %sub3A_856 = arith.subf %gather3A_841, %gather3A_77 : vector<16xf32>
      %sub3A_857 = arith.subf %gather3A_845, %gather3A_81 : vector<16xf32>
      %mul3A_858 = arith.mulf %sub3A_856, %sub3A_856 : vector<16xf32>
      %mul3A_859 = arith.mulf %sub3A_857, %sub3A_857 : vector<16xf32>
      %add3A_860 = arith.addf %mul3A_858, %mul3A_859 : vector<16xf32>
      %eq3A_861 = vector.broadcast %add3A_51 : i32 to vector<16xi32>
      %eq3A_862 = arith.cmpi eq, %add3A_837, %eq3A_861 : vector<16xi32>
      %jit3A_863 = arith.constant 0x7F800000 : f32
      %broadcast_in_dim3A_864 = vector.broadcast %jit3A_863 : f32 to vector<16xf32>
      %select_n3A_865 = arith.select %eq3A_862, %broadcast_in_dim3A_864, %add3A_860 : vector<16xi1>, vector<16xf32>
      %sub3A_866 = arith.subf %gather3A_841, %gather3A_88 : vector<16xf32>
      %sub3A_867 = arith.subf %gather3A_845, %gather3A_92 : vector<16xf32>
      %mul3A_868 = arith.mulf %sub3A_866, %sub3A_866 : vector<16xf32>
      %mul3A_869 = arith.mulf %sub3A_867, %sub3A_867 : vector<16xf32>
      %add3A_870 = arith.addf %mul3A_868, %mul3A_869 : vector<16xf32>
      %eq3A_871 = vector.broadcast %add3A_56 : i32 to vector<16xi32>
      %eq3A_872 = arith.cmpi eq, %add3A_837, %eq3A_871 : vector<16xi32>
      %jit3A_873 = arith.constant 0x7F800000 : f32
      %broadcast_in_dim3A_874 = vector.broadcast %jit3A_873 : f32 to vector<16xf32>
      %select_n3A_875 = arith.select %eq3A_872, %broadcast_in_dim3A_874, %add3A_870 : vector<16xi1>, vector<16xf32>
      %sub3A_876 = arith.subf %gather3A_841, %gather3A_99 : vector<16xf32>
      %sub3A_877 = arith.subf %gather3A_845, %gather3A_103 : vector<16xf32>
      %mul3A_878 = arith.mulf %sub3A_876, %sub3A_876 : vector<16xf32>
      %mul3A_879 = arith.mulf %sub3A_877, %sub3A_877 : vector<16xf32>
      %add3A_880 = arith.addf %mul3A_878, %mul3A_879 : vector<16xf32>
      %eq3A_881 = vector.broadcast %add3A_61 : i32 to vector<16xi32>
      %eq3A_882 = arith.cmpi eq, %add3A_837, %eq3A_881 : vector<16xi32>
      %jit3A_883 = arith.constant 0x7F800000 : f32
      %broadcast_in_dim3A_884 = vector.broadcast %jit3A_883 : f32 to vector<16xf32>
      %select_n3A_885 = arith.select %eq3A_882, %broadcast_in_dim3A_884, %add3A_880 : vector<16xi1>, vector<16xf32>
      %masked_sort3A_886 = arith.constant dense<true> : vector<16xi1>
      %masked_sort3A_887, %masked_sort3A_888, %masked_sort3A_889 = tpu.sort %select_n3A_855, %add3A_837 masked %masked_sort3A_886 {descending = true} : (vector<16xf32>, vector<16xi32>, vector<16xi1>) -> (vector<16xi1>, vector<16xf32>, vector<16xi32>)
      %masked_sort3A_890 = arith.constant dense<true> : vector<16xi1>
      %masked_sort3A_891, %masked_sort3A_892, %masked_sort3A_893 = tpu.sort %select_n3A_865, %add3A_837 masked %masked_sort3A_890 {descending = true} : (vector<16xf32>, vector<16xi32>, vector<16xi1>) -> (vector<16xi1>, vector<16xf32>, vector<16xi32>)
      %masked_sort3A_894 = arith.constant dense<true> : vector<16xi1>
      %masked_sort3A_895, %masked_sort3A_896, %masked_sort3A_897 = tpu.sort %select_n3A_875, %add3A_837 masked %masked_sort3A_894 {descending = true} : (vector<16xf32>, vector<16xi32>, vector<16xi1>) -> (vector<16xi1>, vector<16xf32>, vector<16xi32>)
      %masked_sort3A_898 = arith.constant dense<true> : vector<16xi1>
      %masked_sort3A_899, %masked_sort3A_900, %masked_sort3A_901 = tpu.sort %select_n3A_885, %add3A_837 masked %masked_sort3A_898 {descending = true} : (vector<16xf32>, vector<16xi32>, vector<16xi1>) -> (vector<16xi1>, vector<16xf32>, vector<16xi32>)
      %lt3A_902 = arith.cmpf olt, %masked_sort3A_888, %masked_sort3A_812 : vector<16xf32>
      %select_n3A_903 = arith.select %lt3A_902, %masked_sort3A_888, %masked_sort3A_812 : vector<16xi1>, vector<16xf32>
      %select_n3A_904 = arith.select %lt3A_902, %masked_sort3A_889, %masked_sort3A_813 : vector<16xi1>, vector<16xi32>
      %masked_sort3A_905 = arith.constant dense<true> : vector<16xi1>
      %masked_sort3A_906, %masked_sort3A_907, %masked_sort3A_908 = tpu.sort %select_n3A_903, %select_n3A_904 masked %masked_sort3A_905 : (vector<16xf32>, vector<16xi32>, vector<16xi1>) -> (vector<16xi1>, vector<16xf32>, vector<16xi32>)
      %lt3A_909 = arith.cmpf olt, %masked_sort3A_892, %masked_sort3A_819 : vector<16xf32>
      %select_n3A_910 = arith.select %lt3A_909, %masked_sort3A_892, %masked_sort3A_819 : vector<16xi1>, vector<16xf32>
      %select_n3A_911 = arith.select %lt3A_909, %masked_sort3A_893, %masked_sort3A_820 : vector<16xi1>, vector<16xi32>
      %masked_sort3A_912 = arith.constant dense<true> : vector<16xi1>
      %masked_sort3A_913, %masked_sort3A_914, %masked_sort3A_915 = tpu.sort %select_n3A_910, %select_n3A_911 masked %masked_sort3A_912 : (vector<16xf32>, vector<16xi32>, vector<16xi1>) -> (vector<16xi1>, vector<16xf32>, vector<16xi32>)
      %lt3A_916 = arith.cmpf olt, %masked_sort3A_896, %masked_sort3A_826 : vector<16xf32>
      %select_n3A_917 = arith.select %lt3A_916, %masked_sort3A_896, %masked_sort3A_826 : vector<16xi1>, vector<16xf32>
      %select_n3A_918 = arith.select %lt3A_916, %masked_sort3A_897, %masked_sort3A_827 : vector<16xi1>, vector<16xi32>
      %masked_sort3A_919 = arith.constant dense<true> : vector<16xi1>
      %masked_sort3A_920, %masked_sort3A_921, %masked_sort3A_922 = tpu.sort %select_n3A_917, %select_n3A_918 masked %masked_sort3A_919 : (vector<16xf32>, vector<16xi32>, vector<16xi1>) -> (vector<16xi1>, vector<16xf32>, vector<16xi32>)
      %lt3A_923 = arith.cmpf olt, %masked_sort3A_900, %masked_sort3A_833 : vector<16xf32>
      %select_n3A_924 = arith.select %lt3A_923, %masked_sort3A_900, %masked_sort3A_833 : vector<16xi1>, vector<16xf32>
      %select_n3A_925 = arith.select %lt3A_923, %masked_sort3A_901, %masked_sort3A_834 : vector<16xi1>, vector<16xi32>
      %masked_sort3A_926 = arith.constant dense<true> : vector<16xi1>
      %masked_sort3A_927, %masked_sort3A_928, %masked_sort3A_929 = tpu.sort %select_n3A_924, %select_n3A_925 masked %masked_sort3A_926 : (vector<16xf32>, vector<16xi32>, vector<16xi1>) -> (vector<16xi1>, vector<16xf32>, vector<16xi32>)
      %add3A_930 = arith.constant 144 : i32
      %add3A_931 = vector.broadcast %add3A_930 : i32 to vector<16xi32>
      %add3A_932 = arith.addi %iota3A, %add3A_931 : vector<16xi32>
      %add3A_933 = arith.constant 288 : i32
      %add3A_934 = vector.broadcast %add3A_933 : i32 to vector<16xi32>
      %add3A_935 = arith.addi %mul3A_33, %add3A_934 : vector<16xi32>
      %gather3A_936 = tpu.vector_load_idx %arg4[%add3A_935] : memref<1024xf32, #tpu.memory_space<vmem>>[vector<16xi32>], vector<16xf32>,
      %add3A_937 = arith.constant 1 : i32
      %add3A_938 = vector.broadcast %add3A_937 : i32 to vector<16xi32>
      %add3A_939 = arith.addi %add3A_935, %add3A_938 : vector<16xi32>
      %gather3A_940 = tpu.vector_load_idx %arg4[%add3A_939] : memref<1024xf32, #tpu.memory_space<vmem>>[vector<16xi32>], vector<16xf32>,
      %sub3A_941 = arith.subf %gather3A_936, %gather3A : vector<16xf32>
      %sub3A_942 = arith.subf %gather3A_940, %gather3A_70 : vector<16xf32>
      %mul3A_943 = arith.mulf %sub3A_941, %sub3A_941 : vector<16xf32>
      %mul3A_944 = arith.mulf %sub3A_942, %sub3A_942 : vector<16xf32>
      %add3A_945 = arith.addf %mul3A_943, %mul3A_944 : vector<16xf32>
      %eq3A_946 = vector.broadcast %add3A_46 : i32 to vector<16xi32>
      %eq3A_947 = arith.cmpi eq, %add3A_932, %eq3A_946 : vector<16xi32>
      %jit3A_948 = arith.constant 0x7F800000 : f32
      %broadcast_in_dim3A_949 = vector.broadcast %jit3A_948 : f32 to vector<16xf32>
      %select_n3A_950 = arith.select %eq3A_947, %broadcast_in_dim3A_949, %add3A_945 : vector<16xi1>, vector<16xf32>
      %sub3A_951 = arith.subf %gather3A_936, %gather3A_77 : vector<16xf32>
      %sub3A_952 = arith.subf %gather3A_940, %gather3A_81 : vector<16xf32>
      %mul3A_953 = arith.mulf %sub3A_951, %sub3A_951 : vector<16xf32>
      %mul3A_954 = arith.mulf %sub3A_952, %sub3A_952 : vector<16xf32>
      %add3A_955 = arith.addf %mul3A_953, %mul3A_954 : vector<16xf32>
      %eq3A_956 = vector.broadcast %add3A_51 : i32 to vector<16xi32>
      %eq3A_957 = arith.cmpi eq, %add3A_932, %eq3A_956 : vector<16xi32>
      %jit3A_958 = arith.constant 0x7F800000 : f32
      %broadcast_in_dim3A_959 = vector.broadcast %jit3A_958 : f32 to vector<16xf32>
      %select_n3A_960 = arith.select %eq3A_957, %broadcast_in_dim3A_959, %add3A_955 : vector<16xi1>, vector<16xf32>
      %sub3A_961 = arith.subf %gather3A_936, %gather3A_88 : vector<16xf32>
      %sub3A_962 = arith.subf %gather3A_940, %gather3A_92 : vector<16xf32>
      %mul3A_963 = arith.mulf %sub3A_961, %sub3A_961 : vector<16xf32>
      %mul3A_964 = arith.mulf %sub3A_962, %sub3A_962 : vector<16xf32>
      %add3A_965 = arith.addf %mul3A_963, %mul3A_964 : vector<16xf32>
      %eq3A_966 = vector.broadcast %add3A_56 : i32 to vector<16xi32>
      %eq3A_967 = arith.cmpi eq, %add3A_932, %eq3A_966 : vector<16xi32>
      %jit3A_968 = arith.constant 0x7F800000 : f32
      %broadcast_in_dim3A_969 = vector.broadcast %jit3A_968 : f32 to vector<16xf32>
      %select_n3A_970 = arith.select %eq3A_967, %broadcast_in_dim3A_969, %add3A_965 : vector<16xi1>, vector<16xf32>
      %sub3A_971 = arith.subf %gather3A_936, %gather3A_99 : vector<16xf32>
      %sub3A_972 = arith.subf %gather3A_940, %gather3A_103 : vector<16xf32>
      %mul3A_973 = arith.mulf %sub3A_971, %sub3A_971 : vector<16xf32>
      %mul3A_974 = arith.mulf %sub3A_972, %sub3A_972 : vector<16xf32>
      %add3A_975 = arith.addf %mul3A_973, %mul3A_974 : vector<16xf32>
      %eq3A_976 = vector.broadcast %add3A_61 : i32 to vector<16xi32>
      %eq3A_977 = arith.cmpi eq, %add3A_932, %eq3A_976 : vector<16xi32>
      %jit3A_978 = arith.constant 0x7F800000 : f32
      %broadcast_in_dim3A_979 = vector.broadcast %jit3A_978 : f32 to vector<16xf32>
      %select_n3A_980 = arith.select %eq3A_977, %broadcast_in_dim3A_979, %add3A_975 : vector<16xi1>, vector<16xf32>
      %masked_sort3A_981 = arith.constant dense<true> : vector<16xi1>
      %masked_sort3A_982, %masked_sort3A_983, %masked_sort3A_984 = tpu.sort %select_n3A_950, %add3A_932 masked %masked_sort3A_981 {descending = true} : (vector<16xf32>, vector<16xi32>, vector<16xi1>) -> (vector<16xi1>, vector<16xf32>, vector<16xi32>)
      %masked_sort3A_985 = arith.constant dense<true> : vector<16xi1>
      %masked_sort3A_986, %masked_sort3A_987, %masked_sort3A_988 = tpu.sort %select_n3A_960, %add3A_932 masked %masked_sort3A_985 {descending = true} : (vector<16xf32>, vector<16xi32>, vector<16xi1>) -> (vector<16xi1>, vector<16xf32>, vector<16xi32>)
      %masked_sort3A_989 = arith.constant dense<true> : vector<16xi1>
      %masked_sort3A_990, %masked_sort3A_991, %masked_sort3A_992 = tpu.sort %select_n3A_970, %add3A_932 masked %masked_sort3A_989 {descending = true} : (vector<16xf32>, vector<16xi32>, vector<16xi1>) -> (vector<16xi1>, vector<16xf32>, vector<16xi32>)
      %masked_sort3A_993 = arith.constant dense<true> : vector<16xi1>
      %masked_sort3A_994, %masked_sort3A_995, %masked_sort3A_996 = tpu.sort %select_n3A_980, %add3A_932 masked %masked_sort3A_993 {descending = true} : (vector<16xf32>, vector<16xi32>, vector<16xi1>) -> (vector<16xi1>, vector<16xf32>, vector<16xi32>)
      %lt3A_997 = arith.cmpf olt, %masked_sort3A_983, %masked_sort3A_907 : vector<16xf32>
      %select_n3A_998 = arith.select %lt3A_997, %masked_sort3A_983, %masked_sort3A_907 : vector<16xi1>, vector<16xf32>
      %select_n3A_999 = arith.select %lt3A_997, %masked_sort3A_984, %masked_sort3A_908 : vector<16xi1>, vector<16xi32>
      %masked_sort3A_1000 = arith.constant dense<true> : vector<16xi1>
      %masked_sort3A_1001, %masked_sort3A_1002, %masked_sort3A_1003 = tpu.sort %select_n3A_998, %select_n3A_999 masked %masked_sort3A_1000 : (vector<16xf32>, vector<16xi32>, vector<16xi1>) -> (vector<16xi1>, vector<16xf32>, vector<16xi32>)
      %lt3A_1004 = arith.cmpf olt, %masked_sort3A_987, %masked_sort3A_914 : vector<16xf32>
      %select_n3A_1005 = arith.select %lt3A_1004, %masked_sort3A_987, %masked_sort3A_914 : vector<16xi1>, vector<16xf32>
      %select_n3A_1006 = arith.select %lt3A_1004, %masked_sort3A_988, %masked_sort3A_915 : vector<16xi1>, vector<16xi32>
      %masked_sort3A_1007 = arith.constant dense<true> : vector<16xi1>
      %masked_sort3A_1008, %masked_sort3A_1009, %masked_sort3A_1010 = tpu.sort %select_n3A_1005, %select_n3A_1006 masked %masked_sort3A_1007 : (vector<16xf32>, vector<16xi32>, vector<16xi1>) -> (vector<16xi1>, vector<16xf32>, vector<16xi32>)
      %lt3A_1011 = arith.cmpf olt, %masked_sort3A_991, %masked_sort3A_921 : vector<16xf32>
      %select_n3A_1012 = arith.select %lt3A_1011, %masked_sort3A_991, %masked_sort3A_921 : vector<16xi1>, vector<16xf32>
      %select_n3A_1013 = arith.select %lt3A_1011, %masked_sort3A_992, %masked_sort3A_922 : vector<16xi1>, vector<16xi32>
      %masked_sort3A_1014 = arith.constant dense<true> : vector<16xi1>
      %masked_sort3A_1015, %masked_sort3A_1016, %masked_sort3A_1017 = tpu.sort %select_n3A_1012, %select_n3A_1013 masked %masked_sort3A_1014 : (vector<16xf32>, vector<16xi32>, vector<16xi1>) -> (vector<16xi1>, vector<16xf32>, vector<16xi32>)
      %lt3A_1018 = arith.cmpf olt, %masked_sort3A_995, %masked_sort3A_928 : vector<16xf32>
      %select_n3A_1019 = arith.select %lt3A_1018, %masked_sort3A_995, %masked_sort3A_928 : vector<16xi1>, vector<16xf32>
      %select_n3A_1020 = arith.select %lt3A_1018, %masked_sort3A_996, %masked_sort3A_929 : vector<16xi1>, vector<16xi32>
      %masked_sort3A_1021 = arith.constant dense<true> : vector<16xi1>
      %masked_sort3A_1022, %masked_sort3A_1023, %masked_sort3A_1024 = tpu.sort %select_n3A_1019, %select_n3A_1020 masked %masked_sort3A_1021 : (vector<16xf32>, vector<16xi32>, vector<16xi1>) -> (vector<16xi1>, vector<16xf32>, vector<16xi32>)
      %add3A_1025 = arith.constant 160 : i32
      %add3A_1026 = vector.broadcast %add3A_1025 : i32 to vector<16xi32>
      %add3A_1027 = arith.addi %iota3A, %add3A_1026 : vector<16xi32>
      %add3A_1028 = arith.constant 320 : i32
      %add3A_1029 = vector.broadcast %add3A_1028 : i32 to vector<16xi32>
      %add3A_1030 = arith.addi %mul3A_33, %add3A_1029 : vector<16xi32>
      %gather3A_1031 = tpu.vector_load_idx %arg4[%add3A_1030] : memref<1024xf32, #tpu.memory_space<vmem>>[vector<16xi32>], vector<16xf32>,
      %add3A_1032 = arith.constant 1 : i32
      %add3A_1033 = vector.broadcast %add3A_1032 : i32 to vector<16xi32>
      %add3A_1034 = arith.addi %add3A_1030, %add3A_1033 : vector<16xi32>
      %gather3A_1035 = tpu.vector_load_idx %arg4[%add3A_1034] : memref<1024xf32, #tpu.memory_space<vmem>>[vector<16xi32>], vector<16xf32>,
      %sub3A_1036 = arith.subf %gather3A_1031, %gather3A : vector<16xf32>
      %sub3A_1037 = arith.subf %gather3A_1035, %gather3A_70 : vector<16xf32>
      %mul3A_1038 = arith.mulf %sub3A_1036, %sub3A_1036 : vector<16xf32>
      %mul3A_1039 = arith.mulf %sub3A_1037, %sub3A_1037 : vector<16xf32>
      %add3A_1040 = arith.addf %mul3A_1038, %mul3A_1039 : vector<16xf32>
      %eq3A_1041 = vector.broadcast %add3A_46 : i32 to vector<16xi32>
      %eq3A_1042 = arith.cmpi eq, %add3A_1027, %eq3A_1041 : vector<16xi32>
      %jit3A_1043 = arith.constant 0x7F800000 : f32
      %broadcast_in_dim3A_1044 = vector.broadcast %jit3A_1043 : f32 to vector<16xf32>
      %select_n3A_1045 = arith.select %eq3A_1042, %broadcast_in_dim3A_1044, %add3A_1040 : vector<16xi1>, vector<16xf32>
      %sub3A_1046 = arith.subf %gather3A_1031, %gather3A_77 : vector<16xf32>
      %sub3A_1047 = arith.subf %gather3A_1035, %gather3A_81 : vector<16xf32>
      %mul3A_1048 = arith.mulf %sub3A_1046, %sub3A_1046 : vector<16xf32>
      %mul3A_1049 = arith.mulf %sub3A_1047, %sub3A_1047 : vector<16xf32>
      %add3A_1050 = arith.addf %mul3A_1048, %mul3A_1049 : vector<16xf32>
      %eq3A_1051 = vector.broadcast %add3A_51 : i32 to vector<16xi32>
      %eq3A_1052 = arith.cmpi eq, %add3A_1027, %eq3A_1051 : vector<16xi32>
      %jit3A_1053 = arith.constant 0x7F800000 : f32
      %broadcast_in_dim3A_1054 = vector.broadcast %jit3A_1053 : f32 to vector<16xf32>
      %select_n3A_1055 = arith.select %eq3A_1052, %broadcast_in_dim3A_1054, %add3A_1050 : vector<16xi1>, vector<16xf32>
      %sub3A_1056 = arith.subf %gather3A_1031, %gather3A_88 : vector<16xf32>
      %sub3A_1057 = arith.subf %gather3A_1035, %gather3A_92 : vector<16xf32>
      %mul3A_1058 = arith.mulf %sub3A_1056, %sub3A_1056 : vector<16xf32>
      %mul3A_1059 = arith.mulf %sub3A_1057, %sub3A_1057 : vector<16xf32>
      %add3A_1060 = arith.addf %mul3A_1058, %mul3A_1059 : vector<16xf32>
      %eq3A_1061 = vector.broadcast %add3A_56 : i32 to vector<16xi32>
      %eq3A_1062 = arith.cmpi eq, %add3A_1027, %eq3A_1061 : vector<16xi32>
      %jit3A_1063 = arith.constant 0x7F800000 : f32
      %broadcast_in_dim3A_1064 = vector.broadcast %jit3A_1063 : f32 to vector<16xf32>
      %select_n3A_1065 = arith.select %eq3A_1062, %broadcast_in_dim3A_1064, %add3A_1060 : vector<16xi1>, vector<16xf32>
      %sub3A_1066 = arith.subf %gather3A_1031, %gather3A_99 : vector<16xf32>
      %sub3A_1067 = arith.subf %gather3A_1035, %gather3A_103 : vector<16xf32>
      %mul3A_1068 = arith.mulf %sub3A_1066, %sub3A_1066 : vector<16xf32>
      %mul3A_1069 = arith.mulf %sub3A_1067, %sub3A_1067 : vector<16xf32>
      %add3A_1070 = arith.addf %mul3A_1068, %mul3A_1069 : vector<16xf32>
      %eq3A_1071 = vector.broadcast %add3A_61 : i32 to vector<16xi32>
      %eq3A_1072 = arith.cmpi eq, %add3A_1027, %eq3A_1071 : vector<16xi32>
      %jit3A_1073 = arith.constant 0x7F800000 : f32
      %broadcast_in_dim3A_1074 = vector.broadcast %jit3A_1073 : f32 to vector<16xf32>
      %select_n3A_1075 = arith.select %eq3A_1072, %broadcast_in_dim3A_1074, %add3A_1070 : vector<16xi1>, vector<16xf32>
      %masked_sort3A_1076 = arith.constant dense<true> : vector<16xi1>
      %masked_sort3A_1077, %masked_sort3A_1078, %masked_sort3A_1079 = tpu.sort %select_n3A_1045, %add3A_1027 masked %masked_sort3A_1076 {descending = true} : (vector<16xf32>, vector<16xi32>, vector<16xi1>) -> (vector<16xi1>, vector<16xf32>, vector<16xi32>)
      %masked_sort3A_1080 = arith.constant dense<true> : vector<16xi1>
      %masked_sort3A_1081, %masked_sort3A_1082, %masked_sort3A_1083 = tpu.sort %select_n3A_1055, %add3A_1027 masked %masked_sort3A_1080 {descending = true} : (vector<16xf32>, vector<16xi32>, vector<16xi1>) -> (vector<16xi1>, vector<16xf32>, vector<16xi32>)
      %masked_sort3A_1084 = arith.constant dense<true> : vector<16xi1>
      %masked_sort3A_1085, %masked_sort3A_1086, %masked_sort3A_1087 = tpu.sort %select_n3A_1065, %add3A_1027 masked %masked_sort3A_1084 {descending = true} : (vector<16xf32>, vector<16xi32>, vector<16xi1>) -> (vector<16xi1>, vector<16xf32>, vector<16xi32>)
      %masked_sort3A_1088 = arith.constant dense<true> : vector<16xi1>
      %masked_sort3A_1089, %masked_sort3A_1090, %masked_sort3A_1091 = tpu.sort %select_n3A_1075, %add3A_1027 masked %masked_sort3A_1088 {descending = true} : (vector<16xf32>, vector<16xi32>, vector<16xi1>) -> (vector<16xi1>, vector<16xf32>, vector<16xi32>)
      %lt3A_1092 = arith.cmpf olt, %masked_sort3A_1078, %masked_sort3A_1002 : vector<16xf32>
      %select_n3A_1093 = arith.select %lt3A_1092, %masked_sort3A_1078, %masked_sort3A_1002 : vector<16xi1>, vector<16xf32>
      %select_n3A_1094 = arith.select %lt3A_1092, %masked_sort3A_1079, %masked_sort3A_1003 : vector<16xi1>, vector<16xi32>
      %masked_sort3A_1095 = arith.constant dense<true> : vector<16xi1>
      %masked_sort3A_1096, %masked_sort3A_1097, %masked_sort3A_1098 = tpu.sort %select_n3A_1093, %select_n3A_1094 masked %masked_sort3A_1095 : (vector<16xf32>, vector<16xi32>, vector<16xi1>) -> (vector<16xi1>, vector<16xf32>, vector<16xi32>)
      %lt3A_1099 = arith.cmpf olt, %masked_sort3A_1082, %masked_sort3A_1009 : vector<16xf32>
      %select_n3A_1100 = arith.select %lt3A_1099, %masked_sort3A_1082, %masked_sort3A_1009 : vector<16xi1>, vector<16xf32>
      %select_n3A_1101 = arith.select %lt3A_1099, %masked_sort3A_1083, %masked_sort3A_1010 : vector<16xi1>, vector<16xi32>
      %masked_sort3A_1102 = arith.constant dense<true> : vector<16xi1>
      %masked_sort3A_1103, %masked_sort3A_1104, %masked_sort3A_1105 = tpu.sort %select_n3A_1100, %select_n3A_1101 masked %masked_sort3A_1102 : (vector<16xf32>, vector<16xi32>, vector<16xi1>) -> (vector<16xi1>, vector<16xf32>, vector<16xi32>)
      %lt3A_1106 = arith.cmpf olt, %masked_sort3A_1086, %masked_sort3A_1016 : vector<16xf32>
      %select_n3A_1107 = arith.select %lt3A_1106, %masked_sort3A_1086, %masked_sort3A_1016 : vector<16xi1>, vector<16xf32>
      %select_n3A_1108 = arith.select %lt3A_1106, %masked_sort3A_1087, %masked_sort3A_1017 : vector<16xi1>, vector<16xi32>
      %masked_sort3A_1109 = arith.constant dense<true> : vector<16xi1>
      %masked_sort3A_1110, %masked_sort3A_1111, %masked_sort3A_1112 = tpu.sort %select_n3A_1107, %select_n3A_1108 masked %masked_sort3A_1109 : (vector<16xf32>, vector<16xi32>, vector<16xi1>) -> (vector<16xi1>, vector<16xf32>, vector<16xi32>)
      %lt3A_1113 = arith.cmpf olt, %masked_sort3A_1090, %masked_sort3A_1023 : vector<16xf32>
      %select_n3A_1114 = arith.select %lt3A_1113, %masked_sort3A_1090, %masked_sort3A_1023 : vector<16xi1>, vector<16xf32>
      %select_n3A_1115 = arith.select %lt3A_1113, %masked_sort3A_1091, %masked_sort3A_1024 : vector<16xi1>, vector<16xi32>
      %masked_sort3A_1116 = arith.constant dense<true> : vector<16xi1>
      %masked_sort3A_1117, %masked_sort3A_1118, %masked_sort3A_1119 = tpu.sort %select_n3A_1114, %select_n3A_1115 masked %masked_sort3A_1116 : (vector<16xf32>, vector<16xi32>, vector<16xi1>) -> (vector<16xi1>, vector<16xf32>, vector<16xi32>)
      %add3A_1120 = arith.constant 176 : i32
      %add3A_1121 = vector.broadcast %add3A_1120 : i32 to vector<16xi32>
      %add3A_1122 = arith.addi %iota3A, %add3A_1121 : vector<16xi32>
      %add3A_1123 = arith.constant 352 : i32
      %add3A_1124 = vector.broadcast %add3A_1123 : i32 to vector<16xi32>
      %add3A_1125 = arith.addi %mul3A_33, %add3A_1124 : vector<16xi32>
      %gather3A_1126 = tpu.vector_load_idx %arg4[%add3A_1125] : memref<1024xf32, #tpu.memory_space<vmem>>[vector<16xi32>], vector<16xf32>,
      %add3A_1127 = arith.constant 1 : i32
      %add3A_1128 = vector.broadcast %add3A_1127 : i32 to vector<16xi32>
      %add3A_1129 = arith.addi %add3A_1125, %add3A_1128 : vector<16xi32>
      %gather3A_1130 = tpu.vector_load_idx %arg4[%add3A_1129] : memref<1024xf32, #tpu.memory_space<vmem>>[vector<16xi32>], vector<16xf32>,
      %sub3A_1131 = arith.subf %gather3A_1126, %gather3A : vector<16xf32>
      %sub3A_1132 = arith.subf %gather3A_1130, %gather3A_70 : vector<16xf32>
      %mul3A_1133 = arith.mulf %sub3A_1131, %sub3A_1131 : vector<16xf32>
      %mul3A_1134 = arith.mulf %sub3A_1132, %sub3A_1132 : vector<16xf32>
      %add3A_1135 = arith.addf %mul3A_1133, %mul3A_1134 : vector<16xf32>
      %eq3A_1136 = vector.broadcast %add3A_46 : i32 to vector<16xi32>
      %eq3A_1137 = arith.cmpi eq, %add3A_1122, %eq3A_1136 : vector<16xi32>
      %jit3A_1138 = arith.constant 0x7F800000 : f32
      %broadcast_in_dim3A_1139 = vector.broadcast %jit3A_1138 : f32 to vector<16xf32>
      %select_n3A_1140 = arith.select %eq3A_1137, %broadcast_in_dim3A_1139, %add3A_1135 : vector<16xi1>, vector<16xf32>
      %sub3A_1141 = arith.subf %gather3A_1126, %gather3A_77 : vector<16xf32>
      %sub3A_1142 = arith.subf %gather3A_1130, %gather3A_81 : vector<16xf32>
      %mul3A_1143 = arith.mulf %sub3A_1141, %sub3A_1141 : vector<16xf32>
      %mul3A_1144 = arith.mulf %sub3A_1142, %sub3A_1142 : vector<16xf32>
      %add3A_1145 = arith.addf %mul3A_1143, %mul3A_1144 : vector<16xf32>
      %eq3A_1146 = vector.broadcast %add3A_51 : i32 to vector<16xi32>
      %eq3A_1147 = arith.cmpi eq, %add3A_1122, %eq3A_1146 : vector<16xi32>
      %jit3A_1148 = arith.constant 0x7F800000 : f32
      %broadcast_in_dim3A_1149 = vector.broadcast %jit3A_1148 : f32 to vector<16xf32>
      %select_n3A_1150 = arith.select %eq3A_1147, %broadcast_in_dim3A_1149, %add3A_1145 : vector<16xi1>, vector<16xf32>
      %sub3A_1151 = arith.subf %gather3A_1126, %gather3A_88 : vector<16xf32>
      %sub3A_1152 = arith.subf %gather3A_1130, %gather3A_92 : vector<16xf32>
      %mul3A_1153 = arith.mulf %sub3A_1151, %sub3A_1151 : vector<16xf32>
      %mul3A_1154 = arith.mulf %sub3A_1152, %sub3A_1152 : vector<16xf32>
      %add3A_1155 = arith.addf %mul3A_1153, %mul3A_1154 : vector<16xf32>
      %eq3A_1156 = vector.broadcast %add3A_56 : i32 to vector<16xi32>
      %eq3A_1157 = arith.cmpi eq, %add3A_1122, %eq3A_1156 : vector<16xi32>
      %jit3A_1158 = arith.constant 0x7F800000 : f32
      %broadcast_in_dim3A_1159 = vector.broadcast %jit3A_1158 : f32 to vector<16xf32>
      %select_n3A_1160 = arith.select %eq3A_1157, %broadcast_in_dim3A_1159, %add3A_1155 : vector<16xi1>, vector<16xf32>
      %sub3A_1161 = arith.subf %gather3A_1126, %gather3A_99 : vector<16xf32>
      %sub3A_1162 = arith.subf %gather3A_1130, %gather3A_103 : vector<16xf32>
      %mul3A_1163 = arith.mulf %sub3A_1161, %sub3A_1161 : vector<16xf32>
      %mul3A_1164 = arith.mulf %sub3A_1162, %sub3A_1162 : vector<16xf32>
      %add3A_1165 = arith.addf %mul3A_1163, %mul3A_1164 : vector<16xf32>
      %eq3A_1166 = vector.broadcast %add3A_61 : i32 to vector<16xi32>
      %eq3A_1167 = arith.cmpi eq, %add3A_1122, %eq3A_1166 : vector<16xi32>
      %jit3A_1168 = arith.constant 0x7F800000 : f32
      %broadcast_in_dim3A_1169 = vector.broadcast %jit3A_1168 : f32 to vector<16xf32>
      %select_n3A_1170 = arith.select %eq3A_1167, %broadcast_in_dim3A_1169, %add3A_1165 : vector<16xi1>, vector<16xf32>
      %masked_sort3A_1171 = arith.constant dense<true> : vector<16xi1>
      %masked_sort3A_1172, %masked_sort3A_1173, %masked_sort3A_1174 = tpu.sort %select_n3A_1140, %add3A_1122 masked %masked_sort3A_1171 {descending = true} : (vector<16xf32>, vector<16xi32>, vector<16xi1>) -> (vector<16xi1>, vector<16xf32>, vector<16xi32>)
      %masked_sort3A_1175 = arith.constant dense<true> : vector<16xi1>
      %masked_sort3A_1176, %masked_sort3A_1177, %masked_sort3A_1178 = tpu.sort %select_n3A_1150, %add3A_1122 masked %masked_sort3A_1175 {descending = true} : (vector<16xf32>, vector<16xi32>, vector<16xi1>) -> (vector<16xi1>, vector<16xf32>, vector<16xi32>)
      %masked_sort3A_1179 = arith.constant dense<true> : vector<16xi1>
      %masked_sort3A_1180, %masked_sort3A_1181, %masked_sort3A_1182 = tpu.sort %select_n3A_1160, %add3A_1122 masked %masked_sort3A_1179 {descending = true} : (vector<16xf32>, vector<16xi32>, vector<16xi1>) -> (vector<16xi1>, vector<16xf32>, vector<16xi32>)
      %masked_sort3A_1183 = arith.constant dense<true> : vector<16xi1>
      %masked_sort3A_1184, %masked_sort3A_1185, %masked_sort3A_1186 = tpu.sort %select_n3A_1170, %add3A_1122 masked %masked_sort3A_1183 {descending = true} : (vector<16xf32>, vector<16xi32>, vector<16xi1>) -> (vector<16xi1>, vector<16xf32>, vector<16xi32>)
      %lt3A_1187 = arith.cmpf olt, %masked_sort3A_1173, %masked_sort3A_1097 : vector<16xf32>
      %select_n3A_1188 = arith.select %lt3A_1187, %masked_sort3A_1173, %masked_sort3A_1097 : vector<16xi1>, vector<16xf32>
      %select_n3A_1189 = arith.select %lt3A_1187, %masked_sort3A_1174, %masked_sort3A_1098 : vector<16xi1>, vector<16xi32>
      %masked_sort3A_1190 = arith.constant dense<true> : vector<16xi1>
      %masked_sort3A_1191, %masked_sort3A_1192, %masked_sort3A_1193 = tpu.sort %select_n3A_1188, %select_n3A_1189 masked %masked_sort3A_1190 : (vector<16xf32>, vector<16xi32>, vector<16xi1>) -> (vector<16xi1>, vector<16xf32>, vector<16xi32>)
      %lt3A_1194 = arith.cmpf olt, %masked_sort3A_1177, %masked_sort3A_1104 : vector<16xf32>
      %select_n3A_1195 = arith.select %lt3A_1194, %masked_sort3A_1177, %masked_sort3A_1104 : vector<16xi1>, vector<16xf32>
      %select_n3A_1196 = arith.select %lt3A_1194, %masked_sort3A_1178, %masked_sort3A_1105 : vector<16xi1>, vector<16xi32>
      %masked_sort3A_1197 = arith.constant dense<true> : vector<16xi1>
      %masked_sort3A_1198, %masked_sort3A_1199, %masked_sort3A_1200 = tpu.sort %select_n3A_1195, %select_n3A_1196 masked %masked_sort3A_1197 : (vector<16xf32>, vector<16xi32>, vector<16xi1>) -> (vector<16xi1>, vector<16xf32>, vector<16xi32>)
      %lt3A_1201 = arith.cmpf olt, %masked_sort3A_1181, %masked_sort3A_1111 : vector<16xf32>
      %select_n3A_1202 = arith.select %lt3A_1201, %masked_sort3A_1181, %masked_sort3A_1111 : vector<16xi1>, vector<16xf32>
      %select_n3A_1203 = arith.select %lt3A_1201, %masked_sort3A_1182, %masked_sort3A_1112 : vector<16xi1>, vector<16xi32>
      %masked_sort3A_1204 = arith.constant dense<true> : vector<16xi1>
      %masked_sort3A_1205, %masked_sort3A_1206, %masked_sort3A_1207 = tpu.sort %select_n3A_1202, %select_n3A_1203 masked %masked_sort3A_1204 : (vector<16xf32>, vector<16xi32>, vector<16xi1>) -> (vector<16xi1>, vector<16xf32>, vector<16xi32>)
      %lt3A_1208 = arith.cmpf olt, %masked_sort3A_1185, %masked_sort3A_1118 : vector<16xf32>
      %select_n3A_1209 = arith.select %lt3A_1208, %masked_sort3A_1185, %masked_sort3A_1118 : vector<16xi1>, vector<16xf32>
      %select_n3A_1210 = arith.select %lt3A_1208, %masked_sort3A_1186, %masked_sort3A_1119 : vector<16xi1>, vector<16xi32>
      %masked_sort3A_1211 = arith.constant dense<true> : vector<16xi1>
      %masked_sort3A_1212, %masked_sort3A_1213, %masked_sort3A_1214 = tpu.sort %select_n3A_1209, %select_n3A_1210 masked %masked_sort3A_1211 : (vector<16xf32>, vector<16xi32>, vector<16xi1>) -> (vector<16xi1>, vector<16xf32>, vector<16xi32>)
      %add3A_1215 = arith.constant 192 : i32
      %add3A_1216 = vector.broadcast %add3A_1215 : i32 to vector<16xi32>
      %add3A_1217 = arith.addi %iota3A, %add3A_1216 : vector<16xi32>
      %add3A_1218 = arith.constant 384 : i32
      %add3A_1219 = vector.broadcast %add3A_1218 : i32 to vector<16xi32>
      %add3A_1220 = arith.addi %mul3A_33, %add3A_1219 : vector<16xi32>
      %gather3A_1221 = tpu.vector_load_idx %arg4[%add3A_1220] : memref<1024xf32, #tpu.memory_space<vmem>>[vector<16xi32>], vector<16xf32>,
      %add3A_1222 = arith.constant 1 : i32
      %add3A_1223 = vector.broadcast %add3A_1222 : i32 to vector<16xi32>
      %add3A_1224 = arith.addi %add3A_1220, %add3A_1223 : vector<16xi32>
      %gather3A_1225 = tpu.vector_load_idx %arg4[%add3A_1224] : memref<1024xf32, #tpu.memory_space<vmem>>[vector<16xi32>], vector<16xf32>,
      %sub3A_1226 = arith.subf %gather3A_1221, %gather3A : vector<16xf32>
      %sub3A_1227 = arith.subf %gather3A_1225, %gather3A_70 : vector<16xf32>
      %mul3A_1228 = arith.mulf %sub3A_1226, %sub3A_1226 : vector<16xf32>
      %mul3A_1229 = arith.mulf %sub3A_1227, %sub3A_1227 : vector<16xf32>
      %add3A_1230 = arith.addf %mul3A_1228, %mul3A_1229 : vector<16xf32>
      %eq3A_1231 = vector.broadcast %add3A_46 : i32 to vector<16xi32>
      %eq3A_1232 = arith.cmpi eq, %add3A_1217, %eq3A_1231 : vector<16xi32>
      %jit3A_1233 = arith.constant 0x7F800000 : f32
      %broadcast_in_dim3A_1234 = vector.broadcast %jit3A_1233 : f32 to vector<16xf32>
      %select_n3A_1235 = arith.select %eq3A_1232, %broadcast_in_dim3A_1234, %add3A_1230 : vector<16xi1>, vector<16xf32>
      %sub3A_1236 = arith.subf %gather3A_1221, %gather3A_77 : vector<16xf32>
      %sub3A_1237 = arith.subf %gather3A_1225, %gather3A_81 : vector<16xf32>
      %mul3A_1238 = arith.mulf %sub3A_1236, %sub3A_1236 : vector<16xf32>
      %mul3A_1239 = arith.mulf %sub3A_1237, %sub3A_1237 : vector<16xf32>
      %add3A_1240 = arith.addf %mul3A_1238, %mul3A_1239 : vector<16xf32>
      %eq3A_1241 = vector.broadcast %add3A_51 : i32 to vector<16xi32>
      %eq3A_1242 = arith.cmpi eq, %add3A_1217, %eq3A_1241 : vector<16xi32>
      %jit3A_1243 = arith.constant 0x7F800000 : f32
      %broadcast_in_dim3A_1244 = vector.broadcast %jit3A_1243 : f32 to vector<16xf32>
      %select_n3A_1245 = arith.select %eq3A_1242, %broadcast_in_dim3A_1244, %add3A_1240 : vector<16xi1>, vector<16xf32>
      %sub3A_1246 = arith.subf %gather3A_1221, %gather3A_88 : vector<16xf32>
      %sub3A_1247 = arith.subf %gather3A_1225, %gather3A_92 : vector<16xf32>
      %mul3A_1248 = arith.mulf %sub3A_1246, %sub3A_1246 : vector<16xf32>
      %mul3A_1249 = arith.mulf %sub3A_1247, %sub3A_1247 : vector<16xf32>
      %add3A_1250 = arith.addf %mul3A_1248, %mul3A_1249 : vector<16xf32>
      %eq3A_1251 = vector.broadcast %add3A_56 : i32 to vector<16xi32>
      %eq3A_1252 = arith.cmpi eq, %add3A_1217, %eq3A_1251 : vector<16xi32>
      %jit3A_1253 = arith.constant 0x7F800000 : f32
      %broadcast_in_dim3A_1254 = vector.broadcast %jit3A_1253 : f32 to vector<16xf32>
      %select_n3A_1255 = arith.select %eq3A_1252, %broadcast_in_dim3A_1254, %add3A_1250 : vector<16xi1>, vector<16xf32>
      %sub3A_1256 = arith.subf %gather3A_1221, %gather3A_99 : vector<16xf32>
      %sub3A_1257 = arith.subf %gather3A_1225, %gather3A_103 : vector<16xf32>
      %mul3A_1258 = arith.mulf %sub3A_1256, %sub3A_1256 : vector<16xf32>
      %mul3A_1259 = arith.mulf %sub3A_1257, %sub3A_1257 : vector<16xf32>
      %add3A_1260 = arith.addf %mul3A_1258, %mul3A_1259 : vector<16xf32>
      %eq3A_1261 = vector.broadcast %add3A_61 : i32 to vector<16xi32>
      %eq3A_1262 = arith.cmpi eq, %add3A_1217, %eq3A_1261 : vector<16xi32>
      %jit3A_1263 = arith.constant 0x7F800000 : f32
      %broadcast_in_dim3A_1264 = vector.broadcast %jit3A_1263 : f32 to vector<16xf32>
      %select_n3A_1265 = arith.select %eq3A_1262, %broadcast_in_dim3A_1264, %add3A_1260 : vector<16xi1>, vector<16xf32>
      %masked_sort3A_1266 = arith.constant dense<true> : vector<16xi1>
      %masked_sort3A_1267, %masked_sort3A_1268, %masked_sort3A_1269 = tpu.sort %select_n3A_1235, %add3A_1217 masked %masked_sort3A_1266 {descending = true} : (vector<16xf32>, vector<16xi32>, vector<16xi1>) -> (vector<16xi1>, vector<16xf32>, vector<16xi32>)
      %masked_sort3A_1270 = arith.constant dense<true> : vector<16xi1>
      %masked_sort3A_1271, %masked_sort3A_1272, %masked_sort3A_1273 = tpu.sort %select_n3A_1245, %add3A_1217 masked %masked_sort3A_1270 {descending = true} : (vector<16xf32>, vector<16xi32>, vector<16xi1>) -> (vector<16xi1>, vector<16xf32>, vector<16xi32>)
      %masked_sort3A_1274 = arith.constant dense<true> : vector<16xi1>
      %masked_sort3A_1275, %masked_sort3A_1276, %masked_sort3A_1277 = tpu.sort %select_n3A_1255, %add3A_1217 masked %masked_sort3A_1274 {descending = true} : (vector<16xf32>, vector<16xi32>, vector<16xi1>) -> (vector<16xi1>, vector<16xf32>, vector<16xi32>)
      %masked_sort3A_1278 = arith.constant dense<true> : vector<16xi1>
      %masked_sort3A_1279, %masked_sort3A_1280, %masked_sort3A_1281 = tpu.sort %select_n3A_1265, %add3A_1217 masked %masked_sort3A_1278 {descending = true} : (vector<16xf32>, vector<16xi32>, vector<16xi1>) -> (vector<16xi1>, vector<16xf32>, vector<16xi32>)
      %lt3A_1282 = arith.cmpf olt, %masked_sort3A_1268, %masked_sort3A_1192 : vector<16xf32>
      %select_n3A_1283 = arith.select %lt3A_1282, %masked_sort3A_1268, %masked_sort3A_1192 : vector<16xi1>, vector<16xf32>
      %select_n3A_1284 = arith.select %lt3A_1282, %masked_sort3A_1269, %masked_sort3A_1193 : vector<16xi1>, vector<16xi32>
      %masked_sort3A_1285 = arith.constant dense<true> : vector<16xi1>
      %masked_sort3A_1286, %masked_sort3A_1287, %masked_sort3A_1288 = tpu.sort %select_n3A_1283, %select_n3A_1284 masked %masked_sort3A_1285 : (vector<16xf32>, vector<16xi32>, vector<16xi1>) -> (vector<16xi1>, vector<16xf32>, vector<16xi32>)
      %lt3A_1289 = arith.cmpf olt, %masked_sort3A_1272, %masked_sort3A_1199 : vector<16xf32>
      %select_n3A_1290 = arith.select %lt3A_1289, %masked_sort3A_1272, %masked_sort3A_1199 : vector<16xi1>, vector<16xf32>
      %select_n3A_1291 = arith.select %lt3A_1289, %masked_sort3A_1273, %masked_sort3A_1200 : vector<16xi1>, vector<16xi32>
      %masked_sort3A_1292 = arith.constant dense<true> : vector<16xi1>
      %masked_sort3A_1293, %masked_sort3A_1294, %masked_sort3A_1295 = tpu.sort %select_n3A_1290, %select_n3A_1291 masked %masked_sort3A_1292 : (vector<16xf32>, vector<16xi32>, vector<16xi1>) -> (vector<16xi1>, vector<16xf32>, vector<16xi32>)
      %lt3A_1296 = arith.cmpf olt, %masked_sort3A_1276, %masked_sort3A_1206 : vector<16xf32>
      %select_n3A_1297 = arith.select %lt3A_1296, %masked_sort3A_1276, %masked_sort3A_1206 : vector<16xi1>, vector<16xf32>
      %select_n3A_1298 = arith.select %lt3A_1296, %masked_sort3A_1277, %masked_sort3A_1207 : vector<16xi1>, vector<16xi32>
      %masked_sort3A_1299 = arith.constant dense<true> : vector<16xi1>
      %masked_sort3A_1300, %masked_sort3A_1301, %masked_sort3A_1302 = tpu.sort %select_n3A_1297, %select_n3A_1298 masked %masked_sort3A_1299 : (vector<16xf32>, vector<16xi32>, vector<16xi1>) -> (vector<16xi1>, vector<16xf32>, vector<16xi32>)
      %lt3A_1303 = arith.cmpf olt, %masked_sort3A_1280, %masked_sort3A_1213 : vector<16xf32>
      %select_n3A_1304 = arith.select %lt3A_1303, %masked_sort3A_1280, %masked_sort3A_1213 : vector<16xi1>, vector<16xf32>
      %select_n3A_1305 = arith.select %lt3A_1303, %masked_sort3A_1281, %masked_sort3A_1214 : vector<16xi1>, vector<16xi32>
      %masked_sort3A_1306 = arith.constant dense<true> : vector<16xi1>
      %masked_sort3A_1307, %masked_sort3A_1308, %masked_sort3A_1309 = tpu.sort %select_n3A_1304, %select_n3A_1305 masked %masked_sort3A_1306 : (vector<16xf32>, vector<16xi32>, vector<16xi1>) -> (vector<16xi1>, vector<16xf32>, vector<16xi32>)
      %add3A_1310 = arith.constant 208 : i32
      %add3A_1311 = vector.broadcast %add3A_1310 : i32 to vector<16xi32>
      %add3A_1312 = arith.addi %iota3A, %add3A_1311 : vector<16xi32>
      %add3A_1313 = arith.constant 416 : i32
      %add3A_1314 = vector.broadcast %add3A_1313 : i32 to vector<16xi32>
      %add3A_1315 = arith.addi %mul3A_33, %add3A_1314 : vector<16xi32>
      %gather3A_1316 = tpu.vector_load_idx %arg4[%add3A_1315] : memref<1024xf32, #tpu.memory_space<vmem>>[vector<16xi32>], vector<16xf32>,
      %add3A_1317 = arith.constant 1 : i32
      %add3A_1318 = vector.broadcast %add3A_1317 : i32 to vector<16xi32>
      %add3A_1319 = arith.addi %add3A_1315, %add3A_1318 : vector<16xi32>
      %gather3A_1320 = tpu.vector_load_idx %arg4[%add3A_1319] : memref<1024xf32, #tpu.memory_space<vmem>>[vector<16xi32>], vector<16xf32>,
      %sub3A_1321 = arith.subf %gather3A_1316, %gather3A : vector<16xf32>
      %sub3A_1322 = arith.subf %gather3A_1320, %gather3A_70 : vector<16xf32>
      %mul3A_1323 = arith.mulf %sub3A_1321, %sub3A_1321 : vector<16xf32>
      %mul3A_1324 = arith.mulf %sub3A_1322, %sub3A_1322 : vector<16xf32>
      %add3A_1325 = arith.addf %mul3A_1323, %mul3A_1324 : vector<16xf32>
      %eq3A_1326 = vector.broadcast %add3A_46 : i32 to vector<16xi32>
      %eq3A_1327 = arith.cmpi eq, %add3A_1312, %eq3A_1326 : vector<16xi32>
      %jit3A_1328 = arith.constant 0x7F800000 : f32
      %broadcast_in_dim3A_1329 = vector.broadcast %jit3A_1328 : f32 to vector<16xf32>
      %select_n3A_1330 = arith.select %eq3A_1327, %broadcast_in_dim3A_1329, %add3A_1325 : vector<16xi1>, vector<16xf32>
      %sub3A_1331 = arith.subf %gather3A_1316, %gather3A_77 : vector<16xf32>
      %sub3A_1332 = arith.subf %gather3A_1320, %gather3A_81 : vector<16xf32>
      %mul3A_1333 = arith.mulf %sub3A_1331, %sub3A_1331 : vector<16xf32>
      %mul3A_1334 = arith.mulf %sub3A_1332, %sub3A_1332 : vector<16xf32>
      %add3A_1335 = arith.addf %mul3A_1333, %mul3A_1334 : vector<16xf32>
      %eq3A_1336 = vector.broadcast %add3A_51 : i32 to vector<16xi32>
      %eq3A_1337 = arith.cmpi eq, %add3A_1312, %eq3A_1336 : vector<16xi32>
      %jit3A_1338 = arith.constant 0x7F800000 : f32
      %broadcast_in_dim3A_1339 = vector.broadcast %jit3A_1338 : f32 to vector<16xf32>
      %select_n3A_1340 = arith.select %eq3A_1337, %broadcast_in_dim3A_1339, %add3A_1335 : vector<16xi1>, vector<16xf32>
      %sub3A_1341 = arith.subf %gather3A_1316, %gather3A_88 : vector<16xf32>
      %sub3A_1342 = arith.subf %gather3A_1320, %gather3A_92 : vector<16xf32>
      %mul3A_1343 = arith.mulf %sub3A_1341, %sub3A_1341 : vector<16xf32>
      %mul3A_1344 = arith.mulf %sub3A_1342, %sub3A_1342 : vector<16xf32>
      %add3A_1345 = arith.addf %mul3A_1343, %mul3A_1344 : vector<16xf32>
      %eq3A_1346 = vector.broadcast %add3A_56 : i32 to vector<16xi32>
      %eq3A_1347 = arith.cmpi eq, %add3A_1312, %eq3A_1346 : vector<16xi32>
      %jit3A_1348 = arith.constant 0x7F800000 : f32
      %broadcast_in_dim3A_1349 = vector.broadcast %jit3A_1348 : f32 to vector<16xf32>
      %select_n3A_1350 = arith.select %eq3A_1347, %broadcast_in_dim3A_1349, %add3A_1345 : vector<16xi1>, vector<16xf32>
      %sub3A_1351 = arith.subf %gather3A_1316, %gather3A_99 : vector<16xf32>
      %sub3A_1352 = arith.subf %gather3A_1320, %gather3A_103 : vector<16xf32>
      %mul3A_1353 = arith.mulf %sub3A_1351, %sub3A_1351 : vector<16xf32>
      %mul3A_1354 = arith.mulf %sub3A_1352, %sub3A_1352 : vector<16xf32>
      %add3A_1355 = arith.addf %mul3A_1353, %mul3A_1354 : vector<16xf32>
      %eq3A_1356 = vector.broadcast %add3A_61 : i32 to vector<16xi32>
      %eq3A_1357 = arith.cmpi eq, %add3A_1312, %eq3A_1356 : vector<16xi32>
      %jit3A_1358 = arith.constant 0x7F800000 : f32
      %broadcast_in_dim3A_1359 = vector.broadcast %jit3A_1358 : f32 to vector<16xf32>
      %select_n3A_1360 = arith.select %eq3A_1357, %broadcast_in_dim3A_1359, %add3A_1355 : vector<16xi1>, vector<16xf32>
      %masked_sort3A_1361 = arith.constant dense<true> : vector<16xi1>
      %masked_sort3A_1362, %masked_sort3A_1363, %masked_sort3A_1364 = tpu.sort %select_n3A_1330, %add3A_1312 masked %masked_sort3A_1361 {descending = true} : (vector<16xf32>, vector<16xi32>, vector<16xi1>) -> (vector<16xi1>, vector<16xf32>, vector<16xi32>)
      %masked_sort3A_1365 = arith.constant dense<true> : vector<16xi1>
      %masked_sort3A_1366, %masked_sort3A_1367, %masked_sort3A_1368 = tpu.sort %select_n3A_1340, %add3A_1312 masked %masked_sort3A_1365 {descending = true} : (vector<16xf32>, vector<16xi32>, vector<16xi1>) -> (vector<16xi1>, vector<16xf32>, vector<16xi32>)
      %masked_sort3A_1369 = arith.constant dense<true> : vector<16xi1>
      %masked_sort3A_1370, %masked_sort3A_1371, %masked_sort3A_1372 = tpu.sort %select_n3A_1350, %add3A_1312 masked %masked_sort3A_1369 {descending = true} : (vector<16xf32>, vector<16xi32>, vector<16xi1>) -> (vector<16xi1>, vector<16xf32>, vector<16xi32>)
      %masked_sort3A_1373 = arith.constant dense<true> : vector<16xi1>
      %masked_sort3A_1374, %masked_sort3A_1375, %masked_sort3A_1376 = tpu.sort %select_n3A_1360, %add3A_1312 masked %masked_sort3A_1373 {descending = true} : (vector<16xf32>, vector<16xi32>, vector<16xi1>) -> (vector<16xi1>, vector<16xf32>, vector<16xi32>)
      %lt3A_1377 = arith.cmpf olt, %masked_sort3A_1363, %masked_sort3A_1287 : vector<16xf32>
      %select_n3A_1378 = arith.select %lt3A_1377, %masked_sort3A_1363, %masked_sort3A_1287 : vector<16xi1>, vector<16xf32>
      %select_n3A_1379 = arith.select %lt3A_1377, %masked_sort3A_1364, %masked_sort3A_1288 : vector<16xi1>, vector<16xi32>
      %masked_sort3A_1380 = arith.constant dense<true> : vector<16xi1>
      %masked_sort3A_1381, %masked_sort3A_1382, %masked_sort3A_1383 = tpu.sort %select_n3A_1378, %select_n3A_1379 masked %masked_sort3A_1380 : (vector<16xf32>, vector<16xi32>, vector<16xi1>) -> (vector<16xi1>, vector<16xf32>, vector<16xi32>)
      %lt3A_1384 = arith.cmpf olt, %masked_sort3A_1367, %masked_sort3A_1294 : vector<16xf32>
      %select_n3A_1385 = arith.select %lt3A_1384, %masked_sort3A_1367, %masked_sort3A_1294 : vector<16xi1>, vector<16xf32>
      %select_n3A_1386 = arith.select %lt3A_1384, %masked_sort3A_1368, %masked_sort3A_1295 : vector<16xi1>, vector<16xi32>
      %masked_sort3A_1387 = arith.constant dense<true> : vector<16xi1>
      %masked_sort3A_1388, %masked_sort3A_1389, %masked_sort3A_1390 = tpu.sort %select_n3A_1385, %select_n3A_1386 masked %masked_sort3A_1387 : (vector<16xf32>, vector<16xi32>, vector<16xi1>) -> (vector<16xi1>, vector<16xf32>, vector<16xi32>)
      %lt3A_1391 = arith.cmpf olt, %masked_sort3A_1371, %masked_sort3A_1301 : vector<16xf32>
      %select_n3A_1392 = arith.select %lt3A_1391, %masked_sort3A_1371, %masked_sort3A_1301 : vector<16xi1>, vector<16xf32>
      %select_n3A_1393 = arith.select %lt3A_1391, %masked_sort3A_1372, %masked_sort3A_1302 : vector<16xi1>, vector<16xi32>
      %masked_sort3A_1394 = arith.constant dense<true> : vector<16xi1>
      %masked_sort3A_1395, %masked_sort3A_1396, %masked_sort3A_1397 = tpu.sort %select_n3A_1392, %select_n3A_1393 masked %masked_sort3A_1394 : (vector<16xf32>, vector<16xi32>, vector<16xi1>) -> (vector<16xi1>, vector<16xf32>, vector<16xi32>)
      %lt3A_1398 = arith.cmpf olt, %masked_sort3A_1375, %masked_sort3A_1308 : vector<16xf32>
      %select_n3A_1399 = arith.select %lt3A_1398, %masked_sort3A_1375, %masked_sort3A_1308 : vector<16xi1>, vector<16xf32>
      %select_n3A_1400 = arith.select %lt3A_1398, %masked_sort3A_1376, %masked_sort3A_1309 : vector<16xi1>, vector<16xi32>
      %masked_sort3A_1401 = arith.constant dense<true> : vector<16xi1>
      %masked_sort3A_1402, %masked_sort3A_1403, %masked_sort3A_1404 = tpu.sort %select_n3A_1399, %select_n3A_1400 masked %masked_sort3A_1401 : (vector<16xf32>, vector<16xi32>, vector<16xi1>) -> (vector<16xi1>, vector<16xf32>, vector<16xi32>)
      %add3A_1405 = arith.constant 224 : i32
      %add3A_1406 = vector.broadcast %add3A_1405 : i32 to vector<16xi32>
      %add3A_1407 = arith.addi %iota3A, %add3A_1406 : vector<16xi32>
      %add3A_1408 = arith.constant 448 : i32
      %add3A_1409 = vector.broadcast %add3A_1408 : i32 to vector<16xi32>
      %add3A_1410 = arith.addi %mul3A_33, %add3A_1409 : vector<16xi32>
      %gather3A_1411 = tpu.vector_load_idx %arg4[%add3A_1410] : memref<1024xf32, #tpu.memory_space<vmem>>[vector<16xi32>], vector<16xf32>,
      %add3A_1412 = arith.constant 1 : i32
      %add3A_1413 = vector.broadcast %add3A_1412 : i32 to vector<16xi32>
      %add3A_1414 = arith.addi %add3A_1410, %add3A_1413 : vector<16xi32>
      %gather3A_1415 = tpu.vector_load_idx %arg4[%add3A_1414] : memref<1024xf32, #tpu.memory_space<vmem>>[vector<16xi32>], vector<16xf32>,
      %sub3A_1416 = arith.subf %gather3A_1411, %gather3A : vector<16xf32>
      %sub3A_1417 = arith.subf %gather3A_1415, %gather3A_70 : vector<16xf32>
      %mul3A_1418 = arith.mulf %sub3A_1416, %sub3A_1416 : vector<16xf32>
      %mul3A_1419 = arith.mulf %sub3A_1417, %sub3A_1417 : vector<16xf32>
      %add3A_1420 = arith.addf %mul3A_1418, %mul3A_1419 : vector<16xf32>
      %eq3A_1421 = vector.broadcast %add3A_46 : i32 to vector<16xi32>
      %eq3A_1422 = arith.cmpi eq, %add3A_1407, %eq3A_1421 : vector<16xi32>
      %jit3A_1423 = arith.constant 0x7F800000 : f32
      %broadcast_in_dim3A_1424 = vector.broadcast %jit3A_1423 : f32 to vector<16xf32>
      %select_n3A_1425 = arith.select %eq3A_1422, %broadcast_in_dim3A_1424, %add3A_1420 : vector<16xi1>, vector<16xf32>
      %sub3A_1426 = arith.subf %gather3A_1411, %gather3A_77 : vector<16xf32>
      %sub3A_1427 = arith.subf %gather3A_1415, %gather3A_81 : vector<16xf32>
      %mul3A_1428 = arith.mulf %sub3A_1426, %sub3A_1426 : vector<16xf32>
      %mul3A_1429 = arith.mulf %sub3A_1427, %sub3A_1427 : vector<16xf32>
      %add3A_1430 = arith.addf %mul3A_1428, %mul3A_1429 : vector<16xf32>
      %eq3A_1431 = vector.broadcast %add3A_51 : i32 to vector<16xi32>
      %eq3A_1432 = arith.cmpi eq, %add3A_1407, %eq3A_1431 : vector<16xi32>
      %jit3A_1433 = arith.constant 0x7F800000 : f32
      %broadcast_in_dim3A_1434 = vector.broadcast %jit3A_1433 : f32 to vector<16xf32>
      %select_n3A_1435 = arith.select %eq3A_1432, %broadcast_in_dim3A_1434, %add3A_1430 : vector<16xi1>, vector<16xf32>
      %sub3A_1436 = arith.subf %gather3A_1411, %gather3A_88 : vector<16xf32>
      %sub3A_1437 = arith.subf %gather3A_1415, %gather3A_92 : vector<16xf32>
      %mul3A_1438 = arith.mulf %sub3A_1436, %sub3A_1436 : vector<16xf32>
      %mul3A_1439 = arith.mulf %sub3A_1437, %sub3A_1437 : vector<16xf32>
      %add3A_1440 = arith.addf %mul3A_1438, %mul3A_1439 : vector<16xf32>
      %eq3A_1441 = vector.broadcast %add3A_56 : i32 to vector<16xi32>
      %eq3A_1442 = arith.cmpi eq, %add3A_1407, %eq3A_1441 : vector<16xi32>
      %jit3A_1443 = arith.constant 0x7F800000 : f32
      %broadcast_in_dim3A_1444 = vector.broadcast %jit3A_1443 : f32 to vector<16xf32>
      %select_n3A_1445 = arith.select %eq3A_1442, %broadcast_in_dim3A_1444, %add3A_1440 : vector<16xi1>, vector<16xf32>
      %sub3A_1446 = arith.subf %gather3A_1411, %gather3A_99 : vector<16xf32>
      %sub3A_1447 = arith.subf %gather3A_1415, %gather3A_103 : vector<16xf32>
      %mul3A_1448 = arith.mulf %sub3A_1446, %sub3A_1446 : vector<16xf32>
      %mul3A_1449 = arith.mulf %sub3A_1447, %sub3A_1447 : vector<16xf32>
      %add3A_1450 = arith.addf %mul3A_1448, %mul3A_1449 : vector<16xf32>
      %eq3A_1451 = vector.broadcast %add3A_61 : i32 to vector<16xi32>
      %eq3A_1452 = arith.cmpi eq, %add3A_1407, %eq3A_1451 : vector<16xi32>
      %jit3A_1453 = arith.constant 0x7F800000 : f32
      %broadcast_in_dim3A_1454 = vector.broadcast %jit3A_1453 : f32 to vector<16xf32>
      %select_n3A_1455 = arith.select %eq3A_1452, %broadcast_in_dim3A_1454, %add3A_1450 : vector<16xi1>, vector<16xf32>
      %masked_sort3A_1456 = arith.constant dense<true> : vector<16xi1>
      %masked_sort3A_1457, %masked_sort3A_1458, %masked_sort3A_1459 = tpu.sort %select_n3A_1425, %add3A_1407 masked %masked_sort3A_1456 {descending = true} : (vector<16xf32>, vector<16xi32>, vector<16xi1>) -> (vector<16xi1>, vector<16xf32>, vector<16xi32>)
      %masked_sort3A_1460 = arith.constant dense<true> : vector<16xi1>
      %masked_sort3A_1461, %masked_sort3A_1462, %masked_sort3A_1463 = tpu.sort %select_n3A_1435, %add3A_1407 masked %masked_sort3A_1460 {descending = true} : (vector<16xf32>, vector<16xi32>, vector<16xi1>) -> (vector<16xi1>, vector<16xf32>, vector<16xi32>)
      %masked_sort3A_1464 = arith.constant dense<true> : vector<16xi1>
      %masked_sort3A_1465, %masked_sort3A_1466, %masked_sort3A_1467 = tpu.sort %select_n3A_1445, %add3A_1407 masked %masked_sort3A_1464 {descending = true} : (vector<16xf32>, vector<16xi32>, vector<16xi1>) -> (vector<16xi1>, vector<16xf32>, vector<16xi32>)
      %masked_sort3A_1468 = arith.constant dense<true> : vector<16xi1>
      %masked_sort3A_1469, %masked_sort3A_1470, %masked_sort3A_1471 = tpu.sort %select_n3A_1455, %add3A_1407 masked %masked_sort3A_1468 {descending = true} : (vector<16xf32>, vector<16xi32>, vector<16xi1>) -> (vector<16xi1>, vector<16xf32>, vector<16xi32>)
      %lt3A_1472 = arith.cmpf olt, %masked_sort3A_1458, %masked_sort3A_1382 : vector<16xf32>
      %select_n3A_1473 = arith.select %lt3A_1472, %masked_sort3A_1458, %masked_sort3A_1382 : vector<16xi1>, vector<16xf32>
      %select_n3A_1474 = arith.select %lt3A_1472, %masked_sort3A_1459, %masked_sort3A_1383 : vector<16xi1>, vector<16xi32>
      %masked_sort3A_1475 = arith.constant dense<true> : vector<16xi1>
      %masked_sort3A_1476, %masked_sort3A_1477, %masked_sort3A_1478 = tpu.sort %select_n3A_1473, %select_n3A_1474 masked %masked_sort3A_1475 : (vector<16xf32>, vector<16xi32>, vector<16xi1>) -> (vector<16xi1>, vector<16xf32>, vector<16xi32>)
      %lt3A_1479 = arith.cmpf olt, %masked_sort3A_1462, %masked_sort3A_1389 : vector<16xf32>
      %select_n3A_1480 = arith.select %lt3A_1479, %masked_sort3A_1462, %masked_sort3A_1389 : vector<16xi1>, vector<16xf32>
      %select_n3A_1481 = arith.select %lt3A_1479, %masked_sort3A_1463, %masked_sort3A_1390 : vector<16xi1>, vector<16xi32>
      %masked_sort3A_1482 = arith.constant dense<true> : vector<16xi1>
      %masked_sort3A_1483, %masked_sort3A_1484, %masked_sort3A_1485 = tpu.sort %select_n3A_1480, %select_n3A_1481 masked %masked_sort3A_1482 : (vector<16xf32>, vector<16xi32>, vector<16xi1>) -> (vector<16xi1>, vector<16xf32>, vector<16xi32>)
      %lt3A_1486 = arith.cmpf olt, %masked_sort3A_1466, %masked_sort3A_1396 : vector<16xf32>
      %select_n3A_1487 = arith.select %lt3A_1486, %masked_sort3A_1466, %masked_sort3A_1396 : vector<16xi1>, vector<16xf32>
      %select_n3A_1488 = arith.select %lt3A_1486, %masked_sort3A_1467, %masked_sort3A_1397 : vector<16xi1>, vector<16xi32>
      %masked_sort3A_1489 = arith.constant dense<true> : vector<16xi1>
      %masked_sort3A_1490, %masked_sort3A_1491, %masked_sort3A_1492 = tpu.sort %select_n3A_1487, %select_n3A_1488 masked %masked_sort3A_1489 : (vector<16xf32>, vector<16xi32>, vector<16xi1>) -> (vector<16xi1>, vector<16xf32>, vector<16xi32>)
      %lt3A_1493 = arith.cmpf olt, %masked_sort3A_1470, %masked_sort3A_1403 : vector<16xf32>
      %select_n3A_1494 = arith.select %lt3A_1493, %masked_sort3A_1470, %masked_sort3A_1403 : vector<16xi1>, vector<16xf32>
      %select_n3A_1495 = arith.select %lt3A_1493, %masked_sort3A_1471, %masked_sort3A_1404 : vector<16xi1>, vector<16xi32>
      %masked_sort3A_1496 = arith.constant dense<true> : vector<16xi1>
      %masked_sort3A_1497, %masked_sort3A_1498, %masked_sort3A_1499 = tpu.sort %select_n3A_1494, %select_n3A_1495 masked %masked_sort3A_1496 : (vector<16xf32>, vector<16xi32>, vector<16xi1>) -> (vector<16xi1>, vector<16xf32>, vector<16xi32>)
      %add3A_1500 = arith.constant 240 : i32
      %add3A_1501 = vector.broadcast %add3A_1500 : i32 to vector<16xi32>
      %add3A_1502 = arith.addi %iota3A, %add3A_1501 : vector<16xi32>
      %add3A_1503 = arith.constant 480 : i32
      %add3A_1504 = vector.broadcast %add3A_1503 : i32 to vector<16xi32>
      %add3A_1505 = arith.addi %mul3A_33, %add3A_1504 : vector<16xi32>
      %gather3A_1506 = tpu.vector_load_idx %arg4[%add3A_1505] : memref<1024xf32, #tpu.memory_space<vmem>>[vector<16xi32>], vector<16xf32>,
      %add3A_1507 = arith.constant 1 : i32
      %add3A_1508 = vector.broadcast %add3A_1507 : i32 to vector<16xi32>
      %add3A_1509 = arith.addi %add3A_1505, %add3A_1508 : vector<16xi32>
      %gather3A_1510 = tpu.vector_load_idx %arg4[%add3A_1509] : memref<1024xf32, #tpu.memory_space<vmem>>[vector<16xi32>], vector<16xf32>,
      %sub3A_1511 = arith.subf %gather3A_1506, %gather3A : vector<16xf32>
      %sub3A_1512 = arith.subf %gather3A_1510, %gather3A_70 : vector<16xf32>
      %mul3A_1513 = arith.mulf %sub3A_1511, %sub3A_1511 : vector<16xf32>
      %mul3A_1514 = arith.mulf %sub3A_1512, %sub3A_1512 : vector<16xf32>
      %add3A_1515 = arith.addf %mul3A_1513, %mul3A_1514 : vector<16xf32>
      %eq3A_1516 = vector.broadcast %add3A_46 : i32 to vector<16xi32>
      %eq3A_1517 = arith.cmpi eq, %add3A_1502, %eq3A_1516 : vector<16xi32>
      %jit3A_1518 = arith.constant 0x7F800000 : f32
      %broadcast_in_dim3A_1519 = vector.broadcast %jit3A_1518 : f32 to vector<16xf32>
      %select_n3A_1520 = arith.select %eq3A_1517, %broadcast_in_dim3A_1519, %add3A_1515 : vector<16xi1>, vector<16xf32>
      %sub3A_1521 = arith.subf %gather3A_1506, %gather3A_77 : vector<16xf32>
      %sub3A_1522 = arith.subf %gather3A_1510, %gather3A_81 : vector<16xf32>
      %mul3A_1523 = arith.mulf %sub3A_1521, %sub3A_1521 : vector<16xf32>
      %mul3A_1524 = arith.mulf %sub3A_1522, %sub3A_1522 : vector<16xf32>
      %add3A_1525 = arith.addf %mul3A_1523, %mul3A_1524 : vector<16xf32>
      %eq3A_1526 = vector.broadcast %add3A_51 : i32 to vector<16xi32>
      %eq3A_1527 = arith.cmpi eq, %add3A_1502, %eq3A_1526 : vector<16xi32>
      %jit3A_1528 = arith.constant 0x7F800000 : f32
      %broadcast_in_dim3A_1529 = vector.broadcast %jit3A_1528 : f32 to vector<16xf32>
      %select_n3A_1530 = arith.select %eq3A_1527, %broadcast_in_dim3A_1529, %add3A_1525 : vector<16xi1>, vector<16xf32>
      %sub3A_1531 = arith.subf %gather3A_1506, %gather3A_88 : vector<16xf32>
      %sub3A_1532 = arith.subf %gather3A_1510, %gather3A_92 : vector<16xf32>
      %mul3A_1533 = arith.mulf %sub3A_1531, %sub3A_1531 : vector<16xf32>
      %mul3A_1534 = arith.mulf %sub3A_1532, %sub3A_1532 : vector<16xf32>
      %add3A_1535 = arith.addf %mul3A_1533, %mul3A_1534 : vector<16xf32>
      %eq3A_1536 = vector.broadcast %add3A_56 : i32 to vector<16xi32>
      %eq3A_1537 = arith.cmpi eq, %add3A_1502, %eq3A_1536 : vector<16xi32>
      %jit3A_1538 = arith.constant 0x7F800000 : f32
      %broadcast_in_dim3A_1539 = vector.broadcast %jit3A_1538 : f32 to vector<16xf32>
      %select_n3A_1540 = arith.select %eq3A_1537, %broadcast_in_dim3A_1539, %add3A_1535 : vector<16xi1>, vector<16xf32>
      %sub3A_1541 = arith.subf %gather3A_1506, %gather3A_99 : vector<16xf32>
      %sub3A_1542 = arith.subf %gather3A_1510, %gather3A_103 : vector<16xf32>
      %mul3A_1543 = arith.mulf %sub3A_1541, %sub3A_1541 : vector<16xf32>
      %mul3A_1544 = arith.mulf %sub3A_1542, %sub3A_1542 : vector<16xf32>
      %add3A_1545 = arith.addf %mul3A_1543, %mul3A_1544 : vector<16xf32>
      %eq3A_1546 = vector.broadcast %add3A_61 : i32 to vector<16xi32>
      %eq3A_1547 = arith.cmpi eq, %add3A_1502, %eq3A_1546 : vector<16xi32>
      %jit3A_1548 = arith.constant 0x7F800000 : f32
      %broadcast_in_dim3A_1549 = vector.broadcast %jit3A_1548 : f32 to vector<16xf32>
      %select_n3A_1550 = arith.select %eq3A_1547, %broadcast_in_dim3A_1549, %add3A_1545 : vector<16xi1>, vector<16xf32>
      %masked_sort3A_1551 = arith.constant dense<true> : vector<16xi1>
      %masked_sort3A_1552, %masked_sort3A_1553, %masked_sort3A_1554 = tpu.sort %select_n3A_1520, %add3A_1502 masked %masked_sort3A_1551 {descending = true} : (vector<16xf32>, vector<16xi32>, vector<16xi1>) -> (vector<16xi1>, vector<16xf32>, vector<16xi32>)
      %masked_sort3A_1555 = arith.constant dense<true> : vector<16xi1>
      %masked_sort3A_1556, %masked_sort3A_1557, %masked_sort3A_1558 = tpu.sort %select_n3A_1530, %add3A_1502 masked %masked_sort3A_1555 {descending = true} : (vector<16xf32>, vector<16xi32>, vector<16xi1>) -> (vector<16xi1>, vector<16xf32>, vector<16xi32>)
      %masked_sort3A_1559 = arith.constant dense<true> : vector<16xi1>
      %masked_sort3A_1560, %masked_sort3A_1561, %masked_sort3A_1562 = tpu.sort %select_n3A_1540, %add3A_1502 masked %masked_sort3A_1559 {descending = true} : (vector<16xf32>, vector<16xi32>, vector<16xi1>) -> (vector<16xi1>, vector<16xf32>, vector<16xi32>)
      %masked_sort3A_1563 = arith.constant dense<true> : vector<16xi1>
      %masked_sort3A_1564, %masked_sort3A_1565, %masked_sort3A_1566 = tpu.sort %select_n3A_1550, %add3A_1502 masked %masked_sort3A_1563 {descending = true} : (vector<16xf32>, vector<16xi32>, vector<16xi1>) -> (vector<16xi1>, vector<16xf32>, vector<16xi32>)
      %lt3A_1567 = arith.cmpf olt, %masked_sort3A_1553, %masked_sort3A_1477 : vector<16xf32>
      %select_n3A_1568 = arith.select %lt3A_1567, %masked_sort3A_1553, %masked_sort3A_1477 : vector<16xi1>, vector<16xf32>
      %select_n3A_1569 = arith.select %lt3A_1567, %masked_sort3A_1554, %masked_sort3A_1478 : vector<16xi1>, vector<16xi32>
      %masked_sort3A_1570 = arith.constant dense<true> : vector<16xi1>
      %masked_sort3A_1571, %masked_sort3A_1572, %masked_sort3A_1573 = tpu.sort %select_n3A_1568, %select_n3A_1569 masked %masked_sort3A_1570 : (vector<16xf32>, vector<16xi32>, vector<16xi1>) -> (vector<16xi1>, vector<16xf32>, vector<16xi32>)
      %lt3A_1574 = arith.cmpf olt, %masked_sort3A_1557, %masked_sort3A_1484 : vector<16xf32>
      %select_n3A_1575 = arith.select %lt3A_1574, %masked_sort3A_1557, %masked_sort3A_1484 : vector<16xi1>, vector<16xf32>
      %select_n3A_1576 = arith.select %lt3A_1574, %masked_sort3A_1558, %masked_sort3A_1485 : vector<16xi1>, vector<16xi32>
      %masked_sort3A_1577 = arith.constant dense<true> : vector<16xi1>
      %masked_sort3A_1578, %masked_sort3A_1579, %masked_sort3A_1580 = tpu.sort %select_n3A_1575, %select_n3A_1576 masked %masked_sort3A_1577 : (vector<16xf32>, vector<16xi32>, vector<16xi1>) -> (vector<16xi1>, vector<16xf32>, vector<16xi32>)
      %lt3A_1581 = arith.cmpf olt, %masked_sort3A_1561, %masked_sort3A_1491 : vector<16xf32>
      %select_n3A_1582 = arith.select %lt3A_1581, %masked_sort3A_1561, %masked_sort3A_1491 : vector<16xi1>, vector<16xf32>
      %select_n3A_1583 = arith.select %lt3A_1581, %masked_sort3A_1562, %masked_sort3A_1492 : vector<16xi1>, vector<16xi32>
      %masked_sort3A_1584 = arith.constant dense<true> : vector<16xi1>
      %masked_sort3A_1585, %masked_sort3A_1586, %masked_sort3A_1587 = tpu.sort %select_n3A_1582, %select_n3A_1583 masked %masked_sort3A_1584 : (vector<16xf32>, vector<16xi32>, vector<16xi1>) -> (vector<16xi1>, vector<16xf32>, vector<16xi32>)
      %lt3A_1588 = arith.cmpf olt, %masked_sort3A_1565, %masked_sort3A_1498 : vector<16xf32>
      %select_n3A_1589 = arith.select %lt3A_1588, %masked_sort3A_1565, %masked_sort3A_1498 : vector<16xi1>, vector<16xf32>
      %select_n3A_1590 = arith.select %lt3A_1588, %masked_sort3A_1566, %masked_sort3A_1499 : vector<16xi1>, vector<16xi32>
      %masked_sort3A_1591 = arith.constant dense<true> : vector<16xi1>
      %masked_sort3A_1592, %masked_sort3A_1593, %masked_sort3A_1594 = tpu.sort %select_n3A_1589, %select_n3A_1590 masked %masked_sort3A_1591 : (vector<16xf32>, vector<16xi32>, vector<16xi1>) -> (vector<16xi1>, vector<16xf32>, vector<16xi32>)
      %add3A_1595 = arith.constant 256 : i32
      %add3A_1596 = vector.broadcast %add3A_1595 : i32 to vector<16xi32>
      %add3A_1597 = arith.addi %iota3A, %add3A_1596 : vector<16xi32>
      %add3A_1598 = arith.constant 512 : i32
      %add3A_1599 = vector.broadcast %add3A_1598 : i32 to vector<16xi32>
      %add3A_1600 = arith.addi %mul3A_33, %add3A_1599 : vector<16xi32>
      %gather3A_1601 = tpu.vector_load_idx %arg4[%add3A_1600] : memref<1024xf32, #tpu.memory_space<vmem>>[vector<16xi32>], vector<16xf32>,
      %add3A_1602 = arith.constant 1 : i32
      %add3A_1603 = vector.broadcast %add3A_1602 : i32 to vector<16xi32>
      %add3A_1604 = arith.addi %add3A_1600, %add3A_1603 : vector<16xi32>
      %gather3A_1605 = tpu.vector_load_idx %arg4[%add3A_1604] : memref<1024xf32, #tpu.memory_space<vmem>>[vector<16xi32>], vector<16xf32>,
      %sub3A_1606 = arith.subf %gather3A_1601, %gather3A : vector<16xf32>
      %sub3A_1607 = arith.subf %gather3A_1605, %gather3A_70 : vector<16xf32>
      %mul3A_1608 = arith.mulf %sub3A_1606, %sub3A_1606 : vector<16xf32>
      %mul3A_1609 = arith.mulf %sub3A_1607, %sub3A_1607 : vector<16xf32>
      %add3A_1610 = arith.addf %mul3A_1608, %mul3A_1609 : vector<16xf32>
      %eq3A_1611 = vector.broadcast %add3A_46 : i32 to vector<16xi32>
      %eq3A_1612 = arith.cmpi eq, %add3A_1597, %eq3A_1611 : vector<16xi32>
      %jit3A_1613 = arith.constant 0x7F800000 : f32
      %broadcast_in_dim3A_1614 = vector.broadcast %jit3A_1613 : f32 to vector<16xf32>
      %select_n3A_1615 = arith.select %eq3A_1612, %broadcast_in_dim3A_1614, %add3A_1610 : vector<16xi1>, vector<16xf32>
      %sub3A_1616 = arith.subf %gather3A_1601, %gather3A_77 : vector<16xf32>
      %sub3A_1617 = arith.subf %gather3A_1605, %gather3A_81 : vector<16xf32>
      %mul3A_1618 = arith.mulf %sub3A_1616, %sub3A_1616 : vector<16xf32>
      %mul3A_1619 = arith.mulf %sub3A_1617, %sub3A_1617 : vector<16xf32>
      %add3A_1620 = arith.addf %mul3A_1618, %mul3A_1619 : vector<16xf32>
      %eq3A_1621 = vector.broadcast %add3A_51 : i32 to vector<16xi32>
      %eq3A_1622 = arith.cmpi eq, %add3A_1597, %eq3A_1621 : vector<16xi32>
      %jit3A_1623 = arith.constant 0x7F800000 : f32
      %broadcast_in_dim3A_1624 = vector.broadcast %jit3A_1623 : f32 to vector<16xf32>
      %select_n3A_1625 = arith.select %eq3A_1622, %broadcast_in_dim3A_1624, %add3A_1620 : vector<16xi1>, vector<16xf32>
      %sub3A_1626 = arith.subf %gather3A_1601, %gather3A_88 : vector<16xf32>
      %sub3A_1627 = arith.subf %gather3A_1605, %gather3A_92 : vector<16xf32>
      %mul3A_1628 = arith.mulf %sub3A_1626, %sub3A_1626 : vector<16xf32>
      %mul3A_1629 = arith.mulf %sub3A_1627, %sub3A_1627 : vector<16xf32>
      %add3A_1630 = arith.addf %mul3A_1628, %mul3A_1629 : vector<16xf32>
      %eq3A_1631 = vector.broadcast %add3A_56 : i32 to vector<16xi32>
      %eq3A_1632 = arith.cmpi eq, %add3A_1597, %eq3A_1631 : vector<16xi32>
      %jit3A_1633 = arith.constant 0x7F800000 : f32
      %broadcast_in_dim3A_1634 = vector.broadcast %jit3A_1633 : f32 to vector<16xf32>
      %select_n3A_1635 = arith.select %eq3A_1632, %broadcast_in_dim3A_1634, %add3A_1630 : vector<16xi1>, vector<16xf32>
      %sub3A_1636 = arith.subf %gather3A_1601, %gather3A_99 : vector<16xf32>
      %sub3A_1637 = arith.subf %gather3A_1605, %gather3A_103 : vector<16xf32>
      %mul3A_1638 = arith.mulf %sub3A_1636, %sub3A_1636 : vector<16xf32>
      %mul3A_1639 = arith.mulf %sub3A_1637, %sub3A_1637 : vector<16xf32>
      %add3A_1640 = arith.addf %mul3A_1638, %mul3A_1639 : vector<16xf32>
      %eq3A_1641 = vector.broadcast %add3A_61 : i32 to vector<16xi32>
      %eq3A_1642 = arith.cmpi eq, %add3A_1597, %eq3A_1641 : vector<16xi32>
      %jit3A_1643 = arith.constant 0x7F800000 : f32
      %broadcast_in_dim3A_1644 = vector.broadcast %jit3A_1643 : f32 to vector<16xf32>
      %select_n3A_1645 = arith.select %eq3A_1642, %broadcast_in_dim3A_1644, %add3A_1640 : vector<16xi1>, vector<16xf32>
      %masked_sort3A_1646 = arith.constant dense<true> : vector<16xi1>
      %masked_sort3A_1647, %masked_sort3A_1648, %masked_sort3A_1649 = tpu.sort %select_n3A_1615, %add3A_1597 masked %masked_sort3A_1646 {descending = true} : (vector<16xf32>, vector<16xi32>, vector<16xi1>) -> (vector<16xi1>, vector<16xf32>, vector<16xi32>)
      %masked_sort3A_1650 = arith.constant dense<true> : vector<16xi1>
      %masked_sort3A_1651, %masked_sort3A_1652, %masked_sort3A_1653 = tpu.sort %select_n3A_1625, %add3A_1597 masked %masked_sort3A_1650 {descending = true} : (vector<16xf32>, vector<16xi32>, vector<16xi1>) -> (vector<16xi1>, vector<16xf32>, vector<16xi32>)
      %masked_sort3A_1654 = arith.constant dense<true> : vector<16xi1>
      %masked_sort3A_1655, %masked_sort3A_1656, %masked_sort3A_1657 = tpu.sort %select_n3A_1635, %add3A_1597 masked %masked_sort3A_1654 {descending = true} : (vector<16xf32>, vector<16xi32>, vector<16xi1>) -> (vector<16xi1>, vector<16xf32>, vector<16xi32>)
      %masked_sort3A_1658 = arith.constant dense<true> : vector<16xi1>
      %masked_sort3A_1659, %masked_sort3A_1660, %masked_sort3A_1661 = tpu.sort %select_n3A_1645, %add3A_1597 masked %masked_sort3A_1658 {descending = true} : (vector<16xf32>, vector<16xi32>, vector<16xi1>) -> (vector<16xi1>, vector<16xf32>, vector<16xi32>)
      %lt3A_1662 = arith.cmpf olt, %masked_sort3A_1648, %masked_sort3A_1572 : vector<16xf32>
      %select_n3A_1663 = arith.select %lt3A_1662, %masked_sort3A_1648, %masked_sort3A_1572 : vector<16xi1>, vector<16xf32>
      %select_n3A_1664 = arith.select %lt3A_1662, %masked_sort3A_1649, %masked_sort3A_1573 : vector<16xi1>, vector<16xi32>
      %masked_sort3A_1665 = arith.constant dense<true> : vector<16xi1>
      %masked_sort3A_1666, %masked_sort3A_1667, %masked_sort3A_1668 = tpu.sort %select_n3A_1663, %select_n3A_1664 masked %masked_sort3A_1665 : (vector<16xf32>, vector<16xi32>, vector<16xi1>) -> (vector<16xi1>, vector<16xf32>, vector<16xi32>)
      %lt3A_1669 = arith.cmpf olt, %masked_sort3A_1652, %masked_sort3A_1579 : vector<16xf32>
      %select_n3A_1670 = arith.select %lt3A_1669, %masked_sort3A_1652, %masked_sort3A_1579 : vector<16xi1>, vector<16xf32>
      %select_n3A_1671 = arith.select %lt3A_1669, %masked_sort3A_1653, %masked_sort3A_1580 : vector<16xi1>, vector<16xi32>
      %masked_sort3A_1672 = arith.constant dense<true> : vector<16xi1>
      %masked_sort3A_1673, %masked_sort3A_1674, %masked_sort3A_1675 = tpu.sort %select_n3A_1670, %select_n3A_1671 masked %masked_sort3A_1672 : (vector<16xf32>, vector<16xi32>, vector<16xi1>) -> (vector<16xi1>, vector<16xf32>, vector<16xi32>)
      %lt3A_1676 = arith.cmpf olt, %masked_sort3A_1656, %masked_sort3A_1586 : vector<16xf32>
      %select_n3A_1677 = arith.select %lt3A_1676, %masked_sort3A_1656, %masked_sort3A_1586 : vector<16xi1>, vector<16xf32>
      %select_n3A_1678 = arith.select %lt3A_1676, %masked_sort3A_1657, %masked_sort3A_1587 : vector<16xi1>, vector<16xi32>
      %masked_sort3A_1679 = arith.constant dense<true> : vector<16xi1>
      %masked_sort3A_1680, %masked_sort3A_1681, %masked_sort3A_1682 = tpu.sort %select_n3A_1677, %select_n3A_1678 masked %masked_sort3A_1679 : (vector<16xf32>, vector<16xi32>, vector<16xi1>) -> (vector<16xi1>, vector<16xf32>, vector<16xi32>)
      %lt3A_1683 = arith.cmpf olt, %masked_sort3A_1660, %masked_sort3A_1593 : vector<16xf32>
      %select_n3A_1684 = arith.select %lt3A_1683, %masked_sort3A_1660, %masked_sort3A_1593 : vector<16xi1>, vector<16xf32>
      %select_n3A_1685 = arith.select %lt3A_1683, %masked_sort3A_1661, %masked_sort3A_1594 : vector<16xi1>, vector<16xi32>
      %masked_sort3A_1686 = arith.constant dense<true> : vector<16xi1>
      %masked_sort3A_1687, %masked_sort3A_1688, %masked_sort3A_1689 = tpu.sort %select_n3A_1684, %select_n3A_1685 masked %masked_sort3A_1686 : (vector<16xf32>, vector<16xi32>, vector<16xi1>) -> (vector<16xi1>, vector<16xf32>, vector<16xi32>)
      %add3A_1690 = arith.constant 272 : i32
      %add3A_1691 = vector.broadcast %add3A_1690 : i32 to vector<16xi32>
      %add3A_1692 = arith.addi %iota3A, %add3A_1691 : vector<16xi32>
      %add3A_1693 = arith.constant 544 : i32
      %add3A_1694 = vector.broadcast %add3A_1693 : i32 to vector<16xi32>
      %add3A_1695 = arith.addi %mul3A_33, %add3A_1694 : vector<16xi32>
      %gather3A_1696 = tpu.vector_load_idx %arg4[%add3A_1695] : memref<1024xf32, #tpu.memory_space<vmem>>[vector<16xi32>], vector<16xf32>,
      %add3A_1697 = arith.constant 1 : i32
      %add3A_1698 = vector.broadcast %add3A_1697 : i32 to vector<16xi32>
      %add3A_1699 = arith.addi %add3A_1695, %add3A_1698 : vector<16xi32>
      %gather3A_1700 = tpu.vector_load_idx %arg4[%add3A_1699] : memref<1024xf32, #tpu.memory_space<vmem>>[vector<16xi32>], vector<16xf32>,
      %sub3A_1701 = arith.subf %gather3A_1696, %gather3A : vector<16xf32>
      %sub3A_1702 = arith.subf %gather3A_1700, %gather3A_70 : vector<16xf32>
      %mul3A_1703 = arith.mulf %sub3A_1701, %sub3A_1701 : vector<16xf32>
      %mul3A_1704 = arith.mulf %sub3A_1702, %sub3A_1702 : vector<16xf32>
      %add3A_1705 = arith.addf %mul3A_1703, %mul3A_1704 : vector<16xf32>
      %eq3A_1706 = vector.broadcast %add3A_46 : i32 to vector<16xi32>
      %eq3A_1707 = arith.cmpi eq, %add3A_1692, %eq3A_1706 : vector<16xi32>
      %jit3A_1708 = arith.constant 0x7F800000 : f32
      %broadcast_in_dim3A_1709 = vector.broadcast %jit3A_1708 : f32 to vector<16xf32>
      %select_n3A_1710 = arith.select %eq3A_1707, %broadcast_in_dim3A_1709, %add3A_1705 : vector<16xi1>, vector<16xf32>
      %sub3A_1711 = arith.subf %gather3A_1696, %gather3A_77 : vector<16xf32>
      %sub3A_1712 = arith.subf %gather3A_1700, %gather3A_81 : vector<16xf32>
      %mul3A_1713 = arith.mulf %sub3A_1711, %sub3A_1711 : vector<16xf32>
      %mul3A_1714 = arith.mulf %sub3A_1712, %sub3A_1712 : vector<16xf32>
      %add3A_1715 = arith.addf %mul3A_1713, %mul3A_1714 : vector<16xf32>
      %eq3A_1716 = vector.broadcast %add3A_51 : i32 to vector<16xi32>
      %eq3A_1717 = arith.cmpi eq, %add3A_1692, %eq3A_1716 : vector<16xi32>
      %jit3A_1718 = arith.constant 0x7F800000 : f32
      %broadcast_in_dim3A_1719 = vector.broadcast %jit3A_1718 : f32 to vector<16xf32>
      %select_n3A_1720 = arith.select %eq3A_1717, %broadcast_in_dim3A_1719, %add3A_1715 : vector<16xi1>, vector<16xf32>
      %sub3A_1721 = arith.subf %gather3A_1696, %gather3A_88 : vector<16xf32>
      %sub3A_1722 = arith.subf %gather3A_1700, %gather3A_92 : vector<16xf32>
      %mul3A_1723 = arith.mulf %sub3A_1721, %sub3A_1721 : vector<16xf32>
      %mul3A_1724 = arith.mulf %sub3A_1722, %sub3A_1722 : vector<16xf32>
      %add3A_1725 = arith.addf %mul3A_1723, %mul3A_1724 : vector<16xf32>
      %eq3A_1726 = vector.broadcast %add3A_56 : i32 to vector<16xi32>
      %eq3A_1727 = arith.cmpi eq, %add3A_1692, %eq3A_1726 : vector<16xi32>
      %jit3A_1728 = arith.constant 0x7F800000 : f32
      %broadcast_in_dim3A_1729 = vector.broadcast %jit3A_1728 : f32 to vector<16xf32>
      %select_n3A_1730 = arith.select %eq3A_1727, %broadcast_in_dim3A_1729, %add3A_1725 : vector<16xi1>, vector<16xf32>
      %sub3A_1731 = arith.subf %gather3A_1696, %gather3A_99 : vector<16xf32>
      %sub3A_1732 = arith.subf %gather3A_1700, %gather3A_103 : vector<16xf32>
      %mul3A_1733 = arith.mulf %sub3A_1731, %sub3A_1731 : vector<16xf32>
      %mul3A_1734 = arith.mulf %sub3A_1732, %sub3A_1732 : vector<16xf32>
      %add3A_1735 = arith.addf %mul3A_1733, %mul3A_1734 : vector<16xf32>
      %eq3A_1736 = vector.broadcast %add3A_61 : i32 to vector<16xi32>
      %eq3A_1737 = arith.cmpi eq, %add3A_1692, %eq3A_1736 : vector<16xi32>
      %jit3A_1738 = arith.constant 0x7F800000 : f32
      %broadcast_in_dim3A_1739 = vector.broadcast %jit3A_1738 : f32 to vector<16xf32>
      %select_n3A_1740 = arith.select %eq3A_1737, %broadcast_in_dim3A_1739, %add3A_1735 : vector<16xi1>, vector<16xf32>
      %masked_sort3A_1741 = arith.constant dense<true> : vector<16xi1>
      %masked_sort3A_1742, %masked_sort3A_1743, %masked_sort3A_1744 = tpu.sort %select_n3A_1710, %add3A_1692 masked %masked_sort3A_1741 {descending = true} : (vector<16xf32>, vector<16xi32>, vector<16xi1>) -> (vector<16xi1>, vector<16xf32>, vector<16xi32>)
      %masked_sort3A_1745 = arith.constant dense<true> : vector<16xi1>
      %masked_sort3A_1746, %masked_sort3A_1747, %masked_sort3A_1748 = tpu.sort %select_n3A_1720, %add3A_1692 masked %masked_sort3A_1745 {descending = true} : (vector<16xf32>, vector<16xi32>, vector<16xi1>) -> (vector<16xi1>, vector<16xf32>, vector<16xi32>)
      %masked_sort3A_1749 = arith.constant dense<true> : vector<16xi1>
      %masked_sort3A_1750, %masked_sort3A_1751, %masked_sort3A_1752 = tpu.sort %select_n3A_1730, %add3A_1692 masked %masked_sort3A_1749 {descending = true} : (vector<16xf32>, vector<16xi32>, vector<16xi1>) -> (vector<16xi1>, vector<16xf32>, vector<16xi32>)
      %masked_sort3A_1753 = arith.constant dense<true> : vector<16xi1>
      %masked_sort3A_1754, %masked_sort3A_1755, %masked_sort3A_1756 = tpu.sort %select_n3A_1740, %add3A_1692 masked %masked_sort3A_1753 {descending = true} : (vector<16xf32>, vector<16xi32>, vector<16xi1>) -> (vector<16xi1>, vector<16xf32>, vector<16xi32>)
      %lt3A_1757 = arith.cmpf olt, %masked_sort3A_1743, %masked_sort3A_1667 : vector<16xf32>
      %select_n3A_1758 = arith.select %lt3A_1757, %masked_sort3A_1743, %masked_sort3A_1667 : vector<16xi1>, vector<16xf32>
      %select_n3A_1759 = arith.select %lt3A_1757, %masked_sort3A_1744, %masked_sort3A_1668 : vector<16xi1>, vector<16xi32>
      %masked_sort3A_1760 = arith.constant dense<true> : vector<16xi1>
      %masked_sort3A_1761, %masked_sort3A_1762, %masked_sort3A_1763 = tpu.sort %select_n3A_1758, %select_n3A_1759 masked %masked_sort3A_1760 : (vector<16xf32>, vector<16xi32>, vector<16xi1>) -> (vector<16xi1>, vector<16xf32>, vector<16xi32>)
      %lt3A_1764 = arith.cmpf olt, %masked_sort3A_1747, %masked_sort3A_1674 : vector<16xf32>
      %select_n3A_1765 = arith.select %lt3A_1764, %masked_sort3A_1747, %masked_sort3A_1674 : vector<16xi1>, vector<16xf32>
      %select_n3A_1766 = arith.select %lt3A_1764, %masked_sort3A_1748, %masked_sort3A_1675 : vector<16xi1>, vector<16xi32>
      %masked_sort3A_1767 = arith.constant dense<true> : vector<16xi1>
      %masked_sort3A_1768, %masked_sort3A_1769, %masked_sort3A_1770 = tpu.sort %select_n3A_1765, %select_n3A_1766 masked %masked_sort3A_1767 : (vector<16xf32>, vector<16xi32>, vector<16xi1>) -> (vector<16xi1>, vector<16xf32>, vector<16xi32>)
      %lt3A_1771 = arith.cmpf olt, %masked_sort3A_1751, %masked_sort3A_1681 : vector<16xf32>
      %select_n3A_1772 = arith.select %lt3A_1771, %masked_sort3A_1751, %masked_sort3A_1681 : vector<16xi1>, vector<16xf32>
      %select_n3A_1773 = arith.select %lt3A_1771, %masked_sort3A_1752, %masked_sort3A_1682 : vector<16xi1>, vector<16xi32>
      %masked_sort3A_1774 = arith.constant dense<true> : vector<16xi1>
      %masked_sort3A_1775, %masked_sort3A_1776, %masked_sort3A_1777 = tpu.sort %select_n3A_1772, %select_n3A_1773 masked %masked_sort3A_1774 : (vector<16xf32>, vector<16xi32>, vector<16xi1>) -> (vector<16xi1>, vector<16xf32>, vector<16xi32>)
      %lt3A_1778 = arith.cmpf olt, %masked_sort3A_1755, %masked_sort3A_1688 : vector<16xf32>
      %select_n3A_1779 = arith.select %lt3A_1778, %masked_sort3A_1755, %masked_sort3A_1688 : vector<16xi1>, vector<16xf32>
      %select_n3A_1780 = arith.select %lt3A_1778, %masked_sort3A_1756, %masked_sort3A_1689 : vector<16xi1>, vector<16xi32>
      %masked_sort3A_1781 = arith.constant dense<true> : vector<16xi1>
      %masked_sort3A_1782, %masked_sort3A_1783, %masked_sort3A_1784 = tpu.sort %select_n3A_1779, %select_n3A_1780 masked %masked_sort3A_1781 : (vector<16xf32>, vector<16xi32>, vector<16xi1>) -> (vector<16xi1>, vector<16xf32>, vector<16xi32>)
      %add3A_1785 = arith.constant 288 : i32
      %add3A_1786 = vector.broadcast %add3A_1785 : i32 to vector<16xi32>
      %add3A_1787 = arith.addi %iota3A, %add3A_1786 : vector<16xi32>
      %add3A_1788 = arith.constant 576 : i32
      %add3A_1789 = vector.broadcast %add3A_1788 : i32 to vector<16xi32>
      %add3A_1790 = arith.addi %mul3A_33, %add3A_1789 : vector<16xi32>
      %gather3A_1791 = tpu.vector_load_idx %arg4[%add3A_1790] : memref<1024xf32, #tpu.memory_space<vmem>>[vector<16xi32>], vector<16xf32>,
      %add3A_1792 = arith.constant 1 : i32
      %add3A_1793 = vector.broadcast %add3A_1792 : i32 to vector<16xi32>
      %add3A_1794 = arith.addi %add3A_1790, %add3A_1793 : vector<16xi32>
      %gather3A_1795 = tpu.vector_load_idx %arg4[%add3A_1794] : memref<1024xf32, #tpu.memory_space<vmem>>[vector<16xi32>], vector<16xf32>,
      %sub3A_1796 = arith.subf %gather3A_1791, %gather3A : vector<16xf32>
      %sub3A_1797 = arith.subf %gather3A_1795, %gather3A_70 : vector<16xf32>
      %mul3A_1798 = arith.mulf %sub3A_1796, %sub3A_1796 : vector<16xf32>
      %mul3A_1799 = arith.mulf %sub3A_1797, %sub3A_1797 : vector<16xf32>
      %add3A_1800 = arith.addf %mul3A_1798, %mul3A_1799 : vector<16xf32>
      %eq3A_1801 = vector.broadcast %add3A_46 : i32 to vector<16xi32>
      %eq3A_1802 = arith.cmpi eq, %add3A_1787, %eq3A_1801 : vector<16xi32>
      %jit3A_1803 = arith.constant 0x7F800000 : f32
      %broadcast_in_dim3A_1804 = vector.broadcast %jit3A_1803 : f32 to vector<16xf32>
      %select_n3A_1805 = arith.select %eq3A_1802, %broadcast_in_dim3A_1804, %add3A_1800 : vector<16xi1>, vector<16xf32>
      %sub3A_1806 = arith.subf %gather3A_1791, %gather3A_77 : vector<16xf32>
      %sub3A_1807 = arith.subf %gather3A_1795, %gather3A_81 : vector<16xf32>
      %mul3A_1808 = arith.mulf %sub3A_1806, %sub3A_1806 : vector<16xf32>
      %mul3A_1809 = arith.mulf %sub3A_1807, %sub3A_1807 : vector<16xf32>
      %add3A_1810 = arith.addf %mul3A_1808, %mul3A_1809 : vector<16xf32>
      %eq3A_1811 = vector.broadcast %add3A_51 : i32 to vector<16xi32>
      %eq3A_1812 = arith.cmpi eq, %add3A_1787, %eq3A_1811 : vector<16xi32>
      %jit3A_1813 = arith.constant 0x7F800000 : f32
      %broadcast_in_dim3A_1814 = vector.broadcast %jit3A_1813 : f32 to vector<16xf32>
      %select_n3A_1815 = arith.select %eq3A_1812, %broadcast_in_dim3A_1814, %add3A_1810 : vector<16xi1>, vector<16xf32>
      %sub3A_1816 = arith.subf %gather3A_1791, %gather3A_88 : vector<16xf32>
      %sub3A_1817 = arith.subf %gather3A_1795, %gather3A_92 : vector<16xf32>
      %mul3A_1818 = arith.mulf %sub3A_1816, %sub3A_1816 : vector<16xf32>
      %mul3A_1819 = arith.mulf %sub3A_1817, %sub3A_1817 : vector<16xf32>
      %add3A_1820 = arith.addf %mul3A_1818, %mul3A_1819 : vector<16xf32>
      %eq3A_1821 = vector.broadcast %add3A_56 : i32 to vector<16xi32>
      %eq3A_1822 = arith.cmpi eq, %add3A_1787, %eq3A_1821 : vector<16xi32>
      %jit3A_1823 = arith.constant 0x7F800000 : f32
      %broadcast_in_dim3A_1824 = vector.broadcast %jit3A_1823 : f32 to vector<16xf32>
      %select_n3A_1825 = arith.select %eq3A_1822, %broadcast_in_dim3A_1824, %add3A_1820 : vector<16xi1>, vector<16xf32>
      %sub3A_1826 = arith.subf %gather3A_1791, %gather3A_99 : vector<16xf32>
      %sub3A_1827 = arith.subf %gather3A_1795, %gather3A_103 : vector<16xf32>
      %mul3A_1828 = arith.mulf %sub3A_1826, %sub3A_1826 : vector<16xf32>
      %mul3A_1829 = arith.mulf %sub3A_1827, %sub3A_1827 : vector<16xf32>
      %add3A_1830 = arith.addf %mul3A_1828, %mul3A_1829 : vector<16xf32>
      %eq3A_1831 = vector.broadcast %add3A_61 : i32 to vector<16xi32>
      %eq3A_1832 = arith.cmpi eq, %add3A_1787, %eq3A_1831 : vector<16xi32>
      %jit3A_1833 = arith.constant 0x7F800000 : f32
      %broadcast_in_dim3A_1834 = vector.broadcast %jit3A_1833 : f32 to vector<16xf32>
      %select_n3A_1835 = arith.select %eq3A_1832, %broadcast_in_dim3A_1834, %add3A_1830 : vector<16xi1>, vector<16xf32>
      %masked_sort3A_1836 = arith.constant dense<true> : vector<16xi1>
      %masked_sort3A_1837, %masked_sort3A_1838, %masked_sort3A_1839 = tpu.sort %select_n3A_1805, %add3A_1787 masked %masked_sort3A_1836 {descending = true} : (vector<16xf32>, vector<16xi32>, vector<16xi1>) -> (vector<16xi1>, vector<16xf32>, vector<16xi32>)
      %masked_sort3A_1840 = arith.constant dense<true> : vector<16xi1>
      %masked_sort3A_1841, %masked_sort3A_1842, %masked_sort3A_1843 = tpu.sort %select_n3A_1815, %add3A_1787 masked %masked_sort3A_1840 {descending = true} : (vector<16xf32>, vector<16xi32>, vector<16xi1>) -> (vector<16xi1>, vector<16xf32>, vector<16xi32>)
      %masked_sort3A_1844 = arith.constant dense<true> : vector<16xi1>
      %masked_sort3A_1845, %masked_sort3A_1846, %masked_sort3A_1847 = tpu.sort %select_n3A_1825, %add3A_1787 masked %masked_sort3A_1844 {descending = true} : (vector<16xf32>, vector<16xi32>, vector<16xi1>) -> (vector<16xi1>, vector<16xf32>, vector<16xi32>)
      %masked_sort3A_1848 = arith.constant dense<true> : vector<16xi1>
      %masked_sort3A_1849, %masked_sort3A_1850, %masked_sort3A_1851 = tpu.sort %select_n3A_1835, %add3A_1787 masked %masked_sort3A_1848 {descending = true} : (vector<16xf32>, vector<16xi32>, vector<16xi1>) -> (vector<16xi1>, vector<16xf32>, vector<16xi32>)
      %lt3A_1852 = arith.cmpf olt, %masked_sort3A_1838, %masked_sort3A_1762 : vector<16xf32>
      %select_n3A_1853 = arith.select %lt3A_1852, %masked_sort3A_1838, %masked_sort3A_1762 : vector<16xi1>, vector<16xf32>
      %select_n3A_1854 = arith.select %lt3A_1852, %masked_sort3A_1839, %masked_sort3A_1763 : vector<16xi1>, vector<16xi32>
      %masked_sort3A_1855 = arith.constant dense<true> : vector<16xi1>
      %masked_sort3A_1856, %masked_sort3A_1857, %masked_sort3A_1858 = tpu.sort %select_n3A_1853, %select_n3A_1854 masked %masked_sort3A_1855 : (vector<16xf32>, vector<16xi32>, vector<16xi1>) -> (vector<16xi1>, vector<16xf32>, vector<16xi32>)
      %lt3A_1859 = arith.cmpf olt, %masked_sort3A_1842, %masked_sort3A_1769 : vector<16xf32>
      %select_n3A_1860 = arith.select %lt3A_1859, %masked_sort3A_1842, %masked_sort3A_1769 : vector<16xi1>, vector<16xf32>
      %select_n3A_1861 = arith.select %lt3A_1859, %masked_sort3A_1843, %masked_sort3A_1770 : vector<16xi1>, vector<16xi32>
      %masked_sort3A_1862 = arith.constant dense<true> : vector<16xi1>
      %masked_sort3A_1863, %masked_sort3A_1864, %masked_sort3A_1865 = tpu.sort %select_n3A_1860, %select_n3A_1861 masked %masked_sort3A_1862 : (vector<16xf32>, vector<16xi32>, vector<16xi1>) -> (vector<16xi1>, vector<16xf32>, vector<16xi32>)
      %lt3A_1866 = arith.cmpf olt, %masked_sort3A_1846, %masked_sort3A_1776 : vector<16xf32>
      %select_n3A_1867 = arith.select %lt3A_1866, %masked_sort3A_1846, %masked_sort3A_1776 : vector<16xi1>, vector<16xf32>
      %select_n3A_1868 = arith.select %lt3A_1866, %masked_sort3A_1847, %masked_sort3A_1777 : vector<16xi1>, vector<16xi32>
      %masked_sort3A_1869 = arith.constant dense<true> : vector<16xi1>
      %masked_sort3A_1870, %masked_sort3A_1871, %masked_sort3A_1872 = tpu.sort %select_n3A_1867, %select_n3A_1868 masked %masked_sort3A_1869 : (vector<16xf32>, vector<16xi32>, vector<16xi1>) -> (vector<16xi1>, vector<16xf32>, vector<16xi32>)
      %lt3A_1873 = arith.cmpf olt, %masked_sort3A_1850, %masked_sort3A_1783 : vector<16xf32>
      %select_n3A_1874 = arith.select %lt3A_1873, %masked_sort3A_1850, %masked_sort3A_1783 : vector<16xi1>, vector<16xf32>
      %select_n3A_1875 = arith.select %lt3A_1873, %masked_sort3A_1851, %masked_sort3A_1784 : vector<16xi1>, vector<16xi32>
      %masked_sort3A_1876 = arith.constant dense<true> : vector<16xi1>
      %masked_sort3A_1877, %masked_sort3A_1878, %masked_sort3A_1879 = tpu.sort %select_n3A_1874, %select_n3A_1875 masked %masked_sort3A_1876 : (vector<16xf32>, vector<16xi32>, vector<16xi1>) -> (vector<16xi1>, vector<16xf32>, vector<16xi32>)
      %add3A_1880 = arith.constant 304 : i32
      %add3A_1881 = vector.broadcast %add3A_1880 : i32 to vector<16xi32>
      %add3A_1882 = arith.addi %iota3A, %add3A_1881 : vector<16xi32>
      %add3A_1883 = arith.constant 608 : i32
      %add3A_1884 = vector.broadcast %add3A_1883 : i32 to vector<16xi32>
      %add3A_1885 = arith.addi %mul3A_33, %add3A_1884 : vector<16xi32>
      %gather3A_1886 = tpu.vector_load_idx %arg4[%add3A_1885] : memref<1024xf32, #tpu.memory_space<vmem>>[vector<16xi32>], vector<16xf32>,
      %add3A_1887 = arith.constant 1 : i32
      %add3A_1888 = vector.broadcast %add3A_1887 : i32 to vector<16xi32>
      %add3A_1889 = arith.addi %add3A_1885, %add3A_1888 : vector<16xi32>
      %gather3A_1890 = tpu.vector_load_idx %arg4[%add3A_1889] : memref<1024xf32, #tpu.memory_space<vmem>>[vector<16xi32>], vector<16xf32>,
      %sub3A_1891 = arith.subf %gather3A_1886, %gather3A : vector<16xf32>
      %sub3A_1892 = arith.subf %gather3A_1890, %gather3A_70 : vector<16xf32>
      %mul3A_1893 = arith.mulf %sub3A_1891, %sub3A_1891 : vector<16xf32>
      %mul3A_1894 = arith.mulf %sub3A_1892, %sub3A_1892 : vector<16xf32>
      %add3A_1895 = arith.addf %mul3A_1893, %mul3A_1894 : vector<16xf32>
      %eq3A_1896 = vector.broadcast %add3A_46 : i32 to vector<16xi32>
      %eq3A_1897 = arith.cmpi eq, %add3A_1882, %eq3A_1896 : vector<16xi32>
      %jit3A_1898 = arith.constant 0x7F800000 : f32
      %broadcast_in_dim3A_1899 = vector.broadcast %jit3A_1898 : f32 to vector<16xf32>
      %select_n3A_1900 = arith.select %eq3A_1897, %broadcast_in_dim3A_1899, %add3A_1895 : vector<16xi1>, vector<16xf32>
      %sub3A_1901 = arith.subf %gather3A_1886, %gather3A_77 : vector<16xf32>
      %sub3A_1902 = arith.subf %gather3A_1890, %gather3A_81 : vector<16xf32>
      %mul3A_1903 = arith.mulf %sub3A_1901, %sub3A_1901 : vector<16xf32>
      %mul3A_1904 = arith.mulf %sub3A_1902, %sub3A_1902 : vector<16xf32>
      %add3A_1905 = arith.addf %mul3A_1903, %mul3A_1904 : vector<16xf32>
      %eq3A_1906 = vector.broadcast %add3A_51 : i32 to vector<16xi32>
      %eq3A_1907 = arith.cmpi eq, %add3A_1882, %eq3A_1906 : vector<16xi32>
      %jit3A_1908 = arith.constant 0x7F800000 : f32
      %broadcast_in_dim3A_1909 = vector.broadcast %jit3A_1908 : f32 to vector<16xf32>
      %select_n3A_1910 = arith.select %eq3A_1907, %broadcast_in_dim3A_1909, %add3A_1905 : vector<16xi1>, vector<16xf32>
      %sub3A_1911 = arith.subf %gather3A_1886, %gather3A_88 : vector<16xf32>
      %sub3A_1912 = arith.subf %gather3A_1890, %gather3A_92 : vector<16xf32>
      %mul3A_1913 = arith.mulf %sub3A_1911, %sub3A_1911 : vector<16xf32>
      %mul3A_1914 = arith.mulf %sub3A_1912, %sub3A_1912 : vector<16xf32>
      %add3A_1915 = arith.addf %mul3A_1913, %mul3A_1914 : vector<16xf32>
      %eq3A_1916 = vector.broadcast %add3A_56 : i32 to vector<16xi32>
      %eq3A_1917 = arith.cmpi eq, %add3A_1882, %eq3A_1916 : vector<16xi32>
      %jit3A_1918 = arith.constant 0x7F800000 : f32
      %broadcast_in_dim3A_1919 = vector.broadcast %jit3A_1918 : f32 to vector<16xf32>
      %select_n3A_1920 = arith.select %eq3A_1917, %broadcast_in_dim3A_1919, %add3A_1915 : vector<16xi1>, vector<16xf32>
      %sub3A_1921 = arith.subf %gather3A_1886, %gather3A_99 : vector<16xf32>
      %sub3A_1922 = arith.subf %gather3A_1890, %gather3A_103 : vector<16xf32>
      %mul3A_1923 = arith.mulf %sub3A_1921, %sub3A_1921 : vector<16xf32>
      %mul3A_1924 = arith.mulf %sub3A_1922, %sub3A_1922 : vector<16xf32>
      %add3A_1925 = arith.addf %mul3A_1923, %mul3A_1924 : vector<16xf32>
      %eq3A_1926 = vector.broadcast %add3A_61 : i32 to vector<16xi32>
      %eq3A_1927 = arith.cmpi eq, %add3A_1882, %eq3A_1926 : vector<16xi32>
      %jit3A_1928 = arith.constant 0x7F800000 : f32
      %broadcast_in_dim3A_1929 = vector.broadcast %jit3A_1928 : f32 to vector<16xf32>
      %select_n3A_1930 = arith.select %eq3A_1927, %broadcast_in_dim3A_1929, %add3A_1925 : vector<16xi1>, vector<16xf32>
      %masked_sort3A_1931 = arith.constant dense<true> : vector<16xi1>
      %masked_sort3A_1932, %masked_sort3A_1933, %masked_sort3A_1934 = tpu.sort %select_n3A_1900, %add3A_1882 masked %masked_sort3A_1931 {descending = true} : (vector<16xf32>, vector<16xi32>, vector<16xi1>) -> (vector<16xi1>, vector<16xf32>, vector<16xi32>)
      %masked_sort3A_1935 = arith.constant dense<true> : vector<16xi1>
      %masked_sort3A_1936, %masked_sort3A_1937, %masked_sort3A_1938 = tpu.sort %select_n3A_1910, %add3A_1882 masked %masked_sort3A_1935 {descending = true} : (vector<16xf32>, vector<16xi32>, vector<16xi1>) -> (vector<16xi1>, vector<16xf32>, vector<16xi32>)
      %masked_sort3A_1939 = arith.constant dense<true> : vector<16xi1>
      %masked_sort3A_1940, %masked_sort3A_1941, %masked_sort3A_1942 = tpu.sort %select_n3A_1920, %add3A_1882 masked %masked_sort3A_1939 {descending = true} : (vector<16xf32>, vector<16xi32>, vector<16xi1>) -> (vector<16xi1>, vector<16xf32>, vector<16xi32>)
      %masked_sort3A_1943 = arith.constant dense<true> : vector<16xi1>
      %masked_sort3A_1944, %masked_sort3A_1945, %masked_sort3A_1946 = tpu.sort %select_n3A_1930, %add3A_1882 masked %masked_sort3A_1943 {descending = true} : (vector<16xf32>, vector<16xi32>, vector<16xi1>) -> (vector<16xi1>, vector<16xf32>, vector<16xi32>)
      %lt3A_1947 = arith.cmpf olt, %masked_sort3A_1933, %masked_sort3A_1857 : vector<16xf32>
      %select_n3A_1948 = arith.select %lt3A_1947, %masked_sort3A_1933, %masked_sort3A_1857 : vector<16xi1>, vector<16xf32>
      %select_n3A_1949 = arith.select %lt3A_1947, %masked_sort3A_1934, %masked_sort3A_1858 : vector<16xi1>, vector<16xi32>
      %masked_sort3A_1950 = arith.constant dense<true> : vector<16xi1>
      %masked_sort3A_1951, %masked_sort3A_1952, %masked_sort3A_1953 = tpu.sort %select_n3A_1948, %select_n3A_1949 masked %masked_sort3A_1950 : (vector<16xf32>, vector<16xi32>, vector<16xi1>) -> (vector<16xi1>, vector<16xf32>, vector<16xi32>)
      %lt3A_1954 = arith.cmpf olt, %masked_sort3A_1937, %masked_sort3A_1864 : vector<16xf32>
      %select_n3A_1955 = arith.select %lt3A_1954, %masked_sort3A_1937, %masked_sort3A_1864 : vector<16xi1>, vector<16xf32>
      %select_n3A_1956 = arith.select %lt3A_1954, %masked_sort3A_1938, %masked_sort3A_1865 : vector<16xi1>, vector<16xi32>
      %masked_sort3A_1957 = arith.constant dense<true> : vector<16xi1>
      %masked_sort3A_1958, %masked_sort3A_1959, %masked_sort3A_1960 = tpu.sort %select_n3A_1955, %select_n3A_1956 masked %masked_sort3A_1957 : (vector<16xf32>, vector<16xi32>, vector<16xi1>) -> (vector<16xi1>, vector<16xf32>, vector<16xi32>)
      %lt3A_1961 = arith.cmpf olt, %masked_sort3A_1941, %masked_sort3A_1871 : vector<16xf32>
      %select_n3A_1962 = arith.select %lt3A_1961, %masked_sort3A_1941, %masked_sort3A_1871 : vector<16xi1>, vector<16xf32>
      %select_n3A_1963 = arith.select %lt3A_1961, %masked_sort3A_1942, %masked_sort3A_1872 : vector<16xi1>, vector<16xi32>
      %masked_sort3A_1964 = arith.constant dense<true> : vector<16xi1>
      %masked_sort3A_1965, %masked_sort3A_1966, %masked_sort3A_1967 = tpu.sort %select_n3A_1962, %select_n3A_1963 masked %masked_sort3A_1964 : (vector<16xf32>, vector<16xi32>, vector<16xi1>) -> (vector<16xi1>, vector<16xf32>, vector<16xi32>)
      %lt3A_1968 = arith.cmpf olt, %masked_sort3A_1945, %masked_sort3A_1878 : vector<16xf32>
      %select_n3A_1969 = arith.select %lt3A_1968, %masked_sort3A_1945, %masked_sort3A_1878 : vector<16xi1>, vector<16xf32>
      %select_n3A_1970 = arith.select %lt3A_1968, %masked_sort3A_1946, %masked_sort3A_1879 : vector<16xi1>, vector<16xi32>
      %masked_sort3A_1971 = arith.constant dense<true> : vector<16xi1>
      %masked_sort3A_1972, %masked_sort3A_1973, %masked_sort3A_1974 = tpu.sort %select_n3A_1969, %select_n3A_1970 masked %masked_sort3A_1971 : (vector<16xf32>, vector<16xi32>, vector<16xi1>) -> (vector<16xi1>, vector<16xf32>, vector<16xi32>)
      %add3A_1975 = arith.constant 320 : i32
      %add3A_1976 = vector.broadcast %add3A_1975 : i32 to vector<16xi32>
      %add3A_1977 = arith.addi %iota3A, %add3A_1976 : vector<16xi32>
      %add3A_1978 = arith.constant 640 : i32
      %add3A_1979 = vector.broadcast %add3A_1978 : i32 to vector<16xi32>
      %add3A_1980 = arith.addi %mul3A_33, %add3A_1979 : vector<16xi32>
      %gather3A_1981 = tpu.vector_load_idx %arg4[%add3A_1980] : memref<1024xf32, #tpu.memory_space<vmem>>[vector<16xi32>], vector<16xf32>,
      %add3A_1982 = arith.constant 1 : i32
      %add3A_1983 = vector.broadcast %add3A_1982 : i32 to vector<16xi32>
      %add3A_1984 = arith.addi %add3A_1980, %add3A_1983 : vector<16xi32>
      %gather3A_1985 = tpu.vector_load_idx %arg4[%add3A_1984] : memref<1024xf32, #tpu.memory_space<vmem>>[vector<16xi32>], vector<16xf32>,
      %sub3A_1986 = arith.subf %gather3A_1981, %gather3A : vector<16xf32>
      %sub3A_1987 = arith.subf %gather3A_1985, %gather3A_70 : vector<16xf32>
      %mul3A_1988 = arith.mulf %sub3A_1986, %sub3A_1986 : vector<16xf32>
      %mul3A_1989 = arith.mulf %sub3A_1987, %sub3A_1987 : vector<16xf32>
      %add3A_1990 = arith.addf %mul3A_1988, %mul3A_1989 : vector<16xf32>
      %eq3A_1991 = vector.broadcast %add3A_46 : i32 to vector<16xi32>
      %eq3A_1992 = arith.cmpi eq, %add3A_1977, %eq3A_1991 : vector<16xi32>
      %jit3A_1993 = arith.constant 0x7F800000 : f32
      %broadcast_in_dim3A_1994 = vector.broadcast %jit3A_1993 : f32 to vector<16xf32>
      %select_n3A_1995 = arith.select %eq3A_1992, %broadcast_in_dim3A_1994, %add3A_1990 : vector<16xi1>, vector<16xf32>
      %sub3A_1996 = arith.subf %gather3A_1981, %gather3A_77 : vector<16xf32>
      %sub3A_1997 = arith.subf %gather3A_1985, %gather3A_81 : vector<16xf32>
      %mul3A_1998 = arith.mulf %sub3A_1996, %sub3A_1996 : vector<16xf32>
      %mul3A_1999 = arith.mulf %sub3A_1997, %sub3A_1997 : vector<16xf32>
      %add3A_2000 = arith.addf %mul3A_1998, %mul3A_1999 : vector<16xf32>
      %eq3A_2001 = vector.broadcast %add3A_51 : i32 to vector<16xi32>
      %eq3A_2002 = arith.cmpi eq, %add3A_1977, %eq3A_2001 : vector<16xi32>
      %jit3A_2003 = arith.constant 0x7F800000 : f32
      %broadcast_in_dim3A_2004 = vector.broadcast %jit3A_2003 : f32 to vector<16xf32>
      %select_n3A_2005 = arith.select %eq3A_2002, %broadcast_in_dim3A_2004, %add3A_2000 : vector<16xi1>, vector<16xf32>
      %sub3A_2006 = arith.subf %gather3A_1981, %gather3A_88 : vector<16xf32>
      %sub3A_2007 = arith.subf %gather3A_1985, %gather3A_92 : vector<16xf32>
      %mul3A_2008 = arith.mulf %sub3A_2006, %sub3A_2006 : vector<16xf32>
      %mul3A_2009 = arith.mulf %sub3A_2007, %sub3A_2007 : vector<16xf32>
      %add3A_2010 = arith.addf %mul3A_2008, %mul3A_2009 : vector<16xf32>
      %eq3A_2011 = vector.broadcast %add3A_56 : i32 to vector<16xi32>
      %eq3A_2012 = arith.cmpi eq, %add3A_1977, %eq3A_2011 : vector<16xi32>
      %jit3A_2013 = arith.constant 0x7F800000 : f32
      %broadcast_in_dim3A_2014 = vector.broadcast %jit3A_2013 : f32 to vector<16xf32>
      %select_n3A_2015 = arith.select %eq3A_2012, %broadcast_in_dim3A_2014, %add3A_2010 : vector<16xi1>, vector<16xf32>
      %sub3A_2016 = arith.subf %gather3A_1981, %gather3A_99 : vector<16xf32>
      %sub3A_2017 = arith.subf %gather3A_1985, %gather3A_103 : vector<16xf32>
      %mul3A_2018 = arith.mulf %sub3A_2016, %sub3A_2016 : vector<16xf32>
      %mul3A_2019 = arith.mulf %sub3A_2017, %sub3A_2017 : vector<16xf32>
      %add3A_2020 = arith.addf %mul3A_2018, %mul3A_2019 : vector<16xf32>
      %eq3A_2021 = vector.broadcast %add3A_61 : i32 to vector<16xi32>
      %eq3A_2022 = arith.cmpi eq, %add3A_1977, %eq3A_2021 : vector<16xi32>
      %jit3A_2023 = arith.constant 0x7F800000 : f32
      %broadcast_in_dim3A_2024 = vector.broadcast %jit3A_2023 : f32 to vector<16xf32>
      %select_n3A_2025 = arith.select %eq3A_2022, %broadcast_in_dim3A_2024, %add3A_2020 : vector<16xi1>, vector<16xf32>
      %masked_sort3A_2026 = arith.constant dense<true> : vector<16xi1>
      %masked_sort3A_2027, %masked_sort3A_2028, %masked_sort3A_2029 = tpu.sort %select_n3A_1995, %add3A_1977 masked %masked_sort3A_2026 {descending = true} : (vector<16xf32>, vector<16xi32>, vector<16xi1>) -> (vector<16xi1>, vector<16xf32>, vector<16xi32>)
      %masked_sort3A_2030 = arith.constant dense<true> : vector<16xi1>
      %masked_sort3A_2031, %masked_sort3A_2032, %masked_sort3A_2033 = tpu.sort %select_n3A_2005, %add3A_1977 masked %masked_sort3A_2030 {descending = true} : (vector<16xf32>, vector<16xi32>, vector<16xi1>) -> (vector<16xi1>, vector<16xf32>, vector<16xi32>)
      %masked_sort3A_2034 = arith.constant dense<true> : vector<16xi1>
      %masked_sort3A_2035, %masked_sort3A_2036, %masked_sort3A_2037 = tpu.sort %select_n3A_2015, %add3A_1977 masked %masked_sort3A_2034 {descending = true} : (vector<16xf32>, vector<16xi32>, vector<16xi1>) -> (vector<16xi1>, vector<16xf32>, vector<16xi32>)
      %masked_sort3A_2038 = arith.constant dense<true> : vector<16xi1>
      %masked_sort3A_2039, %masked_sort3A_2040, %masked_sort3A_2041 = tpu.sort %select_n3A_2025, %add3A_1977 masked %masked_sort3A_2038 {descending = true} : (vector<16xf32>, vector<16xi32>, vector<16xi1>) -> (vector<16xi1>, vector<16xf32>, vector<16xi32>)
      %lt3A_2042 = arith.cmpf olt, %masked_sort3A_2028, %masked_sort3A_1952 : vector<16xf32>
      %select_n3A_2043 = arith.select %lt3A_2042, %masked_sort3A_2028, %masked_sort3A_1952 : vector<16xi1>, vector<16xf32>
      %select_n3A_2044 = arith.select %lt3A_2042, %masked_sort3A_2029, %masked_sort3A_1953 : vector<16xi1>, vector<16xi32>
      %masked_sort3A_2045 = arith.constant dense<true> : vector<16xi1>
      %masked_sort3A_2046, %masked_sort3A_2047, %masked_sort3A_2048 = tpu.sort %select_n3A_2043, %select_n3A_2044 masked %masked_sort3A_2045 : (vector<16xf32>, vector<16xi32>, vector<16xi1>) -> (vector<16xi1>, vector<16xf32>, vector<16xi32>)
      %lt3A_2049 = arith.cmpf olt, %masked_sort3A_2032, %masked_sort3A_1959 : vector<16xf32>
      %select_n3A_2050 = arith.select %lt3A_2049, %masked_sort3A_2032, %masked_sort3A_1959 : vector<16xi1>, vector<16xf32>
      %select_n3A_2051 = arith.select %lt3A_2049, %masked_sort3A_2033, %masked_sort3A_1960 : vector<16xi1>, vector<16xi32>
      %masked_sort3A_2052 = arith.constant dense<true> : vector<16xi1>
      %masked_sort3A_2053, %masked_sort3A_2054, %masked_sort3A_2055 = tpu.sort %select_n3A_2050, %select_n3A_2051 masked %masked_sort3A_2052 : (vector<16xf32>, vector<16xi32>, vector<16xi1>) -> (vector<16xi1>, vector<16xf32>, vector<16xi32>)
      %lt3A_2056 = arith.cmpf olt, %masked_sort3A_2036, %masked_sort3A_1966 : vector<16xf32>
      %select_n3A_2057 = arith.select %lt3A_2056, %masked_sort3A_2036, %masked_sort3A_1966 : vector<16xi1>, vector<16xf32>
      %select_n3A_2058 = arith.select %lt3A_2056, %masked_sort3A_2037, %masked_sort3A_1967 : vector<16xi1>, vector<16xi32>
      %masked_sort3A_2059 = arith.constant dense<true> : vector<16xi1>
      %masked_sort3A_2060, %masked_sort3A_2061, %masked_sort3A_2062 = tpu.sort %select_n3A_2057, %select_n3A_2058 masked %masked_sort3A_2059 : (vector<16xf32>, vector<16xi32>, vector<16xi1>) -> (vector<16xi1>, vector<16xf32>, vector<16xi32>)
      %lt3A_2063 = arith.cmpf olt, %masked_sort3A_2040, %masked_sort3A_1973 : vector<16xf32>
      %select_n3A_2064 = arith.select %lt3A_2063, %masked_sort3A_2040, %masked_sort3A_1973 : vector<16xi1>, vector<16xf32>
      %select_n3A_2065 = arith.select %lt3A_2063, %masked_sort3A_2041, %masked_sort3A_1974 : vector<16xi1>, vector<16xi32>
      %masked_sort3A_2066 = arith.constant dense<true> : vector<16xi1>
      %masked_sort3A_2067, %masked_sort3A_2068, %masked_sort3A_2069 = tpu.sort %select_n3A_2064, %select_n3A_2065 masked %masked_sort3A_2066 : (vector<16xf32>, vector<16xi32>, vector<16xi1>) -> (vector<16xi1>, vector<16xf32>, vector<16xi32>)
      %add3A_2070 = arith.constant 336 : i32
      %add3A_2071 = vector.broadcast %add3A_2070 : i32 to vector<16xi32>
      %add3A_2072 = arith.addi %iota3A, %add3A_2071 : vector<16xi32>
      %add3A_2073 = arith.constant 672 : i32
      %add3A_2074 = vector.broadcast %add3A_2073 : i32 to vector<16xi32>
      %add3A_2075 = arith.addi %mul3A_33, %add3A_2074 : vector<16xi32>
      %gather3A_2076 = tpu.vector_load_idx %arg4[%add3A_2075] : memref<1024xf32, #tpu.memory_space<vmem>>[vector<16xi32>], vector<16xf32>,
      %add3A_2077 = arith.constant 1 : i32
      %add3A_2078 = vector.broadcast %add3A_2077 : i32 to vector<16xi32>
      %add3A_2079 = arith.addi %add3A_2075, %add3A_2078 : vector<16xi32>
      %gather3A_2080 = tpu.vector_load_idx %arg4[%add3A_2079] : memref<1024xf32, #tpu.memory_space<vmem>>[vector<16xi32>], vector<16xf32>,
      %sub3A_2081 = arith.subf %gather3A_2076, %gather3A : vector<16xf32>
      %sub3A_2082 = arith.subf %gather3A_2080, %gather3A_70 : vector<16xf32>
      %mul3A_2083 = arith.mulf %sub3A_2081, %sub3A_2081 : vector<16xf32>
      %mul3A_2084 = arith.mulf %sub3A_2082, %sub3A_2082 : vector<16xf32>
      %add3A_2085 = arith.addf %mul3A_2083, %mul3A_2084 : vector<16xf32>
      %eq3A_2086 = vector.broadcast %add3A_46 : i32 to vector<16xi32>
      %eq3A_2087 = arith.cmpi eq, %add3A_2072, %eq3A_2086 : vector<16xi32>
      %jit3A_2088 = arith.constant 0x7F800000 : f32
      %broadcast_in_dim3A_2089 = vector.broadcast %jit3A_2088 : f32 to vector<16xf32>
      %select_n3A_2090 = arith.select %eq3A_2087, %broadcast_in_dim3A_2089, %add3A_2085 : vector<16xi1>, vector<16xf32>
      %sub3A_2091 = arith.subf %gather3A_2076, %gather3A_77 : vector<16xf32>
      %sub3A_2092 = arith.subf %gather3A_2080, %gather3A_81 : vector<16xf32>
      %mul3A_2093 = arith.mulf %sub3A_2091, %sub3A_2091 : vector<16xf32>
      %mul3A_2094 = arith.mulf %sub3A_2092, %sub3A_2092 : vector<16xf32>
      %add3A_2095 = arith.addf %mul3A_2093, %mul3A_2094 : vector<16xf32>
      %eq3A_2096 = vector.broadcast %add3A_51 : i32 to vector<16xi32>
      %eq3A_2097 = arith.cmpi eq, %add3A_2072, %eq3A_2096 : vector<16xi32>
      %jit3A_2098 = arith.constant 0x7F800000 : f32
      %broadcast_in_dim3A_2099 = vector.broadcast %jit3A_2098 : f32 to vector<16xf32>
      %select_n3A_2100 = arith.select %eq3A_2097, %broadcast_in_dim3A_2099, %add3A_2095 : vector<16xi1>, vector<16xf32>
      %sub3A_2101 = arith.subf %gather3A_2076, %gather3A_88 : vector<16xf32>
      %sub3A_2102 = arith.subf %gather3A_2080, %gather3A_92 : vector<16xf32>
      %mul3A_2103 = arith.mulf %sub3A_2101, %sub3A_2101 : vector<16xf32>
      %mul3A_2104 = arith.mulf %sub3A_2102, %sub3A_2102 : vector<16xf32>
      %add3A_2105 = arith.addf %mul3A_2103, %mul3A_2104 : vector<16xf32>
      %eq3A_2106 = vector.broadcast %add3A_56 : i32 to vector<16xi32>
      %eq3A_2107 = arith.cmpi eq, %add3A_2072, %eq3A_2106 : vector<16xi32>
      %jit3A_2108 = arith.constant 0x7F800000 : f32
      %broadcast_in_dim3A_2109 = vector.broadcast %jit3A_2108 : f32 to vector<16xf32>
      %select_n3A_2110 = arith.select %eq3A_2107, %broadcast_in_dim3A_2109, %add3A_2105 : vector<16xi1>, vector<16xf32>
      %sub3A_2111 = arith.subf %gather3A_2076, %gather3A_99 : vector<16xf32>
      %sub3A_2112 = arith.subf %gather3A_2080, %gather3A_103 : vector<16xf32>
      %mul3A_2113 = arith.mulf %sub3A_2111, %sub3A_2111 : vector<16xf32>
      %mul3A_2114 = arith.mulf %sub3A_2112, %sub3A_2112 : vector<16xf32>
      %add3A_2115 = arith.addf %mul3A_2113, %mul3A_2114 : vector<16xf32>
      %eq3A_2116 = vector.broadcast %add3A_61 : i32 to vector<16xi32>
      %eq3A_2117 = arith.cmpi eq, %add3A_2072, %eq3A_2116 : vector<16xi32>
      %jit3A_2118 = arith.constant 0x7F800000 : f32
      %broadcast_in_dim3A_2119 = vector.broadcast %jit3A_2118 : f32 to vector<16xf32>
      %select_n3A_2120 = arith.select %eq3A_2117, %broadcast_in_dim3A_2119, %add3A_2115 : vector<16xi1>, vector<16xf32>
      %masked_sort3A_2121 = arith.constant dense<true> : vector<16xi1>
      %masked_sort3A_2122, %masked_sort3A_2123, %masked_sort3A_2124 = tpu.sort %select_n3A_2090, %add3A_2072 masked %masked_sort3A_2121 {descending = true} : (vector<16xf32>, vector<16xi32>, vector<16xi1>) -> (vector<16xi1>, vector<16xf32>, vector<16xi32>)
      %masked_sort3A_2125 = arith.constant dense<true> : vector<16xi1>
      %masked_sort3A_2126, %masked_sort3A_2127, %masked_sort3A_2128 = tpu.sort %select_n3A_2100, %add3A_2072 masked %masked_sort3A_2125 {descending = true} : (vector<16xf32>, vector<16xi32>, vector<16xi1>) -> (vector<16xi1>, vector<16xf32>, vector<16xi32>)
      %masked_sort3A_2129 = arith.constant dense<true> : vector<16xi1>
      %masked_sort3A_2130, %masked_sort3A_2131, %masked_sort3A_2132 = tpu.sort %select_n3A_2110, %add3A_2072 masked %masked_sort3A_2129 {descending = true} : (vector<16xf32>, vector<16xi32>, vector<16xi1>) -> (vector<16xi1>, vector<16xf32>, vector<16xi32>)
      %masked_sort3A_2133 = arith.constant dense<true> : vector<16xi1>
      %masked_sort3A_2134, %masked_sort3A_2135, %masked_sort3A_2136 = tpu.sort %select_n3A_2120, %add3A_2072 masked %masked_sort3A_2133 {descending = true} : (vector<16xf32>, vector<16xi32>, vector<16xi1>) -> (vector<16xi1>, vector<16xf32>, vector<16xi32>)
      %lt3A_2137 = arith.cmpf olt, %masked_sort3A_2123, %masked_sort3A_2047 : vector<16xf32>
      %select_n3A_2138 = arith.select %lt3A_2137, %masked_sort3A_2123, %masked_sort3A_2047 : vector<16xi1>, vector<16xf32>
      %select_n3A_2139 = arith.select %lt3A_2137, %masked_sort3A_2124, %masked_sort3A_2048 : vector<16xi1>, vector<16xi32>
      %masked_sort3A_2140 = arith.constant dense<true> : vector<16xi1>
      %masked_sort3A_2141, %masked_sort3A_2142, %masked_sort3A_2143 = tpu.sort %select_n3A_2138, %select_n3A_2139 masked %masked_sort3A_2140 : (vector<16xf32>, vector<16xi32>, vector<16xi1>) -> (vector<16xi1>, vector<16xf32>, vector<16xi32>)
      %lt3A_2144 = arith.cmpf olt, %masked_sort3A_2127, %masked_sort3A_2054 : vector<16xf32>
      %select_n3A_2145 = arith.select %lt3A_2144, %masked_sort3A_2127, %masked_sort3A_2054 : vector<16xi1>, vector<16xf32>
      %select_n3A_2146 = arith.select %lt3A_2144, %masked_sort3A_2128, %masked_sort3A_2055 : vector<16xi1>, vector<16xi32>
      %masked_sort3A_2147 = arith.constant dense<true> : vector<16xi1>
      %masked_sort3A_2148, %masked_sort3A_2149, %masked_sort3A_2150 = tpu.sort %select_n3A_2145, %select_n3A_2146 masked %masked_sort3A_2147 : (vector<16xf32>, vector<16xi32>, vector<16xi1>) -> (vector<16xi1>, vector<16xf32>, vector<16xi32>)
      %lt3A_2151 = arith.cmpf olt, %masked_sort3A_2131, %masked_sort3A_2061 : vector<16xf32>
      %select_n3A_2152 = arith.select %lt3A_2151, %masked_sort3A_2131, %masked_sort3A_2061 : vector<16xi1>, vector<16xf32>
      %select_n3A_2153 = arith.select %lt3A_2151, %masked_sort3A_2132, %masked_sort3A_2062 : vector<16xi1>, vector<16xi32>
      %masked_sort3A_2154 = arith.constant dense<true> : vector<16xi1>
      %masked_sort3A_2155, %masked_sort3A_2156, %masked_sort3A_2157 = tpu.sort %select_n3A_2152, %select_n3A_2153 masked %masked_sort3A_2154 : (vector<16xf32>, vector<16xi32>, vector<16xi1>) -> (vector<16xi1>, vector<16xf32>, vector<16xi32>)
      %lt3A_2158 = arith.cmpf olt, %masked_sort3A_2135, %masked_sort3A_2068 : vector<16xf32>
      %select_n3A_2159 = arith.select %lt3A_2158, %masked_sort3A_2135, %masked_sort3A_2068 : vector<16xi1>, vector<16xf32>
      %select_n3A_2160 = arith.select %lt3A_2158, %masked_sort3A_2136, %masked_sort3A_2069 : vector<16xi1>, vector<16xi32>
      %masked_sort3A_2161 = arith.constant dense<true> : vector<16xi1>
      %masked_sort3A_2162, %masked_sort3A_2163, %masked_sort3A_2164 = tpu.sort %select_n3A_2159, %select_n3A_2160 masked %masked_sort3A_2161 : (vector<16xf32>, vector<16xi32>, vector<16xi1>) -> (vector<16xi1>, vector<16xf32>, vector<16xi32>)
      %add3A_2165 = arith.constant 352 : i32
      %add3A_2166 = vector.broadcast %add3A_2165 : i32 to vector<16xi32>
      %add3A_2167 = arith.addi %iota3A, %add3A_2166 : vector<16xi32>
      %add3A_2168 = arith.constant 704 : i32
      %add3A_2169 = vector.broadcast %add3A_2168 : i32 to vector<16xi32>
      %add3A_2170 = arith.addi %mul3A_33, %add3A_2169 : vector<16xi32>
      %gather3A_2171 = tpu.vector_load_idx %arg4[%add3A_2170] : memref<1024xf32, #tpu.memory_space<vmem>>[vector<16xi32>], vector<16xf32>,
      %add3A_2172 = arith.constant 1 : i32
      %add3A_2173 = vector.broadcast %add3A_2172 : i32 to vector<16xi32>
      %add3A_2174 = arith.addi %add3A_2170, %add3A_2173 : vector<16xi32>
      %gather3A_2175 = tpu.vector_load_idx %arg4[%add3A_2174] : memref<1024xf32, #tpu.memory_space<vmem>>[vector<16xi32>], vector<16xf32>,
      %sub3A_2176 = arith.subf %gather3A_2171, %gather3A : vector<16xf32>
      %sub3A_2177 = arith.subf %gather3A_2175, %gather3A_70 : vector<16xf32>
      %mul3A_2178 = arith.mulf %sub3A_2176, %sub3A_2176 : vector<16xf32>
      %mul3A_2179 = arith.mulf %sub3A_2177, %sub3A_2177 : vector<16xf32>
      %add3A_2180 = arith.addf %mul3A_2178, %mul3A_2179 : vector<16xf32>
      %eq3A_2181 = vector.broadcast %add3A_46 : i32 to vector<16xi32>
      %eq3A_2182 = arith.cmpi eq, %add3A_2167, %eq3A_2181 : vector<16xi32>
      %jit3A_2183 = arith.constant 0x7F800000 : f32
      %broadcast_in_dim3A_2184 = vector.broadcast %jit3A_2183 : f32 to vector<16xf32>
      %select_n3A_2185 = arith.select %eq3A_2182, %broadcast_in_dim3A_2184, %add3A_2180 : vector<16xi1>, vector<16xf32>
      %sub3A_2186 = arith.subf %gather3A_2171, %gather3A_77 : vector<16xf32>
      %sub3A_2187 = arith.subf %gather3A_2175, %gather3A_81 : vector<16xf32>
      %mul3A_2188 = arith.mulf %sub3A_2186, %sub3A_2186 : vector<16xf32>
      %mul3A_2189 = arith.mulf %sub3A_2187, %sub3A_2187 : vector<16xf32>
      %add3A_2190 = arith.addf %mul3A_2188, %mul3A_2189 : vector<16xf32>
      %eq3A_2191 = vector.broadcast %add3A_51 : i32 to vector<16xi32>
      %eq3A_2192 = arith.cmpi eq, %add3A_2167, %eq3A_2191 : vector<16xi32>
      %jit3A_2193 = arith.constant 0x7F800000 : f32
      %broadcast_in_dim3A_2194 = vector.broadcast %jit3A_2193 : f32 to vector<16xf32>
      %select_n3A_2195 = arith.select %eq3A_2192, %broadcast_in_dim3A_2194, %add3A_2190 : vector<16xi1>, vector<16xf32>
      %sub3A_2196 = arith.subf %gather3A_2171, %gather3A_88 : vector<16xf32>
      %sub3A_2197 = arith.subf %gather3A_2175, %gather3A_92 : vector<16xf32>
      %mul3A_2198 = arith.mulf %sub3A_2196, %sub3A_2196 : vector<16xf32>
      %mul3A_2199 = arith.mulf %sub3A_2197, %sub3A_2197 : vector<16xf32>
      %add3A_2200 = arith.addf %mul3A_2198, %mul3A_2199 : vector<16xf32>
      %eq3A_2201 = vector.broadcast %add3A_56 : i32 to vector<16xi32>
      %eq3A_2202 = arith.cmpi eq, %add3A_2167, %eq3A_2201 : vector<16xi32>
      %jit3A_2203 = arith.constant 0x7F800000 : f32
      %broadcast_in_dim3A_2204 = vector.broadcast %jit3A_2203 : f32 to vector<16xf32>
      %select_n3A_2205 = arith.select %eq3A_2202, %broadcast_in_dim3A_2204, %add3A_2200 : vector<16xi1>, vector<16xf32>
      %sub3A_2206 = arith.subf %gather3A_2171, %gather3A_99 : vector<16xf32>
      %sub3A_2207 = arith.subf %gather3A_2175, %gather3A_103 : vector<16xf32>
      %mul3A_2208 = arith.mulf %sub3A_2206, %sub3A_2206 : vector<16xf32>
      %mul3A_2209 = arith.mulf %sub3A_2207, %sub3A_2207 : vector<16xf32>
      %add3A_2210 = arith.addf %mul3A_2208, %mul3A_2209 : vector<16xf32>
      %eq3A_2211 = vector.broadcast %add3A_61 : i32 to vector<16xi32>
      %eq3A_2212 = arith.cmpi eq, %add3A_2167, %eq3A_2211 : vector<16xi32>
      %jit3A_2213 = arith.constant 0x7F800000 : f32
      %broadcast_in_dim3A_2214 = vector.broadcast %jit3A_2213 : f32 to vector<16xf32>
      %select_n3A_2215 = arith.select %eq3A_2212, %broadcast_in_dim3A_2214, %add3A_2210 : vector<16xi1>, vector<16xf32>
      %masked_sort3A_2216 = arith.constant dense<true> : vector<16xi1>
      %masked_sort3A_2217, %masked_sort3A_2218, %masked_sort3A_2219 = tpu.sort %select_n3A_2185, %add3A_2167 masked %masked_sort3A_2216 {descending = true} : (vector<16xf32>, vector<16xi32>, vector<16xi1>) -> (vector<16xi1>, vector<16xf32>, vector<16xi32>)
      %masked_sort3A_2220 = arith.constant dense<true> : vector<16xi1>
      %masked_sort3A_2221, %masked_sort3A_2222, %masked_sort3A_2223 = tpu.sort %select_n3A_2195, %add3A_2167 masked %masked_sort3A_2220 {descending = true} : (vector<16xf32>, vector<16xi32>, vector<16xi1>) -> (vector<16xi1>, vector<16xf32>, vector<16xi32>)
      %masked_sort3A_2224 = arith.constant dense<true> : vector<16xi1>
      %masked_sort3A_2225, %masked_sort3A_2226, %masked_sort3A_2227 = tpu.sort %select_n3A_2205, %add3A_2167 masked %masked_sort3A_2224 {descending = true} : (vector<16xf32>, vector<16xi32>, vector<16xi1>) -> (vector<16xi1>, vector<16xf32>, vector<16xi32>)
      %masked_sort3A_2228 = arith.constant dense<true> : vector<16xi1>
      %masked_sort3A_2229, %masked_sort3A_2230, %masked_sort3A_2231 = tpu.sort %select_n3A_2215, %add3A_2167 masked %masked_sort3A_2228 {descending = true} : (vector<16xf32>, vector<16xi32>, vector<16xi1>) -> (vector<16xi1>, vector<16xf32>, vector<16xi32>)
      %lt3A_2232 = arith.cmpf olt, %masked_sort3A_2218, %masked_sort3A_2142 : vector<16xf32>
      %select_n3A_2233 = arith.select %lt3A_2232, %masked_sort3A_2218, %masked_sort3A_2142 : vector<16xi1>, vector<16xf32>
      %select_n3A_2234 = arith.select %lt3A_2232, %masked_sort3A_2219, %masked_sort3A_2143 : vector<16xi1>, vector<16xi32>
      %masked_sort3A_2235 = arith.constant dense<true> : vector<16xi1>
      %masked_sort3A_2236, %masked_sort3A_2237, %masked_sort3A_2238 = tpu.sort %select_n3A_2233, %select_n3A_2234 masked %masked_sort3A_2235 : (vector<16xf32>, vector<16xi32>, vector<16xi1>) -> (vector<16xi1>, vector<16xf32>, vector<16xi32>)
      %lt3A_2239 = arith.cmpf olt, %masked_sort3A_2222, %masked_sort3A_2149 : vector<16xf32>
      %select_n3A_2240 = arith.select %lt3A_2239, %masked_sort3A_2222, %masked_sort3A_2149 : vector<16xi1>, vector<16xf32>
      %select_n3A_2241 = arith.select %lt3A_2239, %masked_sort3A_2223, %masked_sort3A_2150 : vector<16xi1>, vector<16xi32>
      %masked_sort3A_2242 = arith.constant dense<true> : vector<16xi1>
      %masked_sort3A_2243, %masked_sort3A_2244, %masked_sort3A_2245 = tpu.sort %select_n3A_2240, %select_n3A_2241 masked %masked_sort3A_2242 : (vector<16xf32>, vector<16xi32>, vector<16xi1>) -> (vector<16xi1>, vector<16xf32>, vector<16xi32>)
      %lt3A_2246 = arith.cmpf olt, %masked_sort3A_2226, %masked_sort3A_2156 : vector<16xf32>
      %select_n3A_2247 = arith.select %lt3A_2246, %masked_sort3A_2226, %masked_sort3A_2156 : vector<16xi1>, vector<16xf32>
      %select_n3A_2248 = arith.select %lt3A_2246, %masked_sort3A_2227, %masked_sort3A_2157 : vector<16xi1>, vector<16xi32>
      %masked_sort3A_2249 = arith.constant dense<true> : vector<16xi1>
      %masked_sort3A_2250, %masked_sort3A_2251, %masked_sort3A_2252 = tpu.sort %select_n3A_2247, %select_n3A_2248 masked %masked_sort3A_2249 : (vector<16xf32>, vector<16xi32>, vector<16xi1>) -> (vector<16xi1>, vector<16xf32>, vector<16xi32>)
      %lt3A_2253 = arith.cmpf olt, %masked_sort3A_2230, %masked_sort3A_2163 : vector<16xf32>
      %select_n3A_2254 = arith.select %lt3A_2253, %masked_sort3A_2230, %masked_sort3A_2163 : vector<16xi1>, vector<16xf32>
      %select_n3A_2255 = arith.select %lt3A_2253, %masked_sort3A_2231, %masked_sort3A_2164 : vector<16xi1>, vector<16xi32>
      %masked_sort3A_2256 = arith.constant dense<true> : vector<16xi1>
      %masked_sort3A_2257, %masked_sort3A_2258, %masked_sort3A_2259 = tpu.sort %select_n3A_2254, %select_n3A_2255 masked %masked_sort3A_2256 : (vector<16xf32>, vector<16xi32>, vector<16xi1>) -> (vector<16xi1>, vector<16xf32>, vector<16xi32>)
      %add3A_2260 = arith.constant 368 : i32
      %add3A_2261 = vector.broadcast %add3A_2260 : i32 to vector<16xi32>
      %add3A_2262 = arith.addi %iota3A, %add3A_2261 : vector<16xi32>
      %add3A_2263 = arith.constant 736 : i32
      %add3A_2264 = vector.broadcast %add3A_2263 : i32 to vector<16xi32>
      %add3A_2265 = arith.addi %mul3A_33, %add3A_2264 : vector<16xi32>
      %gather3A_2266 = tpu.vector_load_idx %arg4[%add3A_2265] : memref<1024xf32, #tpu.memory_space<vmem>>[vector<16xi32>], vector<16xf32>,
      %add3A_2267 = arith.constant 1 : i32
      %add3A_2268 = vector.broadcast %add3A_2267 : i32 to vector<16xi32>
      %add3A_2269 = arith.addi %add3A_2265, %add3A_2268 : vector<16xi32>
      %gather3A_2270 = tpu.vector_load_idx %arg4[%add3A_2269] : memref<1024xf32, #tpu.memory_space<vmem>>[vector<16xi32>], vector<16xf32>,
      %sub3A_2271 = arith.subf %gather3A_2266, %gather3A : vector<16xf32>
      %sub3A_2272 = arith.subf %gather3A_2270, %gather3A_70 : vector<16xf32>
      %mul3A_2273 = arith.mulf %sub3A_2271, %sub3A_2271 : vector<16xf32>
      %mul3A_2274 = arith.mulf %sub3A_2272, %sub3A_2272 : vector<16xf32>
      %add3A_2275 = arith.addf %mul3A_2273, %mul3A_2274 : vector<16xf32>
      %eq3A_2276 = vector.broadcast %add3A_46 : i32 to vector<16xi32>
      %eq3A_2277 = arith.cmpi eq, %add3A_2262, %eq3A_2276 : vector<16xi32>
      %jit3A_2278 = arith.constant 0x7F800000 : f32
      %broadcast_in_dim3A_2279 = vector.broadcast %jit3A_2278 : f32 to vector<16xf32>
      %select_n3A_2280 = arith.select %eq3A_2277, %broadcast_in_dim3A_2279, %add3A_2275 : vector<16xi1>, vector<16xf32>
      %sub3A_2281 = arith.subf %gather3A_2266, %gather3A_77 : vector<16xf32>
      %sub3A_2282 = arith.subf %gather3A_2270, %gather3A_81 : vector<16xf32>
      %mul3A_2283 = arith.mulf %sub3A_2281, %sub3A_2281 : vector<16xf32>
      %mul3A_2284 = arith.mulf %sub3A_2282, %sub3A_2282 : vector<16xf32>
      %add3A_2285 = arith.addf %mul3A_2283, %mul3A_2284 : vector<16xf32>
      %eq3A_2286 = vector.broadcast %add3A_51 : i32 to vector<16xi32>
      %eq3A_2287 = arith.cmpi eq, %add3A_2262, %eq3A_2286 : vector<16xi32>
      %jit3A_2288 = arith.constant 0x7F800000 : f32
      %broadcast_in_dim3A_2289 = vector.broadcast %jit3A_2288 : f32 to vector<16xf32>
      %select_n3A_2290 = arith.select %eq3A_2287, %broadcast_in_dim3A_2289, %add3A_2285 : vector<16xi1>, vector<16xf32>
      %sub3A_2291 = arith.subf %gather3A_2266, %gather3A_88 : vector<16xf32>
      %sub3A_2292 = arith.subf %gather3A_2270, %gather3A_92 : vector<16xf32>
      %mul3A_2293 = arith.mulf %sub3A_2291, %sub3A_2291 : vector<16xf32>
      %mul3A_2294 = arith.mulf %sub3A_2292, %sub3A_2292 : vector<16xf32>
      %add3A_2295 = arith.addf %mul3A_2293, %mul3A_2294 : vector<16xf32>
      %eq3A_2296 = vector.broadcast %add3A_56 : i32 to vector<16xi32>
      %eq3A_2297 = arith.cmpi eq, %add3A_2262, %eq3A_2296 : vector<16xi32>
      %jit3A_2298 = arith.constant 0x7F800000 : f32
      %broadcast_in_dim3A_2299 = vector.broadcast %jit3A_2298 : f32 to vector<16xf32>
      %select_n3A_2300 = arith.select %eq3A_2297, %broadcast_in_dim3A_2299, %add3A_2295 : vector<16xi1>, vector<16xf32>
      %sub3A_2301 = arith.subf %gather3A_2266, %gather3A_99 : vector<16xf32>
      %sub3A_2302 = arith.subf %gather3A_2270, %gather3A_103 : vector<16xf32>
      %mul3A_2303 = arith.mulf %sub3A_2301, %sub3A_2301 : vector<16xf32>
      %mul3A_2304 = arith.mulf %sub3A_2302, %sub3A_2302 : vector<16xf32>
      %add3A_2305 = arith.addf %mul3A_2303, %mul3A_2304 : vector<16xf32>
      %eq3A_2306 = vector.broadcast %add3A_61 : i32 to vector<16xi32>
      %eq3A_2307 = arith.cmpi eq, %add3A_2262, %eq3A_2306 : vector<16xi32>
      %jit3A_2308 = arith.constant 0x7F800000 : f32
      %broadcast_in_dim3A_2309 = vector.broadcast %jit3A_2308 : f32 to vector<16xf32>
      %select_n3A_2310 = arith.select %eq3A_2307, %broadcast_in_dim3A_2309, %add3A_2305 : vector<16xi1>, vector<16xf32>
      %masked_sort3A_2311 = arith.constant dense<true> : vector<16xi1>
      %masked_sort3A_2312, %masked_sort3A_2313, %masked_sort3A_2314 = tpu.sort %select_n3A_2280, %add3A_2262 masked %masked_sort3A_2311 {descending = true} : (vector<16xf32>, vector<16xi32>, vector<16xi1>) -> (vector<16xi1>, vector<16xf32>, vector<16xi32>)
      %masked_sort3A_2315 = arith.constant dense<true> : vector<16xi1>
      %masked_sort3A_2316, %masked_sort3A_2317, %masked_sort3A_2318 = tpu.sort %select_n3A_2290, %add3A_2262 masked %masked_sort3A_2315 {descending = true} : (vector<16xf32>, vector<16xi32>, vector<16xi1>) -> (vector<16xi1>, vector<16xf32>, vector<16xi32>)
      %masked_sort3A_2319 = arith.constant dense<true> : vector<16xi1>
      %masked_sort3A_2320, %masked_sort3A_2321, %masked_sort3A_2322 = tpu.sort %select_n3A_2300, %add3A_2262 masked %masked_sort3A_2319 {descending = true} : (vector<16xf32>, vector<16xi32>, vector<16xi1>) -> (vector<16xi1>, vector<16xf32>, vector<16xi32>)
      %masked_sort3A_2323 = arith.constant dense<true> : vector<16xi1>
      %masked_sort3A_2324, %masked_sort3A_2325, %masked_sort3A_2326 = tpu.sort %select_n3A_2310, %add3A_2262 masked %masked_sort3A_2323 {descending = true} : (vector<16xf32>, vector<16xi32>, vector<16xi1>) -> (vector<16xi1>, vector<16xf32>, vector<16xi32>)
      %lt3A_2327 = arith.cmpf olt, %masked_sort3A_2313, %masked_sort3A_2237 : vector<16xf32>
      %select_n3A_2328 = arith.select %lt3A_2327, %masked_sort3A_2313, %masked_sort3A_2237 : vector<16xi1>, vector<16xf32>
      %select_n3A_2329 = arith.select %lt3A_2327, %masked_sort3A_2314, %masked_sort3A_2238 : vector<16xi1>, vector<16xi32>
      %masked_sort3A_2330 = arith.constant dense<true> : vector<16xi1>
      %masked_sort3A_2331, %masked_sort3A_2332, %masked_sort3A_2333 = tpu.sort %select_n3A_2328, %select_n3A_2329 masked %masked_sort3A_2330 : (vector<16xf32>, vector<16xi32>, vector<16xi1>) -> (vector<16xi1>, vector<16xf32>, vector<16xi32>)
      %lt3A_2334 = arith.cmpf olt, %masked_sort3A_2317, %masked_sort3A_2244 : vector<16xf32>
      %select_n3A_2335 = arith.select %lt3A_2334, %masked_sort3A_2317, %masked_sort3A_2244 : vector<16xi1>, vector<16xf32>
      %select_n3A_2336 = arith.select %lt3A_2334, %masked_sort3A_2318, %masked_sort3A_2245 : vector<16xi1>, vector<16xi32>
      %masked_sort3A_2337 = arith.constant dense<true> : vector<16xi1>
      %masked_sort3A_2338, %masked_sort3A_2339, %masked_sort3A_2340 = tpu.sort %select_n3A_2335, %select_n3A_2336 masked %masked_sort3A_2337 : (vector<16xf32>, vector<16xi32>, vector<16xi1>) -> (vector<16xi1>, vector<16xf32>, vector<16xi32>)
      %lt3A_2341 = arith.cmpf olt, %masked_sort3A_2321, %masked_sort3A_2251 : vector<16xf32>
      %select_n3A_2342 = arith.select %lt3A_2341, %masked_sort3A_2321, %masked_sort3A_2251 : vector<16xi1>, vector<16xf32>
      %select_n3A_2343 = arith.select %lt3A_2341, %masked_sort3A_2322, %masked_sort3A_2252 : vector<16xi1>, vector<16xi32>
      %masked_sort3A_2344 = arith.constant dense<true> : vector<16xi1>
      %masked_sort3A_2345, %masked_sort3A_2346, %masked_sort3A_2347 = tpu.sort %select_n3A_2342, %select_n3A_2343 masked %masked_sort3A_2344 : (vector<16xf32>, vector<16xi32>, vector<16xi1>) -> (vector<16xi1>, vector<16xf32>, vector<16xi32>)
      %lt3A_2348 = arith.cmpf olt, %masked_sort3A_2325, %masked_sort3A_2258 : vector<16xf32>
      %select_n3A_2349 = arith.select %lt3A_2348, %masked_sort3A_2325, %masked_sort3A_2258 : vector<16xi1>, vector<16xf32>
      %select_n3A_2350 = arith.select %lt3A_2348, %masked_sort3A_2326, %masked_sort3A_2259 : vector<16xi1>, vector<16xi32>
      %masked_sort3A_2351 = arith.constant dense<true> : vector<16xi1>
      %masked_sort3A_2352, %masked_sort3A_2353, %masked_sort3A_2354 = tpu.sort %select_n3A_2349, %select_n3A_2350 masked %masked_sort3A_2351 : (vector<16xf32>, vector<16xi32>, vector<16xi1>) -> (vector<16xi1>, vector<16xf32>, vector<16xi32>)
      %add3A_2355 = arith.constant 384 : i32
      %add3A_2356 = vector.broadcast %add3A_2355 : i32 to vector<16xi32>
      %add3A_2357 = arith.addi %iota3A, %add3A_2356 : vector<16xi32>
      %add3A_2358 = arith.constant 768 : i32
      %add3A_2359 = vector.broadcast %add3A_2358 : i32 to vector<16xi32>
      %add3A_2360 = arith.addi %mul3A_33, %add3A_2359 : vector<16xi32>
      %gather3A_2361 = tpu.vector_load_idx %arg4[%add3A_2360] : memref<1024xf32, #tpu.memory_space<vmem>>[vector<16xi32>], vector<16xf32>,
      %add3A_2362 = arith.constant 1 : i32
      %add3A_2363 = vector.broadcast %add3A_2362 : i32 to vector<16xi32>
      %add3A_2364 = arith.addi %add3A_2360, %add3A_2363 : vector<16xi32>
      %gather3A_2365 = tpu.vector_load_idx %arg4[%add3A_2364] : memref<1024xf32, #tpu.memory_space<vmem>>[vector<16xi32>], vector<16xf32>,
      %sub3A_2366 = arith.subf %gather3A_2361, %gather3A : vector<16xf32>
      %sub3A_2367 = arith.subf %gather3A_2365, %gather3A_70 : vector<16xf32>
      %mul3A_2368 = arith.mulf %sub3A_2366, %sub3A_2366 : vector<16xf32>
      %mul3A_2369 = arith.mulf %sub3A_2367, %sub3A_2367 : vector<16xf32>
      %add3A_2370 = arith.addf %mul3A_2368, %mul3A_2369 : vector<16xf32>
      %eq3A_2371 = vector.broadcast %add3A_46 : i32 to vector<16xi32>
      %eq3A_2372 = arith.cmpi eq, %add3A_2357, %eq3A_2371 : vector<16xi32>
      %jit3A_2373 = arith.constant 0x7F800000 : f32
      %broadcast_in_dim3A_2374 = vector.broadcast %jit3A_2373 : f32 to vector<16xf32>
      %select_n3A_2375 = arith.select %eq3A_2372, %broadcast_in_dim3A_2374, %add3A_2370 : vector<16xi1>, vector<16xf32>
      %sub3A_2376 = arith.subf %gather3A_2361, %gather3A_77 : vector<16xf32>
      %sub3A_2377 = arith.subf %gather3A_2365, %gather3A_81 : vector<16xf32>
      %mul3A_2378 = arith.mulf %sub3A_2376, %sub3A_2376 : vector<16xf32>
      %mul3A_2379 = arith.mulf %sub3A_2377, %sub3A_2377 : vector<16xf32>
      %add3A_2380 = arith.addf %mul3A_2378, %mul3A_2379 : vector<16xf32>
      %eq3A_2381 = vector.broadcast %add3A_51 : i32 to vector<16xi32>
      %eq3A_2382 = arith.cmpi eq, %add3A_2357, %eq3A_2381 : vector<16xi32>
      %jit3A_2383 = arith.constant 0x7F800000 : f32
      %broadcast_in_dim3A_2384 = vector.broadcast %jit3A_2383 : f32 to vector<16xf32>
      %select_n3A_2385 = arith.select %eq3A_2382, %broadcast_in_dim3A_2384, %add3A_2380 : vector<16xi1>, vector<16xf32>
      %sub3A_2386 = arith.subf %gather3A_2361, %gather3A_88 : vector<16xf32>
      %sub3A_2387 = arith.subf %gather3A_2365, %gather3A_92 : vector<16xf32>
      %mul3A_2388 = arith.mulf %sub3A_2386, %sub3A_2386 : vector<16xf32>
      %mul3A_2389 = arith.mulf %sub3A_2387, %sub3A_2387 : vector<16xf32>
      %add3A_2390 = arith.addf %mul3A_2388, %mul3A_2389 : vector<16xf32>
      %eq3A_2391 = vector.broadcast %add3A_56 : i32 to vector<16xi32>
      %eq3A_2392 = arith.cmpi eq, %add3A_2357, %eq3A_2391 : vector<16xi32>
      %jit3A_2393 = arith.constant 0x7F800000 : f32
      %broadcast_in_dim3A_2394 = vector.broadcast %jit3A_2393 : f32 to vector<16xf32>
      %select_n3A_2395 = arith.select %eq3A_2392, %broadcast_in_dim3A_2394, %add3A_2390 : vector<16xi1>, vector<16xf32>
      %sub3A_2396 = arith.subf %gather3A_2361, %gather3A_99 : vector<16xf32>
      %sub3A_2397 = arith.subf %gather3A_2365, %gather3A_103 : vector<16xf32>
      %mul3A_2398 = arith.mulf %sub3A_2396, %sub3A_2396 : vector<16xf32>
      %mul3A_2399 = arith.mulf %sub3A_2397, %sub3A_2397 : vector<16xf32>
      %add3A_2400 = arith.addf %mul3A_2398, %mul3A_2399 : vector<16xf32>
      %eq3A_2401 = vector.broadcast %add3A_61 : i32 to vector<16xi32>
      %eq3A_2402 = arith.cmpi eq, %add3A_2357, %eq3A_2401 : vector<16xi32>
      %jit3A_2403 = arith.constant 0x7F800000 : f32
      %broadcast_in_dim3A_2404 = vector.broadcast %jit3A_2403 : f32 to vector<16xf32>
      %select_n3A_2405 = arith.select %eq3A_2402, %broadcast_in_dim3A_2404, %add3A_2400 : vector<16xi1>, vector<16xf32>
      %masked_sort3A_2406 = arith.constant dense<true> : vector<16xi1>
      %masked_sort3A_2407, %masked_sort3A_2408, %masked_sort3A_2409 = tpu.sort %select_n3A_2375, %add3A_2357 masked %masked_sort3A_2406 {descending = true} : (vector<16xf32>, vector<16xi32>, vector<16xi1>) -> (vector<16xi1>, vector<16xf32>, vector<16xi32>)
      %masked_sort3A_2410 = arith.constant dense<true> : vector<16xi1>
      %masked_sort3A_2411, %masked_sort3A_2412, %masked_sort3A_2413 = tpu.sort %select_n3A_2385, %add3A_2357 masked %masked_sort3A_2410 {descending = true} : (vector<16xf32>, vector<16xi32>, vector<16xi1>) -> (vector<16xi1>, vector<16xf32>, vector<16xi32>)
      %masked_sort3A_2414 = arith.constant dense<true> : vector<16xi1>
      %masked_sort3A_2415, %masked_sort3A_2416, %masked_sort3A_2417 = tpu.sort %select_n3A_2395, %add3A_2357 masked %masked_sort3A_2414 {descending = true} : (vector<16xf32>, vector<16xi32>, vector<16xi1>) -> (vector<16xi1>, vector<16xf32>, vector<16xi32>)
      %masked_sort3A_2418 = arith.constant dense<true> : vector<16xi1>
      %masked_sort3A_2419, %masked_sort3A_2420, %masked_sort3A_2421 = tpu.sort %select_n3A_2405, %add3A_2357 masked %masked_sort3A_2418 {descending = true} : (vector<16xf32>, vector<16xi32>, vector<16xi1>) -> (vector<16xi1>, vector<16xf32>, vector<16xi32>)
      %lt3A_2422 = arith.cmpf olt, %masked_sort3A_2408, %masked_sort3A_2332 : vector<16xf32>
      %select_n3A_2423 = arith.select %lt3A_2422, %masked_sort3A_2408, %masked_sort3A_2332 : vector<16xi1>, vector<16xf32>
      %select_n3A_2424 = arith.select %lt3A_2422, %masked_sort3A_2409, %masked_sort3A_2333 : vector<16xi1>, vector<16xi32>
      %masked_sort3A_2425 = arith.constant dense<true> : vector<16xi1>
      %masked_sort3A_2426, %masked_sort3A_2427, %masked_sort3A_2428 = tpu.sort %select_n3A_2423, %select_n3A_2424 masked %masked_sort3A_2425 : (vector<16xf32>, vector<16xi32>, vector<16xi1>) -> (vector<16xi1>, vector<16xf32>, vector<16xi32>)
      %lt3A_2429 = arith.cmpf olt, %masked_sort3A_2412, %masked_sort3A_2339 : vector<16xf32>
      %select_n3A_2430 = arith.select %lt3A_2429, %masked_sort3A_2412, %masked_sort3A_2339 : vector<16xi1>, vector<16xf32>
      %select_n3A_2431 = arith.select %lt3A_2429, %masked_sort3A_2413, %masked_sort3A_2340 : vector<16xi1>, vector<16xi32>
      %masked_sort3A_2432 = arith.constant dense<true> : vector<16xi1>
      %masked_sort3A_2433, %masked_sort3A_2434, %masked_sort3A_2435 = tpu.sort %select_n3A_2430, %select_n3A_2431 masked %masked_sort3A_2432 : (vector<16xf32>, vector<16xi32>, vector<16xi1>) -> (vector<16xi1>, vector<16xf32>, vector<16xi32>)
      %lt3A_2436 = arith.cmpf olt, %masked_sort3A_2416, %masked_sort3A_2346 : vector<16xf32>
      %select_n3A_2437 = arith.select %lt3A_2436, %masked_sort3A_2416, %masked_sort3A_2346 : vector<16xi1>, vector<16xf32>
      %select_n3A_2438 = arith.select %lt3A_2436, %masked_sort3A_2417, %masked_sort3A_2347 : vector<16xi1>, vector<16xi32>
      %masked_sort3A_2439 = arith.constant dense<true> : vector<16xi1>
      %masked_sort3A_2440, %masked_sort3A_2441, %masked_sort3A_2442 = tpu.sort %select_n3A_2437, %select_n3A_2438 masked %masked_sort3A_2439 : (vector<16xf32>, vector<16xi32>, vector<16xi1>) -> (vector<16xi1>, vector<16xf32>, vector<16xi32>)
      %lt3A_2443 = arith.cmpf olt, %masked_sort3A_2420, %masked_sort3A_2353 : vector<16xf32>
      %select_n3A_2444 = arith.select %lt3A_2443, %masked_sort3A_2420, %masked_sort3A_2353 : vector<16xi1>, vector<16xf32>
      %select_n3A_2445 = arith.select %lt3A_2443, %masked_sort3A_2421, %masked_sort3A_2354 : vector<16xi1>, vector<16xi32>
      %masked_sort3A_2446 = arith.constant dense<true> : vector<16xi1>
      %masked_sort3A_2447, %masked_sort3A_2448, %masked_sort3A_2449 = tpu.sort %select_n3A_2444, %select_n3A_2445 masked %masked_sort3A_2446 : (vector<16xf32>, vector<16xi32>, vector<16xi1>) -> (vector<16xi1>, vector<16xf32>, vector<16xi32>)
      %add3A_2450 = arith.constant 400 : i32
      %add3A_2451 = vector.broadcast %add3A_2450 : i32 to vector<16xi32>
      %add3A_2452 = arith.addi %iota3A, %add3A_2451 : vector<16xi32>
      %add3A_2453 = arith.constant 800 : i32
      %add3A_2454 = vector.broadcast %add3A_2453 : i32 to vector<16xi32>
      %add3A_2455 = arith.addi %mul3A_33, %add3A_2454 : vector<16xi32>
      %gather3A_2456 = tpu.vector_load_idx %arg4[%add3A_2455] : memref<1024xf32, #tpu.memory_space<vmem>>[vector<16xi32>], vector<16xf32>,
      %add3A_2457 = arith.constant 1 : i32
      %add3A_2458 = vector.broadcast %add3A_2457 : i32 to vector<16xi32>
      %add3A_2459 = arith.addi %add3A_2455, %add3A_2458 : vector<16xi32>
      %gather3A_2460 = tpu.vector_load_idx %arg4[%add3A_2459] : memref<1024xf32, #tpu.memory_space<vmem>>[vector<16xi32>], vector<16xf32>,
      %sub3A_2461 = arith.subf %gather3A_2456, %gather3A : vector<16xf32>
      %sub3A_2462 = arith.subf %gather3A_2460, %gather3A_70 : vector<16xf32>
      %mul3A_2463 = arith.mulf %sub3A_2461, %sub3A_2461 : vector<16xf32>
      %mul3A_2464 = arith.mulf %sub3A_2462, %sub3A_2462 : vector<16xf32>
      %add3A_2465 = arith.addf %mul3A_2463, %mul3A_2464 : vector<16xf32>
      %eq3A_2466 = vector.broadcast %add3A_46 : i32 to vector<16xi32>
      %eq3A_2467 = arith.cmpi eq, %add3A_2452, %eq3A_2466 : vector<16xi32>
      %jit3A_2468 = arith.constant 0x7F800000 : f32
      %broadcast_in_dim3A_2469 = vector.broadcast %jit3A_2468 : f32 to vector<16xf32>
      %select_n3A_2470 = arith.select %eq3A_2467, %broadcast_in_dim3A_2469, %add3A_2465 : vector<16xi1>, vector<16xf32>
      %sub3A_2471 = arith.subf %gather3A_2456, %gather3A_77 : vector<16xf32>
      %sub3A_2472 = arith.subf %gather3A_2460, %gather3A_81 : vector<16xf32>
      %mul3A_2473 = arith.mulf %sub3A_2471, %sub3A_2471 : vector<16xf32>
      %mul3A_2474 = arith.mulf %sub3A_2472, %sub3A_2472 : vector<16xf32>
      %add3A_2475 = arith.addf %mul3A_2473, %mul3A_2474 : vector<16xf32>
      %eq3A_2476 = vector.broadcast %add3A_51 : i32 to vector<16xi32>
      %eq3A_2477 = arith.cmpi eq, %add3A_2452, %eq3A_2476 : vector<16xi32>
      %jit3A_2478 = arith.constant 0x7F800000 : f32
      %broadcast_in_dim3A_2479 = vector.broadcast %jit3A_2478 : f32 to vector<16xf32>
      %select_n3A_2480 = arith.select %eq3A_2477, %broadcast_in_dim3A_2479, %add3A_2475 : vector<16xi1>, vector<16xf32>
      %sub3A_2481 = arith.subf %gather3A_2456, %gather3A_88 : vector<16xf32>
      %sub3A_2482 = arith.subf %gather3A_2460, %gather3A_92 : vector<16xf32>
      %mul3A_2483 = arith.mulf %sub3A_2481, %sub3A_2481 : vector<16xf32>
      %mul3A_2484 = arith.mulf %sub3A_2482, %sub3A_2482 : vector<16xf32>
      %add3A_2485 = arith.addf %mul3A_2483, %mul3A_2484 : vector<16xf32>
      %eq3A_2486 = vector.broadcast %add3A_56 : i32 to vector<16xi32>
      %eq3A_2487 = arith.cmpi eq, %add3A_2452, %eq3A_2486 : vector<16xi32>
      %jit3A_2488 = arith.constant 0x7F800000 : f32
      %broadcast_in_dim3A_2489 = vector.broadcast %jit3A_2488 : f32 to vector<16xf32>
      %select_n3A_2490 = arith.select %eq3A_2487, %broadcast_in_dim3A_2489, %add3A_2485 : vector<16xi1>, vector<16xf32>
      %sub3A_2491 = arith.subf %gather3A_2456, %gather3A_99 : vector<16xf32>
      %sub3A_2492 = arith.subf %gather3A_2460, %gather3A_103 : vector<16xf32>
      %mul3A_2493 = arith.mulf %sub3A_2491, %sub3A_2491 : vector<16xf32>
      %mul3A_2494 = arith.mulf %sub3A_2492, %sub3A_2492 : vector<16xf32>
      %add3A_2495 = arith.addf %mul3A_2493, %mul3A_2494 : vector<16xf32>
      %eq3A_2496 = vector.broadcast %add3A_61 : i32 to vector<16xi32>
      %eq3A_2497 = arith.cmpi eq, %add3A_2452, %eq3A_2496 : vector<16xi32>
      %jit3A_2498 = arith.constant 0x7F800000 : f32
      %broadcast_in_dim3A_2499 = vector.broadcast %jit3A_2498 : f32 to vector<16xf32>
      %select_n3A_2500 = arith.select %eq3A_2497, %broadcast_in_dim3A_2499, %add3A_2495 : vector<16xi1>, vector<16xf32>
      %masked_sort3A_2501 = arith.constant dense<true> : vector<16xi1>
      %masked_sort3A_2502, %masked_sort3A_2503, %masked_sort3A_2504 = tpu.sort %select_n3A_2470, %add3A_2452 masked %masked_sort3A_2501 {descending = true} : (vector<16xf32>, vector<16xi32>, vector<16xi1>) -> (vector<16xi1>, vector<16xf32>, vector<16xi32>)
      %masked_sort3A_2505 = arith.constant dense<true> : vector<16xi1>
      %masked_sort3A_2506, %masked_sort3A_2507, %masked_sort3A_2508 = tpu.sort %select_n3A_2480, %add3A_2452 masked %masked_sort3A_2505 {descending = true} : (vector<16xf32>, vector<16xi32>, vector<16xi1>) -> (vector<16xi1>, vector<16xf32>, vector<16xi32>)
      %masked_sort3A_2509 = arith.constant dense<true> : vector<16xi1>
      %masked_sort3A_2510, %masked_sort3A_2511, %masked_sort3A_2512 = tpu.sort %select_n3A_2490, %add3A_2452 masked %masked_sort3A_2509 {descending = true} : (vector<16xf32>, vector<16xi32>, vector<16xi1>) -> (vector<16xi1>, vector<16xf32>, vector<16xi32>)
      %masked_sort3A_2513 = arith.constant dense<true> : vector<16xi1>
      %masked_sort3A_2514, %masked_sort3A_2515, %masked_sort3A_2516 = tpu.sort %select_n3A_2500, %add3A_2452 masked %masked_sort3A_2513 {descending = true} : (vector<16xf32>, vector<16xi32>, vector<16xi1>) -> (vector<16xi1>, vector<16xf32>, vector<16xi32>)
      %lt3A_2517 = arith.cmpf olt, %masked_sort3A_2503, %masked_sort3A_2427 : vector<16xf32>
      %select_n3A_2518 = arith.select %lt3A_2517, %masked_sort3A_2503, %masked_sort3A_2427 : vector<16xi1>, vector<16xf32>
      %select_n3A_2519 = arith.select %lt3A_2517, %masked_sort3A_2504, %masked_sort3A_2428 : vector<16xi1>, vector<16xi32>
      %masked_sort3A_2520 = arith.constant dense<true> : vector<16xi1>
      %masked_sort3A_2521, %masked_sort3A_2522, %masked_sort3A_2523 = tpu.sort %select_n3A_2518, %select_n3A_2519 masked %masked_sort3A_2520 : (vector<16xf32>, vector<16xi32>, vector<16xi1>) -> (vector<16xi1>, vector<16xf32>, vector<16xi32>)
      %lt3A_2524 = arith.cmpf olt, %masked_sort3A_2507, %masked_sort3A_2434 : vector<16xf32>
      %select_n3A_2525 = arith.select %lt3A_2524, %masked_sort3A_2507, %masked_sort3A_2434 : vector<16xi1>, vector<16xf32>
      %select_n3A_2526 = arith.select %lt3A_2524, %masked_sort3A_2508, %masked_sort3A_2435 : vector<16xi1>, vector<16xi32>
      %masked_sort3A_2527 = arith.constant dense<true> : vector<16xi1>
      %masked_sort3A_2528, %masked_sort3A_2529, %masked_sort3A_2530 = tpu.sort %select_n3A_2525, %select_n3A_2526 masked %masked_sort3A_2527 : (vector<16xf32>, vector<16xi32>, vector<16xi1>) -> (vector<16xi1>, vector<16xf32>, vector<16xi32>)
      %lt3A_2531 = arith.cmpf olt, %masked_sort3A_2511, %masked_sort3A_2441 : vector<16xf32>
      %select_n3A_2532 = arith.select %lt3A_2531, %masked_sort3A_2511, %masked_sort3A_2441 : vector<16xi1>, vector<16xf32>
      %select_n3A_2533 = arith.select %lt3A_2531, %masked_sort3A_2512, %masked_sort3A_2442 : vector<16xi1>, vector<16xi32>
      %masked_sort3A_2534 = arith.constant dense<true> : vector<16xi1>
      %masked_sort3A_2535, %masked_sort3A_2536, %masked_sort3A_2537 = tpu.sort %select_n3A_2532, %select_n3A_2533 masked %masked_sort3A_2534 : (vector<16xf32>, vector<16xi32>, vector<16xi1>) -> (vector<16xi1>, vector<16xf32>, vector<16xi32>)
      %lt3A_2538 = arith.cmpf olt, %masked_sort3A_2515, %masked_sort3A_2448 : vector<16xf32>
      %select_n3A_2539 = arith.select %lt3A_2538, %masked_sort3A_2515, %masked_sort3A_2448 : vector<16xi1>, vector<16xf32>
      %select_n3A_2540 = arith.select %lt3A_2538, %masked_sort3A_2516, %masked_sort3A_2449 : vector<16xi1>, vector<16xi32>
      %masked_sort3A_2541 = arith.constant dense<true> : vector<16xi1>
      %masked_sort3A_2542, %masked_sort3A_2543, %masked_sort3A_2544 = tpu.sort %select_n3A_2539, %select_n3A_2540 masked %masked_sort3A_2541 : (vector<16xf32>, vector<16xi32>, vector<16xi1>) -> (vector<16xi1>, vector<16xf32>, vector<16xi32>)
      %add3A_2545 = arith.constant 416 : i32
      %add3A_2546 = vector.broadcast %add3A_2545 : i32 to vector<16xi32>
      %add3A_2547 = arith.addi %iota3A, %add3A_2546 : vector<16xi32>
      %add3A_2548 = arith.constant 832 : i32
      %add3A_2549 = vector.broadcast %add3A_2548 : i32 to vector<16xi32>
      %add3A_2550 = arith.addi %mul3A_33, %add3A_2549 : vector<16xi32>
      %gather3A_2551 = tpu.vector_load_idx %arg4[%add3A_2550] : memref<1024xf32, #tpu.memory_space<vmem>>[vector<16xi32>], vector<16xf32>,
      %add3A_2552 = arith.constant 1 : i32
      %add3A_2553 = vector.broadcast %add3A_2552 : i32 to vector<16xi32>
      %add3A_2554 = arith.addi %add3A_2550, %add3A_2553 : vector<16xi32>
      %gather3A_2555 = tpu.vector_load_idx %arg4[%add3A_2554] : memref<1024xf32, #tpu.memory_space<vmem>>[vector<16xi32>], vector<16xf32>,
      %sub3A_2556 = arith.subf %gather3A_2551, %gather3A : vector<16xf32>
      %sub3A_2557 = arith.subf %gather3A_2555, %gather3A_70 : vector<16xf32>
      %mul3A_2558 = arith.mulf %sub3A_2556, %sub3A_2556 : vector<16xf32>
      %mul3A_2559 = arith.mulf %sub3A_2557, %sub3A_2557 : vector<16xf32>
      %add3A_2560 = arith.addf %mul3A_2558, %mul3A_2559 : vector<16xf32>
      %eq3A_2561 = vector.broadcast %add3A_46 : i32 to vector<16xi32>
      %eq3A_2562 = arith.cmpi eq, %add3A_2547, %eq3A_2561 : vector<16xi32>
      %jit3A_2563 = arith.constant 0x7F800000 : f32
      %broadcast_in_dim3A_2564 = vector.broadcast %jit3A_2563 : f32 to vector<16xf32>
      %select_n3A_2565 = arith.select %eq3A_2562, %broadcast_in_dim3A_2564, %add3A_2560 : vector<16xi1>, vector<16xf32>
      %sub3A_2566 = arith.subf %gather3A_2551, %gather3A_77 : vector<16xf32>
      %sub3A_2567 = arith.subf %gather3A_2555, %gather3A_81 : vector<16xf32>
      %mul3A_2568 = arith.mulf %sub3A_2566, %sub3A_2566 : vector<16xf32>
      %mul3A_2569 = arith.mulf %sub3A_2567, %sub3A_2567 : vector<16xf32>
      %add3A_2570 = arith.addf %mul3A_2568, %mul3A_2569 : vector<16xf32>
      %eq3A_2571 = vector.broadcast %add3A_51 : i32 to vector<16xi32>
      %eq3A_2572 = arith.cmpi eq, %add3A_2547, %eq3A_2571 : vector<16xi32>
      %jit3A_2573 = arith.constant 0x7F800000 : f32
      %broadcast_in_dim3A_2574 = vector.broadcast %jit3A_2573 : f32 to vector<16xf32>
      %select_n3A_2575 = arith.select %eq3A_2572, %broadcast_in_dim3A_2574, %add3A_2570 : vector<16xi1>, vector<16xf32>
      %sub3A_2576 = arith.subf %gather3A_2551, %gather3A_88 : vector<16xf32>
      %sub3A_2577 = arith.subf %gather3A_2555, %gather3A_92 : vector<16xf32>
      %mul3A_2578 = arith.mulf %sub3A_2576, %sub3A_2576 : vector<16xf32>
      %mul3A_2579 = arith.mulf %sub3A_2577, %sub3A_2577 : vector<16xf32>
      %add3A_2580 = arith.addf %mul3A_2578, %mul3A_2579 : vector<16xf32>
      %eq3A_2581 = vector.broadcast %add3A_56 : i32 to vector<16xi32>
      %eq3A_2582 = arith.cmpi eq, %add3A_2547, %eq3A_2581 : vector<16xi32>
      %jit3A_2583 = arith.constant 0x7F800000 : f32
      %broadcast_in_dim3A_2584 = vector.broadcast %jit3A_2583 : f32 to vector<16xf32>
      %select_n3A_2585 = arith.select %eq3A_2582, %broadcast_in_dim3A_2584, %add3A_2580 : vector<16xi1>, vector<16xf32>
      %sub3A_2586 = arith.subf %gather3A_2551, %gather3A_99 : vector<16xf32>
      %sub3A_2587 = arith.subf %gather3A_2555, %gather3A_103 : vector<16xf32>
      %mul3A_2588 = arith.mulf %sub3A_2586, %sub3A_2586 : vector<16xf32>
      %mul3A_2589 = arith.mulf %sub3A_2587, %sub3A_2587 : vector<16xf32>
      %add3A_2590 = arith.addf %mul3A_2588, %mul3A_2589 : vector<16xf32>
      %eq3A_2591 = vector.broadcast %add3A_61 : i32 to vector<16xi32>
      %eq3A_2592 = arith.cmpi eq, %add3A_2547, %eq3A_2591 : vector<16xi32>
      %jit3A_2593 = arith.constant 0x7F800000 : f32
      %broadcast_in_dim3A_2594 = vector.broadcast %jit3A_2593 : f32 to vector<16xf32>
      %select_n3A_2595 = arith.select %eq3A_2592, %broadcast_in_dim3A_2594, %add3A_2590 : vector<16xi1>, vector<16xf32>
      %masked_sort3A_2596 = arith.constant dense<true> : vector<16xi1>
      %masked_sort3A_2597, %masked_sort3A_2598, %masked_sort3A_2599 = tpu.sort %select_n3A_2565, %add3A_2547 masked %masked_sort3A_2596 {descending = true} : (vector<16xf32>, vector<16xi32>, vector<16xi1>) -> (vector<16xi1>, vector<16xf32>, vector<16xi32>)
      %masked_sort3A_2600 = arith.constant dense<true> : vector<16xi1>
      %masked_sort3A_2601, %masked_sort3A_2602, %masked_sort3A_2603 = tpu.sort %select_n3A_2575, %add3A_2547 masked %masked_sort3A_2600 {descending = true} : (vector<16xf32>, vector<16xi32>, vector<16xi1>) -> (vector<16xi1>, vector<16xf32>, vector<16xi32>)
      %masked_sort3A_2604 = arith.constant dense<true> : vector<16xi1>
      %masked_sort3A_2605, %masked_sort3A_2606, %masked_sort3A_2607 = tpu.sort %select_n3A_2585, %add3A_2547 masked %masked_sort3A_2604 {descending = true} : (vector<16xf32>, vector<16xi32>, vector<16xi1>) -> (vector<16xi1>, vector<16xf32>, vector<16xi32>)
      %masked_sort3A_2608 = arith.constant dense<true> : vector<16xi1>
      %masked_sort3A_2609, %masked_sort3A_2610, %masked_sort3A_2611 = tpu.sort %select_n3A_2595, %add3A_2547 masked %masked_sort3A_2608 {descending = true} : (vector<16xf32>, vector<16xi32>, vector<16xi1>) -> (vector<16xi1>, vector<16xf32>, vector<16xi32>)
      %lt3A_2612 = arith.cmpf olt, %masked_sort3A_2598, %masked_sort3A_2522 : vector<16xf32>
      %select_n3A_2613 = arith.select %lt3A_2612, %masked_sort3A_2598, %masked_sort3A_2522 : vector<16xi1>, vector<16xf32>
      %select_n3A_2614 = arith.select %lt3A_2612, %masked_sort3A_2599, %masked_sort3A_2523 : vector<16xi1>, vector<16xi32>
      %masked_sort3A_2615 = arith.constant dense<true> : vector<16xi1>
      %masked_sort3A_2616, %masked_sort3A_2617, %masked_sort3A_2618 = tpu.sort %select_n3A_2613, %select_n3A_2614 masked %masked_sort3A_2615 : (vector<16xf32>, vector<16xi32>, vector<16xi1>) -> (vector<16xi1>, vector<16xf32>, vector<16xi32>)
      %lt3A_2619 = arith.cmpf olt, %masked_sort3A_2602, %masked_sort3A_2529 : vector<16xf32>
      %select_n3A_2620 = arith.select %lt3A_2619, %masked_sort3A_2602, %masked_sort3A_2529 : vector<16xi1>, vector<16xf32>
      %select_n3A_2621 = arith.select %lt3A_2619, %masked_sort3A_2603, %masked_sort3A_2530 : vector<16xi1>, vector<16xi32>
      %masked_sort3A_2622 = arith.constant dense<true> : vector<16xi1>
      %masked_sort3A_2623, %masked_sort3A_2624, %masked_sort3A_2625 = tpu.sort %select_n3A_2620, %select_n3A_2621 masked %masked_sort3A_2622 : (vector<16xf32>, vector<16xi32>, vector<16xi1>) -> (vector<16xi1>, vector<16xf32>, vector<16xi32>)
      %lt3A_2626 = arith.cmpf olt, %masked_sort3A_2606, %masked_sort3A_2536 : vector<16xf32>
      %select_n3A_2627 = arith.select %lt3A_2626, %masked_sort3A_2606, %masked_sort3A_2536 : vector<16xi1>, vector<16xf32>
      %select_n3A_2628 = arith.select %lt3A_2626, %masked_sort3A_2607, %masked_sort3A_2537 : vector<16xi1>, vector<16xi32>
      %masked_sort3A_2629 = arith.constant dense<true> : vector<16xi1>
      %masked_sort3A_2630, %masked_sort3A_2631, %masked_sort3A_2632 = tpu.sort %select_n3A_2627, %select_n3A_2628 masked %masked_sort3A_2629 : (vector<16xf32>, vector<16xi32>, vector<16xi1>) -> (vector<16xi1>, vector<16xf32>, vector<16xi32>)
      %lt3A_2633 = arith.cmpf olt, %masked_sort3A_2610, %masked_sort3A_2543 : vector<16xf32>
      %select_n3A_2634 = arith.select %lt3A_2633, %masked_sort3A_2610, %masked_sort3A_2543 : vector<16xi1>, vector<16xf32>
      %select_n3A_2635 = arith.select %lt3A_2633, %masked_sort3A_2611, %masked_sort3A_2544 : vector<16xi1>, vector<16xi32>
      %masked_sort3A_2636 = arith.constant dense<true> : vector<16xi1>
      %masked_sort3A_2637, %masked_sort3A_2638, %masked_sort3A_2639 = tpu.sort %select_n3A_2634, %select_n3A_2635 masked %masked_sort3A_2636 : (vector<16xf32>, vector<16xi32>, vector<16xi1>) -> (vector<16xi1>, vector<16xf32>, vector<16xi32>)
      %add3A_2640 = arith.constant 432 : i32
      %add3A_2641 = vector.broadcast %add3A_2640 : i32 to vector<16xi32>
      %add3A_2642 = arith.addi %iota3A, %add3A_2641 : vector<16xi32>
      %add3A_2643 = arith.constant 864 : i32
      %add3A_2644 = vector.broadcast %add3A_2643 : i32 to vector<16xi32>
      %add3A_2645 = arith.addi %mul3A_33, %add3A_2644 : vector<16xi32>
      %gather3A_2646 = tpu.vector_load_idx %arg4[%add3A_2645] : memref<1024xf32, #tpu.memory_space<vmem>>[vector<16xi32>], vector<16xf32>,
      %add3A_2647 = arith.constant 1 : i32
      %add3A_2648 = vector.broadcast %add3A_2647 : i32 to vector<16xi32>
      %add3A_2649 = arith.addi %add3A_2645, %add3A_2648 : vector<16xi32>
      %gather3A_2650 = tpu.vector_load_idx %arg4[%add3A_2649] : memref<1024xf32, #tpu.memory_space<vmem>>[vector<16xi32>], vector<16xf32>,
      %sub3A_2651 = arith.subf %gather3A_2646, %gather3A : vector<16xf32>
      %sub3A_2652 = arith.subf %gather3A_2650, %gather3A_70 : vector<16xf32>
      %mul3A_2653 = arith.mulf %sub3A_2651, %sub3A_2651 : vector<16xf32>
      %mul3A_2654 = arith.mulf %sub3A_2652, %sub3A_2652 : vector<16xf32>
      %add3A_2655 = arith.addf %mul3A_2653, %mul3A_2654 : vector<16xf32>
      %eq3A_2656 = vector.broadcast %add3A_46 : i32 to vector<16xi32>
      %eq3A_2657 = arith.cmpi eq, %add3A_2642, %eq3A_2656 : vector<16xi32>
      %jit3A_2658 = arith.constant 0x7F800000 : f32
      %broadcast_in_dim3A_2659 = vector.broadcast %jit3A_2658 : f32 to vector<16xf32>
      %select_n3A_2660 = arith.select %eq3A_2657, %broadcast_in_dim3A_2659, %add3A_2655 : vector<16xi1>, vector<16xf32>
      %sub3A_2661 = arith.subf %gather3A_2646, %gather3A_77 : vector<16xf32>
      %sub3A_2662 = arith.subf %gather3A_2650, %gather3A_81 : vector<16xf32>
      %mul3A_2663 = arith.mulf %sub3A_2661, %sub3A_2661 : vector<16xf32>
      %mul3A_2664 = arith.mulf %sub3A_2662, %sub3A_2662 : vector<16xf32>
      %add3A_2665 = arith.addf %mul3A_2663, %mul3A_2664 : vector<16xf32>
      %eq3A_2666 = vector.broadcast %add3A_51 : i32 to vector<16xi32>
      %eq3A_2667 = arith.cmpi eq, %add3A_2642, %eq3A_2666 : vector<16xi32>
      %jit3A_2668 = arith.constant 0x7F800000 : f32
      %broadcast_in_dim3A_2669 = vector.broadcast %jit3A_2668 : f32 to vector<16xf32>
      %select_n3A_2670 = arith.select %eq3A_2667, %broadcast_in_dim3A_2669, %add3A_2665 : vector<16xi1>, vector<16xf32>
      %sub3A_2671 = arith.subf %gather3A_2646, %gather3A_88 : vector<16xf32>
      %sub3A_2672 = arith.subf %gather3A_2650, %gather3A_92 : vector<16xf32>
      %mul3A_2673 = arith.mulf %sub3A_2671, %sub3A_2671 : vector<16xf32>
      %mul3A_2674 = arith.mulf %sub3A_2672, %sub3A_2672 : vector<16xf32>
      %add3A_2675 = arith.addf %mul3A_2673, %mul3A_2674 : vector<16xf32>
      %eq3A_2676 = vector.broadcast %add3A_56 : i32 to vector<16xi32>
      %eq3A_2677 = arith.cmpi eq, %add3A_2642, %eq3A_2676 : vector<16xi32>
      %jit3A_2678 = arith.constant 0x7F800000 : f32
      %broadcast_in_dim3A_2679 = vector.broadcast %jit3A_2678 : f32 to vector<16xf32>
      %select_n3A_2680 = arith.select %eq3A_2677, %broadcast_in_dim3A_2679, %add3A_2675 : vector<16xi1>, vector<16xf32>
      %sub3A_2681 = arith.subf %gather3A_2646, %gather3A_99 : vector<16xf32>
      %sub3A_2682 = arith.subf %gather3A_2650, %gather3A_103 : vector<16xf32>
      %mul3A_2683 = arith.mulf %sub3A_2681, %sub3A_2681 : vector<16xf32>
      %mul3A_2684 = arith.mulf %sub3A_2682, %sub3A_2682 : vector<16xf32>
      %add3A_2685 = arith.addf %mul3A_2683, %mul3A_2684 : vector<16xf32>
      %eq3A_2686 = vector.broadcast %add3A_61 : i32 to vector<16xi32>
      %eq3A_2687 = arith.cmpi eq, %add3A_2642, %eq3A_2686 : vector<16xi32>
      %jit3A_2688 = arith.constant 0x7F800000 : f32
      %broadcast_in_dim3A_2689 = vector.broadcast %jit3A_2688 : f32 to vector<16xf32>
      %select_n3A_2690 = arith.select %eq3A_2687, %broadcast_in_dim3A_2689, %add3A_2685 : vector<16xi1>, vector<16xf32>
      %masked_sort3A_2691 = arith.constant dense<true> : vector<16xi1>
      %masked_sort3A_2692, %masked_sort3A_2693, %masked_sort3A_2694 = tpu.sort %select_n3A_2660, %add3A_2642 masked %masked_sort3A_2691 {descending = true} : (vector<16xf32>, vector<16xi32>, vector<16xi1>) -> (vector<16xi1>, vector<16xf32>, vector<16xi32>)
      %masked_sort3A_2695 = arith.constant dense<true> : vector<16xi1>
      %masked_sort3A_2696, %masked_sort3A_2697, %masked_sort3A_2698 = tpu.sort %select_n3A_2670, %add3A_2642 masked %masked_sort3A_2695 {descending = true} : (vector<16xf32>, vector<16xi32>, vector<16xi1>) -> (vector<16xi1>, vector<16xf32>, vector<16xi32>)
      %masked_sort3A_2699 = arith.constant dense<true> : vector<16xi1>
      %masked_sort3A_2700, %masked_sort3A_2701, %masked_sort3A_2702 = tpu.sort %select_n3A_2680, %add3A_2642 masked %masked_sort3A_2699 {descending = true} : (vector<16xf32>, vector<16xi32>, vector<16xi1>) -> (vector<16xi1>, vector<16xf32>, vector<16xi32>)
      %masked_sort3A_2703 = arith.constant dense<true> : vector<16xi1>
      %masked_sort3A_2704, %masked_sort3A_2705, %masked_sort3A_2706 = tpu.sort %select_n3A_2690, %add3A_2642 masked %masked_sort3A_2703 {descending = true} : (vector<16xf32>, vector<16xi32>, vector<16xi1>) -> (vector<16xi1>, vector<16xf32>, vector<16xi32>)
      %lt3A_2707 = arith.cmpf olt, %masked_sort3A_2693, %masked_sort3A_2617 : vector<16xf32>
      %select_n3A_2708 = arith.select %lt3A_2707, %masked_sort3A_2693, %masked_sort3A_2617 : vector<16xi1>, vector<16xf32>
      %select_n3A_2709 = arith.select %lt3A_2707, %masked_sort3A_2694, %masked_sort3A_2618 : vector<16xi1>, vector<16xi32>
      %masked_sort3A_2710 = arith.constant dense<true> : vector<16xi1>
      %masked_sort3A_2711, %masked_sort3A_2712, %masked_sort3A_2713 = tpu.sort %select_n3A_2708, %select_n3A_2709 masked %masked_sort3A_2710 : (vector<16xf32>, vector<16xi32>, vector<16xi1>) -> (vector<16xi1>, vector<16xf32>, vector<16xi32>)
      %lt3A_2714 = arith.cmpf olt, %masked_sort3A_2697, %masked_sort3A_2624 : vector<16xf32>
      %select_n3A_2715 = arith.select %lt3A_2714, %masked_sort3A_2697, %masked_sort3A_2624 : vector<16xi1>, vector<16xf32>
      %select_n3A_2716 = arith.select %lt3A_2714, %masked_sort3A_2698, %masked_sort3A_2625 : vector<16xi1>, vector<16xi32>
      %masked_sort3A_2717 = arith.constant dense<true> : vector<16xi1>
      %masked_sort3A_2718, %masked_sort3A_2719, %masked_sort3A_2720 = tpu.sort %select_n3A_2715, %select_n3A_2716 masked %masked_sort3A_2717 : (vector<16xf32>, vector<16xi32>, vector<16xi1>) -> (vector<16xi1>, vector<16xf32>, vector<16xi32>)
      %lt3A_2721 = arith.cmpf olt, %masked_sort3A_2701, %masked_sort3A_2631 : vector<16xf32>
      %select_n3A_2722 = arith.select %lt3A_2721, %masked_sort3A_2701, %masked_sort3A_2631 : vector<16xi1>, vector<16xf32>
      %select_n3A_2723 = arith.select %lt3A_2721, %masked_sort3A_2702, %masked_sort3A_2632 : vector<16xi1>, vector<16xi32>
      %masked_sort3A_2724 = arith.constant dense<true> : vector<16xi1>
      %masked_sort3A_2725, %masked_sort3A_2726, %masked_sort3A_2727 = tpu.sort %select_n3A_2722, %select_n3A_2723 masked %masked_sort3A_2724 : (vector<16xf32>, vector<16xi32>, vector<16xi1>) -> (vector<16xi1>, vector<16xf32>, vector<16xi32>)
      %lt3A_2728 = arith.cmpf olt, %masked_sort3A_2705, %masked_sort3A_2638 : vector<16xf32>
      %select_n3A_2729 = arith.select %lt3A_2728, %masked_sort3A_2705, %masked_sort3A_2638 : vector<16xi1>, vector<16xf32>
      %select_n3A_2730 = arith.select %lt3A_2728, %masked_sort3A_2706, %masked_sort3A_2639 : vector<16xi1>, vector<16xi32>
      %masked_sort3A_2731 = arith.constant dense<true> : vector<16xi1>
      %masked_sort3A_2732, %masked_sort3A_2733, %masked_sort3A_2734 = tpu.sort %select_n3A_2729, %select_n3A_2730 masked %masked_sort3A_2731 : (vector<16xf32>, vector<16xi32>, vector<16xi1>) -> (vector<16xi1>, vector<16xf32>, vector<16xi32>)
      %add3A_2735 = arith.constant 448 : i32
      %add3A_2736 = vector.broadcast %add3A_2735 : i32 to vector<16xi32>
      %add3A_2737 = arith.addi %iota3A, %add3A_2736 : vector<16xi32>
      %add3A_2738 = arith.constant 896 : i32
      %add3A_2739 = vector.broadcast %add3A_2738 : i32 to vector<16xi32>
      %add3A_2740 = arith.addi %mul3A_33, %add3A_2739 : vector<16xi32>
      %gather3A_2741 = tpu.vector_load_idx %arg4[%add3A_2740] : memref<1024xf32, #tpu.memory_space<vmem>>[vector<16xi32>], vector<16xf32>,
      %add3A_2742 = arith.constant 1 : i32
      %add3A_2743 = vector.broadcast %add3A_2742 : i32 to vector<16xi32>
      %add3A_2744 = arith.addi %add3A_2740, %add3A_2743 : vector<16xi32>
      %gather3A_2745 = tpu.vector_load_idx %arg4[%add3A_2744] : memref<1024xf32, #tpu.memory_space<vmem>>[vector<16xi32>], vector<16xf32>,
      %sub3A_2746 = arith.subf %gather3A_2741, %gather3A : vector<16xf32>
      %sub3A_2747 = arith.subf %gather3A_2745, %gather3A_70 : vector<16xf32>
      %mul3A_2748 = arith.mulf %sub3A_2746, %sub3A_2746 : vector<16xf32>
      %mul3A_2749 = arith.mulf %sub3A_2747, %sub3A_2747 : vector<16xf32>
      %add3A_2750 = arith.addf %mul3A_2748, %mul3A_2749 : vector<16xf32>
      %eq3A_2751 = vector.broadcast %add3A_46 : i32 to vector<16xi32>
      %eq3A_2752 = arith.cmpi eq, %add3A_2737, %eq3A_2751 : vector<16xi32>
      %jit3A_2753 = arith.constant 0x7F800000 : f32
      %broadcast_in_dim3A_2754 = vector.broadcast %jit3A_2753 : f32 to vector<16xf32>
      %select_n3A_2755 = arith.select %eq3A_2752, %broadcast_in_dim3A_2754, %add3A_2750 : vector<16xi1>, vector<16xf32>
      %sub3A_2756 = arith.subf %gather3A_2741, %gather3A_77 : vector<16xf32>
      %sub3A_2757 = arith.subf %gather3A_2745, %gather3A_81 : vector<16xf32>
      %mul3A_2758 = arith.mulf %sub3A_2756, %sub3A_2756 : vector<16xf32>
      %mul3A_2759 = arith.mulf %sub3A_2757, %sub3A_2757 : vector<16xf32>
      %add3A_2760 = arith.addf %mul3A_2758, %mul3A_2759 : vector<16xf32>
      %eq3A_2761 = vector.broadcast %add3A_51 : i32 to vector<16xi32>
      %eq3A_2762 = arith.cmpi eq, %add3A_2737, %eq3A_2761 : vector<16xi32>
      %jit3A_2763 = arith.constant 0x7F800000 : f32
      %broadcast_in_dim3A_2764 = vector.broadcast %jit3A_2763 : f32 to vector<16xf32>
      %select_n3A_2765 = arith.select %eq3A_2762, %broadcast_in_dim3A_2764, %add3A_2760 : vector<16xi1>, vector<16xf32>
      %sub3A_2766 = arith.subf %gather3A_2741, %gather3A_88 : vector<16xf32>
      %sub3A_2767 = arith.subf %gather3A_2745, %gather3A_92 : vector<16xf32>
      %mul3A_2768 = arith.mulf %sub3A_2766, %sub3A_2766 : vector<16xf32>
      %mul3A_2769 = arith.mulf %sub3A_2767, %sub3A_2767 : vector<16xf32>
      %add3A_2770 = arith.addf %mul3A_2768, %mul3A_2769 : vector<16xf32>
      %eq3A_2771 = vector.broadcast %add3A_56 : i32 to vector<16xi32>
      %eq3A_2772 = arith.cmpi eq, %add3A_2737, %eq3A_2771 : vector<16xi32>
      %jit3A_2773 = arith.constant 0x7F800000 : f32
      %broadcast_in_dim3A_2774 = vector.broadcast %jit3A_2773 : f32 to vector<16xf32>
      %select_n3A_2775 = arith.select %eq3A_2772, %broadcast_in_dim3A_2774, %add3A_2770 : vector<16xi1>, vector<16xf32>
      %sub3A_2776 = arith.subf %gather3A_2741, %gather3A_99 : vector<16xf32>
      %sub3A_2777 = arith.subf %gather3A_2745, %gather3A_103 : vector<16xf32>
      %mul3A_2778 = arith.mulf %sub3A_2776, %sub3A_2776 : vector<16xf32>
      %mul3A_2779 = arith.mulf %sub3A_2777, %sub3A_2777 : vector<16xf32>
      %add3A_2780 = arith.addf %mul3A_2778, %mul3A_2779 : vector<16xf32>
      %eq3A_2781 = vector.broadcast %add3A_61 : i32 to vector<16xi32>
      %eq3A_2782 = arith.cmpi eq, %add3A_2737, %eq3A_2781 : vector<16xi32>
      %jit3A_2783 = arith.constant 0x7F800000 : f32
      %broadcast_in_dim3A_2784 = vector.broadcast %jit3A_2783 : f32 to vector<16xf32>
      %select_n3A_2785 = arith.select %eq3A_2782, %broadcast_in_dim3A_2784, %add3A_2780 : vector<16xi1>, vector<16xf32>
      %masked_sort3A_2786 = arith.constant dense<true> : vector<16xi1>
      %masked_sort3A_2787, %masked_sort3A_2788, %masked_sort3A_2789 = tpu.sort %select_n3A_2755, %add3A_2737 masked %masked_sort3A_2786 {descending = true} : (vector<16xf32>, vector<16xi32>, vector<16xi1>) -> (vector<16xi1>, vector<16xf32>, vector<16xi32>)
      %masked_sort3A_2790 = arith.constant dense<true> : vector<16xi1>
      %masked_sort3A_2791, %masked_sort3A_2792, %masked_sort3A_2793 = tpu.sort %select_n3A_2765, %add3A_2737 masked %masked_sort3A_2790 {descending = true} : (vector<16xf32>, vector<16xi32>, vector<16xi1>) -> (vector<16xi1>, vector<16xf32>, vector<16xi32>)
      %masked_sort3A_2794 = arith.constant dense<true> : vector<16xi1>
      %masked_sort3A_2795, %masked_sort3A_2796, %masked_sort3A_2797 = tpu.sort %select_n3A_2775, %add3A_2737 masked %masked_sort3A_2794 {descending = true} : (vector<16xf32>, vector<16xi32>, vector<16xi1>) -> (vector<16xi1>, vector<16xf32>, vector<16xi32>)
      %masked_sort3A_2798 = arith.constant dense<true> : vector<16xi1>
      %masked_sort3A_2799, %masked_sort3A_2800, %masked_sort3A_2801 = tpu.sort %select_n3A_2785, %add3A_2737 masked %masked_sort3A_2798 {descending = true} : (vector<16xf32>, vector<16xi32>, vector<16xi1>) -> (vector<16xi1>, vector<16xf32>, vector<16xi32>)
      %lt3A_2802 = arith.cmpf olt, %masked_sort3A_2788, %masked_sort3A_2712 : vector<16xf32>
      %select_n3A_2803 = arith.select %lt3A_2802, %masked_sort3A_2788, %masked_sort3A_2712 : vector<16xi1>, vector<16xf32>
      %select_n3A_2804 = arith.select %lt3A_2802, %masked_sort3A_2789, %masked_sort3A_2713 : vector<16xi1>, vector<16xi32>
      %masked_sort3A_2805 = arith.constant dense<true> : vector<16xi1>
      %masked_sort3A_2806, %masked_sort3A_2807, %masked_sort3A_2808 = tpu.sort %select_n3A_2803, %select_n3A_2804 masked %masked_sort3A_2805 : (vector<16xf32>, vector<16xi32>, vector<16xi1>) -> (vector<16xi1>, vector<16xf32>, vector<16xi32>)
      %lt3A_2809 = arith.cmpf olt, %masked_sort3A_2792, %masked_sort3A_2719 : vector<16xf32>
      %select_n3A_2810 = arith.select %lt3A_2809, %masked_sort3A_2792, %masked_sort3A_2719 : vector<16xi1>, vector<16xf32>
      %select_n3A_2811 = arith.select %lt3A_2809, %masked_sort3A_2793, %masked_sort3A_2720 : vector<16xi1>, vector<16xi32>
      %masked_sort3A_2812 = arith.constant dense<true> : vector<16xi1>
      %masked_sort3A_2813, %masked_sort3A_2814, %masked_sort3A_2815 = tpu.sort %select_n3A_2810, %select_n3A_2811 masked %masked_sort3A_2812 : (vector<16xf32>, vector<16xi32>, vector<16xi1>) -> (vector<16xi1>, vector<16xf32>, vector<16xi32>)
      %lt3A_2816 = arith.cmpf olt, %masked_sort3A_2796, %masked_sort3A_2726 : vector<16xf32>
      %select_n3A_2817 = arith.select %lt3A_2816, %masked_sort3A_2796, %masked_sort3A_2726 : vector<16xi1>, vector<16xf32>
      %select_n3A_2818 = arith.select %lt3A_2816, %masked_sort3A_2797, %masked_sort3A_2727 : vector<16xi1>, vector<16xi32>
      %masked_sort3A_2819 = arith.constant dense<true> : vector<16xi1>
      %masked_sort3A_2820, %masked_sort3A_2821, %masked_sort3A_2822 = tpu.sort %select_n3A_2817, %select_n3A_2818 masked %masked_sort3A_2819 : (vector<16xf32>, vector<16xi32>, vector<16xi1>) -> (vector<16xi1>, vector<16xf32>, vector<16xi32>)
      %lt3A_2823 = arith.cmpf olt, %masked_sort3A_2800, %masked_sort3A_2733 : vector<16xf32>
      %select_n3A_2824 = arith.select %lt3A_2823, %masked_sort3A_2800, %masked_sort3A_2733 : vector<16xi1>, vector<16xf32>
      %select_n3A_2825 = arith.select %lt3A_2823, %masked_sort3A_2801, %masked_sort3A_2734 : vector<16xi1>, vector<16xi32>
      %masked_sort3A_2826 = arith.constant dense<true> : vector<16xi1>
      %masked_sort3A_2827, %masked_sort3A_2828, %masked_sort3A_2829 = tpu.sort %select_n3A_2824, %select_n3A_2825 masked %masked_sort3A_2826 : (vector<16xf32>, vector<16xi32>, vector<16xi1>) -> (vector<16xi1>, vector<16xf32>, vector<16xi32>)
      %add3A_2830 = arith.constant 464 : i32
      %add3A_2831 = vector.broadcast %add3A_2830 : i32 to vector<16xi32>
      %add3A_2832 = arith.addi %iota3A, %add3A_2831 : vector<16xi32>
      %add3A_2833 = arith.constant 928 : i32
      %add3A_2834 = vector.broadcast %add3A_2833 : i32 to vector<16xi32>
      %add3A_2835 = arith.addi %mul3A_33, %add3A_2834 : vector<16xi32>
      %gather3A_2836 = tpu.vector_load_idx %arg4[%add3A_2835] : memref<1024xf32, #tpu.memory_space<vmem>>[vector<16xi32>], vector<16xf32>,
      %add3A_2837 = arith.constant 1 : i32
      %add3A_2838 = vector.broadcast %add3A_2837 : i32 to vector<16xi32>
      %add3A_2839 = arith.addi %add3A_2835, %add3A_2838 : vector<16xi32>
      %gather3A_2840 = tpu.vector_load_idx %arg4[%add3A_2839] : memref<1024xf32, #tpu.memory_space<vmem>>[vector<16xi32>], vector<16xf32>,
      %sub3A_2841 = arith.subf %gather3A_2836, %gather3A : vector<16xf32>
      %sub3A_2842 = arith.subf %gather3A_2840, %gather3A_70 : vector<16xf32>
      %mul3A_2843 = arith.mulf %sub3A_2841, %sub3A_2841 : vector<16xf32>
      %mul3A_2844 = arith.mulf %sub3A_2842, %sub3A_2842 : vector<16xf32>
      %add3A_2845 = arith.addf %mul3A_2843, %mul3A_2844 : vector<16xf32>
      %eq3A_2846 = vector.broadcast %add3A_46 : i32 to vector<16xi32>
      %eq3A_2847 = arith.cmpi eq, %add3A_2832, %eq3A_2846 : vector<16xi32>
      %jit3A_2848 = arith.constant 0x7F800000 : f32
      %broadcast_in_dim3A_2849 = vector.broadcast %jit3A_2848 : f32 to vector<16xf32>
      %select_n3A_2850 = arith.select %eq3A_2847, %broadcast_in_dim3A_2849, %add3A_2845 : vector<16xi1>, vector<16xf32>
      %sub3A_2851 = arith.subf %gather3A_2836, %gather3A_77 : vector<16xf32>
      %sub3A_2852 = arith.subf %gather3A_2840, %gather3A_81 : vector<16xf32>
      %mul3A_2853 = arith.mulf %sub3A_2851, %sub3A_2851 : vector<16xf32>
      %mul3A_2854 = arith.mulf %sub3A_2852, %sub3A_2852 : vector<16xf32>
      %add3A_2855 = arith.addf %mul3A_2853, %mul3A_2854 : vector<16xf32>
      %eq3A_2856 = vector.broadcast %add3A_51 : i32 to vector<16xi32>
      %eq3A_2857 = arith.cmpi eq, %add3A_2832, %eq3A_2856 : vector<16xi32>
      %jit3A_2858 = arith.constant 0x7F800000 : f32
      %broadcast_in_dim3A_2859 = vector.broadcast %jit3A_2858 : f32 to vector<16xf32>
      %select_n3A_2860 = arith.select %eq3A_2857, %broadcast_in_dim3A_2859, %add3A_2855 : vector<16xi1>, vector<16xf32>
      %sub3A_2861 = arith.subf %gather3A_2836, %gather3A_88 : vector<16xf32>
      %sub3A_2862 = arith.subf %gather3A_2840, %gather3A_92 : vector<16xf32>
      %mul3A_2863 = arith.mulf %sub3A_2861, %sub3A_2861 : vector<16xf32>
      %mul3A_2864 = arith.mulf %sub3A_2862, %sub3A_2862 : vector<16xf32>
      %add3A_2865 = arith.addf %mul3A_2863, %mul3A_2864 : vector<16xf32>
      %eq3A_2866 = vector.broadcast %add3A_56 : i32 to vector<16xi32>
      %eq3A_2867 = arith.cmpi eq, %add3A_2832, %eq3A_2866 : vector<16xi32>
      %jit3A_2868 = arith.constant 0x7F800000 : f32
      %broadcast_in_dim3A_2869 = vector.broadcast %jit3A_2868 : f32 to vector<16xf32>
      %select_n3A_2870 = arith.select %eq3A_2867, %broadcast_in_dim3A_2869, %add3A_2865 : vector<16xi1>, vector<16xf32>
      %sub3A_2871 = arith.subf %gather3A_2836, %gather3A_99 : vector<16xf32>
      %sub3A_2872 = arith.subf %gather3A_2840, %gather3A_103 : vector<16xf32>
      %mul3A_2873 = arith.mulf %sub3A_2871, %sub3A_2871 : vector<16xf32>
      %mul3A_2874 = arith.mulf %sub3A_2872, %sub3A_2872 : vector<16xf32>
      %add3A_2875 = arith.addf %mul3A_2873, %mul3A_2874 : vector<16xf32>
      %eq3A_2876 = vector.broadcast %add3A_61 : i32 to vector<16xi32>
      %eq3A_2877 = arith.cmpi eq, %add3A_2832, %eq3A_2876 : vector<16xi32>
      %jit3A_2878 = arith.constant 0x7F800000 : f32
      %broadcast_in_dim3A_2879 = vector.broadcast %jit3A_2878 : f32 to vector<16xf32>
      %select_n3A_2880 = arith.select %eq3A_2877, %broadcast_in_dim3A_2879, %add3A_2875 : vector<16xi1>, vector<16xf32>
      %masked_sort3A_2881 = arith.constant dense<true> : vector<16xi1>
      %masked_sort3A_2882, %masked_sort3A_2883, %masked_sort3A_2884 = tpu.sort %select_n3A_2850, %add3A_2832 masked %masked_sort3A_2881 {descending = true} : (vector<16xf32>, vector<16xi32>, vector<16xi1>) -> (vector<16xi1>, vector<16xf32>, vector<16xi32>)
      %masked_sort3A_2885 = arith.constant dense<true> : vector<16xi1>
      %masked_sort3A_2886, %masked_sort3A_2887, %masked_sort3A_2888 = tpu.sort %select_n3A_2860, %add3A_2832 masked %masked_sort3A_2885 {descending = true} : (vector<16xf32>, vector<16xi32>, vector<16xi1>) -> (vector<16xi1>, vector<16xf32>, vector<16xi32>)
      %masked_sort3A_2889 = arith.constant dense<true> : vector<16xi1>
      %masked_sort3A_2890, %masked_sort3A_2891, %masked_sort3A_2892 = tpu.sort %select_n3A_2870, %add3A_2832 masked %masked_sort3A_2889 {descending = true} : (vector<16xf32>, vector<16xi32>, vector<16xi1>) -> (vector<16xi1>, vector<16xf32>, vector<16xi32>)
      %masked_sort3A_2893 = arith.constant dense<true> : vector<16xi1>
      %masked_sort3A_2894, %masked_sort3A_2895, %masked_sort3A_2896 = tpu.sort %select_n3A_2880, %add3A_2832 masked %masked_sort3A_2893 {descending = true} : (vector<16xf32>, vector<16xi32>, vector<16xi1>) -> (vector<16xi1>, vector<16xf32>, vector<16xi32>)
      %lt3A_2897 = arith.cmpf olt, %masked_sort3A_2883, %masked_sort3A_2807 : vector<16xf32>
      %select_n3A_2898 = arith.select %lt3A_2897, %masked_sort3A_2883, %masked_sort3A_2807 : vector<16xi1>, vector<16xf32>
      %select_n3A_2899 = arith.select %lt3A_2897, %masked_sort3A_2884, %masked_sort3A_2808 : vector<16xi1>, vector<16xi32>
      %masked_sort3A_2900 = arith.constant dense<true> : vector<16xi1>
      %masked_sort3A_2901, %masked_sort3A_2902, %masked_sort3A_2903 = tpu.sort %select_n3A_2898, %select_n3A_2899 masked %masked_sort3A_2900 : (vector<16xf32>, vector<16xi32>, vector<16xi1>) -> (vector<16xi1>, vector<16xf32>, vector<16xi32>)
      %lt3A_2904 = arith.cmpf olt, %masked_sort3A_2887, %masked_sort3A_2814 : vector<16xf32>
      %select_n3A_2905 = arith.select %lt3A_2904, %masked_sort3A_2887, %masked_sort3A_2814 : vector<16xi1>, vector<16xf32>
      %select_n3A_2906 = arith.select %lt3A_2904, %masked_sort3A_2888, %masked_sort3A_2815 : vector<16xi1>, vector<16xi32>
      %masked_sort3A_2907 = arith.constant dense<true> : vector<16xi1>
      %masked_sort3A_2908, %masked_sort3A_2909, %masked_sort3A_2910 = tpu.sort %select_n3A_2905, %select_n3A_2906 masked %masked_sort3A_2907 : (vector<16xf32>, vector<16xi32>, vector<16xi1>) -> (vector<16xi1>, vector<16xf32>, vector<16xi32>)
      %lt3A_2911 = arith.cmpf olt, %masked_sort3A_2891, %masked_sort3A_2821 : vector<16xf32>
      %select_n3A_2912 = arith.select %lt3A_2911, %masked_sort3A_2891, %masked_sort3A_2821 : vector<16xi1>, vector<16xf32>
      %select_n3A_2913 = arith.select %lt3A_2911, %masked_sort3A_2892, %masked_sort3A_2822 : vector<16xi1>, vector<16xi32>
      %masked_sort3A_2914 = arith.constant dense<true> : vector<16xi1>
      %masked_sort3A_2915, %masked_sort3A_2916, %masked_sort3A_2917 = tpu.sort %select_n3A_2912, %select_n3A_2913 masked %masked_sort3A_2914 : (vector<16xf32>, vector<16xi32>, vector<16xi1>) -> (vector<16xi1>, vector<16xf32>, vector<16xi32>)
      %lt3A_2918 = arith.cmpf olt, %masked_sort3A_2895, %masked_sort3A_2828 : vector<16xf32>
      %select_n3A_2919 = arith.select %lt3A_2918, %masked_sort3A_2895, %masked_sort3A_2828 : vector<16xi1>, vector<16xf32>
      %select_n3A_2920 = arith.select %lt3A_2918, %masked_sort3A_2896, %masked_sort3A_2829 : vector<16xi1>, vector<16xi32>
      %masked_sort3A_2921 = arith.constant dense<true> : vector<16xi1>
      %masked_sort3A_2922, %masked_sort3A_2923, %masked_sort3A_2924 = tpu.sort %select_n3A_2919, %select_n3A_2920 masked %masked_sort3A_2921 : (vector<16xf32>, vector<16xi32>, vector<16xi1>) -> (vector<16xi1>, vector<16xf32>, vector<16xi32>)
      %add3A_2925 = arith.constant 480 : i32
      %add3A_2926 = vector.broadcast %add3A_2925 : i32 to vector<16xi32>
      %add3A_2927 = arith.addi %iota3A, %add3A_2926 : vector<16xi32>
      %add3A_2928 = arith.constant 960 : i32
      %add3A_2929 = vector.broadcast %add3A_2928 : i32 to vector<16xi32>
      %add3A_2930 = arith.addi %mul3A_33, %add3A_2929 : vector<16xi32>
      %gather3A_2931 = tpu.vector_load_idx %arg4[%add3A_2930] : memref<1024xf32, #tpu.memory_space<vmem>>[vector<16xi32>], vector<16xf32>,
      %add3A_2932 = arith.constant 1 : i32
      %add3A_2933 = vector.broadcast %add3A_2932 : i32 to vector<16xi32>
      %add3A_2934 = arith.addi %add3A_2930, %add3A_2933 : vector<16xi32>
      %gather3A_2935 = tpu.vector_load_idx %arg4[%add3A_2934] : memref<1024xf32, #tpu.memory_space<vmem>>[vector<16xi32>], vector<16xf32>,
      %sub3A_2936 = arith.subf %gather3A_2931, %gather3A : vector<16xf32>
      %sub3A_2937 = arith.subf %gather3A_2935, %gather3A_70 : vector<16xf32>
      %mul3A_2938 = arith.mulf %sub3A_2936, %sub3A_2936 : vector<16xf32>
      %mul3A_2939 = arith.mulf %sub3A_2937, %sub3A_2937 : vector<16xf32>
      %add3A_2940 = arith.addf %mul3A_2938, %mul3A_2939 : vector<16xf32>
      %eq3A_2941 = vector.broadcast %add3A_46 : i32 to vector<16xi32>
      %eq3A_2942 = arith.cmpi eq, %add3A_2927, %eq3A_2941 : vector<16xi32>
      %jit3A_2943 = arith.constant 0x7F800000 : f32
      %broadcast_in_dim3A_2944 = vector.broadcast %jit3A_2943 : f32 to vector<16xf32>
      %select_n3A_2945 = arith.select %eq3A_2942, %broadcast_in_dim3A_2944, %add3A_2940 : vector<16xi1>, vector<16xf32>
      %sub3A_2946 = arith.subf %gather3A_2931, %gather3A_77 : vector<16xf32>
      %sub3A_2947 = arith.subf %gather3A_2935, %gather3A_81 : vector<16xf32>
      %mul3A_2948 = arith.mulf %sub3A_2946, %sub3A_2946 : vector<16xf32>
      %mul3A_2949 = arith.mulf %sub3A_2947, %sub3A_2947 : vector<16xf32>
      %add3A_2950 = arith.addf %mul3A_2948, %mul3A_2949 : vector<16xf32>
      %eq3A_2951 = vector.broadcast %add3A_51 : i32 to vector<16xi32>
      %eq3A_2952 = arith.cmpi eq, %add3A_2927, %eq3A_2951 : vector<16xi32>
      %jit3A_2953 = arith.constant 0x7F800000 : f32
      %broadcast_in_dim3A_2954 = vector.broadcast %jit3A_2953 : f32 to vector<16xf32>
      %select_n3A_2955 = arith.select %eq3A_2952, %broadcast_in_dim3A_2954, %add3A_2950 : vector<16xi1>, vector<16xf32>
      %sub3A_2956 = arith.subf %gather3A_2931, %gather3A_88 : vector<16xf32>
      %sub3A_2957 = arith.subf %gather3A_2935, %gather3A_92 : vector<16xf32>
      %mul3A_2958 = arith.mulf %sub3A_2956, %sub3A_2956 : vector<16xf32>
      %mul3A_2959 = arith.mulf %sub3A_2957, %sub3A_2957 : vector<16xf32>
      %add3A_2960 = arith.addf %mul3A_2958, %mul3A_2959 : vector<16xf32>
      %eq3A_2961 = vector.broadcast %add3A_56 : i32 to vector<16xi32>
      %eq3A_2962 = arith.cmpi eq, %add3A_2927, %eq3A_2961 : vector<16xi32>
      %jit3A_2963 = arith.constant 0x7F800000 : f32
      %broadcast_in_dim3A_2964 = vector.broadcast %jit3A_2963 : f32 to vector<16xf32>
      %select_n3A_2965 = arith.select %eq3A_2962, %broadcast_in_dim3A_2964, %add3A_2960 : vector<16xi1>, vector<16xf32>
      %sub3A_2966 = arith.subf %gather3A_2931, %gather3A_99 : vector<16xf32>
      %sub3A_2967 = arith.subf %gather3A_2935, %gather3A_103 : vector<16xf32>
      %mul3A_2968 = arith.mulf %sub3A_2966, %sub3A_2966 : vector<16xf32>
      %mul3A_2969 = arith.mulf %sub3A_2967, %sub3A_2967 : vector<16xf32>
      %add3A_2970 = arith.addf %mul3A_2968, %mul3A_2969 : vector<16xf32>
      %eq3A_2971 = vector.broadcast %add3A_61 : i32 to vector<16xi32>
      %eq3A_2972 = arith.cmpi eq, %add3A_2927, %eq3A_2971 : vector<16xi32>
      %jit3A_2973 = arith.constant 0x7F800000 : f32
      %broadcast_in_dim3A_2974 = vector.broadcast %jit3A_2973 : f32 to vector<16xf32>
      %select_n3A_2975 = arith.select %eq3A_2972, %broadcast_in_dim3A_2974, %add3A_2970 : vector<16xi1>, vector<16xf32>
      %masked_sort3A_2976 = arith.constant dense<true> : vector<16xi1>
      %masked_sort3A_2977, %masked_sort3A_2978, %masked_sort3A_2979 = tpu.sort %select_n3A_2945, %add3A_2927 masked %masked_sort3A_2976 {descending = true} : (vector<16xf32>, vector<16xi32>, vector<16xi1>) -> (vector<16xi1>, vector<16xf32>, vector<16xi32>)
      %masked_sort3A_2980 = arith.constant dense<true> : vector<16xi1>
      %masked_sort3A_2981, %masked_sort3A_2982, %masked_sort3A_2983 = tpu.sort %select_n3A_2955, %add3A_2927 masked %masked_sort3A_2980 {descending = true} : (vector<16xf32>, vector<16xi32>, vector<16xi1>) -> (vector<16xi1>, vector<16xf32>, vector<16xi32>)
      %masked_sort3A_2984 = arith.constant dense<true> : vector<16xi1>
      %masked_sort3A_2985, %masked_sort3A_2986, %masked_sort3A_2987 = tpu.sort %select_n3A_2965, %add3A_2927 masked %masked_sort3A_2984 {descending = true} : (vector<16xf32>, vector<16xi32>, vector<16xi1>) -> (vector<16xi1>, vector<16xf32>, vector<16xi32>)
      %masked_sort3A_2988 = arith.constant dense<true> : vector<16xi1>
      %masked_sort3A_2989, %masked_sort3A_2990, %masked_sort3A_2991 = tpu.sort %select_n3A_2975, %add3A_2927 masked %masked_sort3A_2988 {descending = true} : (vector<16xf32>, vector<16xi32>, vector<16xi1>) -> (vector<16xi1>, vector<16xf32>, vector<16xi32>)
      %lt3A_2992 = arith.cmpf olt, %masked_sort3A_2978, %masked_sort3A_2902 : vector<16xf32>
      %select_n3A_2993 = arith.select %lt3A_2992, %masked_sort3A_2978, %masked_sort3A_2902 : vector<16xi1>, vector<16xf32>
      %select_n3A_2994 = arith.select %lt3A_2992, %masked_sort3A_2979, %masked_sort3A_2903 : vector<16xi1>, vector<16xi32>
      %masked_sort3A_2995 = arith.constant dense<true> : vector<16xi1>
      %masked_sort3A_2996, %masked_sort3A_2997, %masked_sort3A_2998 = tpu.sort %select_n3A_2993, %select_n3A_2994 masked %masked_sort3A_2995 : (vector<16xf32>, vector<16xi32>, vector<16xi1>) -> (vector<16xi1>, vector<16xf32>, vector<16xi32>)
      %lt3A_2999 = arith.cmpf olt, %masked_sort3A_2982, %masked_sort3A_2909 : vector<16xf32>
      %select_n3A_3000 = arith.select %lt3A_2999, %masked_sort3A_2982, %masked_sort3A_2909 : vector<16xi1>, vector<16xf32>
      %select_n3A_3001 = arith.select %lt3A_2999, %masked_sort3A_2983, %masked_sort3A_2910 : vector<16xi1>, vector<16xi32>
      %masked_sort3A_3002 = arith.constant dense<true> : vector<16xi1>
      %masked_sort3A_3003, %masked_sort3A_3004, %masked_sort3A_3005 = tpu.sort %select_n3A_3000, %select_n3A_3001 masked %masked_sort3A_3002 : (vector<16xf32>, vector<16xi32>, vector<16xi1>) -> (vector<16xi1>, vector<16xf32>, vector<16xi32>)
      %lt3A_3006 = arith.cmpf olt, %masked_sort3A_2986, %masked_sort3A_2916 : vector<16xf32>
      %select_n3A_3007 = arith.select %lt3A_3006, %masked_sort3A_2986, %masked_sort3A_2916 : vector<16xi1>, vector<16xf32>
      %select_n3A_3008 = arith.select %lt3A_3006, %masked_sort3A_2987, %masked_sort3A_2917 : vector<16xi1>, vector<16xi32>
      %masked_sort3A_3009 = arith.constant dense<true> : vector<16xi1>
      %masked_sort3A_3010, %masked_sort3A_3011, %masked_sort3A_3012 = tpu.sort %select_n3A_3007, %select_n3A_3008 masked %masked_sort3A_3009 : (vector<16xf32>, vector<16xi32>, vector<16xi1>) -> (vector<16xi1>, vector<16xf32>, vector<16xi32>)
      %lt3A_3013 = arith.cmpf olt, %masked_sort3A_2990, %masked_sort3A_2923 : vector<16xf32>
      %select_n3A_3014 = arith.select %lt3A_3013, %masked_sort3A_2990, %masked_sort3A_2923 : vector<16xi1>, vector<16xf32>
      %select_n3A_3015 = arith.select %lt3A_3013, %masked_sort3A_2991, %masked_sort3A_2924 : vector<16xi1>, vector<16xi32>
      %masked_sort3A_3016 = arith.constant dense<true> : vector<16xi1>
      %masked_sort3A_3017, %masked_sort3A_3018, %masked_sort3A_3019 = tpu.sort %select_n3A_3014, %select_n3A_3015 masked %masked_sort3A_3016 : (vector<16xf32>, vector<16xi32>, vector<16xi1>) -> (vector<16xi1>, vector<16xf32>, vector<16xi32>)
      %add3A_3020 = arith.constant 496 : i32
      %add3A_3021 = vector.broadcast %add3A_3020 : i32 to vector<16xi32>
      %add3A_3022 = arith.addi %iota3A, %add3A_3021 : vector<16xi32>
      %add3A_3023 = arith.constant 992 : i32
      %add3A_3024 = vector.broadcast %add3A_3023 : i32 to vector<16xi32>
      %add3A_3025 = arith.addi %mul3A_33, %add3A_3024 : vector<16xi32>
      %gather3A_3026 = tpu.vector_load_idx %arg4[%add3A_3025] : memref<1024xf32, #tpu.memory_space<vmem>>[vector<16xi32>], vector<16xf32>,
      %add3A_3027 = arith.constant 1 : i32
      %add3A_3028 = vector.broadcast %add3A_3027 : i32 to vector<16xi32>
      %add3A_3029 = arith.addi %add3A_3025, %add3A_3028 : vector<16xi32>
      %gather3A_3030 = tpu.vector_load_idx %arg4[%add3A_3029] : memref<1024xf32, #tpu.memory_space<vmem>>[vector<16xi32>], vector<16xf32>,
      %sub3A_3031 = arith.subf %gather3A_3026, %gather3A : vector<16xf32>
      %sub3A_3032 = arith.subf %gather3A_3030, %gather3A_70 : vector<16xf32>
      %mul3A_3033 = arith.mulf %sub3A_3031, %sub3A_3031 : vector<16xf32>
      %mul3A_3034 = arith.mulf %sub3A_3032, %sub3A_3032 : vector<16xf32>
      %add3A_3035 = arith.addf %mul3A_3033, %mul3A_3034 : vector<16xf32>
      %eq3A_3036 = vector.broadcast %add3A_46 : i32 to vector<16xi32>
      %eq3A_3037 = arith.cmpi eq, %add3A_3022, %eq3A_3036 : vector<16xi32>
      %jit3A_3038 = arith.constant 0x7F800000 : f32
      %broadcast_in_dim3A_3039 = vector.broadcast %jit3A_3038 : f32 to vector<16xf32>
      %select_n3A_3040 = arith.select %eq3A_3037, %broadcast_in_dim3A_3039, %add3A_3035 : vector<16xi1>, vector<16xf32>
      %sub3A_3041 = arith.subf %gather3A_3026, %gather3A_77 : vector<16xf32>
      %sub3A_3042 = arith.subf %gather3A_3030, %gather3A_81 : vector<16xf32>
      %mul3A_3043 = arith.mulf %sub3A_3041, %sub3A_3041 : vector<16xf32>
      %mul3A_3044 = arith.mulf %sub3A_3042, %sub3A_3042 : vector<16xf32>
      %add3A_3045 = arith.addf %mul3A_3043, %mul3A_3044 : vector<16xf32>
      %eq3A_3046 = vector.broadcast %add3A_51 : i32 to vector<16xi32>
      %eq3A_3047 = arith.cmpi eq, %add3A_3022, %eq3A_3046 : vector<16xi32>
      %jit3A_3048 = arith.constant 0x7F800000 : f32
      %broadcast_in_dim3A_3049 = vector.broadcast %jit3A_3048 : f32 to vector<16xf32>
      %select_n3A_3050 = arith.select %eq3A_3047, %broadcast_in_dim3A_3049, %add3A_3045 : vector<16xi1>, vector<16xf32>
      %sub3A_3051 = arith.subf %gather3A_3026, %gather3A_88 : vector<16xf32>
      %sub3A_3052 = arith.subf %gather3A_3030, %gather3A_92 : vector<16xf32>
      %mul3A_3053 = arith.mulf %sub3A_3051, %sub3A_3051 : vector<16xf32>
      %mul3A_3054 = arith.mulf %sub3A_3052, %sub3A_3052 : vector<16xf32>
      %add3A_3055 = arith.addf %mul3A_3053, %mul3A_3054 : vector<16xf32>
      %eq3A_3056 = vector.broadcast %add3A_56 : i32 to vector<16xi32>
      %eq3A_3057 = arith.cmpi eq, %add3A_3022, %eq3A_3056 : vector<16xi32>
      %jit3A_3058 = arith.constant 0x7F800000 : f32
      %broadcast_in_dim3A_3059 = vector.broadcast %jit3A_3058 : f32 to vector<16xf32>
      %select_n3A_3060 = arith.select %eq3A_3057, %broadcast_in_dim3A_3059, %add3A_3055 : vector<16xi1>, vector<16xf32>
      %sub3A_3061 = arith.subf %gather3A_3026, %gather3A_99 : vector<16xf32>
      %sub3A_3062 = arith.subf %gather3A_3030, %gather3A_103 : vector<16xf32>
      %mul3A_3063 = arith.mulf %sub3A_3061, %sub3A_3061 : vector<16xf32>
      %mul3A_3064 = arith.mulf %sub3A_3062, %sub3A_3062 : vector<16xf32>
      %add3A_3065 = arith.addf %mul3A_3063, %mul3A_3064 : vector<16xf32>
      %eq3A_3066 = vector.broadcast %add3A_61 : i32 to vector<16xi32>
      %eq3A_3067 = arith.cmpi eq, %add3A_3022, %eq3A_3066 : vector<16xi32>
      %jit3A_3068 = arith.constant 0x7F800000 : f32
      %broadcast_in_dim3A_3069 = vector.broadcast %jit3A_3068 : f32 to vector<16xf32>
      %select_n3A_3070 = arith.select %eq3A_3067, %broadcast_in_dim3A_3069, %add3A_3065 : vector<16xi1>, vector<16xf32>
      %masked_sort3A_3071 = arith.constant dense<true> : vector<16xi1>
      %masked_sort3A_3072, %masked_sort3A_3073, %masked_sort3A_3074 = tpu.sort %select_n3A_3040, %add3A_3022 masked %masked_sort3A_3071 {descending = true} : (vector<16xf32>, vector<16xi32>, vector<16xi1>) -> (vector<16xi1>, vector<16xf32>, vector<16xi32>)
      %masked_sort3A_3075 = arith.constant dense<true> : vector<16xi1>
      %masked_sort3A_3076, %masked_sort3A_3077, %masked_sort3A_3078 = tpu.sort %select_n3A_3050, %add3A_3022 masked %masked_sort3A_3075 {descending = true} : (vector<16xf32>, vector<16xi32>, vector<16xi1>) -> (vector<16xi1>, vector<16xf32>, vector<16xi32>)
      %masked_sort3A_3079 = arith.constant dense<true> : vector<16xi1>
      %masked_sort3A_3080, %masked_sort3A_3081, %masked_sort3A_3082 = tpu.sort %select_n3A_3060, %add3A_3022 masked %masked_sort3A_3079 {descending = true} : (vector<16xf32>, vector<16xi32>, vector<16xi1>) -> (vector<16xi1>, vector<16xf32>, vector<16xi32>)
      %masked_sort3A_3083 = arith.constant dense<true> : vector<16xi1>
      %masked_sort3A_3084, %masked_sort3A_3085, %masked_sort3A_3086 = tpu.sort %select_n3A_3070, %add3A_3022 masked %masked_sort3A_3083 {descending = true} : (vector<16xf32>, vector<16xi32>, vector<16xi1>) -> (vector<16xi1>, vector<16xf32>, vector<16xi32>)
      %lt3A_3087 = arith.cmpf olt, %masked_sort3A_3073, %masked_sort3A_2997 : vector<16xf32>
      %select_n3A_3088 = arith.select %lt3A_3087, %masked_sort3A_3073, %masked_sort3A_2997 : vector<16xi1>, vector<16xf32>
      %select_n3A_3089 = arith.select %lt3A_3087, %masked_sort3A_3074, %masked_sort3A_2998 : vector<16xi1>, vector<16xi32>
      %masked_sort3A_3090 = arith.constant dense<true> : vector<16xi1>
      %masked_sort3A_3091, %masked_sort3A_3092, %masked_sort3A_3093 = tpu.sort %select_n3A_3088, %select_n3A_3089 masked %masked_sort3A_3090 : (vector<16xf32>, vector<16xi32>, vector<16xi1>) -> (vector<16xi1>, vector<16xf32>, vector<16xi32>)
      %lt3A_3094 = arith.cmpf olt, %masked_sort3A_3077, %masked_sort3A_3004 : vector<16xf32>
      %select_n3A_3095 = arith.select %lt3A_3094, %masked_sort3A_3077, %masked_sort3A_3004 : vector<16xi1>, vector<16xf32>
      %select_n3A_3096 = arith.select %lt3A_3094, %masked_sort3A_3078, %masked_sort3A_3005 : vector<16xi1>, vector<16xi32>
      %masked_sort3A_3097 = arith.constant dense<true> : vector<16xi1>
      %masked_sort3A_3098, %masked_sort3A_3099, %masked_sort3A_3100 = tpu.sort %select_n3A_3095, %select_n3A_3096 masked %masked_sort3A_3097 : (vector<16xf32>, vector<16xi32>, vector<16xi1>) -> (vector<16xi1>, vector<16xf32>, vector<16xi32>)
      %lt3A_3101 = arith.cmpf olt, %masked_sort3A_3081, %masked_sort3A_3011 : vector<16xf32>
      %select_n3A_3102 = arith.select %lt3A_3101, %masked_sort3A_3081, %masked_sort3A_3011 : vector<16xi1>, vector<16xf32>
      %select_n3A_3103 = arith.select %lt3A_3101, %masked_sort3A_3082, %masked_sort3A_3012 : vector<16xi1>, vector<16xi32>
      %masked_sort3A_3104 = arith.constant dense<true> : vector<16xi1>
      %masked_sort3A_3105, %masked_sort3A_3106, %masked_sort3A_3107 = tpu.sort %select_n3A_3102, %select_n3A_3103 masked %masked_sort3A_3104 : (vector<16xf32>, vector<16xi32>, vector<16xi1>) -> (vector<16xi1>, vector<16xf32>, vector<16xi32>)
      %lt3A_3108 = arith.cmpf olt, %masked_sort3A_3085, %masked_sort3A_3018 : vector<16xf32>
      %select_n3A_3109 = arith.select %lt3A_3108, %masked_sort3A_3085, %masked_sort3A_3018 : vector<16xi1>, vector<16xf32>
      %select_n3A_3110 = arith.select %lt3A_3108, %masked_sort3A_3086, %masked_sort3A_3019 : vector<16xi1>, vector<16xi32>
      %masked_sort3A_3111 = arith.constant dense<true> : vector<16xi1>
      %masked_sort3A_3112, %masked_sort3A_3113, %masked_sort3A_3114 = tpu.sort %select_n3A_3109, %select_n3A_3110 masked %masked_sort3A_3111 : (vector<16xf32>, vector<16xi32>, vector<16xi1>) -> (vector<16xi1>, vector<16xf32>, vector<16xi32>)
      %mul3A_3115 = arith.constant 2 : i32
      %mul3A_3116 = vector.broadcast %mul3A_3115 : i32 to vector<16xi32>
      %mul3A_3117 = arith.muli %masked_sort3A_3093, %mul3A_3116 : vector<16xi32>
      %gather3A_3118 = tpu.vector_load_idx %arg4[%mul3A_3117] : memref<1024xf32, #tpu.memory_space<vmem>>[vector<16xi32>], vector<16xf32>,
      %add3A_3119 = arith.constant 1 : i32
      %add3A_3120 = vector.broadcast %add3A_3119 : i32 to vector<16xi32>
      %add3A_3121 = arith.addi %mul3A_3117, %add3A_3120 : vector<16xi32>
      %gather3A_3122 = tpu.vector_load_idx %arg4[%add3A_3121] : memref<1024xf32, #tpu.memory_space<vmem>>[vector<16xi32>], vector<16xf32>,
      %eq3A_3123 = arith.constant 1 : i32
      %eq3A_3124 = vector.broadcast %eq3A_3123 : i32 to vector<16xi32>
      %eq3A_3125 = arith.cmpi eq, %iota3A, %eq3A_3124 : vector<16xi32>
      %select_n3A_3126 = arith.select %eq3A_3125, %gather3A_70, %gather3A : vector<16xi1>, vector<16xf32>
      %add3A_3127 = arith.constant 0 : i32
      %add3A_3128 = arith.addi %scan3A_41, %add3A_3127 : i32
      %swap3A = arith.index_cast %add3A_3128 : i32 to index
      %swap3A_3129 = arith.constant 0 : index
      %swap3A_3130 = tpu.vector_load %arg5[%swap3A, %swap3A_3129] {strides = array<i32>} : memref<192x40xf32, #tpu.memory_space<vmem>>, vector<16xf32>,
      tpu.vector_store %arg5[%swap3A, %swap3A_3129], %select_n3A_3126 {strides = array<i32>} : memref<192x40xf32, #tpu.memory_space<vmem>>, vector<16xf32>,
      %broadcast_in_dim3A_3131 = arith.constant 0 : i32
      %broadcast_in_dim3A_3132 = vector.broadcast %broadcast_in_dim3A_3131 : i32 to vector<16xi32>
      %add3A_3133 = vector.broadcast %add3A_3128 : i32 to vector<16xi32>
      %add3A_3134 = arith.addi %broadcast_in_dim3A_3132, %add3A_3133 : vector<16xi32>
      %add3A_3135 = arith.constant 2 : i32
      %add3A_3136 = vector.broadcast %add3A_3135 : i32 to vector<16xi32>
      %add3A_3137 = arith.addi %mul3A_33, %add3A_3136 : vector<16xi32>
      %sub3A_3138 = arith.subf %gather3A_3118, %gather3A : vector<16xf32>
      tpu.vector_store_idx %arg5[%add3A_3134, %add3A_3137], %sub3A_3138 : memref<192x40xf32, #tpu.memory_space<vmem>>[vector<16xi32>, vector<16xi32>], vector<16xf32>,
      %add3A_3139 = arith.constant 3 : i32
      %add3A_3140 = vector.broadcast %add3A_3139 : i32 to vector<16xi32>
      %add3A_3141 = arith.addi %mul3A_33, %add3A_3140 : vector<16xi32>
      %sub3A_3142 = arith.subf %gather3A_3122, %gather3A_70 : vector<16xf32>
      tpu.vector_store_idx %arg5[%add3A_3134, %add3A_3141], %sub3A_3142 : memref<192x40xf32, #tpu.memory_space<vmem>>[vector<16xi32>, vector<16xi32>], vector<16xf32>,
      %mul3A_3143 = arith.constant 2 : i32
      %mul3A_3144 = vector.broadcast %mul3A_3143 : i32 to vector<16xi32>
      %mul3A_3145 = arith.muli %masked_sort3A_3100, %mul3A_3144 : vector<16xi32>
      %gather3A_3146 = tpu.vector_load_idx %arg4[%mul3A_3145] : memref<1024xf32, #tpu.memory_space<vmem>>[vector<16xi32>], vector<16xf32>,
      %add3A_3147 = arith.constant 1 : i32
      %add3A_3148 = vector.broadcast %add3A_3147 : i32 to vector<16xi32>
      %add3A_3149 = arith.addi %mul3A_3145, %add3A_3148 : vector<16xi32>
      %gather3A_3150 = tpu.vector_load_idx %arg4[%add3A_3149] : memref<1024xf32, #tpu.memory_space<vmem>>[vector<16xi32>], vector<16xf32>,
      %eq3A_3151 = arith.constant 1 : i32
      %eq3A_3152 = vector.broadcast %eq3A_3151 : i32 to vector<16xi32>
      %eq3A_3153 = arith.cmpi eq, %iota3A, %eq3A_3152 : vector<16xi32>
      %select_n3A_3154 = arith.select %eq3A_3153, %gather3A_81, %gather3A_77 : vector<16xi1>, vector<16xf32>
      %add3A_3155 = arith.constant 48 : i32
      %add3A_3156 = arith.addi %scan3A_41, %add3A_3155 : i32
      %swap3A_3157 = arith.index_cast %add3A_3156 : i32 to index
      %swap3A_3158 = arith.constant 0 : index
      %swap3A_3159 = tpu.vector_load %arg5[%swap3A_3157, %swap3A_3158] {strides = array<i32>} : memref<192x40xf32, #tpu.memory_space<vmem>>, vector<16xf32>,
      tpu.vector_store %arg5[%swap3A_3157, %swap3A_3158], %select_n3A_3154 {strides = array<i32>} : memref<192x40xf32, #tpu.memory_space<vmem>>, vector<16xf32>,
      %broadcast_in_dim3A_3160 = arith.constant 0 : i32
      %broadcast_in_dim3A_3161 = vector.broadcast %broadcast_in_dim3A_3160 : i32 to vector<16xi32>
      %add3A_3162 = vector.broadcast %add3A_3156 : i32 to vector<16xi32>
      %add3A_3163 = arith.addi %broadcast_in_dim3A_3161, %add3A_3162 : vector<16xi32>
      %add3A_3164 = arith.constant 2 : i32
      %add3A_3165 = vector.broadcast %add3A_3164 : i32 to vector<16xi32>
      %add3A_3166 = arith.addi %mul3A_33, %add3A_3165 : vector<16xi32>
      %sub3A_3167 = arith.subf %gather3A_3146, %gather3A_77 : vector<16xf32>
      tpu.vector_store_idx %arg5[%add3A_3163, %add3A_3166], %sub3A_3167 : memref<192x40xf32, #tpu.memory_space<vmem>>[vector<16xi32>, vector<16xi32>], vector<16xf32>,
      %add3A_3168 = arith.constant 3 : i32
      %add3A_3169 = vector.broadcast %add3A_3168 : i32 to vector<16xi32>
      %add3A_3170 = arith.addi %mul3A_33, %add3A_3169 : vector<16xi32>
      %sub3A_3171 = arith.subf %gather3A_3150, %gather3A_81 : vector<16xf32>
      tpu.vector_store_idx %arg5[%add3A_3163, %add3A_3170], %sub3A_3171 : memref<192x40xf32, #tpu.memory_space<vmem>>[vector<16xi32>, vector<16xi32>], vector<16xf32>,
      %mul3A_3172 = arith.constant 2 : i32
      %mul3A_3173 = vector.broadcast %mul3A_3172 : i32 to vector<16xi32>
      %mul3A_3174 = arith.muli %masked_sort3A_3107, %mul3A_3173 : vector<16xi32>
      %gather3A_3175 = tpu.vector_load_idx %arg4[%mul3A_3174] : memref<1024xf32, #tpu.memory_space<vmem>>[vector<16xi32>], vector<16xf32>,
      %add3A_3176 = arith.constant 1 : i32
      %add3A_3177 = vector.broadcast %add3A_3176 : i32 to vector<16xi32>
      %add3A_3178 = arith.addi %mul3A_3174, %add3A_3177 : vector<16xi32>
      %gather3A_3179 = tpu.vector_load_idx %arg4[%add3A_3178] : memref<1024xf32, #tpu.memory_space<vmem>>[vector<16xi32>], vector<16xf32>,
      %eq3A_3180 = arith.constant 1 : i32
      %eq3A_3181 = vector.broadcast %eq3A_3180 : i32 to vector<16xi32>
      %eq3A_3182 = arith.cmpi eq, %iota3A, %eq3A_3181 : vector<16xi32>
      %select_n3A_3183 = arith.select %eq3A_3182, %gather3A_92, %gather3A_88 : vector<16xi1>, vector<16xf32>
      %add3A_3184 = arith.constant 96 : i32
      %add3A_3185 = arith.addi %scan3A_41, %add3A_3184 : i32
      %swap3A_3186 = arith.index_cast %add3A_3185 : i32 to index
      %swap3A_3187 = arith.constant 0 : index
      %swap3A_3188 = tpu.vector_load %arg5[%swap3A_3186, %swap3A_3187] {strides = array<i32>} : memref<192x40xf32, #tpu.memory_space<vmem>>, vector<16xf32>,
      tpu.vector_store %arg5[%swap3A_3186, %swap3A_3187], %select_n3A_3183 {strides = array<i32>} : memref<192x40xf32, #tpu.memory_space<vmem>>, vector<16xf32>,
      %broadcast_in_dim3A_3189 = arith.constant 0 : i32
      %broadcast_in_dim3A_3190 = vector.broadcast %broadcast_in_dim3A_3189 : i32 to vector<16xi32>
      %add3A_3191 = vector.broadcast %add3A_3185 : i32 to vector<16xi32>
      %add3A_3192 = arith.addi %broadcast_in_dim3A_3190, %add3A_3191 : vector<16xi32>
      %add3A_3193 = arith.constant 2 : i32
      %add3A_3194 = vector.broadcast %add3A_3193 : i32 to vector<16xi32>
      %add3A_3195 = arith.addi %mul3A_33, %add3A_3194 : vector<16xi32>
      %sub3A_3196 = arith.subf %gather3A_3175, %gather3A_88 : vector<16xf32>
      tpu.vector_store_idx %arg5[%add3A_3192, %add3A_3195], %sub3A_3196 : memref<192x40xf32, #tpu.memory_space<vmem>>[vector<16xi32>, vector<16xi32>], vector<16xf32>,
      %add3A_3197 = arith.constant 3 : i32
      %add3A_3198 = vector.broadcast %add3A_3197 : i32 to vector<16xi32>
      %add3A_3199 = arith.addi %mul3A_33, %add3A_3198 : vector<16xi32>
      %sub3A_3200 = arith.subf %gather3A_3179, %gather3A_92 : vector<16xf32>
      tpu.vector_store_idx %arg5[%add3A_3192, %add3A_3199], %sub3A_3200 : memref<192x40xf32, #tpu.memory_space<vmem>>[vector<16xi32>, vector<16xi32>], vector<16xf32>,
      %mul3A_3201 = arith.constant 2 : i32
      %mul3A_3202 = vector.broadcast %mul3A_3201 : i32 to vector<16xi32>
      %mul3A_3203 = arith.muli %masked_sort3A_3114, %mul3A_3202 : vector<16xi32>
      %gather3A_3204 = tpu.vector_load_idx %arg4[%mul3A_3203] : memref<1024xf32, #tpu.memory_space<vmem>>[vector<16xi32>], vector<16xf32>,
      %add3A_3205 = arith.constant 1 : i32
      %add3A_3206 = vector.broadcast %add3A_3205 : i32 to vector<16xi32>
      %add3A_3207 = arith.addi %mul3A_3203, %add3A_3206 : vector<16xi32>
      %gather3A_3208 = tpu.vector_load_idx %arg4[%add3A_3207] : memref<1024xf32, #tpu.memory_space<vmem>>[vector<16xi32>], vector<16xf32>,
      %eq3A_3209 = arith.constant 1 : i32
      %eq3A_3210 = vector.broadcast %eq3A_3209 : i32 to vector<16xi32>
      %eq3A_3211 = arith.cmpi eq, %iota3A, %eq3A_3210 : vector<16xi32>
      %select_n3A_3212 = arith.select %eq3A_3211, %gather3A_103, %gather3A_99 : vector<16xi1>, vector<16xf32>
      %add3A_3213 = arith.constant 144 : i32
      %add3A_3214 = arith.addi %scan3A_41, %add3A_3213 : i32
      %swap3A_3215 = arith.index_cast %add3A_3214 : i32 to index
      %swap3A_3216 = arith.constant 0 : index
      %swap3A_3217 = tpu.vector_load %arg5[%swap3A_3215, %swap3A_3216] {strides = array<i32>} : memref<192x40xf32, #tpu.memory_space<vmem>>, vector<16xf32>,
      tpu.vector_store %arg5[%swap3A_3215, %swap3A_3216], %select_n3A_3212 {strides = array<i32>} : memref<192x40xf32, #tpu.memory_space<vmem>>, vector<16xf32>,
      %broadcast_in_dim3A_3218 = arith.constant 0 : i32
      %broadcast_in_dim3A_3219 = vector.broadcast %broadcast_in_dim3A_3218 : i32 to vector<16xi32>
      %add3A_3220 = vector.broadcast %add3A_3214 : i32 to vector<16xi32>
      %add3A_3221 = arith.addi %broadcast_in_dim3A_3219, %add3A_3220 : vector<16xi32>
      %add3A_3222 = arith.constant 2 : i32
      %add3A_3223 = vector.broadcast %add3A_3222 : i32 to vector<16xi32>
      %add3A_3224 = arith.addi %mul3A_33, %add3A_3223 : vector<16xi32>
      %sub3A_3225 = arith.subf %gather3A_3204, %gather3A_99 : vector<16xf32>
      tpu.vector_store_idx %arg5[%add3A_3221, %add3A_3224], %sub3A_3225 : memref<192x40xf32, #tpu.memory_space<vmem>>[vector<16xi32>, vector<16xi32>], vector<16xf32>,
      %add3A_3226 = arith.constant 3 : i32
      %add3A_3227 = vector.broadcast %add3A_3226 : i32 to vector<16xi32>
      %add3A_3228 = arith.addi %mul3A_33, %add3A_3227 : vector<16xi32>
      %sub3A_3229 = arith.subf %gather3A_3208, %gather3A_103 : vector<16xf32>
      tpu.vector_store_idx %arg5[%add3A_3221, %add3A_3228], %sub3A_3229 : memref<192x40xf32, #tpu.memory_space<vmem>>[vector<16xi32>, vector<16xi32>], vector<16xf32>,
    }
    %scan3A_38 = arith.constant 48 : i32
    %mul3A_39 = arith.constant 192 : i32
    %mul3A_40 = arith.muli %add3A, %mul3A_39 : i32
    "tpu.region"() ({
      %run_scoped3A = tpu.sem_alloc : memref<!tpu.dma_semaphore, #tpu.memory_space<semaphore_mem>>
      %dma_start3A = arith.constant 0 : i32
      %dma_start3A_41 = tpu.memref_slice %arg3[%mul3A_40, %dma_start3A] : memref<6144x40xf32, #tpu.memory_space<hbm>> -> memref<192x40xf32, #tpu.memory_space<hbm>>
      %dma_start3A_42 = arith.constant 0 : i32
      %dma_start3A_43 = tpu.memref_slice %arg3[%mul3A_40, %dma_start3A_42] : memref<6144x40xf32, #tpu.memory_space<hbm>> -> memref<192x40xf32, #tpu.memory_space<hbm>>
      tpu.enqueue_dma source(%arg5 : memref<192x40xf32, #tpu.memory_space<vmem>>) target(%dma_start3A_43 : memref<192x40xf32, #tpu.memory_space<hbm>>) target_semaphore(%run_scoped3A : memref<!tpu.dma_semaphore, #tpu.memory_space<semaphore_mem>>)
      %dma_wait3A = arith.constant 0 : i32
      %dma_wait3A_44 = tpu.memref_slice %arg3[%mul3A_40, %dma_wait3A] : memref<6144x40xf32, #tpu.memory_space<hbm>> -> memref<192x40xf32, #tpu.memory_space<hbm>>
      %dma_wait3A_45 = arith.constant 0 : i32
      %dma_wait3A_46 = tpu.memref_slice %arg3[%mul3A_40, %dma_wait3A_45] : memref<6144x40xf32, #tpu.memory_space<hbm>> -> memref<192x40xf32, #tpu.memory_space<hbm>>
      tpu.wait_dma2 semaphore(%run_scoped3A : memref<!tpu.dma_semaphore, #tpu.memory_space<semaphore_mem>>) src(%arg5 : memref<192x40xf32, #tpu.memory_space<vmem>>) dst(%dma_wait3A_46 : memref<192x40xf32, #tpu.memory_space<hbm>>)
      tpu.yield
    }) : () -> ()
    return
  }
}

module attributes {stable_mosaic.version = 14 : i64} {
  func.func @_mm_body(%arg0: i32, %arg1: memref<4x384x40xf32, #tpu.memory_space<vmem>>, %arg2: memref<4x128x128xf32, #tpu.memory_space<vmem>>, %arg3: memref<40x128xf32, #tpu.memory_space<vmem>>, %arg4: memref<1x128xf32, #tpu.memory_space<vmem>>, %arg5: memref<4x512x128xf32, #tpu.memory_space<vmem>>) attributes {dimension_semantics = [#tpu.dimension_semantics<arbitrary>], iteration_bounds = array<i64: 4>, scalar_prefetch = 0 : i64, scratch_operands = 0 : i64, tpu.core_type = #tpu.core_type<tc>, window_params = [{transform_indices = @transform_0, window_bounds = array<i64: 4, 384, 40>}, {transform_indices = @transform_1, window_bounds = array<i64: 4, 128, 128>}, {pipeline_mode = #tpu.pipeline_mode<synchronous>, transform_indices = @transform_2, window_bounds = array<i64: 40, 128>}, {pipeline_mode = #tpu.pipeline_mode<synchronous>, transform_indices = @transform_3, window_bounds = array<i64: 1, 128>}, {transform_indices = @transform_4, window_bounds = array<i64: 4, 512, 128>}]} {
    %get3A = arith.constant 0 : index
    %get3A_0 = arith.constant 0 : index
    %get3A_1 = arith.constant 0 : index
    %get3A_2 = vector.load %arg1[%get3A, %get3A_0, %get3A_1] : memref<4x384x40xf32, #tpu.memory_space<vmem>>, vector<1x384x40xf32>
    %get3A_3 = vector.shape_cast %get3A_2 : vector<1x384x40xf32> to vector<384x40xf32>
    %get3A_4 = arith.constant 0 : index
    %get3A_5 = arith.constant 0 : index
    %get3A_6 = vector.load %arg3[%get3A_4, %get3A_5] : memref<40x128xf32, #tpu.memory_space<vmem>>, vector<40x128xf32>
    %dot_general3A = arith.constant dense<0.000000e+00> : vector<384x128xf32>
    %dot_general3A_7 = tpu.matmul %get3A_3, %get3A_6, %dot_general3A {dimension_numbers = #tpu.dot_dimension_numbers<[1], [0], [0], [1], [0, 0, 1, 1], [], []>, transpose_lhs_hint = false} : vector<384x40xf32>, vector<40x128xf32>, vector<384x128xf32> -> vector<384x128xf32>
    %get3A_8 = arith.constant 0 : index
    %get3A_9 = arith.constant 0 : index
    %get3A_10 = vector.load %arg4[%get3A_8, %get3A_9] : memref<1x128xf32, #tpu.memory_space<vmem>>, vector<1x128xf32>
    %add3A = vector.broadcast %get3A_10 : vector<1x128xf32> to vector<384x128xf32>
    %add3A_11 = arith.addf %dot_general3A_7, %add3A : vector<384x128xf32>
    %swap3A = arith.constant 0 : index
    %swap3A_12 = arith.constant 0 : index
    %swap3A_13 = arith.constant 0 : index
    %swap3A_14 = vector.load %arg5[%swap3A, %swap3A_12, %swap3A_13] : memref<4x512x128xf32, #tpu.memory_space<vmem>>, vector<1x384x128xf32>
    %swap3A_15 = vector.shape_cast %swap3A_14 : vector<1x384x128xf32> to vector<384x128xf32>
    %swap3A_16 = vector.shape_cast %add3A_11 : vector<384x128xf32> to vector<1x384x128xf32>
    tpu.vector_store %arg5[%swap3A, %swap3A_12, %swap3A_13], %swap3A_16 {strides = array<i32>} : memref<4x512x128xf32, #tpu.memory_space<vmem>>, vector<1x384x128xf32>,
    %get3A_17 = arith.constant 0 : index
    %get3A_18 = arith.constant 0 : index
    %get3A_19 = arith.constant 0 : index
    %get3A_20 = vector.load %arg2[%get3A_17, %get3A_18, %get3A_19] : memref<4x128x128xf32, #tpu.memory_space<vmem>>, vector<1x128x128xf32>
    %get3A_21 = vector.shape_cast %get3A_20 : vector<1x128x128xf32> to vector<128x128xf32>
    %swap3A_22 = arith.constant 0 : index
    %swap3A_23 = arith.constant 384 : index
    %swap3A_24 = arith.constant 0 : index
    %swap3A_25 = vector.load %arg5[%swap3A_22, %swap3A_23, %swap3A_24] : memref<4x512x128xf32, #tpu.memory_space<vmem>>, vector<1x128x128xf32>
    %swap3A_26 = vector.shape_cast %swap3A_25 : vector<1x128x128xf32> to vector<128x128xf32>
    %swap3A_27 = vector.shape_cast %get3A_21 : vector<128x128xf32> to vector<1x128x128xf32>
    tpu.vector_store %arg5[%swap3A_22, %swap3A_23, %swap3A_24], %swap3A_27 {strides = array<i32>} : memref<4x512x128xf32, #tpu.memory_space<vmem>>, vector<1x128x128xf32>,
    %get3A_28 = arith.constant 1 : index
    %get3A_29 = arith.constant 0 : index
    %get3A_30 = arith.constant 0 : index
    %get3A_31 = vector.load %arg1[%get3A_28, %get3A_29, %get3A_30] : memref<4x384x40xf32, #tpu.memory_space<vmem>>, vector<1x384x40xf32>
    %get3A_32 = vector.shape_cast %get3A_31 : vector<1x384x40xf32> to vector<384x40xf32>
    %get3A_33 = arith.constant 0 : index
    %get3A_34 = arith.constant 0 : index
    %get3A_35 = vector.load %arg3[%get3A_33, %get3A_34] : memref<40x128xf32, #tpu.memory_space<vmem>>, vector<40x128xf32>
    %dot_general3A_36 = arith.constant dense<0.000000e+00> : vector<384x128xf32>
    %dot_general3A_37 = tpu.matmul %get3A_32, %get3A_35, %dot_general3A_36 {dimension_numbers = #tpu.dot_dimension_numbers<[1], [0], [0], [1], [0, 0, 1, 1], [], []>, transpose_lhs_hint = false} : vector<384x40xf32>, vector<40x128xf32>, vector<384x128xf32> -> vector<384x128xf32>
    %get3A_38 = arith.constant 0 : index
    %get3A_39 = arith.constant 0 : index
    %get3A_40 = vector.load %arg4[%get3A_38, %get3A_39] : memref<1x128xf32, #tpu.memory_space<vmem>>, vector<1x128xf32>
    %add3A_41 = vector.broadcast %get3A_40 : vector<1x128xf32> to vector<384x128xf32>
    %add3A_42 = arith.addf %dot_general3A_37, %add3A_41 : vector<384x128xf32>
    %swap3A_43 = arith.constant 1 : index
    %swap3A_44 = arith.constant 0 : index
    %swap3A_45 = arith.constant 0 : index
    %swap3A_46 = vector.load %arg5[%swap3A_43, %swap3A_44, %swap3A_45] : memref<4x512x128xf32, #tpu.memory_space<vmem>>, vector<1x384x128xf32>
    %swap3A_47 = vector.shape_cast %swap3A_46 : vector<1x384x128xf32> to vector<384x128xf32>
    %swap3A_48 = vector.shape_cast %add3A_42 : vector<384x128xf32> to vector<1x384x128xf32>
    tpu.vector_store %arg5[%swap3A_43, %swap3A_44, %swap3A_45], %swap3A_48 {strides = array<i32>} : memref<4x512x128xf32, #tpu.memory_space<vmem>>, vector<1x384x128xf32>,
    %get3A_49 = arith.constant 1 : index
    %get3A_50 = arith.constant 0 : index
    %get3A_51 = arith.constant 0 : index
    %get3A_52 = vector.load %arg2[%get3A_49, %get3A_50, %get3A_51] : memref<4x128x128xf32, #tpu.memory_space<vmem>>, vector<1x128x128xf32>
    %get3A_53 = vector.shape_cast %get3A_52 : vector<1x128x128xf32> to vector<128x128xf32>
    %swap3A_54 = arith.constant 1 : index
    %swap3A_55 = arith.constant 384 : index
    %swap3A_56 = arith.constant 0 : index
    %swap3A_57 = vector.load %arg5[%swap3A_54, %swap3A_55, %swap3A_56] : memref<4x512x128xf32, #tpu.memory_space<vmem>>, vector<1x128x128xf32>
    %swap3A_58 = vector.shape_cast %swap3A_57 : vector<1x128x128xf32> to vector<128x128xf32>
    %swap3A_59 = vector.shape_cast %get3A_53 : vector<128x128xf32> to vector<1x128x128xf32>
    tpu.vector_store %arg5[%swap3A_54, %swap3A_55, %swap3A_56], %swap3A_59 {strides = array<i32>} : memref<4x512x128xf32, #tpu.memory_space<vmem>>, vector<1x128x128xf32>,
    %get3A_60 = arith.constant 2 : index
    %get3A_61 = arith.constant 0 : index
    %get3A_62 = arith.constant 0 : index
    %get3A_63 = vector.load %arg1[%get3A_60, %get3A_61, %get3A_62] : memref<4x384x40xf32, #tpu.memory_space<vmem>>, vector<1x384x40xf32>
    %get3A_64 = vector.shape_cast %get3A_63 : vector<1x384x40xf32> to vector<384x40xf32>
    %get3A_65 = arith.constant 0 : index
    %get3A_66 = arith.constant 0 : index
    %get3A_67 = vector.load %arg3[%get3A_65, %get3A_66] : memref<40x128xf32, #tpu.memory_space<vmem>>, vector<40x128xf32>
    %dot_general3A_68 = arith.constant dense<0.000000e+00> : vector<384x128xf32>
    %dot_general3A_69 = tpu.matmul %get3A_64, %get3A_67, %dot_general3A_68 {dimension_numbers = #tpu.dot_dimension_numbers<[1], [0], [0], [1], [0, 0, 1, 1], [], []>, transpose_lhs_hint = false} : vector<384x40xf32>, vector<40x128xf32>, vector<384x128xf32> -> vector<384x128xf32>
    %get3A_70 = arith.constant 0 : index
    %get3A_71 = arith.constant 0 : index
    %get3A_72 = vector.load %arg4[%get3A_70, %get3A_71] : memref<1x128xf32, #tpu.memory_space<vmem>>, vector<1x128xf32>
    %add3A_73 = vector.broadcast %get3A_72 : vector<1x128xf32> to vector<384x128xf32>
    %add3A_74 = arith.addf %dot_general3A_69, %add3A_73 : vector<384x128xf32>
    %swap3A_75 = arith.constant 2 : index
    %swap3A_76 = arith.constant 0 : index
    %swap3A_77 = arith.constant 0 : index
    %swap3A_78 = vector.load %arg5[%swap3A_75, %swap3A_76, %swap3A_77] : memref<4x512x128xf32, #tpu.memory_space<vmem>>, vector<1x384x128xf32>
    %swap3A_79 = vector.shape_cast %swap3A_78 : vector<1x384x128xf32> to vector<384x128xf32>
    %swap3A_80 = vector.shape_cast %add3A_74 : vector<384x128xf32> to vector<1x384x128xf32>
    tpu.vector_store %arg5[%swap3A_75, %swap3A_76, %swap3A_77], %swap3A_80 {strides = array<i32>} : memref<4x512x128xf32, #tpu.memory_space<vmem>>, vector<1x384x128xf32>,
    %get3A_81 = arith.constant 2 : index
    %get3A_82 = arith.constant 0 : index
    %get3A_83 = arith.constant 0 : index
    %get3A_84 = vector.load %arg2[%get3A_81, %get3A_82, %get3A_83] : memref<4x128x128xf32, #tpu.memory_space<vmem>>, vector<1x128x128xf32>
    %get3A_85 = vector.shape_cast %get3A_84 : vector<1x128x128xf32> to vector<128x128xf32>
    %swap3A_86 = arith.constant 2 : index
    %swap3A_87 = arith.constant 384 : index
    %swap3A_88 = arith.constant 0 : index
    %swap3A_89 = vector.load %arg5[%swap3A_86, %swap3A_87, %swap3A_88] : memref<4x512x128xf32, #tpu.memory_space<vmem>>, vector<1x128x128xf32>
    %swap3A_90 = vector.shape_cast %swap3A_89 : vector<1x128x128xf32> to vector<128x128xf32>
    %swap3A_91 = vector.shape_cast %get3A_85 : vector<128x128xf32> to vector<1x128x128xf32>
    tpu.vector_store %arg5[%swap3A_86, %swap3A_87, %swap3A_88], %swap3A_91 {strides = array<i32>} : memref<4x512x128xf32, #tpu.memory_space<vmem>>, vector<1x128x128xf32>,
    %get3A_92 = arith.constant 3 : index
    %get3A_93 = arith.constant 0 : index
    %get3A_94 = arith.constant 0 : index
    %get3A_95 = vector.load %arg1[%get3A_92, %get3A_93, %get3A_94] : memref<4x384x40xf32, #tpu.memory_space<vmem>>, vector<1x384x40xf32>
    %get3A_96 = vector.shape_cast %get3A_95 : vector<1x384x40xf32> to vector<384x40xf32>
    %get3A_97 = arith.constant 0 : index
    %get3A_98 = arith.constant 0 : index
    %get3A_99 = vector.load %arg3[%get3A_97, %get3A_98] : memref<40x128xf32, #tpu.memory_space<vmem>>, vector<40x128xf32>
    %dot_general3A_100 = arith.constant dense<0.000000e+00> : vector<384x128xf32>
    %dot_general3A_101 = tpu.matmul %get3A_96, %get3A_99, %dot_general3A_100 {dimension_numbers = #tpu.dot_dimension_numbers<[1], [0], [0], [1], [0, 0, 1, 1], [], []>, transpose_lhs_hint = false} : vector<384x40xf32>, vector<40x128xf32>, vector<384x128xf32> -> vector<384x128xf32>
    %get3A_102 = arith.constant 0 : index
    %get3A_103 = arith.constant 0 : index
    %get3A_104 = vector.load %arg4[%get3A_102, %get3A_103] : memref<1x128xf32, #tpu.memory_space<vmem>>, vector<1x128xf32>
    %add3A_105 = vector.broadcast %get3A_104 : vector<1x128xf32> to vector<384x128xf32>
    %add3A_106 = arith.addf %dot_general3A_101, %add3A_105 : vector<384x128xf32>
    %swap3A_107 = arith.constant 3 : index
    %swap3A_108 = arith.constant 0 : index
    %swap3A_109 = arith.constant 0 : index
    %swap3A_110 = vector.load %arg5[%swap3A_107, %swap3A_108, %swap3A_109] : memref<4x512x128xf32, #tpu.memory_space<vmem>>, vector<1x384x128xf32>
    %swap3A_111 = vector.shape_cast %swap3A_110 : vector<1x384x128xf32> to vector<384x128xf32>
    %swap3A_112 = vector.shape_cast %add3A_106 : vector<384x128xf32> to vector<1x384x128xf32>
    tpu.vector_store %arg5[%swap3A_107, %swap3A_108, %swap3A_109], %swap3A_112 {strides = array<i32>} : memref<4x512x128xf32, #tpu.memory_space<vmem>>, vector<1x384x128xf32>,
    %get3A_113 = arith.constant 3 : index
    %get3A_114 = arith.constant 0 : index
    %get3A_115 = arith.constant 0 : index
    %get3A_116 = vector.load %arg2[%get3A_113, %get3A_114, %get3A_115] : memref<4x128x128xf32, #tpu.memory_space<vmem>>, vector<1x128x128xf32>
    %get3A_117 = vector.shape_cast %get3A_116 : vector<1x128x128xf32> to vector<128x128xf32>
    %swap3A_118 = arith.constant 3 : index
    %swap3A_119 = arith.constant 384 : index
    %swap3A_120 = arith.constant 0 : index
    %swap3A_121 = vector.load %arg5[%swap3A_118, %swap3A_119, %swap3A_120] : memref<4x512x128xf32, #tpu.memory_space<vmem>>, vector<1x128x128xf32>
    %swap3A_122 = vector.shape_cast %swap3A_121 : vector<1x128x128xf32> to vector<128x128xf32>
    %swap3A_123 = vector.shape_cast %get3A_117 : vector<128x128xf32> to vector<1x128x128xf32>
    tpu.vector_store %arg5[%swap3A_118, %swap3A_119, %swap3A_120], %swap3A_123 {strides = array<i32>} : memref<4x512x128xf32, #tpu.memory_space<vmem>>, vector<1x128x128xf32>,
    return
  }
  func.func @transform_0(%arg0: i32) -> (i32, i32, i32) {
    %c0_i32 = arith.constant 0 : i32
    %c0_i32_0 = arith.constant 0 : i32
    %c0_i32_1 = arith.constant 0 : i32
    return %arg0, %c0_i32, %c0_i32_0 : i32, i32, i32
  }
  func.func @transform_1(%arg0: i32) -> (i32, i32, i32) {
    %c0_i32 = arith.constant 0 : i32
    %c0_i32_0 = arith.constant 0 : i32
    %c0_i32_1 = arith.constant 0 : i32
    return %arg0, %c0_i32, %c0_i32_0 : i32, i32, i32
  }
  func.func @transform_2(%arg0: i32) -> (i32, i32) {
    %c0_i32 = arith.constant 0 : i32
    %c0_i32_0 = arith.constant 0 : i32
    %c0_i32_1 = arith.constant 0 : i32
    return %c0_i32, %c0_i32_0 : i32, i32
  }
  func.func @transform_3(%arg0: i32) -> (i32, i32) {
    %c0_i32 = arith.constant 0 : i32
    %c0_i32_0 = arith.constant 0 : i32
    %c0_i32_1 = arith.constant 0 : i32
    return %c0_i32, %c0_i32_0 : i32, i32
  }
  func.func @transform_4(%arg0: i32) -> (i32, i32, i32) {
    %c0_i32 = arith.constant 0 : i32
    %c0_i32_0 = arith.constant 0 : i32
    %c0_i32_1 = arith.constant 0 : i32
    return %arg0, %c0_i32, %c0_i32_0 : i32, i32, i32
  }
}

module attributes {stable_mosaic.version = 14 : i64} {
  func.func @_tc_body(%arg0: i32, %arg1: memref<1x2x512xf32, #tpu.memory_space<vmem>>, %arg2: memref<1x128x2xf32, #tpu.memory_space<vmem>>, %arg3: memref<40x128xf32, #tpu.memory_space<vmem>>, %arg4: memref<1x128xf32, #tpu.memory_space<vmem>>, %arg5: memref<1x128x128xf32, #tpu.memory_space<vmem>>, %arg6: memref<128x40xf32, #tpu.memory_space<vmem>>) attributes {dimension_semantics = [#tpu.dimension_semantics<arbitrary>], iteration_bounds = array<i64: 16>, scalar_prefetch = 0 : i64, scratch_operands = 1 : i64, tpu.core_type = #tpu.core_type<tc>, window_params = [{transform_indices = @transform_0, window_bounds = array<i64: 1, 2, 512>}, {transform_indices = @transform_1, window_bounds = array<i64: 1, 128, 2>}, {pipeline_mode = #tpu.pipeline_mode<synchronous>, transform_indices = @transform_2, window_bounds = array<i64: 40, 128>}, {pipeline_mode = #tpu.pipeline_mode<synchronous>, transform_indices = @transform_3, window_bounds = array<i64: 1, 128>}, {transform_indices = @transform_4, window_bounds = array<i64: 1, 128, 128>}]} {
    %get3A = arith.constant 0 : index
    %get3A_0 = arith.constant 0 : index
    %get3A_1 = arith.constant 0 : index
    %get3A_2 = vector.load %arg1[%get3A, %get3A_0, %get3A_1] : memref<1x2x512xf32, #tpu.memory_space<vmem>>, vector<1x1x512xf32>
    %get3A_3 = vector.shape_cast %get3A_2 : vector<1x1x512xf32> to vector<1x512xf32>
    %get3A_4 = arith.constant 0 : index
    %get3A_5 = arith.constant 1 : index
    %get3A_6 = arith.constant 0 : index
    %get3A_7 = vector.load %arg1[%get3A_4, %get3A_5, %get3A_6] : memref<1x2x512xf32, #tpu.memory_space<vmem>>, vector<1x1x512xf32>
    %get3A_8 = vector.shape_cast %get3A_7 : vector<1x1x512xf32> to vector<1x512xf32>
    %get3A_9 = arith.constant 0 : index
    %get3A_10 = arith.constant 0 : index
    %get3A_11 = arith.constant 0 : index
    %get3A_12 = vector.load %arg2[%get3A_9, %get3A_10, %get3A_11] : memref<1x128x2xf32, #tpu.memory_space<vmem>>, vector<1x128x1xf32>
    %get3A_13 = vector.shape_cast %get3A_12 : vector<1x128x1xf32> to vector<128x1xf32>
    %get3A_14 = arith.constant 0 : index
    %get3A_15 = arith.constant 0 : index
    %get3A_16 = arith.constant 1 : index
    %get3A_17 = vector.load %arg2[%get3A_14, %get3A_15, %get3A_16] : memref<1x128x2xf32, #tpu.memory_space<vmem>>, vector<1x128x1xf32>
    %get3A_18 = vector.shape_cast %get3A_17 : vector<1x128x1xf32> to vector<128x1xf32>
    %sub3A = vector.broadcast %get3A_3 : vector<1x512xf32> to vector<128x512xf32>
    %sub3A_19 = vector.broadcast %get3A_13 : vector<128x1xf32> to vector<128x512xf32>
    %sub3A_20 = arith.subf %sub3A, %sub3A_19 : vector<128x512xf32>
    %sub3A_21 = vector.broadcast %get3A_8 : vector<1x512xf32> to vector<128x512xf32>
    %sub3A_22 = vector.broadcast %get3A_18 : vector<128x1xf32> to vector<128x512xf32>
    %sub3A_23 = arith.subf %sub3A_21, %sub3A_22 : vector<128x512xf32>
    %mul3A = arith.mulf %sub3A_20, %sub3A_20 : vector<128x512xf32>
    %mul3A_24 = arith.mulf %sub3A_23, %sub3A_23 : vector<128x512xf32>
    %add3A = arith.addf %mul3A, %mul3A_24 : vector<128x512xf32>
    %iota3A = tpu.iota {dimensions = array<i32: 1>} : vector<128x512xi32>
    %iota3A_25 = tpu.iota {dimensions = array<i32: 0>} : vector<128x512xi32>
    %add3A_26 = arith.constant 384 : i32
    %add3A_27 = vector.broadcast %add3A_26 : i32 to vector<128x512xi32>
    %add3A_28 = arith.addi %iota3A_25, %add3A_27 : vector<128x512xi32>
    %eq3A = arith.cmpi eq, %add3A_28, %iota3A : vector<128x512xi32>
    %jit3A = arith.constant 0x7F800000 : f32
    %broadcast_in_dim3A = vector.broadcast %jit3A : f32 to vector<128x512xf32>
    %select_n3A = arith.select %eq3A, %broadcast_in_dim3A, %add3A : vector<128x512xi1>, vector<128x512xf32>
    %get3A_29 = arith.constant 0 : index
    %get3A_30 = arith.constant 0 : index
    %get3A_31 = arith.constant 0 : index
    %get3A_32 = vector.load %arg2[%get3A_29, %get3A_30, %get3A_31] : memref<1x128x2xf32, #tpu.memory_space<vmem>>, vector<1x128x2xf32>
    %get3A_33 = vector.shape_cast %get3A_32 : vector<1x128x2xf32> to vector<128x2xf32>
    %swap3A = arith.constant 0 : index
    %swap3A_34 = arith.constant 0 : index
    %swap3A_35 = vector.load %arg6[%swap3A, %swap3A_34] : memref<128x40xf32, #tpu.memory_space<vmem>>, vector<128x2xf32>
    tpu.vector_store %arg6[%swap3A, %swap3A_34], %get3A_33 {strides = array<i32>} : memref<128x40xf32, #tpu.memory_space<vmem>>, vector<128x2xf32>,
    %broadcast_in_dim3A_36 = arith.constant 0.000000e+00 : f32
    %broadcast_in_dim3A_37 = vector.broadcast %broadcast_in_dim3A_36 : f32 to vector<128x6xf32>
    %swap3A_38 = arith.constant 0 : index
    %swap3A_39 = arith.constant 34 : index
    %swap3A_40 = vector.load %arg6[%swap3A_38, %swap3A_39] : memref<128x40xf32, #tpu.memory_space<vmem>>, vector<128x6xf32>
    tpu.vector_store %arg6[%swap3A_38, %swap3A_39], %broadcast_in_dim3A_37 {strides = array<i32>} : memref<128x40xf32, #tpu.memory_space<vmem>>, vector<128x6xf32>,
    %reduce_min3A = arith.constant dense<0x7F800000> : vector<128xf32>
    %reduce_min3A_41 = vector.multi_reduction <minimumf>, %select_n3A, %reduce_min3A [1] : vector<128x512xf32> to vector<128xf32>
    %broadcast_in_dim3A_42 = vector.shape_cast %reduce_min3A_41 : vector<128xf32> to vector<128x1xf32>
    %eq3A_43 = vector.broadcast %broadcast_in_dim3A_42 : vector<128x1xf32> to vector<128x512xf32>
    %eq3A_44 = arith.cmpf oeq, %select_n3A, %eq3A_43 : vector<128x512xf32>
    %jit3A_45 = arith.constant 0.000000e+00 : f32
    %broadcast_in_dim3A_46 = vector.broadcast %jit3A_45 : f32 to vector<128x512xf32>
    %select_n3A_47 = arith.select %eq3A_44, %sub3A_20, %broadcast_in_dim3A_46 : vector<128x512xi1>, vector<128x512xf32>
    %reduce_sum3A = arith.constant dense<0.000000e+00> : vector<128xf32>
    %reduce_sum3A_48 = vector.multi_reduction <add>, %select_n3A_47, %reduce_sum3A [1] : vector<128x512xf32> to vector<128xf32>
    %broadcast_in_dim3A_49 = vector.shape_cast %reduce_sum3A_48 : vector<128xf32> to vector<128x1xf32>
    %swap3A_50 = arith.constant 0 : index
    %swap3A_51 = arith.constant 2 : index
    %swap3A_52 = vector.load %arg6[%swap3A_50, %swap3A_51] : memref<128x40xf32, #tpu.memory_space<vmem>>, vector<128x1xf32>
    tpu.vector_store %arg6[%swap3A_50, %swap3A_51], %broadcast_in_dim3A_49 {strides = array<i32>} : memref<128x40xf32, #tpu.memory_space<vmem>>, vector<128x1xf32>,
    %jit3A_53 = arith.constant 0.000000e+00 : f32
    %broadcast_in_dim3A_54 = vector.broadcast %jit3A_53 : f32 to vector<128x512xf32>
    %select_n3A_55 = arith.select %eq3A_44, %sub3A_23, %broadcast_in_dim3A_54 : vector<128x512xi1>, vector<128x512xf32>
    %reduce_sum3A_56 = arith.constant dense<0.000000e+00> : vector<128xf32>
    %reduce_sum3A_57 = vector.multi_reduction <add>, %select_n3A_55, %reduce_sum3A_56 [1] : vector<128x512xf32> to vector<128xf32>
    %broadcast_in_dim3A_58 = vector.shape_cast %reduce_sum3A_57 : vector<128xf32> to vector<128x1xf32>
    %swap3A_59 = arith.constant 0 : index
    %swap3A_60 = arith.constant 18 : index
    %swap3A_61 = vector.load %arg6[%swap3A_59, %swap3A_60] : memref<128x40xf32, #tpu.memory_space<vmem>>, vector<128x1xf32>
    tpu.vector_store %arg6[%swap3A_59, %swap3A_60], %broadcast_in_dim3A_58 {strides = array<i32>} : memref<128x40xf32, #tpu.memory_space<vmem>>, vector<128x1xf32>,
    %jit3A_62 = arith.constant 0x7F800000 : f32
    %broadcast_in_dim3A_63 = vector.broadcast %jit3A_62 : f32 to vector<128x512xf32>
    %select_n3A_64 = arith.select %eq3A_44, %broadcast_in_dim3A_63, %select_n3A : vector<128x512xi1>, vector<128x512xf32>
    %reduce_min3A_65 = arith.constant dense<0x7F800000> : vector<128xf32>
    %reduce_min3A_66 = vector.multi_reduction <minimumf>, %select_n3A_64, %reduce_min3A_65 [1] : vector<128x512xf32> to vector<128xf32>
    %broadcast_in_dim3A_67 = vector.shape_cast %reduce_min3A_66 : vector<128xf32> to vector<128x1xf32>
    %eq3A_68 = vector.broadcast %broadcast_in_dim3A_67 : vector<128x1xf32> to vector<128x512xf32>
    %eq3A_69 = arith.cmpf oeq, %select_n3A_64, %eq3A_68 : vector<128x512xf32>
    %jit3A_70 = arith.constant 0.000000e+00 : f32
    %broadcast_in_dim3A_71 = vector.broadcast %jit3A_70 : f32 to vector<128x512xf32>
    %select_n3A_72 = arith.select %eq3A_69, %sub3A_20, %broadcast_in_dim3A_71 : vector<128x512xi1>, vector<128x512xf32>
    %reduce_sum3A_73 = arith.constant dense<0.000000e+00> : vector<128xf32>
    %reduce_sum3A_74 = vector.multi_reduction <add>, %select_n3A_72, %reduce_sum3A_73 [1] : vector<128x512xf32> to vector<128xf32>
    %broadcast_in_dim3A_75 = vector.shape_cast %reduce_sum3A_74 : vector<128xf32> to vector<128x1xf32>
    %swap3A_76 = arith.constant 0 : index
    %swap3A_77 = arith.constant 3 : index
    %swap3A_78 = vector.load %arg6[%swap3A_76, %swap3A_77] : memref<128x40xf32, #tpu.memory_space<vmem>>, vector<128x1xf32>
    tpu.vector_store %arg6[%swap3A_76, %swap3A_77], %broadcast_in_dim3A_75 {strides = array<i32>} : memref<128x40xf32, #tpu.memory_space<vmem>>, vector<128x1xf32>,
    %jit3A_79 = arith.constant 0.000000e+00 : f32
    %broadcast_in_dim3A_80 = vector.broadcast %jit3A_79 : f32 to vector<128x512xf32>
    %select_n3A_81 = arith.select %eq3A_69, %sub3A_23, %broadcast_in_dim3A_80 : vector<128x512xi1>, vector<128x512xf32>
    %reduce_sum3A_82 = arith.constant dense<0.000000e+00> : vector<128xf32>
    %reduce_sum3A_83 = vector.multi_reduction <add>, %select_n3A_81, %reduce_sum3A_82 [1] : vector<128x512xf32> to vector<128xf32>
    %broadcast_in_dim3A_84 = vector.shape_cast %reduce_sum3A_83 : vector<128xf32> to vector<128x1xf32>
    %swap3A_85 = arith.constant 0 : index
    %swap3A_86 = arith.constant 19 : index
    %swap3A_87 = vector.load %arg6[%swap3A_85, %swap3A_86] : memref<128x40xf32, #tpu.memory_space<vmem>>, vector<128x1xf32>
    tpu.vector_store %arg6[%swap3A_85, %swap3A_86], %broadcast_in_dim3A_84 {strides = array<i32>} : memref<128x40xf32, #tpu.memory_space<vmem>>, vector<128x1xf32>,
    %jit3A_88 = arith.constant 0x7F800000 : f32
    %broadcast_in_dim3A_89 = vector.broadcast %jit3A_88 : f32 to vector<128x512xf32>
    %select_n3A_90 = arith.select %eq3A_69, %broadcast_in_dim3A_89, %select_n3A_64 : vector<128x512xi1>, vector<128x512xf32>
    %reduce_min3A_91 = arith.constant dense<0x7F800000> : vector<128xf32>
    %reduce_min3A_92 = vector.multi_reduction <minimumf>, %select_n3A_90, %reduce_min3A_91 [1] : vector<128x512xf32> to vector<128xf32>
    %broadcast_in_dim3A_93 = vector.shape_cast %reduce_min3A_92 : vector<128xf32> to vector<128x1xf32>
    %eq3A_94 = vector.broadcast %broadcast_in_dim3A_93 : vector<128x1xf32> to vector<128x512xf32>
    %eq3A_95 = arith.cmpf oeq, %select_n3A_90, %eq3A_94 : vector<128x512xf32>
    %jit3A_96 = arith.constant 0.000000e+00 : f32
    %broadcast_in_dim3A_97 = vector.broadcast %jit3A_96 : f32 to vector<128x512xf32>
    %select_n3A_98 = arith.select %eq3A_95, %sub3A_20, %broadcast_in_dim3A_97 : vector<128x512xi1>, vector<128x512xf32>
    %reduce_sum3A_99 = arith.constant dense<0.000000e+00> : vector<128xf32>
    %reduce_sum3A_100 = vector.multi_reduction <add>, %select_n3A_98, %reduce_sum3A_99 [1] : vector<128x512xf32> to vector<128xf32>
    %broadcast_in_dim3A_101 = vector.shape_cast %reduce_sum3A_100 : vector<128xf32> to vector<128x1xf32>
    %swap3A_102 = arith.constant 0 : index
    %swap3A_103 = arith.constant 4 : index
    %swap3A_104 = vector.load %arg6[%swap3A_102, %swap3A_103] : memref<128x40xf32, #tpu.memory_space<vmem>>, vector<128x1xf32>
    tpu.vector_store %arg6[%swap3A_102, %swap3A_103], %broadcast_in_dim3A_101 {strides = array<i32>} : memref<128x40xf32, #tpu.memory_space<vmem>>, vector<128x1xf32>,
    %jit3A_105 = arith.constant 0.000000e+00 : f32
    %broadcast_in_dim3A_106 = vector.broadcast %jit3A_105 : f32 to vector<128x512xf32>
    %select_n3A_107 = arith.select %eq3A_95, %sub3A_23, %broadcast_in_dim3A_106 : vector<128x512xi1>, vector<128x512xf32>
    %reduce_sum3A_108 = arith.constant dense<0.000000e+00> : vector<128xf32>
    %reduce_sum3A_109 = vector.multi_reduction <add>, %select_n3A_107, %reduce_sum3A_108 [1] : vector<128x512xf32> to vector<128xf32>
    %broadcast_in_dim3A_110 = vector.shape_cast %reduce_sum3A_109 : vector<128xf32> to vector<128x1xf32>
    %swap3A_111 = arith.constant 0 : index
    %swap3A_112 = arith.constant 20 : index
    %swap3A_113 = vector.load %arg6[%swap3A_111, %swap3A_112] : memref<128x40xf32, #tpu.memory_space<vmem>>, vector<128x1xf32>
    tpu.vector_store %arg6[%swap3A_111, %swap3A_112], %broadcast_in_dim3A_110 {strides = array<i32>} : memref<128x40xf32, #tpu.memory_space<vmem>>, vector<128x1xf32>,
    %jit3A_114 = arith.constant 0x7F800000 : f32
    %broadcast_in_dim3A_115 = vector.broadcast %jit3A_114 : f32 to vector<128x512xf32>
    %select_n3A_116 = arith.select %eq3A_95, %broadcast_in_dim3A_115, %select_n3A_90 : vector<128x512xi1>, vector<128x512xf32>
    %reduce_min3A_117 = arith.constant dense<0x7F800000> : vector<128xf32>
    %reduce_min3A_118 = vector.multi_reduction <minimumf>, %select_n3A_116, %reduce_min3A_117 [1] : vector<128x512xf32> to vector<128xf32>
    %broadcast_in_dim3A_119 = vector.shape_cast %reduce_min3A_118 : vector<128xf32> to vector<128x1xf32>
    %eq3A_120 = vector.broadcast %broadcast_in_dim3A_119 : vector<128x1xf32> to vector<128x512xf32>
    %eq3A_121 = arith.cmpf oeq, %select_n3A_116, %eq3A_120 : vector<128x512xf32>
    %jit3A_122 = arith.constant 0.000000e+00 : f32
    %broadcast_in_dim3A_123 = vector.broadcast %jit3A_122 : f32 to vector<128x512xf32>
    %select_n3A_124 = arith.select %eq3A_121, %sub3A_20, %broadcast_in_dim3A_123 : vector<128x512xi1>, vector<128x512xf32>
    %reduce_sum3A_125 = arith.constant dense<0.000000e+00> : vector<128xf32>
    %reduce_sum3A_126 = vector.multi_reduction <add>, %select_n3A_124, %reduce_sum3A_125 [1] : vector<128x512xf32> to vector<128xf32>
    %broadcast_in_dim3A_127 = vector.shape_cast %reduce_sum3A_126 : vector<128xf32> to vector<128x1xf32>
    %swap3A_128 = arith.constant 0 : index
    %swap3A_129 = arith.constant 5 : index
    %swap3A_130 = vector.load %arg6[%swap3A_128, %swap3A_129] : memref<128x40xf32, #tpu.memory_space<vmem>>, vector<128x1xf32>
    tpu.vector_store %arg6[%swap3A_128, %swap3A_129], %broadcast_in_dim3A_127 {strides = array<i32>} : memref<128x40xf32, #tpu.memory_space<vmem>>, vector<128x1xf32>,
    %jit3A_131 = arith.constant 0.000000e+00 : f32
    %broadcast_in_dim3A_132 = vector.broadcast %jit3A_131 : f32 to vector<128x512xf32>
    %select_n3A_133 = arith.select %eq3A_121, %sub3A_23, %broadcast_in_dim3A_132 : vector<128x512xi1>, vector<128x512xf32>
    %reduce_sum3A_134 = arith.constant dense<0.000000e+00> : vector<128xf32>
    %reduce_sum3A_135 = vector.multi_reduction <add>, %select_n3A_133, %reduce_sum3A_134 [1] : vector<128x512xf32> to vector<128xf32>
    %broadcast_in_dim3A_136 = vector.shape_cast %reduce_sum3A_135 : vector<128xf32> to vector<128x1xf32>
    %swap3A_137 = arith.constant 0 : index
    %swap3A_138 = arith.constant 21 : index
    %swap3A_139 = vector.load %arg6[%swap3A_137, %swap3A_138] : memref<128x40xf32, #tpu.memory_space<vmem>>, vector<128x1xf32>
    tpu.vector_store %arg6[%swap3A_137, %swap3A_138], %broadcast_in_dim3A_136 {strides = array<i32>} : memref<128x40xf32, #tpu.memory_space<vmem>>, vector<128x1xf32>,
    %jit3A_140 = arith.constant 0x7F800000 : f32
    %broadcast_in_dim3A_141 = vector.broadcast %jit3A_140 : f32 to vector<128x512xf32>
    %select_n3A_142 = arith.select %eq3A_121, %broadcast_in_dim3A_141, %select_n3A_116 : vector<128x512xi1>, vector<128x512xf32>
    %reduce_min3A_143 = arith.constant dense<0x7F800000> : vector<128xf32>
    %reduce_min3A_144 = vector.multi_reduction <minimumf>, %select_n3A_142, %reduce_min3A_143 [1] : vector<128x512xf32> to vector<128xf32>
    %broadcast_in_dim3A_145 = vector.shape_cast %reduce_min3A_144 : vector<128xf32> to vector<128x1xf32>
    %eq3A_146 = vector.broadcast %broadcast_in_dim3A_145 : vector<128x1xf32> to vector<128x512xf32>
    %eq3A_147 = arith.cmpf oeq, %select_n3A_142, %eq3A_146 : vector<128x512xf32>
    %jit3A_148 = arith.constant 0.000000e+00 : f32
    %broadcast_in_dim3A_149 = vector.broadcast %jit3A_148 : f32 to vector<128x512xf32>
    %select_n3A_150 = arith.select %eq3A_147, %sub3A_20, %broadcast_in_dim3A_149 : vector<128x512xi1>, vector<128x512xf32>
    %reduce_sum3A_151 = arith.constant dense<0.000000e+00> : vector<128xf32>
    %reduce_sum3A_152 = vector.multi_reduction <add>, %select_n3A_150, %reduce_sum3A_151 [1] : vector<128x512xf32> to vector<128xf32>
    %broadcast_in_dim3A_153 = vector.shape_cast %reduce_sum3A_152 : vector<128xf32> to vector<128x1xf32>
    %swap3A_154 = arith.constant 0 : index
    %swap3A_155 = arith.constant 6 : index
    %swap3A_156 = vector.load %arg6[%swap3A_154, %swap3A_155] : memref<128x40xf32, #tpu.memory_space<vmem>>, vector<128x1xf32>
    tpu.vector_store %arg6[%swap3A_154, %swap3A_155], %broadcast_in_dim3A_153 {strides = array<i32>} : memref<128x40xf32, #tpu.memory_space<vmem>>, vector<128x1xf32>,
    %jit3A_157 = arith.constant 0.000000e+00 : f32
    %broadcast_in_dim3A_158 = vector.broadcast %jit3A_157 : f32 to vector<128x512xf32>
    %select_n3A_159 = arith.select %eq3A_147, %sub3A_23, %broadcast_in_dim3A_158 : vector<128x512xi1>, vector<128x512xf32>
    %reduce_sum3A_160 = arith.constant dense<0.000000e+00> : vector<128xf32>
    %reduce_sum3A_161 = vector.multi_reduction <add>, %select_n3A_159, %reduce_sum3A_160 [1] : vector<128x512xf32> to vector<128xf32>
    %broadcast_in_dim3A_162 = vector.shape_cast %reduce_sum3A_161 : vector<128xf32> to vector<128x1xf32>
    %swap3A_163 = arith.constant 0 : index
    %swap3A_164 = arith.constant 22 : index
    %swap3A_165 = vector.load %arg6[%swap3A_163, %swap3A_164] : memref<128x40xf32, #tpu.memory_space<vmem>>, vector<128x1xf32>
    tpu.vector_store %arg6[%swap3A_163, %swap3A_164], %broadcast_in_dim3A_162 {strides = array<i32>} : memref<128x40xf32, #tpu.memory_space<vmem>>, vector<128x1xf32>,
    %jit3A_166 = arith.constant 0x7F800000 : f32
    %broadcast_in_dim3A_167 = vector.broadcast %jit3A_166 : f32 to vector<128x512xf32>
    %select_n3A_168 = arith.select %eq3A_147, %broadcast_in_dim3A_167, %select_n3A_142 : vector<128x512xi1>, vector<128x512xf32>
    %reduce_min3A_169 = arith.constant dense<0x7F800000> : vector<128xf32>
    %reduce_min3A_170 = vector.multi_reduction <minimumf>, %select_n3A_168, %reduce_min3A_169 [1] : vector<128x512xf32> to vector<128xf32>
    %broadcast_in_dim3A_171 = vector.shape_cast %reduce_min3A_170 : vector<128xf32> to vector<128x1xf32>
    %eq3A_172 = vector.broadcast %broadcast_in_dim3A_171 : vector<128x1xf32> to vector<128x512xf32>
    %eq3A_173 = arith.cmpf oeq, %select_n3A_168, %eq3A_172 : vector<128x512xf32>
    %jit3A_174 = arith.constant 0.000000e+00 : f32
    %broadcast_in_dim3A_175 = vector.broadcast %jit3A_174 : f32 to vector<128x512xf32>
    %select_n3A_176 = arith.select %eq3A_173, %sub3A_20, %broadcast_in_dim3A_175 : vector<128x512xi1>, vector<128x512xf32>
    %reduce_sum3A_177 = arith.constant dense<0.000000e+00> : vector<128xf32>
    %reduce_sum3A_178 = vector.multi_reduction <add>, %select_n3A_176, %reduce_sum3A_177 [1] : vector<128x512xf32> to vector<128xf32>
    %broadcast_in_dim3A_179 = vector.shape_cast %reduce_sum3A_178 : vector<128xf32> to vector<128x1xf32>
    %swap3A_180 = arith.constant 0 : index
    %swap3A_181 = arith.constant 7 : index
    %swap3A_182 = vector.load %arg6[%swap3A_180, %swap3A_181] : memref<128x40xf32, #tpu.memory_space<vmem>>, vector<128x1xf32>
    tpu.vector_store %arg6[%swap3A_180, %swap3A_181], %broadcast_in_dim3A_179 {strides = array<i32>} : memref<128x40xf32, #tpu.memory_space<vmem>>, vector<128x1xf32>,
    %jit3A_183 = arith.constant 0.000000e+00 : f32
    %broadcast_in_dim3A_184 = vector.broadcast %jit3A_183 : f32 to vector<128x512xf32>
    %select_n3A_185 = arith.select %eq3A_173, %sub3A_23, %broadcast_in_dim3A_184 : vector<128x512xi1>, vector<128x512xf32>
    %reduce_sum3A_186 = arith.constant dense<0.000000e+00> : vector<128xf32>
    %reduce_sum3A_187 = vector.multi_reduction <add>, %select_n3A_185, %reduce_sum3A_186 [1] : vector<128x512xf32> to vector<128xf32>
    %broadcast_in_dim3A_188 = vector.shape_cast %reduce_sum3A_187 : vector<128xf32> to vector<128x1xf32>
    %swap3A_189 = arith.constant 0 : index
    %swap3A_190 = arith.constant 23 : index
    %swap3A_191 = vector.load %arg6[%swap3A_189, %swap3A_190] : memref<128x40xf32, #tpu.memory_space<vmem>>, vector<128x1xf32>
    tpu.vector_store %arg6[%swap3A_189, %swap3A_190], %broadcast_in_dim3A_188 {strides = array<i32>} : memref<128x40xf32, #tpu.memory_space<vmem>>, vector<128x1xf32>,
    %jit3A_192 = arith.constant 0x7F800000 : f32
    %broadcast_in_dim3A_193 = vector.broadcast %jit3A_192 : f32 to vector<128x512xf32>
    %select_n3A_194 = arith.select %eq3A_173, %broadcast_in_dim3A_193, %select_n3A_168 : vector<128x512xi1>, vector<128x512xf32>
    %reduce_min3A_195 = arith.constant dense<0x7F800000> : vector<128xf32>
    %reduce_min3A_196 = vector.multi_reduction <minimumf>, %select_n3A_194, %reduce_min3A_195 [1] : vector<128x512xf32> to vector<128xf32>
    %broadcast_in_dim3A_197 = vector.shape_cast %reduce_min3A_196 : vector<128xf32> to vector<128x1xf32>
    %eq3A_198 = vector.broadcast %broadcast_in_dim3A_197 : vector<128x1xf32> to vector<128x512xf32>
    %eq3A_199 = arith.cmpf oeq, %select_n3A_194, %eq3A_198 : vector<128x512xf32>
    %jit3A_200 = arith.constant 0.000000e+00 : f32
    %broadcast_in_dim3A_201 = vector.broadcast %jit3A_200 : f32 to vector<128x512xf32>
    %select_n3A_202 = arith.select %eq3A_199, %sub3A_20, %broadcast_in_dim3A_201 : vector<128x512xi1>, vector<128x512xf32>
    %reduce_sum3A_203 = arith.constant dense<0.000000e+00> : vector<128xf32>
    %reduce_sum3A_204 = vector.multi_reduction <add>, %select_n3A_202, %reduce_sum3A_203 [1] : vector<128x512xf32> to vector<128xf32>
    %broadcast_in_dim3A_205 = vector.shape_cast %reduce_sum3A_204 : vector<128xf32> to vector<128x1xf32>
    %swap3A_206 = arith.constant 0 : index
    %swap3A_207 = arith.constant 8 : index
    %swap3A_208 = vector.load %arg6[%swap3A_206, %swap3A_207] : memref<128x40xf32, #tpu.memory_space<vmem>>, vector<128x1xf32>
    tpu.vector_store %arg6[%swap3A_206, %swap3A_207], %broadcast_in_dim3A_205 {strides = array<i32>} : memref<128x40xf32, #tpu.memory_space<vmem>>, vector<128x1xf32>,
    %jit3A_209 = arith.constant 0.000000e+00 : f32
    %broadcast_in_dim3A_210 = vector.broadcast %jit3A_209 : f32 to vector<128x512xf32>
    %select_n3A_211 = arith.select %eq3A_199, %sub3A_23, %broadcast_in_dim3A_210 : vector<128x512xi1>, vector<128x512xf32>
    %reduce_sum3A_212 = arith.constant dense<0.000000e+00> : vector<128xf32>
    %reduce_sum3A_213 = vector.multi_reduction <add>, %select_n3A_211, %reduce_sum3A_212 [1] : vector<128x512xf32> to vector<128xf32>
    %broadcast_in_dim3A_214 = vector.shape_cast %reduce_sum3A_213 : vector<128xf32> to vector<128x1xf32>
    %swap3A_215 = arith.constant 0 : index
    %swap3A_216 = arith.constant 24 : index
    %swap3A_217 = vector.load %arg6[%swap3A_215, %swap3A_216] : memref<128x40xf32, #tpu.memory_space<vmem>>, vector<128x1xf32>
    tpu.vector_store %arg6[%swap3A_215, %swap3A_216], %broadcast_in_dim3A_214 {strides = array<i32>} : memref<128x40xf32, #tpu.memory_space<vmem>>, vector<128x1xf32>,
    %jit3A_218 = arith.constant 0x7F800000 : f32
    %broadcast_in_dim3A_219 = vector.broadcast %jit3A_218 : f32 to vector<128x512xf32>
    %select_n3A_220 = arith.select %eq3A_199, %broadcast_in_dim3A_219, %select_n3A_194 : vector<128x512xi1>, vector<128x512xf32>
    %reduce_min3A_221 = arith.constant dense<0x7F800000> : vector<128xf32>
    %reduce_min3A_222 = vector.multi_reduction <minimumf>, %select_n3A_220, %reduce_min3A_221 [1] : vector<128x512xf32> to vector<128xf32>
    %broadcast_in_dim3A_223 = vector.shape_cast %reduce_min3A_222 : vector<128xf32> to vector<128x1xf32>
    %eq3A_224 = vector.broadcast %broadcast_in_dim3A_223 : vector<128x1xf32> to vector<128x512xf32>
    %eq3A_225 = arith.cmpf oeq, %select_n3A_220, %eq3A_224 : vector<128x512xf32>
    %jit3A_226 = arith.constant 0.000000e+00 : f32
    %broadcast_in_dim3A_227 = vector.broadcast %jit3A_226 : f32 to vector<128x512xf32>
    %select_n3A_228 = arith.select %eq3A_225, %sub3A_20, %broadcast_in_dim3A_227 : vector<128x512xi1>, vector<128x512xf32>
    %reduce_sum3A_229 = arith.constant dense<0.000000e+00> : vector<128xf32>
    %reduce_sum3A_230 = vector.multi_reduction <add>, %select_n3A_228, %reduce_sum3A_229 [1] : vector<128x512xf32> to vector<128xf32>
    %broadcast_in_dim3A_231 = vector.shape_cast %reduce_sum3A_230 : vector<128xf32> to vector<128x1xf32>
    %swap3A_232 = arith.constant 0 : index
    %swap3A_233 = arith.constant 9 : index
    %swap3A_234 = vector.load %arg6[%swap3A_232, %swap3A_233] : memref<128x40xf32, #tpu.memory_space<vmem>>, vector<128x1xf32>
    tpu.vector_store %arg6[%swap3A_232, %swap3A_233], %broadcast_in_dim3A_231 {strides = array<i32>} : memref<128x40xf32, #tpu.memory_space<vmem>>, vector<128x1xf32>,
    %jit3A_235 = arith.constant 0.000000e+00 : f32
    %broadcast_in_dim3A_236 = vector.broadcast %jit3A_235 : f32 to vector<128x512xf32>
    %select_n3A_237 = arith.select %eq3A_225, %sub3A_23, %broadcast_in_dim3A_236 : vector<128x512xi1>, vector<128x512xf32>
    %reduce_sum3A_238 = arith.constant dense<0.000000e+00> : vector<128xf32>
    %reduce_sum3A_239 = vector.multi_reduction <add>, %select_n3A_237, %reduce_sum3A_238 [1] : vector<128x512xf32> to vector<128xf32>
    %broadcast_in_dim3A_240 = vector.shape_cast %reduce_sum3A_239 : vector<128xf32> to vector<128x1xf32>
    %swap3A_241 = arith.constant 0 : index
    %swap3A_242 = arith.constant 25 : index
    %swap3A_243 = vector.load %arg6[%swap3A_241, %swap3A_242] : memref<128x40xf32, #tpu.memory_space<vmem>>, vector<128x1xf32>
    tpu.vector_store %arg6[%swap3A_241, %swap3A_242], %broadcast_in_dim3A_240 {strides = array<i32>} : memref<128x40xf32, #tpu.memory_space<vmem>>, vector<128x1xf32>,
    %jit3A_244 = arith.constant 0x7F800000 : f32
    %broadcast_in_dim3A_245 = vector.broadcast %jit3A_244 : f32 to vector<128x512xf32>
    %select_n3A_246 = arith.select %eq3A_225, %broadcast_in_dim3A_245, %select_n3A_220 : vector<128x512xi1>, vector<128x512xf32>
    %reduce_min3A_247 = arith.constant dense<0x7F800000> : vector<128xf32>
    %reduce_min3A_248 = vector.multi_reduction <minimumf>, %select_n3A_246, %reduce_min3A_247 [1] : vector<128x512xf32> to vector<128xf32>
    %broadcast_in_dim3A_249 = vector.shape_cast %reduce_min3A_248 : vector<128xf32> to vector<128x1xf32>
    %eq3A_250 = vector.broadcast %broadcast_in_dim3A_249 : vector<128x1xf32> to vector<128x512xf32>
    %eq3A_251 = arith.cmpf oeq, %select_n3A_246, %eq3A_250 : vector<128x512xf32>
    %jit3A_252 = arith.constant 0.000000e+00 : f32
    %broadcast_in_dim3A_253 = vector.broadcast %jit3A_252 : f32 to vector<128x512xf32>
    %select_n3A_254 = arith.select %eq3A_251, %sub3A_20, %broadcast_in_dim3A_253 : vector<128x512xi1>, vector<128x512xf32>
    %reduce_sum3A_255 = arith.constant dense<0.000000e+00> : vector<128xf32>
    %reduce_sum3A_256 = vector.multi_reduction <add>, %select_n3A_254, %reduce_sum3A_255 [1] : vector<128x512xf32> to vector<128xf32>
    %broadcast_in_dim3A_257 = vector.shape_cast %reduce_sum3A_256 : vector<128xf32> to vector<128x1xf32>
    %swap3A_258 = arith.constant 0 : index
    %swap3A_259 = arith.constant 10 : index
    %swap3A_260 = vector.load %arg6[%swap3A_258, %swap3A_259] : memref<128x40xf32, #tpu.memory_space<vmem>>, vector<128x1xf32>
    tpu.vector_store %arg6[%swap3A_258, %swap3A_259], %broadcast_in_dim3A_257 {strides = array<i32>} : memref<128x40xf32, #tpu.memory_space<vmem>>, vector<128x1xf32>,
    %jit3A_261 = arith.constant 0.000000e+00 : f32
    %broadcast_in_dim3A_262 = vector.broadcast %jit3A_261 : f32 to vector<128x512xf32>
    %select_n3A_263 = arith.select %eq3A_251, %sub3A_23, %broadcast_in_dim3A_262 : vector<128x512xi1>, vector<128x512xf32>
    %reduce_sum3A_264 = arith.constant dense<0.000000e+00> : vector<128xf32>
    %reduce_sum3A_265 = vector.multi_reduction <add>, %select_n3A_263, %reduce_sum3A_264 [1] : vector<128x512xf32> to vector<128xf32>
    %broadcast_in_dim3A_266 = vector.shape_cast %reduce_sum3A_265 : vector<128xf32> to vector<128x1xf32>
    %swap3A_267 = arith.constant 0 : index
    %swap3A_268 = arith.constant 26 : index
    %swap3A_269 = vector.load %arg6[%swap3A_267, %swap3A_268] : memref<128x40xf32, #tpu.memory_space<vmem>>, vector<128x1xf32>
    tpu.vector_store %arg6[%swap3A_267, %swap3A_268], %broadcast_in_dim3A_266 {strides = array<i32>} : memref<128x40xf32, #tpu.memory_space<vmem>>, vector<128x1xf32>,
    %jit3A_270 = arith.constant 0x7F800000 : f32
    %broadcast_in_dim3A_271 = vector.broadcast %jit3A_270 : f32 to vector<128x512xf32>
    %select_n3A_272 = arith.select %eq3A_251, %broadcast_in_dim3A_271, %select_n3A_246 : vector<128x512xi1>, vector<128x512xf32>
    %reduce_min3A_273 = arith.constant dense<0x7F800000> : vector<128xf32>
    %reduce_min3A_274 = vector.multi_reduction <minimumf>, %select_n3A_272, %reduce_min3A_273 [1] : vector<128x512xf32> to vector<128xf32>
    %broadcast_in_dim3A_275 = vector.shape_cast %reduce_min3A_274 : vector<128xf32> to vector<128x1xf32>
    %eq3A_276 = vector.broadcast %broadcast_in_dim3A_275 : vector<128x1xf32> to vector<128x512xf32>
    %eq3A_277 = arith.cmpf oeq, %select_n3A_272, %eq3A_276 : vector<128x512xf32>
    %jit3A_278 = arith.constant 0.000000e+00 : f32
    %broadcast_in_dim3A_279 = vector.broadcast %jit3A_278 : f32 to vector<128x512xf32>
    %select_n3A_280 = arith.select %eq3A_277, %sub3A_20, %broadcast_in_dim3A_279 : vector<128x512xi1>, vector<128x512xf32>
    %reduce_sum3A_281 = arith.constant dense<0.000000e+00> : vector<128xf32>
    %reduce_sum3A_282 = vector.multi_reduction <add>, %select_n3A_280, %reduce_sum3A_281 [1] : vector<128x512xf32> to vector<128xf32>
    %broadcast_in_dim3A_283 = vector.shape_cast %reduce_sum3A_282 : vector<128xf32> to vector<128x1xf32>
    %swap3A_284 = arith.constant 0 : index
    %swap3A_285 = arith.constant 11 : index
    %swap3A_286 = vector.load %arg6[%swap3A_284, %swap3A_285] : memref<128x40xf32, #tpu.memory_space<vmem>>, vector<128x1xf32>
    tpu.vector_store %arg6[%swap3A_284, %swap3A_285], %broadcast_in_dim3A_283 {strides = array<i32>} : memref<128x40xf32, #tpu.memory_space<vmem>>, vector<128x1xf32>,
    %jit3A_287 = arith.constant 0.000000e+00 : f32
    %broadcast_in_dim3A_288 = vector.broadcast %jit3A_287 : f32 to vector<128x512xf32>
    %select_n3A_289 = arith.select %eq3A_277, %sub3A_23, %broadcast_in_dim3A_288 : vector<128x512xi1>, vector<128x512xf32>
    %reduce_sum3A_290 = arith.constant dense<0.000000e+00> : vector<128xf32>
    %reduce_sum3A_291 = vector.multi_reduction <add>, %select_n3A_289, %reduce_sum3A_290 [1] : vector<128x512xf32> to vector<128xf32>
    %broadcast_in_dim3A_292 = vector.shape_cast %reduce_sum3A_291 : vector<128xf32> to vector<128x1xf32>
    %swap3A_293 = arith.constant 0 : index
    %swap3A_294 = arith.constant 27 : index
    %swap3A_295 = vector.load %arg6[%swap3A_293, %swap3A_294] : memref<128x40xf32, #tpu.memory_space<vmem>>, vector<128x1xf32>
    tpu.vector_store %arg6[%swap3A_293, %swap3A_294], %broadcast_in_dim3A_292 {strides = array<i32>} : memref<128x40xf32, #tpu.memory_space<vmem>>, vector<128x1xf32>,
    %jit3A_296 = arith.constant 0x7F800000 : f32
    %broadcast_in_dim3A_297 = vector.broadcast %jit3A_296 : f32 to vector<128x512xf32>
    %select_n3A_298 = arith.select %eq3A_277, %broadcast_in_dim3A_297, %select_n3A_272 : vector<128x512xi1>, vector<128x512xf32>
    %reduce_min3A_299 = arith.constant dense<0x7F800000> : vector<128xf32>
    %reduce_min3A_300 = vector.multi_reduction <minimumf>, %select_n3A_298, %reduce_min3A_299 [1] : vector<128x512xf32> to vector<128xf32>
    %broadcast_in_dim3A_301 = vector.shape_cast %reduce_min3A_300 : vector<128xf32> to vector<128x1xf32>
    %eq3A_302 = vector.broadcast %broadcast_in_dim3A_301 : vector<128x1xf32> to vector<128x512xf32>
    %eq3A_303 = arith.cmpf oeq, %select_n3A_298, %eq3A_302 : vector<128x512xf32>
    %jit3A_304 = arith.constant 0.000000e+00 : f32
    %broadcast_in_dim3A_305 = vector.broadcast %jit3A_304 : f32 to vector<128x512xf32>
    %select_n3A_306 = arith.select %eq3A_303, %sub3A_20, %broadcast_in_dim3A_305 : vector<128x512xi1>, vector<128x512xf32>
    %reduce_sum3A_307 = arith.constant dense<0.000000e+00> : vector<128xf32>
    %reduce_sum3A_308 = vector.multi_reduction <add>, %select_n3A_306, %reduce_sum3A_307 [1] : vector<128x512xf32> to vector<128xf32>
    %broadcast_in_dim3A_309 = vector.shape_cast %reduce_sum3A_308 : vector<128xf32> to vector<128x1xf32>
    %swap3A_310 = arith.constant 0 : index
    %swap3A_311 = arith.constant 12 : index
    %swap3A_312 = vector.load %arg6[%swap3A_310, %swap3A_311] : memref<128x40xf32, #tpu.memory_space<vmem>>, vector<128x1xf32>
    tpu.vector_store %arg6[%swap3A_310, %swap3A_311], %broadcast_in_dim3A_309 {strides = array<i32>} : memref<128x40xf32, #tpu.memory_space<vmem>>, vector<128x1xf32>,
    %jit3A_313 = arith.constant 0.000000e+00 : f32
    %broadcast_in_dim3A_314 = vector.broadcast %jit3A_313 : f32 to vector<128x512xf32>
    %select_n3A_315 = arith.select %eq3A_303, %sub3A_23, %broadcast_in_dim3A_314 : vector<128x512xi1>, vector<128x512xf32>
    %reduce_sum3A_316 = arith.constant dense<0.000000e+00> : vector<128xf32>
    %reduce_sum3A_317 = vector.multi_reduction <add>, %select_n3A_315, %reduce_sum3A_316 [1] : vector<128x512xf32> to vector<128xf32>
    %broadcast_in_dim3A_318 = vector.shape_cast %reduce_sum3A_317 : vector<128xf32> to vector<128x1xf32>
    %swap3A_319 = arith.constant 0 : index
    %swap3A_320 = arith.constant 28 : index
    %swap3A_321 = vector.load %arg6[%swap3A_319, %swap3A_320] : memref<128x40xf32, #tpu.memory_space<vmem>>, vector<128x1xf32>
    tpu.vector_store %arg6[%swap3A_319, %swap3A_320], %broadcast_in_dim3A_318 {strides = array<i32>} : memref<128x40xf32, #tpu.memory_space<vmem>>, vector<128x1xf32>,
    %jit3A_322 = arith.constant 0x7F800000 : f32
    %broadcast_in_dim3A_323 = vector.broadcast %jit3A_322 : f32 to vector<128x512xf32>
    %select_n3A_324 = arith.select %eq3A_303, %broadcast_in_dim3A_323, %select_n3A_298 : vector<128x512xi1>, vector<128x512xf32>
    %reduce_min3A_325 = arith.constant dense<0x7F800000> : vector<128xf32>
    %reduce_min3A_326 = vector.multi_reduction <minimumf>, %select_n3A_324, %reduce_min3A_325 [1] : vector<128x512xf32> to vector<128xf32>
    %broadcast_in_dim3A_327 = vector.shape_cast %reduce_min3A_326 : vector<128xf32> to vector<128x1xf32>
    %eq3A_328 = vector.broadcast %broadcast_in_dim3A_327 : vector<128x1xf32> to vector<128x512xf32>
    %eq3A_329 = arith.cmpf oeq, %select_n3A_324, %eq3A_328 : vector<128x512xf32>
    %jit3A_330 = arith.constant 0.000000e+00 : f32
    %broadcast_in_dim3A_331 = vector.broadcast %jit3A_330 : f32 to vector<128x512xf32>
    %select_n3A_332 = arith.select %eq3A_329, %sub3A_20, %broadcast_in_dim3A_331 : vector<128x512xi1>, vector<128x512xf32>
    %reduce_sum3A_333 = arith.constant dense<0.000000e+00> : vector<128xf32>
    %reduce_sum3A_334 = vector.multi_reduction <add>, %select_n3A_332, %reduce_sum3A_333 [1] : vector<128x512xf32> to vector<128xf32>
    %broadcast_in_dim3A_335 = vector.shape_cast %reduce_sum3A_334 : vector<128xf32> to vector<128x1xf32>
    %swap3A_336 = arith.constant 0 : index
    %swap3A_337 = arith.constant 13 : index
    %swap3A_338 = vector.load %arg6[%swap3A_336, %swap3A_337] : memref<128x40xf32, #tpu.memory_space<vmem>>, vector<128x1xf32>
    tpu.vector_store %arg6[%swap3A_336, %swap3A_337], %broadcast_in_dim3A_335 {strides = array<i32>} : memref<128x40xf32, #tpu.memory_space<vmem>>, vector<128x1xf32>,
    %jit3A_339 = arith.constant 0.000000e+00 : f32
    %broadcast_in_dim3A_340 = vector.broadcast %jit3A_339 : f32 to vector<128x512xf32>
    %select_n3A_341 = arith.select %eq3A_329, %sub3A_23, %broadcast_in_dim3A_340 : vector<128x512xi1>, vector<128x512xf32>
    %reduce_sum3A_342 = arith.constant dense<0.000000e+00> : vector<128xf32>
    %reduce_sum3A_343 = vector.multi_reduction <add>, %select_n3A_341, %reduce_sum3A_342 [1] : vector<128x512xf32> to vector<128xf32>
    %broadcast_in_dim3A_344 = vector.shape_cast %reduce_sum3A_343 : vector<128xf32> to vector<128x1xf32>
    %swap3A_345 = arith.constant 0 : index
    %swap3A_346 = arith.constant 29 : index
    %swap3A_347 = vector.load %arg6[%swap3A_345, %swap3A_346] : memref<128x40xf32, #tpu.memory_space<vmem>>, vector<128x1xf32>
    tpu.vector_store %arg6[%swap3A_345, %swap3A_346], %broadcast_in_dim3A_344 {strides = array<i32>} : memref<128x40xf32, #tpu.memory_space<vmem>>, vector<128x1xf32>,
    %jit3A_348 = arith.constant 0x7F800000 : f32
    %broadcast_in_dim3A_349 = vector.broadcast %jit3A_348 : f32 to vector<128x512xf32>
    %select_n3A_350 = arith.select %eq3A_329, %broadcast_in_dim3A_349, %select_n3A_324 : vector<128x512xi1>, vector<128x512xf32>
    %reduce_min3A_351 = arith.constant dense<0x7F800000> : vector<128xf32>
    %reduce_min3A_352 = vector.multi_reduction <minimumf>, %select_n3A_350, %reduce_min3A_351 [1] : vector<128x512xf32> to vector<128xf32>
    %broadcast_in_dim3A_353 = vector.shape_cast %reduce_min3A_352 : vector<128xf32> to vector<128x1xf32>
    %eq3A_354 = vector.broadcast %broadcast_in_dim3A_353 : vector<128x1xf32> to vector<128x512xf32>
    %eq3A_355 = arith.cmpf oeq, %select_n3A_350, %eq3A_354 : vector<128x512xf32>
    %jit3A_356 = arith.constant 0.000000e+00 : f32
    %broadcast_in_dim3A_357 = vector.broadcast %jit3A_356 : f32 to vector<128x512xf32>
    %select_n3A_358 = arith.select %eq3A_355, %sub3A_20, %broadcast_in_dim3A_357 : vector<128x512xi1>, vector<128x512xf32>
    %reduce_sum3A_359 = arith.constant dense<0.000000e+00> : vector<128xf32>
    %reduce_sum3A_360 = vector.multi_reduction <add>, %select_n3A_358, %reduce_sum3A_359 [1] : vector<128x512xf32> to vector<128xf32>
    %broadcast_in_dim3A_361 = vector.shape_cast %reduce_sum3A_360 : vector<128xf32> to vector<128x1xf32>
    %swap3A_362 = arith.constant 0 : index
    %swap3A_363 = arith.constant 14 : index
    %swap3A_364 = vector.load %arg6[%swap3A_362, %swap3A_363] : memref<128x40xf32, #tpu.memory_space<vmem>>, vector<128x1xf32>
    tpu.vector_store %arg6[%swap3A_362, %swap3A_363], %broadcast_in_dim3A_361 {strides = array<i32>} : memref<128x40xf32, #tpu.memory_space<vmem>>, vector<128x1xf32>,
    %jit3A_365 = arith.constant 0.000000e+00 : f32
    %broadcast_in_dim3A_366 = vector.broadcast %jit3A_365 : f32 to vector<128x512xf32>
    %select_n3A_367 = arith.select %eq3A_355, %sub3A_23, %broadcast_in_dim3A_366 : vector<128x512xi1>, vector<128x512xf32>
    %reduce_sum3A_368 = arith.constant dense<0.000000e+00> : vector<128xf32>
    %reduce_sum3A_369 = vector.multi_reduction <add>, %select_n3A_367, %reduce_sum3A_368 [1] : vector<128x512xf32> to vector<128xf32>
    %broadcast_in_dim3A_370 = vector.shape_cast %reduce_sum3A_369 : vector<128xf32> to vector<128x1xf32>
    %swap3A_371 = arith.constant 0 : index
    %swap3A_372 = arith.constant 30 : index
    %swap3A_373 = vector.load %arg6[%swap3A_371, %swap3A_372] : memref<128x40xf32, #tpu.memory_space<vmem>>, vector<128x1xf32>
    tpu.vector_store %arg6[%swap3A_371, %swap3A_372], %broadcast_in_dim3A_370 {strides = array<i32>} : memref<128x40xf32, #tpu.memory_space<vmem>>, vector<128x1xf32>,
    %jit3A_374 = arith.constant 0x7F800000 : f32
    %broadcast_in_dim3A_375 = vector.broadcast %jit3A_374 : f32 to vector<128x512xf32>
    %select_n3A_376 = arith.select %eq3A_355, %broadcast_in_dim3A_375, %select_n3A_350 : vector<128x512xi1>, vector<128x512xf32>
    %reduce_min3A_377 = arith.constant dense<0x7F800000> : vector<128xf32>
    %reduce_min3A_378 = vector.multi_reduction <minimumf>, %select_n3A_376, %reduce_min3A_377 [1] : vector<128x512xf32> to vector<128xf32>
    %broadcast_in_dim3A_379 = vector.shape_cast %reduce_min3A_378 : vector<128xf32> to vector<128x1xf32>
    %eq3A_380 = vector.broadcast %broadcast_in_dim3A_379 : vector<128x1xf32> to vector<128x512xf32>
    %eq3A_381 = arith.cmpf oeq, %select_n3A_376, %eq3A_380 : vector<128x512xf32>
    %jit3A_382 = arith.constant 0.000000e+00 : f32
    %broadcast_in_dim3A_383 = vector.broadcast %jit3A_382 : f32 to vector<128x512xf32>
    %select_n3A_384 = arith.select %eq3A_381, %sub3A_20, %broadcast_in_dim3A_383 : vector<128x512xi1>, vector<128x512xf32>
    %reduce_sum3A_385 = arith.constant dense<0.000000e+00> : vector<128xf32>
    %reduce_sum3A_386 = vector.multi_reduction <add>, %select_n3A_384, %reduce_sum3A_385 [1] : vector<128x512xf32> to vector<128xf32>
    %broadcast_in_dim3A_387 = vector.shape_cast %reduce_sum3A_386 : vector<128xf32> to vector<128x1xf32>
    %swap3A_388 = arith.constant 0 : index
    %swap3A_389 = arith.constant 15 : index
    %swap3A_390 = vector.load %arg6[%swap3A_388, %swap3A_389] : memref<128x40xf32, #tpu.memory_space<vmem>>, vector<128x1xf32>
    tpu.vector_store %arg6[%swap3A_388, %swap3A_389], %broadcast_in_dim3A_387 {strides = array<i32>} : memref<128x40xf32, #tpu.memory_space<vmem>>, vector<128x1xf32>,
    %jit3A_391 = arith.constant 0.000000e+00 : f32
    %broadcast_in_dim3A_392 = vector.broadcast %jit3A_391 : f32 to vector<128x512xf32>
    %select_n3A_393 = arith.select %eq3A_381, %sub3A_23, %broadcast_in_dim3A_392 : vector<128x512xi1>, vector<128x512xf32>
    %reduce_sum3A_394 = arith.constant dense<0.000000e+00> : vector<128xf32>
    %reduce_sum3A_395 = vector.multi_reduction <add>, %select_n3A_393, %reduce_sum3A_394 [1] : vector<128x512xf32> to vector<128xf32>
    %broadcast_in_dim3A_396 = vector.shape_cast %reduce_sum3A_395 : vector<128xf32> to vector<128x1xf32>
    %swap3A_397 = arith.constant 0 : index
    %swap3A_398 = arith.constant 31 : index
    %swap3A_399 = vector.load %arg6[%swap3A_397, %swap3A_398] : memref<128x40xf32, #tpu.memory_space<vmem>>, vector<128x1xf32>
    tpu.vector_store %arg6[%swap3A_397, %swap3A_398], %broadcast_in_dim3A_396 {strides = array<i32>} : memref<128x40xf32, #tpu.memory_space<vmem>>, vector<128x1xf32>,
    %jit3A_400 = arith.constant 0x7F800000 : f32
    %broadcast_in_dim3A_401 = vector.broadcast %jit3A_400 : f32 to vector<128x512xf32>
    %select_n3A_402 = arith.select %eq3A_381, %broadcast_in_dim3A_401, %select_n3A_376 : vector<128x512xi1>, vector<128x512xf32>
    %reduce_min3A_403 = arith.constant dense<0x7F800000> : vector<128xf32>
    %reduce_min3A_404 = vector.multi_reduction <minimumf>, %select_n3A_402, %reduce_min3A_403 [1] : vector<128x512xf32> to vector<128xf32>
    %broadcast_in_dim3A_405 = vector.shape_cast %reduce_min3A_404 : vector<128xf32> to vector<128x1xf32>
    %eq3A_406 = vector.broadcast %broadcast_in_dim3A_405 : vector<128x1xf32> to vector<128x512xf32>
    %eq3A_407 = arith.cmpf oeq, %select_n3A_402, %eq3A_406 : vector<128x512xf32>
    %jit3A_408 = arith.constant 0.000000e+00 : f32
    %broadcast_in_dim3A_409 = vector.broadcast %jit3A_408 : f32 to vector<128x512xf32>
    %select_n3A_410 = arith.select %eq3A_407, %sub3A_20, %broadcast_in_dim3A_409 : vector<128x512xi1>, vector<128x512xf32>
    %reduce_sum3A_411 = arith.constant dense<0.000000e+00> : vector<128xf32>
    %reduce_sum3A_412 = vector.multi_reduction <add>, %select_n3A_410, %reduce_sum3A_411 [1] : vector<128x512xf32> to vector<128xf32>
    %broadcast_in_dim3A_413 = vector.shape_cast %reduce_sum3A_412 : vector<128xf32> to vector<128x1xf32>
    %swap3A_414 = arith.constant 0 : index
    %swap3A_415 = arith.constant 16 : index
    %swap3A_416 = vector.load %arg6[%swap3A_414, %swap3A_415] : memref<128x40xf32, #tpu.memory_space<vmem>>, vector<128x1xf32>
    tpu.vector_store %arg6[%swap3A_414, %swap3A_415], %broadcast_in_dim3A_413 {strides = array<i32>} : memref<128x40xf32, #tpu.memory_space<vmem>>, vector<128x1xf32>,
    %jit3A_417 = arith.constant 0.000000e+00 : f32
    %broadcast_in_dim3A_418 = vector.broadcast %jit3A_417 : f32 to vector<128x512xf32>
    %select_n3A_419 = arith.select %eq3A_407, %sub3A_23, %broadcast_in_dim3A_418 : vector<128x512xi1>, vector<128x512xf32>
    %reduce_sum3A_420 = arith.constant dense<0.000000e+00> : vector<128xf32>
    %reduce_sum3A_421 = vector.multi_reduction <add>, %select_n3A_419, %reduce_sum3A_420 [1] : vector<128x512xf32> to vector<128xf32>
    %broadcast_in_dim3A_422 = vector.shape_cast %reduce_sum3A_421 : vector<128xf32> to vector<128x1xf32>
    %swap3A_423 = arith.constant 0 : index
    %swap3A_424 = arith.constant 32 : index
    %swap3A_425 = vector.load %arg6[%swap3A_423, %swap3A_424] : memref<128x40xf32, #tpu.memory_space<vmem>>, vector<128x1xf32>
    tpu.vector_store %arg6[%swap3A_423, %swap3A_424], %broadcast_in_dim3A_422 {strides = array<i32>} : memref<128x40xf32, #tpu.memory_space<vmem>>, vector<128x1xf32>,
    %jit3A_426 = arith.constant 0x7F800000 : f32
    %broadcast_in_dim3A_427 = vector.broadcast %jit3A_426 : f32 to vector<128x512xf32>
    %select_n3A_428 = arith.select %eq3A_407, %broadcast_in_dim3A_427, %select_n3A_402 : vector<128x512xi1>, vector<128x512xf32>
    %reduce_min3A_429 = arith.constant dense<0x7F800000> : vector<128xf32>
    %reduce_min3A_430 = vector.multi_reduction <minimumf>, %select_n3A_428, %reduce_min3A_429 [1] : vector<128x512xf32> to vector<128xf32>
    %broadcast_in_dim3A_431 = vector.shape_cast %reduce_min3A_430 : vector<128xf32> to vector<128x1xf32>
    %eq3A_432 = vector.broadcast %broadcast_in_dim3A_431 : vector<128x1xf32> to vector<128x512xf32>
    %eq3A_433 = arith.cmpf oeq, %select_n3A_428, %eq3A_432 : vector<128x512xf32>
    %jit3A_434 = arith.constant 0.000000e+00 : f32
    %broadcast_in_dim3A_435 = vector.broadcast %jit3A_434 : f32 to vector<128x512xf32>
    %select_n3A_436 = arith.select %eq3A_433, %sub3A_20, %broadcast_in_dim3A_435 : vector<128x512xi1>, vector<128x512xf32>
    %reduce_sum3A_437 = arith.constant dense<0.000000e+00> : vector<128xf32>
    %reduce_sum3A_438 = vector.multi_reduction <add>, %select_n3A_436, %reduce_sum3A_437 [1] : vector<128x512xf32> to vector<128xf32>
    %broadcast_in_dim3A_439 = vector.shape_cast %reduce_sum3A_438 : vector<128xf32> to vector<128x1xf32>
    %swap3A_440 = arith.constant 0 : index
    %swap3A_441 = arith.constant 17 : index
    %swap3A_442 = vector.load %arg6[%swap3A_440, %swap3A_441] : memref<128x40xf32, #tpu.memory_space<vmem>>, vector<128x1xf32>
    tpu.vector_store %arg6[%swap3A_440, %swap3A_441], %broadcast_in_dim3A_439 {strides = array<i32>} : memref<128x40xf32, #tpu.memory_space<vmem>>, vector<128x1xf32>,
    %jit3A_443 = arith.constant 0.000000e+00 : f32
    %broadcast_in_dim3A_444 = vector.broadcast %jit3A_443 : f32 to vector<128x512xf32>
    %select_n3A_445 = arith.select %eq3A_433, %sub3A_23, %broadcast_in_dim3A_444 : vector<128x512xi1>, vector<128x512xf32>
    %reduce_sum3A_446 = arith.constant dense<0.000000e+00> : vector<128xf32>
    %reduce_sum3A_447 = vector.multi_reduction <add>, %select_n3A_445, %reduce_sum3A_446 [1] : vector<128x512xf32> to vector<128xf32>
    %broadcast_in_dim3A_448 = vector.shape_cast %reduce_sum3A_447 : vector<128xf32> to vector<128x1xf32>
    %swap3A_449 = arith.constant 0 : index
    %swap3A_450 = arith.constant 33 : index
    %swap3A_451 = vector.load %arg6[%swap3A_449, %swap3A_450] : memref<128x40xf32, #tpu.memory_space<vmem>>, vector<128x1xf32>
    tpu.vector_store %arg6[%swap3A_449, %swap3A_450], %broadcast_in_dim3A_448 {strides = array<i32>} : memref<128x40xf32, #tpu.memory_space<vmem>>, vector<128x1xf32>,
    %get3A_452 = arith.constant 0 : index
    %get3A_453 = arith.constant 0 : index
    %get3A_454 = vector.load %arg6[%get3A_452, %get3A_453] : memref<128x40xf32, #tpu.memory_space<vmem>>, vector<128x40xf32>
    %get3A_455 = arith.constant 0 : index
    %get3A_456 = arith.constant 0 : index
    %get3A_457 = vector.load %arg3[%get3A_455, %get3A_456] : memref<40x128xf32, #tpu.memory_space<vmem>>, vector<40x128xf32>
    %dot_general3A = arith.constant dense<0.000000e+00> : vector<128x128xf32>
    %dot_general3A_458 = tpu.matmul %get3A_454, %get3A_457, %dot_general3A {dimension_numbers = #tpu.dot_dimension_numbers<[1], [0], [0], [1], [0, 0, 1, 1], [], []>, transpose_lhs_hint = false} : vector<128x40xf32>, vector<40x128xf32>, vector<128x128xf32> -> vector<128x128xf32>
    %get3A_459 = arith.constant 0 : index
    %get3A_460 = arith.constant 0 : index
    %get3A_461 = vector.load %arg4[%get3A_459, %get3A_460] : memref<1x128xf32, #tpu.memory_space<vmem>>, vector<1x128xf32>
    %add3A_462 = vector.broadcast %get3A_461 : vector<1x128xf32> to vector<128x128xf32>
    %add3A_463 = arith.addf %dot_general3A_458, %add3A_462 : vector<128x128xf32>
    %swap3A_464 = arith.constant 0 : index
    %swap3A_465 = arith.constant 0 : index
    %swap3A_466 = arith.constant 0 : index
    %swap3A_467 = vector.load %arg5[%swap3A_464, %swap3A_465, %swap3A_466] : memref<1x128x128xf32, #tpu.memory_space<vmem>>, vector<1x128x128xf32>
    %swap3A_468 = vector.shape_cast %swap3A_467 : vector<1x128x128xf32> to vector<128x128xf32>
    %swap3A_469 = vector.shape_cast %add3A_463 : vector<128x128xf32> to vector<1x128x128xf32>
    tpu.vector_store %arg5[%swap3A_464, %swap3A_465, %swap3A_466], %swap3A_469 {strides = array<i32>} : memref<1x128x128xf32, #tpu.memory_space<vmem>>, vector<1x128x128xf32>,
    return
  }
  func.func @transform_0(%arg0: i32) -> (i32, i32, i32) {
    %c0_i32 = arith.constant 0 : i32
    %c0_i32_0 = arith.constant 0 : i32
    %c0_i32_1 = arith.constant 0 : i32
    return %arg0, %c0_i32, %c0_i32_0 : i32, i32, i32
  }
  func.func @transform_1(%arg0: i32) -> (i32, i32, i32) {
    %c0_i32 = arith.constant 0 : i32
    %c0_i32_0 = arith.constant 0 : i32
    %c0_i32_1 = arith.constant 0 : i32
    return %arg0, %c0_i32, %c0_i32_0 : i32, i32, i32
  }
  func.func @transform_2(%arg0: i32) -> (i32, i32) {
    %c0_i32 = arith.constant 0 : i32
    %c0_i32_0 = arith.constant 0 : i32
    %c0_i32_1 = arith.constant 0 : i32
    return %c0_i32, %c0_i32_0 : i32, i32
  }
  func.func @transform_3(%arg0: i32) -> (i32, i32) {
    %c0_i32 = arith.constant 0 : i32
    %c0_i32_0 = arith.constant 0 : i32
    %c0_i32_1 = arith.constant 0 : i32
    return %c0_i32, %c0_i32_0 : i32, i32
  }
  func.func @transform_4(%arg0: i32) -> (i32, i32, i32) {
    %c0_i32 = arith.constant 0 : i32
    %c0_i32_0 = arith.constant 0 : i32
    %c0_i32_1 = arith.constant 0 : i32
    return %arg0, %c0_i32, %c0_i32_0 : i32, i32, i32
  }
}

</mosaic_0001>

<sc_bundles>
// kernel: kernel.5.cloned.1.call-start
scs
__scs_entry_jumppad:
0x0: {  	(pc) =	sbr.rel $0x88, $3  }
0x1: {  	(tag) =	ssettag $0x0;
	lr =	simm.s32 $0x1  }
0x2: {  	[smem:$0x3F9E] =	sst lr;
	_ =	strace $0xD0000000  }
0x3: {  	_ = 	snop  }
0x4: {  	_ = 	snop  }
0x5: {  	_ = 	snop  }
0x6: {  	_ = 	snop  }
0x7: {  	_ = 	snop  }
__scs_overlays_trampoline_lowered:
0x8: {  	[smem:$0x3FAD] =	sst s0  }
0x9: {  	[smem:$0x3FAE] =	sst s1  }
0xa: {  	[smem:$0x3FAF] =	sst s2  }
0xb: {  	[smem:$0x3FB0] =	sst s3  }
0xc: {  	[smem:$0x3FB1] =	sst s4  }
0xd: {  	[smem:$0x3FB2] =	sst s5  }
0xe: {  	[smem:$0x3FB3] =	sst s6  }
0xf: {  	[smem:$0x3FB4] =	sst s7  }
0x10: {  	[smem:$0x3FB5] =	sst s8  }
0x11: {  	[smem:$0x3FB6] =	sst s9;
	s0 =	simm.s32 @!p0 $0x0  }
0x12: {  	s1 =	sld [smem:$0x3F9C];
	s0 =	simm.s32 @p0 $0x1  }
0x13: {  	[smem:$0x3FB7] =	sst s0;
	s0 =	simm.s32 @!p1 $0x0  }
0x14: {  	s2 =	sld [smem:$0x3F9B];
	s0 =	simm.s32 @p1 $0x1  }
0x15: {  	[smem:$0x3FB8] =	sst s0;
	s0 =	simm.s32 @!p2 $0x0  }
0x16: {  	s3 =	sld [smem:$0x3FDB];
	s0 =	simm.s32 @p2 $0x1  }
0x17: {  	s4 =	simm.s32 $0x1BF5;
	[smem:$0x3FBA] =	sst s0  }
0x18: {  	s0 =	sld [smem:$0x3F9D];
	_ =	swait.ge [sflag:s4], $0x0  }
0x19: {  	s7 =	sld [smem:$0x3F9E]  }
0x1a: {  	s8 =	sadd.s32 $0xFFFFE003, lr  }
0x1b: {  	s9 =	sadd.s32 $0xFFFFFEF7, lr;
	s5 =	simm.s32 $0xFFFFFFFF;
	p2 =	slt.u32 s8, $0xFFFFF086  }
0x1c: {  	p1 =	slt.u32 s9, $0xF7A;
	s5 =	simm.s32 @!p2 $0x0  }
0x1d: {  	s5 =	simm.s32 @p1 $0x1;
	p0 =	seq.s32 s7, s2  }
0x1e: {  	s7 =	smul.u32 @!p0 $0xF7A, s2;
	p2 =	seq.s32 @!p0 s5, $0x0  }
0x1f: {  	s9 =	smul.u32 $0xF7A, s1;
	s8 =	simm.s32 @!p0 $0x1BF5;
	p2 =	por !p2, p0  }
0x20: {  	[sflag:s8] =	ssyncset.s32 @!p0 $0xFFFFF086;
	s6 =	sadd.s32 @!p0 s3, s7;
	s7 =	simm.s32 @!p0 $0x108  }
0x21: {  	s3 =	sadd.s32 s3, s9;
	s6 =	sadd.s32 @!p0 $0x88, s6;
	s7 =	simm.s32 @p2 $0x1082  }
0x22: {  	[simem:s7], [sflag:s8] =	dma.local @!p0 [hbm:s6], $0xF7A  }
0x23: {  	s9 =	sor.u32 $0xD0000000, s2;
	s6 =	simm.s32 $0x108;
	_ =	swait.ge @!p0 [sflag:s8], $0x0  }
0x24: {  	s3 =	sadd.s32 $0x88, s3;
	s6 =	simm.s32 @!p1 $0x1082;
	[sflag:s4] =	ssyncset.s32 $0xFFFFF086  }
0x25: {  	[simem:s6], [sflag:s4] =	dma.local [hbm:s3], $0xF7A  }
0x26: {  	[smem:$0x3F9E] =	sst s1;
	(tag) =	ssettag s2;
	_ =	strace s9  }
0x27: {  	s1 =	sld [smem:$0x3FAE]  }
0x28: {  	s2 =	sld [smem:$0x3FAF]  }
0x29: {  	s4 =	sld [smem:$0x3FB1]  }
0x2a: {  	p0 =	seq.s32 s5, $0x0;
	s5 =	sld [smem:$0x3FB2]  }
0x2b: {  	s6 =	sld [smem:$0x3FB3]  }
0x2c: {  	s7 =	sld [smem:$0x3FB4]  }
0x2d: {  	s3 =	simm.s32 $0x108;
	s8 =	sld [smem:$0x3FB5]  }
0x2e: {  	s3 =	simm.s32 @!p0 $0x1082;
	s9 =	sld [smem:$0x3FB6]  }
0x2f: {  	lr =	sadd.s32 s0, s3;
	s0 =	sld [smem:$0x3FAD]  }
0x30: {  	s3 =	sld [smem:$0x3FB0]  }
0x31: {  	[smem:$0x3FB9] =	sst s10  }
0x32: {  	s10 =	sld [smem:$0x3FB7];
	_ =	sdelay $0x3  }
0x33: {  	p0 =	seq.s32 s10, $0x1;
	s10 =	sld [smem:$0x3FB9];
	_ =	sdelay $0x3  }
0x34: {  	[smem:$0x3FB9] =	sst s10  }
0x35: {  	s10 =	sld [smem:$0x3FB8];
	_ =	sdelay $0x3  }
0x36: {  	p1 =	seq.s32 s10, $0x1;
	s10 =	sld [smem:$0x3FB9];
	_ =	sdelay $0x3  }
0x37: {  	[smem:$0x3FB9] =	sst s10  }
0x38: {  	s10 =	sld [smem:$0x3FBA]  }
0x39: {  	_ = 	snop;
	(pc) =	sbr.ind lr, $3  }
0x3a: {  	_ = 	snop  }
0x3b: {  	_ = 	snop  }
0x3c: {  	p2 =	seq.s32 s10, $0x1;
	s10 =	sld [smem:$0x3FB9]  }
0x3d: {  	_ =	shalt  }
0x3e: {  	_ =	shalt  }
0x3f: {  	_ =	shalt  }
0x40: {  	_ =	shalt  }
0x41: {  	_ =	shalt  }
0x42: {  	_ =	shalt  }
0x43: {  	_ =	shalt  }
0x44: {  	_ =	shalt  }
0x45: {  	_ =	shalt  }
0x46: {  	_ =	shalt  }
0x47: {  	_ =	shalt  }
0x48: {  	_ =	shalt  }
0x49: {  	_ =	shalt  }
0x4a: {  	_ =	shalt  }
0x4b: {  	_ =	shalt  }
0x4c: {  	_ =	shalt  }
0x4d: {  	_ =	shalt  }
0x4e: {  	_ =	shalt  }
0x4f: {  	_ =	shalt  }
0x50: {  	_ =	shalt  }
0x51: {  	_ =	shalt  }
0x52: {  	_ =	shalt  }
0x53: {  	_ =	shalt  }
0x54: {  	_ =	shalt  }
0x55: {  	_ =	shalt  }
0x56: {  	_ =	shalt  }
0x57: {  	_ =	shalt  }
0x58: {  	_ =	shalt  }
0x59: {  	_ =	shalt  }
0x5a: {  	_ =	shalt  }
0x5b: {  	_ =	shalt  }
0x5c: {  	_ =	shalt  }
0x5d: {  	_ =	shalt  }
0x5e: {  	_ =	shalt  }
0x5f: {  	_ =	shalt  }
0x60: {  	_ =	shalt  }
0x61: {  	_ =	shalt  }
0x62: {  	_ =	shalt  }
0x63: {  	_ =	shalt  }
0x64: {  	_ =	shalt  }
0x65: {  	_ =	shalt  }
0x66: {  	_ =	shalt  }
0x67: {  	_ =	shalt  }
0x68: {  	_ =	shalt  }
0x69: {  	_ =	shalt  }
0x6a: {  	_ =	shalt  }
0x6b: {  	_ =	shalt  }
0x6c: {  	_ =	shalt  }
0x6d: {  	_ =	shalt  }
0x6e: {  	_ =	shalt  }
0x6f: {  	_ =	shalt  }
0x70: {  	_ =	shalt  }
0x71: {  	_ =	shalt  }
0x72: {  	_ =	shalt  }
0x73: {  	_ =	shalt  }
0x74: {  	_ =	shalt  }
0x75: {  	_ =	shalt  }
0x76: {  	_ =	shalt  }
0x77: {  	_ =	shalt  }
0x78: {  	_ =	shalt  }
0x79: {  	_ =	shalt  }
0x7a: {  	_ =	shalt  }
0x7b: {  	_ =	shalt  }
0x7c: {  	_ =	shalt  }
0x7d: {  	_ =	shalt  }
0x7e: {  	_ =	shalt  }
0x7f: {  	_ =	shalt  }
0x80: {  	_ =	shalt  }
0x81: {  	_ =	shalt  }
0x82: {  	_ =	shalt  }
0x83: {  	_ =	shalt  }
0x84: {  	_ =	shalt  }
0x85: {  	_ =	shalt  }
0x86: {  	_ =	shalt  }
0x87: {  	_ =	shalt  }
.Lfunc_end0:
.L_simem_size_0:
called_computation_lowered:
.L_overlay_start_0:
0x88: {  	s2 =	sld [smem:$0x3FD9]  }
0x89: {  	s3 =	sld [smem:$0x3FFE];
	_ =	sdelay $0x1  }
0x8a: {  	s1 =	srdreg.scid  }
0x8b: {  	s0 =	sand.u32 $0x1, s1  }
0x8c: {  	s17 =	sshll.u32 s0, $0xA;
	s2 =	sadd.s32 s3, s2  }
0x8d: {  	s2 =	sadd.s32 s2, s17  }
0x8e: {  	[smem:$0x3FC5] =	sst s2  }
0x8f: {  	_ = 	snop  }
0x90: {  	s2 =	sld [smem:$0x3FD0];
	(tm) =	ssettm $0x1  }
0x91: {  	s18 =	sld [smem:$0x3FFB];
	_ =	sdelay $0x3  }
0x92: {  	_ =	strace s18  }
0x93: {  	s3 =	sld [smem:$0x3FFC];
	_ =	sdelay $0x3  }
0x94: {  	_ =	strace s3  }
0x95: {  	s3 =	sld [smem:$0x3FFD];
	_ =	sdelay $0x3  }
0x96: {  	_ =	strace s3  }
0x97: {  	_ =	strace $0x8FFFFFFF  }
0x98: {  	s19 =	sld [smem:$0x3FDB];
	_ =	sdelay $0x1  }
0x99: {  	s4 =	simm.s32 $_scs_section_size  }
0x9a: {  	s5 =	simm.s32 $_size__tile_overlayer_lowered;
	s6 =	simm.s32 $_tile_overlayer_lowered  }
0x9b: {  	s22 =	simm.s32 $0x1BFF;
	s21 =	sshll.u32 s6, $0x1;
	s3 =	sadd.s32 s4, s19  }
0x9c: {  	s7 =	simm.s32 $0x0;
	s20 =	sshll.u32 s5, $0x1;
	s5 =	sadd.s32 s21, s3  }
0x9d: {  	[timem:s7], [sflag:s22] =	dma.local [hbm:s5], s20  }
0x9e: {  	_ =	swait.ge [sflag:s22], s20  }
0x9f: {  	s4 =	ssub.s32 $0x0, s20;
	[sflag:s22] =	ssyncset.done $0x0  }
0xa0: {  	[sflag:s22] =	ssyncadd.s32 s4;
	_ =	sdelay $0x1  }
0xa1: {  	s23 =	simm.s32 $0x1B8B  }
0xa2: {  	_ =	swait.ge [sflag:s23], $0x1  }
0xa3: {  	[sflag:s23] =	ssyncset.done $0x0  }
0xa4: {  	s25 =	simm.s32 $0x1B8E;
	s24 =	sld [smem:$0x3FFE];
	[sflag:s23] =	ssyncadd.s32 $0xFFFFFFFF  }
0xa5: {  	s26 =	simm.s32 $execute0_lowered;
	[smem:$0x3FD2] =	sst s25  }
0xa6: {  	s5 =	sshll.u32 s26, $0x1;
	_ =	strace $0x80000046;
	[dreg:$0x1] =	wrdreg $0xFFFFFFFF  }
0xa7: {  	s28 =	simm.s32 $_size_execute0_lowered;
	s3 =	sadd.s32 s3, s5;
	[dreg:$0x0] =	wrdreg $0x0  }
0xa8: {  	s5 =	sshll.u32 s28, $0x1;
	[dreg:$0x2] =	wrdreg s3  }
0xa9: {  	[dreg:$0x3] =	wrdreg s5  }
0xaa: {  	[dreg:$0x4] =	wrdreg $0xC0  }
0xab: {  	_ =	task [dreg:s7], $0x5FFFF  }
0xac: {  	[dreg:$0x1] =	wrdreg $0xFFFFFFFF  }
0xad: {  	[dreg:$0x0] =	wrdreg $0x60  }
0xae: {  	[dreg:$0x2] =	wrdreg s24  }
0xaf: {  	[dreg:$0x3] =	wrdreg s2  }
0xb0: {  	[dreg:$0x4] =	wrdreg $0x9  }
0xb1: {  	_ =	task.clear_ibuf [dreg:s7], $0x5FFFF;
	_ =	strace $0x90000046  }
0xb2: {  	s29 =	simm.s32 $0x9;
	_ =	strace $0x80000048  }
0xb3: {  	_ =	swait.ge [sflag:s29], $0x1  }
0xb4: {  	[sflag:s29] =	ssyncadd.s32 $0xFFFFFFFF  }
0xb5: {  	_ =	strace $0x90000048  }
0xb6: {  	_ =	sfence  }
0xb7: {  	s30 =	sld [smem:$0x0];
	_ =	sdelay $0x2  }
0xb8: {  	s31 =	sshll.u32 s1, $0xD;
	s1 =	sshrl.u32 s1, $0x2  }
0xb9: {  	s3 =	sand.u32 $0x4000, s31;
	s1 =	sadd.s32 s1, s30  }
0xba: {  	s0 =	sor.u32 s3, s0;
	s1 =	sshll.u32 s1, $0x11  }
0xbb: {  	s0 =	sor.u32 s1, s0  }
0xbc: {  	s0 =	sadd.s32 $0x8F2B, s0  }
0xbd: {  	[sflag:s0] =	ssyncadd.remote.s32 $0x1  }
0xbe: {  	_ =	sfence.sel $0xFFFF  }
0xbf: {  	[dreg:$0x0] =	wrdreg $0xFFFFFFFF;
	(pc) =	sbr.abs _section_cstart, $3  }
0xc0: {  	[dreg:$0x1] =	wrdreg $0xFFFFFFFF  }
0xc1: {  	_ =	task.clear_ibuf [dreg:s7], $0x2FFFF;
	_ =	strace $0x9FFFFFFF  }
0xc2: {  	(tm) =	ssettm $0x7FFFFFFF  }
0xc3: {  	_ =	shalt  }
tec
execute0_lowered:
.L_overlay_start_1:
0x0: {  	(tag) =	ssettag $0x1  }
0x1: {  	v0 =	vlaneseq.u32  }
0x2: {  	v1 =	vmul.u32 $0x2, v0  }
0x3: {  	v2 =	vor.u32 $0x20, v0  }
0x4: {  	[tilespmem:$0x1FE60] =	vst v2;
	v2 =	vor.u32 $0x60, v1  }
0x5: {  	[tilespmem:$0x1FE70] =	vst v2;
	v2 =	vor.u32 $0x61, v1  }
0x6: {  	s1 =	srdreg.scid;
	s0 =	stileid.u32;
	[tilespmem:$0x1FE80] =	vst v2;
	v2 =	vor.u32 $0x30, v0  }
0x7: {  	s4 =	sand.u32 $0x1, s1;
	s30 =	sshll.u32 s0, $0x1;
	[tilespmem:$0x1FE90] =	vst v2;
	v2 =	vor.u32 $0x80, v1  }
0x8: {  	s5 =	sor.u32 s4, s30;
	[tilespmem:$0x1FEA0] =	vst v2;
	v2 =	vor.u32 $0x81, v1  }
0x9: {  	p0 =	seq.s32 s4, $0x1;
	p1 =	seq.s32 s5, $0x0;
	[tilespmem:$0x1FEB0] =	vst v2;
	v2 =	vor.u32 $0x40, v0  }
0xa: {  	p1 =	por !p1, !p0;
	[tilespmem:$0x1FEC0] =	vst v2;
	v2 =	vor.u32 $0xA0, v1  }
0xb: {  	s1 =	simm.s32 $0x1;
	p1 =	por !p1, !p1;
	[tilespmem:$0x1FED0] =	vst v2;
	v2 =	vor.u32 $0xA1, v1  }
0xc: {  	s6 =	rddreg [dreg:$0x0];
	vm0 =	vcmask $0x308;
	v5 =	vor.u32 $0x10, v0;
	s1 =	simm.s32 @!p1 $0x0;
	[tilespmem:$0x1FEE0] =	vst v2;
	v2 =	vor.u32 $0x50, v0  }
0xd: {  	s7 =	rddreg [dreg:$0x1];
	v8 =	vor.u32 $0x60, v0;
	v23 =	vor.u32 $0x70, v0;
	s2 =	ssub.s32 s0, s1;
	[tilespmem:$0x1FEF0] =	vst v2;
	v2 =	vor.u32 $0xC0, v1  }
0xe: {  	v26 =	vor.u32 $0x80, v0;
	v29 =	vor.u32 $0x90, v0;
	s3 =	sshll.u32 s2, $0xA;
	s8 =	sshll.u32 s2, $0x7;
	s2 =	simm.s32 $0x0;
	[tilespmem:$0x1FF00] =	vst v2;
	v2 =	vor.u32 $0xC1, v1  }
0xf: {  	v32 =	vor.u32 $0xA0, v0;
	v35 =	vor.u32 $0xB0, v0;
	[smem:$0x7FF] =	sst s2;
	[tilespmem:$0x1FF10] =	vst v2;
	v2 =	vor.u32 $0x220, v1  }
0x10: {  	v38 =	vor.u32 $0xC0, v0;
	v41 =	vor.u32 $0xD0, v0;
	v4 =	vor.u32 $0x1, v1;
	s1 =	rddreg [dreg:$0x2];
	_ =	strace $0x80000047;
	[tilespmem:$0x1FF20] =	vst v2  }
0x11: {  	v44 =	vor.u32 $0xE0, v0;
	v11 =	vor.u32 $0xF0, v0;
	v2 =	vor.u32 $0x221, v1;
	[tilespmem:$0x1FFF0] =	vst v4  }
0x12: {  	v40 =	vor.u32 $0x100, v0;
	v42 =	vor.u32 $0x20, v1;
	[tilespmem:$0x1FF30] =	vst v2;
	v2 =	vor.u32 $0x110, v0  }
0x13: {  	v43 =	vor.u32 $0x21, v1;
	v45 =	vor.u32 $0x40, v1;
	[tilespmem:$0x1FF40] =	vst v2;
	v2 =	vor.u32 $0x240, v1  }
0x14: {  	v46 =	vor.u32 $0x41, v1;
	v39 =	vor.u32 $0xE0, v1;
	[tilespmem:$0x1FF50] =	vst v2;
	v2 =	vor.u32 $0x241, v1  }
0x15: {  	v60 =	vor.u32 $0xE1, v1;
	v61 =	vor.u32 $0x100, v1;
	[tilespmem:$0x1FF60] =	vst v2;
	v2 =	vor.u32 $0x120, v0  }
0x16: {  	v63 =	vor.u32 $0x101, v1;
	v48 =	vor.u32 $0x120, v1;
	[tilespmem:$0x1FF70] =	vst v2;
	v2 =	vor.u32 $0x260, v1  }
0x17: {  	s11 =	simm.s32 $0x0;
	v49 =	vor.u32 $0x121, v1;
	v51 =	vor.u32 $0x140, v1;
	[tilespmem:$0x1FF80] =	vst v2;
	v2 =	vor.u32 $0x261, v1  }
0x18: {  	s31 =	ssub.s32 $0x2, s4;
	v52 =	vor.u32 $0x141, v1;
	v54 =	vor.u32 $0x160, v1;
	s3 =	sand.u32 $0xFFFFE000, s3;
	s8 =	sand.u32 $0x380, s8;
	[tilespmem:$0x1FF90] =	vst v2;
	v2 =	vor.u32 $0x130, v0  }
0x19: {  	s4 =	simm.s32 $0xC0;
	v55 =	vor.u32 $0x161, v1;
	v57 =	vor.u32 $0x180, v1;
	s9 =	sshrl.u32 s31, $0x1;
	s3 =	sor.u32 s8, s3;
	[tilespmem:$0x1FFA0] =	vst v2;
	v2 =	vor.u32 $0x280, v1  }
0x1a: {  	v58 =	vor.u32 $0x181, v1;
	v50 =	vor.u32 $0x1A0, v1;
	s10 =	smul.u32 $0xC00, s5;
	s4 =	simm.s32 @!p0 $0x0;
	s8 =	sshrl.u32 s3, $0x3;
	[tilespmem:$0x1FFB0] =	vst v2;
	v2 =	vor.u32 $0x281, v1  }
0x1b: {  	v53 =	vor.u32 $0x1A1, v1;
	v56 =	vor.u32 $0x1C0, v1;
	s3 =	simm.s32 $0x1;
	s6 =	sadd.s32 s8, s6;
	s8 =	ssub.s32 s31, s9;
	[tilespmem:$0x1FFC0] =	vst v2;
	v2 =	vor.u32 $0x140, v0  }
0x1c: {  	v59 =	vor.u32 $0x1C1, v1;
	v62 =	vor.u32 $0x1E0, v1;
	s9 =	simm.s32 $0x80;
	s5 =	sadd.s32 $0x1200, s6;
	s6 =	sadd.s32 s7, s10;
	[tilespmem:$0x1FFD0] =	vst v2;
	v2 =	vor.u32 $0x2A0, v1  }
0x1d: {  	v47 =	vor.u32 $0x1E1, v1;
	v14 =	vor.u32 $0x200, v1;
	v17 =	vor.u32 $0x201, v1;
	s7 =	smax.u32 s8, $0x1;
	s8 =	sshll.u32 s4, $0x1;
	s10 =	simm.s32 $0x400;
	[tilespmem:$0x1FFE0] =	vst v2  }
.LBB2_1:
0x1e: {  	[tilespmem:s2], [sflag:$0x1] =	stream.strided.gather [hbm4b:s5+s9], $0x400, s10, s9, $0x38;
	[tilespmem:$0x6400] =	vst v63  }
0x1f: {  	_ =	swait.ge [sflag:s3], $0x400  }
0x20: {  	s12 =	simm.s32 $0x4C00;
	[sflag:s3] =	ssyncset.done $0x0  }
0x21: {  	s13 =	smov.u32 s8;
	s14 =	simm.s32 $0x0;
	[sflag:s3] =	ssyncadd.s32 $0xFFFFFC00  }
.LBB2_2:
0x22: {  	v2 =	vmov s13  }
0x23: {  	v3 =	vor.u32 $0x1, v2;
	_ =	sdelay $0x2  }
0x24: {  	s15 =	sadd.s32 $0x60, s13  }
0x25: {  	v12 =	vld.idx.msk [tilespmem:v2+s2+$0x0], $0xffff;
	v2 =	vmov s15  }
0x26: {  	s24 =	sadd.s32 $0xC0, s13;
	v10 =	vld.idx.msk [tilespmem:v3+s2+$0x0], $0xffff;
	v3 =	vor.u32 $0x1, v2  }
0x27: {  	v16 =	vld.idx.msk [tilespmem:v4+s2+$0x0], $0xffff;
	v4 =	vmov s24  }
0x28: {  	v13 =	vld.idx.msk [tilespmem:v1+s2+$0x0], $0xffff;
	_ =	sdelay $0x1  }
0x29: {  	s25 =	sadd.s32 $0x120, s13;
	v7 =	vld.idx.msk [tilespmem:v2+s2+$0x0], $0xffff;
	v2 =	vor.u32 $0x1, v4  }
0x2a: {  	v9 =	vld.idx.msk [tilespmem:v3+s2+$0x0], $0xffff;
	v3 =	vmov s25  }
0x2b: {  	v6 =	vld.idx.msk [tilespmem:v4+s2+$0x0], $0xffff;
	v15 =	vor.u32 $0x1, v3  }
0x2c: {  	v18 =	vsub.f32 v13, v12;
	v19 =	vsub.f32 v16, v10  }
0x2d: {  	v27 =	vld.idx.msk [tilespmem:v43+s2+$0x0], $0xffff  }
0x2e: {  	v18 =	vmul.f32 v18, v18;
	v19 =	vmul.f32 v19, v19;
	v4 =	vld.idx.msk [tilespmem:v2+s2+$0x0], $0xffff  }
0x2f: {  	v21 =	vsub.f32 v13, v7;
	v2 =	vld.idx.msk [tilespmem:v3+s2+$0x0], $0xffff;
	v22 =	vsub.f32 v16, v9  }
0x30: {  	s26 =	sadd.s32 s14, s4;
	v24 =	vsub.f32 v13, v6;
	v3 =	vld.idx.msk [tilespmem:v15+s2+$0x0], $0xffff;
	v15 =	vadd.f32 v19, v18  }
0x31: {  	v18 =	vmov s26;
	v19 =	vmul.f32 v21, v21;
	v21 =	vmul.f32 v22, v22  }
0x32: {  	v24 =	vmul.f32 v24, v24;
	v30 =	vsub.f32 v27, v9;
	vm1 =	veq.s32 v18, v0  }
0x33: {  	s16 =	sadd.s32 $0x30, s26;
	v22 =	vsel vm1, $0x7F800000, v15;
	v19 =	vadd.f32 v21, v19;
	v21 =	vld.idx.msk [tilespmem:v42+s2+$0x0], $0xffff;
	v25 =	vsub.f32 v16, v4  }
0x34: {  	v15 =	vmov s16;
	(xrf1) =	vsort.ascd.msk.f32 $0xffff, v22, v0;
	v22 =	vsub.f32 v27, v10;
	v31 =	vsub.f32 v27, v4  }
0x35: {  	s28 =	sadd.s32 $0x60, s26;
	vm1 =	veq.s32 v15, v0;
	v28 =	vsub.f32 v13, v2;
	v16 =	vsub.f32 v16, v3  }
0x36: {  	v13 =	vmov s28;
	v19 =	vsel vm1, $0x7F800000, v19;
	v25 =	vmul.f32 v25, v25  }
0x37: {  	vm1 =	veq.s32 v13, v0;
	v28 =	vmul.f32 v28, v28;
	v16 =	vmul.f32 v16, v16  }
0x38: {  	s15 =	sadd.s32 $0x90, s26;
	v22 =	vmul.f32 v22, v22;
	v24 =	vadd.f32 v25, v24;
	v25 =	vsub.f32 v21, v12  }
0x39: {  	v27 =	vsub.f32 v27, v3;
	v28 =	vadd.f32 v16, v28;
	v16 =	vmov s15  }
0x3a: {  	(xrf1) =	vsort.ascd.msk.f32 $0xffff, v19, v0;
	v24 =	vsel vm1, $0x7F800000, v24;
	v19 =	vmul.f32 v25, v25;
	v25 =	vsub.f32 v21, v7  }
0x3b: {  	vm1 =	veq.s32 v16, v0;
	(xrf1) =	vsort.ascd.msk.f32 $0xffff, v24, v0;
	v24 =	vsub.f32 v21, v6  }
0x3c: {  	v21 =	vsub.f32 v21, v2;
	v19 =	vadd.f32 v22, v19;
	v22 =	vmul.f32 v25, v25  }
0x3d: {  	v28 =	vsel vm1, $0x7F800000, v28;
	v25 =	vmul.f32 v30, v30;
	v24 =	vmul.f32 v24, v24  }
0x3e: {  	vm1 =	veq.s32 v18, v5;
	v30 =	vmul.f32 v31, v31;
	v21 =	vmul.f32 v21, v21  }
0x3f: {  	(xrf1) =	vsort.ascd.msk.f32 $0xffff, v28, v0;
	v19 =	vsel vm1, $0x7F800000, v19;
	v22 =	vadd.f32 v25, v22;
	vm1 =	veq.s32 v15, v5  }
0x40: {  	v24 =	vadd.f32 v30, v24;
	v25 =	vmul.f32 v27, v27;
	(xrf1) =	vsort.dscd.msk.f32 $0xffff, v19, v5  }
0x41: {  	v19 =	vsel vm1, $0x7F800000, v22;
	vm1 =	veq.s32 v13, v5  }
0x42: {  	v21 =	vadd.f32 v25, v21;
	v22 =	vsel vm1, $0x7F800000, v24;
	(xrf1) =	vsort.dscd.msk.f32 $0xffff, v19, v5  }
0x43: {  	vm1 =	veq.s32 v16, v5;
	(xrf1) =	vsort.dscd.msk.f32 $0xffff, v22, v5  }
0x44: {  	v19 =	vsel vm1, $0x7F800000, v21  }
0x45: {  	(xrf1) =	vsort.dscd.msk.f32 $0xffff, v19, v5;
	_ =	sdelay $0x1  }
0x46: {  	v20 =	vmov v17  }
0x47: {  	v17 =	vmovc v14;
	v14 =	vmovc v11;
	v11 =	vmov v47;
	v47 =	vmov v44;
	v44 =	vmov v41  }
0x48: {  	v41 =	vmovc v38;
	v38 =	vmovc v35;
	v35 =	vmov v32;
	v32 =	vmov v29;
	v29 =	vmov v26  }
0x49: {  	v26 =	vmov v23;
	v23 =	vmov v8;
	v8 =	vmov v5;
	v19, v21, _ =	vpop (xrf1)  }
0x4a: {  	v5 =	vmov v62;
	v62 =	vmov v59;
	v59 =	vmov v56;
	v22, v24, _ =	vpop (xrf1)  }
0x4b: {  	v56 =	vmov v53;
	v53 =	vmov v50;
	v50 =	vmov v58;
	v25, v27, _ =	vpop (xrf1)  }
0x4c: {  	v58 =	vmov v57;
	v57 =	vmov v55;
	v55 =	vmov v54;
	v28, v30, _ =	vpop (xrf1)  }
0x4d: {  	v34 =	vld.idx.msk [tilespmem:v45+s2+$0x0], $0xffff;
	v54 =	vmov v52;
	v52 =	vmov v51;
	v51 =	vmov v49;
	v31, v33, _ =	vpop (xrf1)  }
0x4e: {  	v36 =	vld.idx.msk [tilespmem:v46+s2+$0x0], $0xffff;
	v49 =	vmovc v48;
	v48 =	vmovc v63;
	v63 =	vmov v61;
	v61 =	vmov v60;
	vm1 =	vlt.f32 v31, v19  }
0x4f: {  	v60 =	vmov v39;
	v37, v39, _ =	vpop (xrf1);
	v19 =	vsel vm1, v31, v19;
	v21 =	vsel vm1, v33, v21  }
0x50: {  	v31, v33, _ =	vpop (xrf1);
	(xrf1) =	vsort.ascd.msk.f32 $0xffff, v19, v21;
	vm1 =	vlt.f32 v37, v22  }
0x51: {  	v19 =	vsel vm1, v37, v22;
	v21 =	vsel vm1, v39, v24;
	vm1 =	vlt.f32 v31, v25  }
0x52: {  	v22, v24, _ =	vpop (xrf1);
	(xrf1) =	vsort.ascd.msk.f32 $0xffff, v19, v21;
	v19 =	vsel vm1, v31, v25;
	v21 =	vsub.f32 v34, v12  }
0x53: {  	v25 =	vsel vm1, v33, v27;
	vm1 =	vlt.f32 v22, v28;
	v27 =	vsub.f32 v36, v10;
	v31 =	vld [tilespmem:$0x1FE60]  }
0x54: {  	(xrf1) =	vsort.ascd.msk.f32 $0xffff, v19, v25;
	v19 =	vsel vm1, v22, v28;
	v25 =	vsub.f32 v34, v7  }
0x55: {  	v21 =	vmul.f32 v21, v21;
	v22 =	vmul.f32 v27, v27;
	v27 =	vsub.f32 v36, v9  }
0x56: {  	v24 =	vsel vm1, v24, v30;
	v28 =	vsub.f32 v34, v6;
	v30 =	vsub.f32 v36, v4  }
0x57: {  	v21 =	vadd.f32 v22, v21;
	v22 =	vmul.f32 v25, v25;
	v25 =	vmul.f32 v27, v27  }
0x58: {  	v27 =	vmul.f32 v28, v28;
	v28 =	vmul.f32 v30, v30;
	vm1 =	veq.s32 v18, v31  }
0x59: {  	(xrf1) =	vsort.ascd.msk.f32 $0xffff, v19, v24;
	v19 =	vsel vm1, $0x7F800000, v21;
	v21 =	vadd.f32 v25, v22;
	v25 =	vsub.f32 v36, v3;
	v36 =	vld [tilespmem:$0x1FE70]  }
0x5a: {  	v24 =	vsub.f32 v34, v2;
	vm1 =	veq.s32 v15, v31;
	v22 =	vadd.f32 v28, v27  }
0x5b: {  	(xrf1) =	vsort.dscd.msk.f32 $0xffff, v19, v31;
	v19 =	vsel vm1, $0x7F800000, v21;
	vm1 =	veq.s32 v13, v31  }
0x5c: {  	v21 =	vsel vm1, $0x7F800000, v22;
	v22 =	vmul.f32 v24, v24;
	v24 =	vmul.f32 v25, v25  }
0x5d: {  	(xrf1) =	vsort.dscd.msk.f32 $0xffff, v19, v31  }
0x5e: {  	(xrf1) =	vsort.dscd.msk.f32 $0xffff, v21, v31;
	v19 =	vadd.f32 v24, v22  }
0x5f: {  	vm1 =	veq.s32 v16, v31  }
0x60: {  	v19 =	vsel vm1, $0x7F800000, v19  }
0x61: {  	(xrf1) =	vsort.dscd.msk.f32 $0xffff, v19, v31;
	v34 =	vld.idx.msk [tilespmem:v36+s2+$0x0], $0xffff  }
0x62: {  	v36 =	vld [tilespmem:$0x1FE80];
	_ =	sdelay $0x2  }
0x63: {  	v19, v21, _ =	vpop (xrf1)  }
0x64: {  	v22, v24, _ =	vpop (xrf1)  }
0x65: {  	v25, v27, _ =	vpop (xrf1)  }
0x66: {  	v28, v30, _ =	vpop (xrf1)  }
0x67: {  	v31, v33, _ =	vpop (xrf1)  }
0x68: {  	vm1 =	vlt.f32 v31, v19;
	v36 =	vld.idx.msk [tilespmem:v36+s2+$0x0], $0xffff  }
0x69: {  	v37, v39, _ =	vpop (xrf1);
	v19 =	vsel vm1, v31, v19;
	v21 =	vsel vm1, v33, v21  }
0x6a: {  	v31, v33, _ =	vpop (xrf1);
	(xrf1) =	vsort.ascd.msk.f32 $0xffff, v19, v21;
	vm1 =	vlt.f32 v37, v22  }
0x6b: {  	v19 =	vsel vm1, v37, v22;
	v21 =	vsel vm1, v39, v24;
	vm1 =	vlt.f32 v31, v25  }
0x6c: {  	(xrf1) =	vsort.ascd.msk.f32 $0xffff, v19, v21;
	v19 =	vsel vm1, v31, v25;
	v21 =	vsub.f32 v34, v12  }
0x6d: {  	v22 =	vsel vm1, v33, v27;
	v25 =	vsub.f32 v34, v7;
	v24 =	vsub.f32 v36, v10;
	v27, v31, _ =	vpop (xrf1)  }
0x6e: {  	(xrf1) =	vsort.ascd.msk.f32 $0xffff, v19, v22;
	v19 =	vmul.f32 v21, v21;
	vm1 =	vlt.f32 v27, v28  }
0x6f: {  	v21 =	vsub.f32 v36, v9;
	v27 =	vsel vm1, v27, v28;
	v28 =	vsel vm1, v31, v30;
	v31 =	vld [tilespmem:$0x1FE90]  }
0x70: {  	v22 =	vmul.f32 v24, v24;
	v24 =	vmul.f32 v25, v25;
	v25 =	vsub.f32 v34, v6  }
0x71: {  	v37 =	vsub.f32 v36, v4;
	v21 =	vmul.f32 v21, v21  }
0x72: {  	v19 =	vadd.f32 v22, v19;
	v22 =	vmul.f32 v25, v25  }
0x73: {  	v25 =	vsub.f32 v34, v2;
	v21 =	vadd.f32 v21, v24;
	v24 =	vmul.f32 v37, v37  }
0x74: {  	v30 =	vsub.f32 v36, v3;
	vm1 =	veq.s32 v18, v31  }
0x75: {  	(xrf1) =	vsort.ascd.msk.f32 $0xffff, v27, v28;
	v22 =	vadd.f32 v24, v22;
	v24 =	vmul.f32 v25, v25;
	v19 =	vsel vm1, $0x7F800000, v19  }
0x76: {  	v25 =	vmul.f32 v30, v30;
	vm1 =	veq.s32 v15, v31;
	(xrf1) =	vsort.dscd.msk.f32 $0xffff, v19, v31  }
0x77: {  	v21 =	vsel vm1, $0x7F800000, v21;
	vm1 =	veq.s32 v13, v31  }
0x78: {  	(xrf1) =	vsort.dscd.msk.f32 $0xffff, v21, v31;
	v19 =	vsel vm1, $0x7F800000, v22;
	v21 =	vadd.f32 v25, v24  }
0x79: {  	vm1 =	veq.s32 v16, v31;
	(xrf1) =	vsort.dscd.msk.f32 $0xffff, v19, v31  }
0x7a: {  	v19 =	vsel vm1, $0x7F800000, v21  }
0x7b: {  	(xrf1) =	vsort.dscd.msk.f32 $0xffff, v19, v31  }
0x7c: {  	v31 =	vld [tilespmem:$0x1FEA0]  }
0x7d: {  	v36 =	vld [tilespmem:$0x1FEB0];
	_ =	sdelay $0x2  }
0x7e: {  	v19, v21, _ =	vpop (xrf1)  }
0x7f: {  	v22, v24, _ =	vpop (xrf1)  }
0x80: {  	v25, v27, _ =	vpop (xrf1)  }
0x81: {  	v28, v30, _ =	vpop (xrf1)  }
0x82: {  	v31 =	vld.idx.msk [tilespmem:v31+s2+$0x0], $0xffff;
	v33, v34, _ =	vpop (xrf1)  }
0x83: {  	v36 =	vld.idx.msk [tilespmem:v36+s2+$0x0], $0xffff;
	vm1 =	vlt.f32 v33, v19  }
0x84: {  	v37, v39, _ =	vpop (xrf1);
	v19 =	vsel vm1, v33, v19;
	v21 =	vsel vm1, v34, v21  }
0x85: {  	vm1 =	vlt.f32 v37, v22;
	v33, v34, _ =	vpop (xrf1);
	(xrf1) =	vsort.ascd.msk.f32 $0xffff, v19, v21  }
0x86: {  	v19 =	vsel vm1, v37, v22;
	v21 =	vsel vm1, v39, v24;
	vm1 =	vlt.f32 v33, v25  }
0x87: {  	v22 =	vsub.f32 v31, v12;
	v24, v37, _ =	vpop (xrf1);
	(xrf1) =	vsort.ascd.msk.f32 $0xffff, v19, v21;
	v19 =	vsel vm1, v33, v25  }
0x88: {  	v21 =	vsub.f32 v36, v10;
	v25 =	vsel vm1, v34, v27;
	vm1 =	vlt.f32 v24, v28  }
0x89: {  	(xrf1) =	vsort.ascd.msk.f32 $0xffff, v19, v25;
	v19 =	vsel vm1, v24, v28;
	v24 =	vsel vm1, v37, v30;
	v30 =	vld [tilespmem:$0x1FEC0]  }
0x8a: {  	v39 =	vsub.f32 v36, v9  }
0x8b: {  	v27 =	vsub.f32 v31, v7;
	v22 =	vmul.f32 v22, v22;
	v21 =	vmul.f32 v21, v21;
	_ =	sdelay $0x1  }
0x8c: {  	v25 =	vmul.f32 v39, v39;
	v21 =	vadd.f32 v21, v22;
	v22 =	vmul.f32 v27, v27  }
0x8d: {  	v28 =	vsub.f32 v36, v4;
	v27 =	vsub.f32 v31, v6;
	vm1 =	veq.s32 v18, v30  }
0x8e: {  	(xrf1) =	vsort.ascd.msk.f32 $0xffff, v19, v24;
	v19 =	vsel vm1, $0x7F800000, v21;
	v21 =	vadd.f32 v25, v22  }
0x8f: {  	v24 =	vmul.f32 v28, v28;
	vm1 =	veq.s32 v15, v30;
	v22 =	vmul.f32 v27, v27  }
0x90: {  	v25 =	vsub.f32 v31, v2;
	v27 =	vsub.f32 v36, v3;
	(xrf1) =	vsort.dscd.msk.f32 $0xffff, v19, v30;
	v21 =	vsel vm1, $0x7F800000, v21  }
0x91: {  	v19 =	vadd.f32 v24, v22;
	(xrf1) =	vsort.dscd.msk.f32 $0xffff, v21, v30  }
0x92: {  	vm1 =	veq.s32 v13, v30;
	v22 =	vmul.f32 v27, v27;
	v21 =	vmul.f32 v25, v25  }
0x93: {  	v19 =	vsel vm1, $0x7F800000, v19  }
0x94: {  	v21 =	vadd.f32 v22, v21;
	(xrf1) =	vsort.dscd.msk.f32 $0xffff, v19, v30  }
0x95: {  	v31 =	vld [tilespmem:$0x1FED0];
	vm1 =	veq.s32 v16, v30  }
0x96: {  	v36 =	vld [tilespmem:$0x1FEE0];
	v19 =	vsel vm1, $0x7F800000, v21  }
0x97: {  	(xrf1) =	vsort.dscd.msk.f32 $0xffff, v19, v30;
	_ =	sdelay $0x2  }
0x98: {  	v19, v21, _ =	vpop (xrf1)  }
0x99: {  	v22, v24, _ =	vpop (xrf1)  }
0x9a: {  	v25, v27, _ =	vpop (xrf1)  }
0x9b: {  	v31 =	vld.idx.msk [tilespmem:v31+s2+$0x0], $0xffff;
	v28, v30, _ =	vpop (xrf1)  }
0x9c: {  	v36 =	vld.idx.msk [tilespmem:v36+s2+$0x0], $0xffff;
	v33, v34, _ =	vpop (xrf1)  }
0x9d: {  	vm1 =	vlt.f32 v33, v19;
	v37, v39, _ =	vpop (xrf1)  }
0x9e: {  	v19 =	vsel vm1, v33, v19;
	v21 =	vsel vm1, v34, v21;
	vm1 =	vlt.f32 v37, v22  }
0x9f: {  	(xrf1) =	vsort.ascd.msk.f32 $0xffff, v19, v21;
	v19 =	vsel vm1, v37, v22;
	v21 =	vsel vm1, v39, v24  }
0xa0: {  	v22, v24, _ =	vpop (xrf1);
	(xrf1) =	vsort.ascd.msk.f32 $0xffff, v19, v21  }
0xa1: {  	v0 =	vld [tilespmem:$0x1FEF0];
	vm1 =	vlt.f32 v22, v25;
	v19 =	vsub.f32 v31, v12;
	v21 =	vsub.f32 v36, v10  }
0xa2: {  	v33 =	vsub.f32 v36, v9;
	v22 =	vsel vm1, v22, v25;
	v25 =	vsub.f32 v31, v7  }
0xa3: {  	v24 =	vsel vm1, v24, v27;
	v34, v37, _ =	vpop (xrf1);
	v19 =	vmul.f32 v19, v19;
	v21 =	vmul.f32 v21, v21  }
0xa4: {  	v27 =	vmul.f32 v33, v33;
	vm1 =	vlt.f32 v34, v28;
	v25 =	vmul.f32 v25, v25  }
0xa5: {  	(xrf1) =	vsort.ascd.msk.f32 $0xffff, v22, v24;
	v22 =	vsel vm1, v34, v28;
	v19 =	vadd.f32 v21, v19  }
0xa6: {  	v21 =	vsel vm1, v37, v30;
	vm1 =	veq.s32 v18, v0;
	v24 =	vadd.f32 v27, v25  }
0xa7: {  	(xrf1) =	vsort.ascd.msk.f32 $0xffff, v22, v21;
	v19 =	vsel vm1, $0x7F800000, v19;
	vm1 =	veq.s32 v15, v0  }
0xa8: {  	v21 =	vsel vm1, $0x7F800000, v24;
	(xrf1) =	vsort.dscd.msk.f32 $0xffff, v19, v0  }
0xa9: {  	(xrf1) =	vsort.dscd.msk.f32 $0xffff, v21, v0;
	_ =	sdelay $0x4  }
0xaa: {  	v19 =	vsub.f32 v31, v6;
	v21 =	vsub.f32 v36, v4  }
0xab: {  	v28 =	vsub.f32 v31, v2  }
0xac: {  	v30 =	vsub.f32 v36, v3;
	v19 =	vmul.f32 v19, v19;
	v21 =	vmul.f32 v21, v21;
	_ =	sdelay $0x1  }
0xad: {  	v22, v24, _ =	vpop (xrf1);
	v19 =	vadd.f32 v21, v19;
	v21 =	vmul.f32 v28, v28;
	v28 =	vmul.f32 v30, v30  }
0xae: {  	v25, v27, _ =	vpop (xrf1)  }
0xaf: {  	vm1 =	veq.s32 v13, v0;
	v21 =	vadd.f32 v28, v21;
	v31, v33, _ =	vpop (xrf1)  }
0xb0: {  	v19 =	vsel vm1, $0x7F800000, v19;
	vm1 =	veq.s32 v16, v0;
	v34, v36, _ =	vpop (xrf1)  }
0xb1: {  	v30, v37, _ =	vpop (xrf1);
	(xrf1) =	vsort.dscd.msk.f32 $0xffff, v19, v0;
	v19 =	vsel vm1, $0x7F800000, v21  }
0xb2: {  	v21 =	vld [tilespmem:$0x1FF10];
	v28, v39, _ =	vpop (xrf1);
	(xrf1) =	vsort.dscd.msk.f32 $0xffff, v19, v0  }
0xb3: {  	v19 =	vld [tilespmem:$0x1FF00];
	_ =	sdelay $0x5  }
0xb4: {  	vm1 =	vlt.f32 v30, v22  }
0xb5: {  	v22 =	vsel vm1, v30, v22;
	v24 =	vsel vm1, v37, v24;
	v21 =	vld.idx.msk [tilespmem:v21+s2+$0x0], $0xffff  }
0xb6: {  	vm1 =	vlt.f32 v28, v25;
	(xrf1) =	vsort.ascd.msk.f32 $0xffff, v22, v24;
	v19 =	vld.idx.msk [tilespmem:v19+s2+$0x0], $0xffff  }
0xb7: {  	v25 =	vsel vm1, v28, v25;
	v27 =	vsel vm1, v39, v27;
	v39 =	vmovc v60;
	v60 =	vmov v61  }
0xb8: {  	v61 =	vmovc v63;
	v63 =	vmovc v48;
	v48 =	vmov v49;
	v49 =	vmov v51;
	v51 =	vmov v52  }
0xb9: {  	v52 =	vmovc v54;
	v54 =	vmovc v55;
	v55 =	vmov v57;
	v57 =	vmov v58;
	v58 =	vmov v50  }
0xba: {  	v50 =	vmov v53;
	v53 =	vmov v56;
	v56 =	vmov v59;
	(xrf1) =	vsort.ascd.msk.f32 $0xffff, v25, v27;
	v22, v24, _ =	vpop (xrf1)  }
0xbb: {  	v27 =	vsub.f32 v21, v10;
	v25 =	vsub.f32 v19, v12;
	vm1 =	vlt.f32 v22, v31;
	v28, v30, _ =	vpop (xrf1)  }
0xbc: {  	v59 =	vmovc v62;
	v22 =	vsel vm1, v22, v31;
	v24 =	vsel vm1, v24, v33;
	vm1 =	vlt.f32 v28, v34  }
0xbd: {  	v62 =	vmovc v5;
	(xrf1) =	vsort.ascd.msk.f32 $0xffff, v22, v24;
	v24 =	vmul.f32 v25, v25;
	v25 =	vmul.f32 v27, v27  }
0xbe: {  	v5 =	vmovc v8;
	v22 =	vsel vm1, v28, v34;
	v27 =	vsub.f32 v19, v7;
	v28 =	vsub.f32 v21, v9  }
0xbf: {  	v8 =	vmovc v23;
	v31 =	vsub.f32 v19, v6;
	v30 =	vsel vm1, v30, v36;
	v24 =	vadd.f32 v25, v24  }
0xc0: {  	vm1 =	veq.s32 v18, v8;
	v25 =	vmul.f32 v27, v27;
	v27 =	vmul.f32 v28, v28  }
0xc1: {  	v36 =	vsub.f32 v21, v4;
	v19 =	vsub.f32 v19, v2;
	(xrf1) =	vsort.ascd.msk.f32 $0xffff, v22, v30;
	v22 =	vsel vm1, $0x7F800000, v24  }
0xc2: {  	v21 =	vsub.f32 v21, v3;
	v24 =	vadd.f32 v27, v25;
	(xrf1) =	vsort.dscd.msk.f32 $0xffff, v22, v8  }
0xc3: {  	v28 =	vmul.f32 v31, v31;
	v31 =	vmul.f32 v36, v36;
	vm1 =	veq.s32 v15, v8  }
0xc4: {  	v19 =	vmul.f32 v19, v19;
	v21 =	vmul.f32 v21, v21;
	v22 =	vsel vm1, $0x7F800000, v24  }
0xc5: {  	v25 =	vadd.f32 v31, v28;
	(xrf1) =	vsort.dscd.msk.f32 $0xffff, v22, v8  }
0xc6: {  	v19 =	vadd.f32 v21, v19;
	vm1 =	veq.s32 v13, v8  }
0xc7: {  	v24 =	vsel vm1, $0x7F800000, v25;
	vm1 =	veq.s32 v16, v8  }
0xc8: {  	(xrf1) =	vsort.dscd.msk.f32 $0xffff, v24, v8;
	v19 =	vsel vm1, $0x7F800000, v19  }
0xc9: {  	(xrf1) =	vsort.dscd.msk.f32 $0xffff, v19, v8;
	_ =	sdelay $0x2  }
0xca: {  	v19, v21, _ =	vpop (xrf1)  }
0xcb: {  	v22, v24, _ =	vpop (xrf1)  }
0xcc: {  	v25, v27, _ =	vpop (xrf1)  }
0xcd: {  	v28, v30, _ =	vpop (xrf1)  }
0xce: {  	v31, v33, _ =	vpop (xrf1)  }
0xcf: {  	v34 =	vld.idx.msk [tilespmem:v39+s2+$0x0], $0xffff;
	vm1 =	vlt.f32 v31, v19  }
0xd0: {  	v36 =	vld.idx.msk [tilespmem:v60+s2+$0x0], $0xffff;
	v21 =	vsel vm1, v33, v21  }
0xd1: {  	v19 =	vsel vm1, v31, v19;
	v31, v37, _ =	vpop (xrf1)  }
0xd2: {  	vm1 =	vlt.f32 v31, v22  }
0xd3: {  	(xrf1) =	vsort.ascd.msk.f32 $0xffff, v19, v21;
	v22 =	vsel vm1, v31, v22;
	v24 =	vsel vm1, v37, v24  }
0xd4: {  	(xrf1) =	vsort.ascd.msk.f32 $0xffff, v22, v24;
	v19, v21, _ =	vpop (xrf1)  }
0xd5: {  	v22 =	vsub.f32 v34, v12;
	v24 =	vsub.f32 v36, v10;
	vm1 =	vlt.f32 v19, v25;
	v31, v37, _ =	vpop (xrf1)  }
0xd6: {  	v19 =	vsel vm1, v19, v25;
	v21 =	vsel vm1, v21, v27;
	vm1 =	vlt.f32 v31, v28  }
0xd7: {  	v25 =	vsub.f32 v36, v9;
	(xrf1) =	vsort.ascd.msk.f32 $0xffff, v19, v21;
	v19 =	vsel vm1, v31, v28  }
0xd8: {  	v21 =	vmul.f32 v22, v22;
	v22 =	vmul.f32 v24, v24;
	v24 =	vsub.f32 v34, v7  }
0xd9: {  	v23 =	vmovc v26;
	v27 =	vsel vm1, v37, v30;
	v28 =	vsub.f32 v34, v6;
	v30 =	vsub.f32 v36, v4  }
0xda: {  	vm1 =	veq.s32 v18, v23;
	(xrf1) =	vsort.ascd.msk.f32 $0xffff, v19, v27;
	v21 =	vadd.f32 v22, v21  }
0xdb: {  	v27 =	vsub.f32 v36, v3;
	v22 =	vmul.f32 v24, v24;
	v24 =	vmul.f32 v25, v25  }
0xdc: {  	v25 =	vmul.f32 v28, v28;
	v28 =	vmul.f32 v30, v30;
	v19 =	vsel vm1, $0x7F800000, v21  }
0xdd: {  	v21 =	vsub.f32 v34, v2;
	v22 =	vadd.f32 v24, v22;
	(xrf1) =	vsort.dscd.msk.f32 $0xffff, v19, v23  }
0xde: {  	vm1 =	veq.s32 v15, v23;
	v24 =	vadd.f32 v28, v25  }
0xdf: {  	v25 =	vmul.f32 v27, v27;
	v21 =	vmul.f32 v21, v21;
	v19 =	vsel vm1, $0x7F800000, v22  }
0xe0: {  	(xrf1) =	vsort.dscd.msk.f32 $0xffff, v19, v23  }
0xe1: {  	vm1 =	veq.s32 v13, v23;
	v21 =	vadd.f32 v25, v21  }
0xe2: {  	v22 =	vsel vm1, $0x7F800000, v24;
	vm1 =	veq.s32 v16, v23  }
0xe3: {  	(xrf1) =	vsort.dscd.msk.f32 $0xffff, v22, v23;
	v19 =	vsel vm1, $0x7F800000, v21  }
0xe4: {  	(xrf1) =	vsort.dscd.msk.f32 $0xffff, v19, v23;
	_ =	sdelay $0x2  }
0xe5: {  	v19, v21, _ =	vpop (xrf1)  }
0xe6: {  	v22, v24, _ =	vpop (xrf1)  }
0xe7: {  	v25, v27, _ =	vpop (xrf1)  }
0xe8: {  	v28, v30, _ =	vpop (xrf1)  }
0xe9: {  	v31, v33, _ =	vpop (xrf1)  }
0xea: {  	v36 =	vld.idx.msk [tilespmem:v63+s2+$0x0], $0xffff;
	vm1 =	vlt.f32 v31, v19  }
0xeb: {  	v34 =	vld.idx.msk [tilespmem:v61+s2+$0x0], $0xffff;
	v21 =	vsel vm1, v33, v21  }
0xec: {  	v19 =	vsel vm1, v31, v19;
	v31, v37, _ =	vpop (xrf1)  }
0xed: {  	vm1 =	vlt.f32 v31, v22  }
0xee: {  	(xrf1) =	vsort.ascd.msk.f32 $0xffff, v19, v21;
	v22 =	vsel vm1, v31, v22;
	v24 =	vsel vm1, v37, v24  }
0xef: {  	(xrf1) =	vsort.ascd.msk.f32 $0xffff, v22, v24;
	v19, v21, _ =	vpop (xrf1)  }
0xf0: {  	v22 =	vsub.f32 v34, v12;
	v24 =	vsub.f32 v36, v10;
	vm1 =	vlt.f32 v19, v25;
	v31, v37, _ =	vpop (xrf1)  }
0xf1: {  	v19 =	vsel vm1, v19, v25;
	v21 =	vsel vm1, v21, v27;
	vm1 =	vlt.f32 v31, v28  }
0xf2: {  	v25 =	vsub.f32 v36, v9;
	(xrf1) =	vsort.ascd.msk.f32 $0xffff, v19, v21;
	v19 =	vsel vm1, v31, v28  }
0xf3: {  	v21 =	vmul.f32 v22, v22;
	v22 =	vmul.f32 v24, v24;
	v24 =	vsub.f32 v34, v7  }
0xf4: {  	v26 =	vmovc v29;
	v27 =	vsel vm1, v37, v30;
	v28 =	vsub.f32 v34, v6;
	v30 =	vsub.f32 v36, v4  }
0xf5: {  	vm1 =	veq.s32 v18, v26;
	(xrf1) =	vsort.ascd.msk.f32 $0xffff, v19, v27;
	v21 =	vadd.f32 v22, v21  }
0xf6: {  	v27 =	vsub.f32 v36, v3;
	v22 =	vmul.f32 v24, v24;
	v24 =	vmul.f32 v25, v25  }
0xf7: {  	v25 =	vmul.f32 v28, v28;
	v28 =	vmul.f32 v30, v30;
	v19 =	vsel vm1, $0x7F800000, v21  }
0xf8: {  	v21 =	vsub.f32 v34, v2;
	v22 =	vadd.f32 v24, v22;
	(xrf1) =	vsort.dscd.msk.f32 $0xffff, v19, v26  }
0xf9: {  	vm1 =	veq.s32 v15, v26;
	v24 =	vadd.f32 v28, v25  }
0xfa: {  	v25 =	vmul.f32 v27, v27;
	v21 =	vmul.f32 v21, v21;
	v19 =	vsel vm1, $0x7F800000, v22  }
0xfb: {  	(xrf1) =	vsort.dscd.msk.f32 $0xffff, v19, v26  }
0xfc: {  	vm1 =	veq.s32 v13, v26;
	v21 =	vadd.f32 v25, v21  }
0xfd: {  	v22 =	vsel vm1, $0x7F800000, v24;
	vm1 =	veq.s32 v16, v26  }
0xfe: {  	(xrf1) =	vsort.dscd.msk.f32 $0xffff, v22, v26;
	v19 =	vsel vm1, $0x7F800000, v21  }
0xff: {  	(xrf1) =	vsort.dscd.msk.f32 $0xffff, v19, v26;
	_ =	sdelay $0x2  }
0x100: {  	v19, v21, _ =	vpop (xrf1)  }
0x101: {  	v22, v24, _ =	vpop (xrf1)  }
0x102: {  	v25, v27, _ =	vpop (xrf1)  }
0x103: {  	v28, v30, _ =	vpop (xrf1)  }
0x104: {  	v31, v33, _ =	vpop (xrf1)  }
0x105: {  	v36 =	vld.idx.msk [tilespmem:v49+s2+$0x0], $0xffff;
	vm1 =	vlt.f32 v31, v19  }
0x106: {  	v34 =	vld.idx.msk [tilespmem:v48+s2+$0x0], $0xffff;
	v21 =	vsel vm1, v33, v21  }
0x107: {  	v19 =	vsel vm1, v31, v19;
	v31, v37, _ =	vpop (xrf1)  }
0x108: {  	vm1 =	vlt.f32 v31, v22  }
0x109: {  	(xrf1) =	vsort.ascd.msk.f32 $0xffff, v19, v21;
	v22 =	vsel vm1, v31, v22;
	v24 =	vsel vm1, v37, v24  }
0x10a: {  	(xrf1) =	vsort.ascd.msk.f32 $0xffff, v22, v24;
	v19, v21, _ =	vpop (xrf1)  }
0x10b: {  	v22 =	vsub.f32 v34, v12;
	v24 =	vsub.f32 v36, v10;
	vm1 =	vlt.f32 v19, v25;
	v31, v37, _ =	vpop (xrf1)  }
0x10c: {  	v19 =	vsel vm1, v19, v25;
	v21 =	vsel vm1, v21, v27;
	vm1 =	vlt.f32 v31, v28  }
0x10d: {  	v25 =	vsub.f32 v36, v9;
	(xrf1) =	vsort.ascd.msk.f32 $0xffff, v19, v21;
	v19 =	vsel vm1, v31, v28  }
0x10e: {  	v21 =	vmul.f32 v22, v22;
	v22 =	vmul.f32 v24, v24;
	v24 =	vsub.f32 v34, v7  }
0x10f: {  	v29 =	vmovc v32;
	v27 =	vsel vm1, v37, v30;
	v28 =	vsub.f32 v34, v6;
	v30 =	vsub.f32 v36, v4  }
0x110: {  	vm1 =	veq.s32 v18, v29;
	(xrf1) =	vsort.ascd.msk.f32 $0xffff, v19, v27;
	v21 =	vadd.f32 v22, v21  }
0x111: {  	v27 =	vsub.f32 v36, v3;
	v22 =	vmul.f32 v24, v24;
	v24 =	vmul.f32 v25, v25  }
0x112: {  	v25 =	vmul.f32 v28, v28;
	v28 =	vmul.f32 v30, v30;
	v19 =	vsel vm1, $0x7F800000, v21  }
0x113: {  	v21 =	vsub.f32 v34, v2;
	v22 =	vadd.f32 v24, v22;
	(xrf1) =	vsort.dscd.msk.f32 $0xffff, v19, v29  }
0x114: {  	vm1 =	veq.s32 v15, v29;
	v24 =	vadd.f32 v28, v25  }
0x115: {  	v25 =	vmul.f32 v27, v27;
	v21 =	vmul.f32 v21, v21;
	v19 =	vsel vm1, $0x7F800000, v22  }
0x116: {  	(xrf1) =	vsort.dscd.msk.f32 $0xffff, v19, v29  }
0x117: {  	vm1 =	veq.s32 v13, v29;
	v21 =	vadd.f32 v25, v21  }
0x118: {  	v22 =	vsel vm1, $0x7F800000, v24;
	vm1 =	veq.s32 v16, v29  }
0x119: {  	(xrf1) =	vsort.dscd.msk.f32 $0xffff, v22, v29;
	v19 =	vsel vm1, $0x7F800000, v21  }
0x11a: {  	(xrf1) =	vsort.dscd.msk.f32 $0xffff, v19, v29;
	_ =	sdelay $0x2  }
0x11b: {  	v19, v21, _ =	vpop (xrf1)  }
0x11c: {  	v22, v24, _ =	vpop (xrf1)  }
0x11d: {  	v25, v27, _ =	vpop (xrf1)  }
0x11e: {  	v28, v30, _ =	vpop (xrf1)  }
0x11f: {  	v31, v33, _ =	vpop (xrf1)  }
0x120: {  	v36 =	vld.idx.msk [tilespmem:v52+s2+$0x0], $0xffff;
	vm1 =	vlt.f32 v31, v19  }
0x121: {  	v34 =	vld.idx.msk [tilespmem:v51+s2+$0x0], $0xffff;
	v21 =	vsel vm1, v33, v21  }
0x122: {  	v19 =	vsel vm1, v31, v19;
	v31, v37, _ =	vpop (xrf1)  }
0x123: {  	vm1 =	vlt.f32 v31, v22  }
0x124: {  	(xrf1) =	vsort.ascd.msk.f32 $0xffff, v19, v21;
	v22 =	vsel vm1, v31, v22;
	v24 =	vsel vm1, v37, v24  }
0x125: {  	(xrf1) =	vsort.ascd.msk.f32 $0xffff, v22, v24;
	v19, v21, _ =	vpop (xrf1)  }
0x126: {  	v22 =	vsub.f32 v34, v12;
	v24 =	vsub.f32 v36, v10;
	vm1 =	vlt.f32 v19, v25;
	v31, v37, _ =	vpop (xrf1)  }
0x127: {  	v19 =	vsel vm1, v19, v25;
	v21 =	vsel vm1, v21, v27;
	vm1 =	vlt.f32 v31, v28  }
0x128: {  	v25 =	vsub.f32 v36, v9;
	(xrf1) =	vsort.ascd.msk.f32 $0xffff, v19, v21;
	v19 =	vsel vm1, v31, v28  }
0x129: {  	v21 =	vmul.f32 v22, v22;
	v22 =	vmul.f32 v24, v24;
	v24 =	vsub.f32 v34, v7  }
0x12a: {  	v32 =	vmovc v35;
	v27 =	vsel vm1, v37, v30;
	v28 =	vsub.f32 v34, v6;
	v30 =	vsub.f32 v36, v4  }
0x12b: {  	vm1 =	veq.s32 v18, v32;
	(xrf1) =	vsort.ascd.msk.f32 $0xffff, v19, v27;
	v21 =	vadd.f32 v22, v21  }
0x12c: {  	v27 =	vsub.f32 v36, v3;
	v22 =	vmul.f32 v24, v24;
	v24 =	vmul.f32 v25, v25  }
0x12d: {  	v25 =	vmul.f32 v28, v28;
	v28 =	vmul.f32 v30, v30;
	v19 =	vsel vm1, $0x7F800000, v21  }
0x12e: {  	v21 =	vsub.f32 v34, v2;
	v22 =	vadd.f32 v24, v22;
	(xrf1) =	vsort.dscd.msk.f32 $0xffff, v19, v32  }
0x12f: {  	vm1 =	veq.s32 v15, v32;
	v24 =	vadd.f32 v28, v25  }
0x130: {  	v25 =	vmul.f32 v27, v27;
	v21 =	vmul.f32 v21, v21;
	v19 =	vsel vm1, $0x7F800000, v22  }
0x131: {  	(xrf1) =	vsort.dscd.msk.f32 $0xffff, v19, v32  }
0x132: {  	vm1 =	veq.s32 v13, v32;
	v21 =	vadd.f32 v25, v21  }
0x133: {  	v22 =	vsel vm1, $0x7F800000, v24;
	vm1 =	veq.s32 v16, v32  }
0x134: {  	(xrf1) =	vsort.dscd.msk.f32 $0xffff, v22, v32;
	v19 =	vsel vm1, $0x7F800000, v21  }
0x135: {  	(xrf1) =	vsort.dscd.msk.f32 $0xffff, v19, v32;
	_ =	sdelay $0x2  }
0x136: {  	v19, v21, _ =	vpop (xrf1)  }
0x137: {  	v22, v24, _ =	vpop (xrf1)  }
0x138: {  	v25, v27, _ =	vpop (xrf1)  }
0x139: {  	v28, v30, _ =	vpop (xrf1)  }
0x13a: {  	v31, v33, _ =	vpop (xrf1)  }
0x13b: {  	v36 =	vld.idx.msk [tilespmem:v55+s2+$0x0], $0xffff;
	vm1 =	vlt.f32 v31, v19  }
0x13c: {  	v34 =	vld.idx.msk [tilespmem:v54+s2+$0x0], $0xffff;
	v21 =	vsel vm1, v33, v21  }
0x13d: {  	v19 =	vsel vm1, v31, v19;
	v31, v37, _ =	vpop (xrf1)  }
0x13e: {  	vm1 =	vlt.f32 v31, v22  }
0x13f: {  	(xrf1) =	vsort.ascd.msk.f32 $0xffff, v19, v21;
	v22 =	vsel vm1, v31, v22;
	v24 =	vsel vm1, v37, v24  }
0x140: {  	(xrf1) =	vsort.ascd.msk.f32 $0xffff, v22, v24;
	v19, v21, _ =	vpop (xrf1)  }
0x141: {  	v22 =	vsub.f32 v34, v12;
	v24 =	vsub.f32 v36, v10;
	vm1 =	vlt.f32 v19, v25;
	v31, v37, _ =	vpop (xrf1)  }
0x142: {  	v19 =	vsel vm1, v19, v25;
	v21 =	vsel vm1, v21, v27;
	vm1 =	vlt.f32 v31, v28  }
0x143: {  	v25 =	vsub.f32 v36, v9;
	(xrf1) =	vsort.ascd.msk.f32 $0xffff, v19, v21;
	v19 =	vsel vm1, v31, v28  }
0x144: {  	v21 =	vmul.f32 v22, v22;
	v22 =	vmul.f32 v24, v24;
	v24 =	vsub.f32 v34, v7  }
0x145: {  	v35 =	vmovc v38;
	v27 =	vsel vm1, v37, v30;
	v28 =	vsub.f32 v34, v6;
	v30 =	vsub.f32 v36, v4  }
0x146: {  	vm1 =	veq.s32 v18, v35;
	(xrf1) =	vsort.ascd.msk.f32 $0xffff, v19, v27;
	v21 =	vadd.f32 v22, v21  }
0x147: {  	v27 =	vsub.f32 v36, v3;
	v22 =	vmul.f32 v24, v24;
	v24 =	vmul.f32 v25, v25  }
0x148: {  	v25 =	vmul.f32 v28, v28;
	v28 =	vmul.f32 v30, v30;
	v19 =	vsel vm1, $0x7F800000, v21  }
0x149: {  	v21 =	vsub.f32 v34, v2;
	v22 =	vadd.f32 v24, v22;
	(xrf1) =	vsort.dscd.msk.f32 $0xffff, v19, v35  }
0x14a: {  	vm1 =	veq.s32 v15, v35;
	v24 =	vadd.f32 v28, v25  }
0x14b: {  	v25 =	vmul.f32 v27, v27;
	v21 =	vmul.f32 v21, v21;
	v19 =	vsel vm1, $0x7F800000, v22  }
0x14c: {  	(xrf1) =	vsort.dscd.msk.f32 $0xffff, v19, v35  }
0x14d: {  	vm1 =	veq.s32 v13, v35;
	v21 =	vadd.f32 v25, v21  }
0x14e: {  	v22 =	vsel vm1, $0x7F800000, v24;
	vm1 =	veq.s32 v16, v35  }
0x14f: {  	(xrf1) =	vsort.dscd.msk.f32 $0xffff, v22, v35;
	v19 =	vsel vm1, $0x7F800000, v21  }
0x150: {  	(xrf1) =	vsort.dscd.msk.f32 $0xffff, v19, v35;
	_ =	sdelay $0x2  }
0x151: {  	v19, v21, _ =	vpop (xrf1)  }
0x152: {  	v22, v24, _ =	vpop (xrf1)  }
0x153: {  	v25, v27, _ =	vpop (xrf1)  }
0x154: {  	v28, v30, _ =	vpop (xrf1)  }
0x155: {  	v31, v33, _ =	vpop (xrf1)  }
0x156: {  	v36 =	vld.idx.msk [tilespmem:v58+s2+$0x0], $0xffff;
	vm1 =	vlt.f32 v31, v19  }
0x157: {  	v34 =	vld.idx.msk [tilespmem:v57+s2+$0x0], $0xffff;
	v21 =	vsel vm1, v33, v21  }
0x158: {  	v19 =	vsel vm1, v31, v19;
	v31, v37, _ =	vpop (xrf1)  }
0x159: {  	vm1 =	vlt.f32 v31, v22  }
0x15a: {  	(xrf1) =	vsort.ascd.msk.f32 $0xffff, v19, v21;
	v22 =	vsel vm1, v31, v22;
	v24 =	vsel vm1, v37, v24  }
0x15b: {  	(xrf1) =	vsort.ascd.msk.f32 $0xffff, v22, v24;
	v19, v21, _ =	vpop (xrf1)  }
0x15c: {  	v22 =	vsub.f32 v34, v12;
	v24 =	vsub.f32 v36, v10;
	vm1 =	vlt.f32 v19, v25;
	v31, v37, _ =	vpop (xrf1)  }
0x15d: {  	v19 =	vsel vm1, v19, v25;
	v21 =	vsel vm1, v21, v27;
	vm1 =	vlt.f32 v31, v28  }
0x15e: {  	v25 =	vsub.f32 v36, v9;
	(xrf1) =	vsort.ascd.msk.f32 $0xffff, v19, v21;
	v19 =	vsel vm1, v31, v28  }
0x15f: {  	v21 =	vmul.f32 v22, v22;
	v22 =	vmul.f32 v24, v24;
	v24 =	vsub.f32 v34, v7  }
0x160: {  	v38 =	vmovc v41;
	v27 =	vsel vm1, v37, v30;
	v28 =	vsub.f32 v34, v6;
	v30 =	vsub.f32 v36, v4  }
0x161: {  	vm1 =	veq.s32 v18, v38;
	(xrf1) =	vsort.ascd.msk.f32 $0xffff, v19, v27;
	v21 =	vadd.f32 v22, v21  }
0x162: {  	v27 =	vsub.f32 v36, v3;
	v22 =	vmul.f32 v24, v24;
	v24 =	vmul.f32 v25, v25  }
0x163: {  	v25 =	vmul.f32 v28, v28;
	v28 =	vmul.f32 v30, v30;
	v19 =	vsel vm1, $0x7F800000, v21  }
0x164: {  	v21 =	vsub.f32 v34, v2;
	v22 =	vadd.f32 v24, v22;
	(xrf1) =	vsort.dscd.msk.f32 $0xffff, v19, v38  }
0x165: {  	vm1 =	veq.s32 v15, v38;
	v24 =	vadd.f32 v28, v25  }
0x166: {  	v25 =	vmul.f32 v27, v27;
	v21 =	vmul.f32 v21, v21;
	v19 =	vsel vm1, $0x7F800000, v22  }
0x167: {  	(xrf1) =	vsort.dscd.msk.f32 $0xffff, v19, v38  }
0x168: {  	vm1 =	veq.s32 v13, v38;
	v21 =	vadd.f32 v25, v21  }
0x169: {  	v22 =	vsel vm1, $0x7F800000, v24;
	vm1 =	veq.s32 v16, v38  }
0x16a: {  	(xrf1) =	vsort.dscd.msk.f32 $0xffff, v22, v38;
	v19 =	vsel vm1, $0x7F800000, v21  }
0x16b: {  	(xrf1) =	vsort.dscd.msk.f32 $0xffff, v19, v38;
	_ =	sdelay $0x2  }
0x16c: {  	v19, v21, _ =	vpop (xrf1)  }
0x16d: {  	v22, v24, _ =	vpop (xrf1)  }
0x16e: {  	v25, v27, _ =	vpop (xrf1)  }
0x16f: {  	v28, v30, _ =	vpop (xrf1)  }
0x170: {  	v31, v33, _ =	vpop (xrf1)  }
0x171: {  	v36 =	vld.idx.msk [tilespmem:v53+s2+$0x0], $0xffff;
	vm1 =	vlt.f32 v31, v19  }
0x172: {  	v34 =	vld.idx.msk [tilespmem:v50+s2+$0x0], $0xffff;
	v21 =	vsel vm1, v33, v21  }
0x173: {  	v19 =	vsel vm1, v31, v19;
	v31, v37, _ =	vpop (xrf1)  }
0x174: {  	vm1 =	vlt.f32 v31, v22  }
0x175: {  	(xrf1) =	vsort.ascd.msk.f32 $0xffff, v19, v21;
	v22 =	vsel vm1, v31, v22;
	v24 =	vsel vm1, v37, v24  }
0x176: {  	(xrf1) =	vsort.ascd.msk.f32 $0xffff, v22, v24;
	v19, v21, _ =	vpop (xrf1)  }
0x177: {  	v22 =	vsub.f32 v34, v12;
	v24 =	vsub.f32 v36, v10;
	vm1 =	vlt.f32 v19, v25;
	v31, v37, _ =	vpop (xrf1)  }
0x178: {  	v19 =	vsel vm1, v19, v25;
	v21 =	vsel vm1, v21, v27;
	vm1 =	vlt.f32 v31, v28  }
0x179: {  	v25 =	vsub.f32 v36, v9;
	(xrf1) =	vsort.ascd.msk.f32 $0xffff, v19, v21;
	v19 =	vsel vm1, v31, v28  }
0x17a: {  	v21 =	vmul.f32 v22, v22;
	v22 =	vmul.f32 v24, v24;
	v24 =	vsub.f32 v34, v7  }
0x17b: {  	v41 =	vmovc v44;
	v27 =	vsel vm1, v37, v30;
	v28 =	vsub.f32 v34, v6;
	v30 =	vsub.f32 v36, v4  }
0x17c: {  	vm1 =	veq.s32 v18, v41;
	(xrf1) =	vsort.ascd.msk.f32 $0xffff, v19, v27;
	v21 =	vadd.f32 v22, v21  }
0x17d: {  	v27 =	vsub.f32 v36, v3;
	v22 =	vmul.f32 v24, v24;
	v24 =	vmul.f32 v25, v25  }
0x17e: {  	v25 =	vmul.f32 v28, v28;
	v28 =	vmul.f32 v30, v30;
	v19 =	vsel vm1, $0x7F800000, v21  }
0x17f: {  	v21 =	vsub.f32 v34, v2;
	v22 =	vadd.f32 v24, v22;
	(xrf1) =	vsort.dscd.msk.f32 $0xffff, v19, v41  }
0x180: {  	vm1 =	veq.s32 v15, v41;
	v24 =	vadd.f32 v28, v25  }
0x181: {  	v25 =	vmul.f32 v27, v27;
	v21 =	vmul.f32 v21, v21;
	v19 =	vsel vm1, $0x7F800000, v22  }
0x182: {  	(xrf1) =	vsort.dscd.msk.f32 $0xffff, v19, v41  }
0x183: {  	vm1 =	veq.s32 v13, v41;
	v21 =	vadd.f32 v25, v21  }
0x184: {  	v22 =	vsel vm1, $0x7F800000, v24;
	vm1 =	veq.s32 v16, v41  }
0x185: {  	(xrf1) =	vsort.dscd.msk.f32 $0xffff, v22, v41;
	v19 =	vsel vm1, $0x7F800000, v21  }
0x186: {  	(xrf1) =	vsort.dscd.msk.f32 $0xffff, v19, v41;
	_ =	sdelay $0x2  }
0x187: {  	v19, v21, _ =	vpop (xrf1)  }
0x188: {  	v22, v24, _ =	vpop (xrf1)  }
0x189: {  	v25, v27, _ =	vpop (xrf1)  }
0x18a: {  	v28, v30, _ =	vpop (xrf1)  }
0x18b: {  	v31, v33, _ =	vpop (xrf1)  }
0x18c: {  	v36 =	vld.idx.msk [tilespmem:v59+s2+$0x0], $0xffff;
	vm1 =	vlt.f32 v31, v19  }
0x18d: {  	v34 =	vld.idx.msk [tilespmem:v56+s2+$0x0], $0xffff;
	v21 =	vsel vm1, v33, v21  }
0x18e: {  	v19 =	vsel vm1, v31, v19;
	v31, v37, _ =	vpop (xrf1)  }
0x18f: {  	vm1 =	vlt.f32 v31, v22  }
0x190: {  	(xrf1) =	vsort.ascd.msk.f32 $0xffff, v19, v21;
	v22 =	vsel vm1, v31, v22;
	v24 =	vsel vm1, v37, v24  }
0x191: {  	(xrf1) =	vsort.ascd.msk.f32 $0xffff, v22, v24;
	v19, v21, _ =	vpop (xrf1)  }
0x192: {  	v22 =	vsub.f32 v34, v12;
	v24 =	vsub.f32 v36, v10;
	vm1 =	vlt.f32 v19, v25;
	v31, v37, _ =	vpop (xrf1)  }
0x193: {  	v19 =	vsel vm1, v19, v25;
	v21 =	vsel vm1, v21, v27;
	vm1 =	vlt.f32 v31, v28  }
0x194: {  	v25 =	vsub.f32 v36, v9;
	(xrf1) =	vsort.ascd.msk.f32 $0xffff, v19, v21;
	v19 =	vsel vm1, v31, v28  }
0x195: {  	v21 =	vmul.f32 v22, v22;
	v22 =	vmul.f32 v24, v24;
	v24 =	vsub.f32 v34, v7  }
0x196: {  	v44 =	vmovc v47;
	v27 =	vsel vm1, v37, v30;
	v28 =	vsub.f32 v34, v6;
	v30 =	vsub.f32 v36, v4  }
0x197: {  	vm1 =	veq.s32 v18, v44;
	(xrf1) =	vsort.ascd.msk.f32 $0xffff, v19, v27;
	v21 =	vadd.f32 v22, v21  }
0x198: {  	v27 =	vsub.f32 v36, v3;
	v22 =	vmul.f32 v24, v24;
	v24 =	vmul.f32 v25, v25  }
0x199: {  	v25 =	vmul.f32 v28, v28;
	v28 =	vmul.f32 v30, v30;
	v19 =	vsel vm1, $0x7F800000, v21  }
0x19a: {  	v21 =	vsub.f32 v34, v2;
	v22 =	vadd.f32 v24, v22;
	(xrf1) =	vsort.dscd.msk.f32 $0xffff, v19, v44  }
0x19b: {  	vm1 =	veq.s32 v15, v44;
	v24 =	vadd.f32 v28, v25  }
0x19c: {  	v25 =	vmul.f32 v27, v27;
	v21 =	vmul.f32 v21, v21;
	v19 =	vsel vm1, $0x7F800000, v22  }
0x19d: {  	(xrf1) =	vsort.dscd.msk.f32 $0xffff, v19, v44  }
0x19e: {  	vm1 =	veq.s32 v13, v44;
	v21 =	vadd.f32 v25, v21  }
0x19f: {  	v22 =	vsel vm1, $0x7F800000, v24;
	vm1 =	veq.s32 v16, v44  }
0x1a0: {  	(xrf1) =	vsort.dscd.msk.f32 $0xffff, v22, v44;
	v19 =	vsel vm1, $0x7F800000, v21  }
0x1a1: {  	(xrf1) =	vsort.dscd.msk.f32 $0xffff, v19, v44;
	_ =	sdelay $0x2  }
0x1a2: {  	v47 =	vmov v11;
	v19, v21, _ =	vpop (xrf1)  }
0x1a3: {  	v22, v24, _ =	vpop (xrf1)  }
0x1a4: {  	v25, v27, _ =	vpop (xrf1)  }
0x1a5: {  	v28, v30, _ =	vpop (xrf1)  }
0x1a6: {  	v31, v33, _ =	vpop (xrf1)  }
0x1a7: {  	v36 =	vld.idx.msk [tilespmem:v47+s2+$0x0], $0xffff;
	vm1 =	vlt.f32 v31, v19  }
0x1a8: {  	v34 =	vld.idx.msk [tilespmem:v62+s2+$0x0], $0xffff;
	v21 =	vsel vm1, v33, v21  }
0x1a9: {  	v19 =	vsel vm1, v31, v19;
	v31, v37, _ =	vpop (xrf1)  }
0x1aa: {  	vm1 =	vlt.f32 v31, v22  }
0x1ab: {  	(xrf1) =	vsort.ascd.msk.f32 $0xffff, v19, v21;
	v22 =	vsel vm1, v31, v22;
	v24 =	vsel vm1, v37, v24  }
0x1ac: {  	(xrf1) =	vsort.ascd.msk.f32 $0xffff, v22, v24;
	v19, v21, _ =	vpop (xrf1)  }
0x1ad: {  	v22 =	vsub.f32 v34, v12;
	v24 =	vsub.f32 v36, v10;
	vm1 =	vlt.f32 v19, v25;
	v31, v37, _ =	vpop (xrf1)  }
0x1ae: {  	v19 =	vsel vm1, v19, v25;
	v21 =	vsel vm1, v21, v27;
	vm1 =	vlt.f32 v31, v28  }
0x1af: {  	v25 =	vsub.f32 v36, v9;
	(xrf1) =	vsort.ascd.msk.f32 $0xffff, v19, v21;
	v19 =	vsel vm1, v31, v28  }
0x1b0: {  	v21 =	vmul.f32 v22, v22;
	v22 =	vmul.f32 v24, v24;
	v24 =	vsub.f32 v34, v7  }
0x1b1: {  	v11 =	vmovc v14;
	v27 =	vsel vm1, v37, v30;
	v28 =	vsub.f32 v34, v6;
	v30 =	vsub.f32 v36, v4  }
0x1b2: {  	vm1 =	veq.s32 v18, v11;
	(xrf1) =	vsort.ascd.msk.f32 $0xffff, v19, v27;
	v21 =	vadd.f32 v22, v21  }
0x1b3: {  	v27 =	vsub.f32 v36, v3;
	v22 =	vmul.f32 v24, v24;
	v24 =	vmul.f32 v25, v25  }
0x1b4: {  	v18 =	vmul.f32 v28, v28;
	v25 =	vmul.f32 v30, v30;
	v19 =	vsel vm1, $0x7F800000, v21  }
0x1b5: {  	v21 =	vsub.f32 v34, v2;
	v22 =	vadd.f32 v24, v22;
	(xrf1) =	vsort.dscd.msk.f32 $0xffff, v19, v11  }
0x1b6: {  	vm1 =	veq.s32 v15, v11;
	v18 =	vadd.f32 v25, v18;
	v24 =	vmul.f32 v27, v27  }
0x1b7: {  	v21 =	vmul.f32 v21, v21;
	v19 =	vsel vm1, $0x7F800000, v22;
	vm1 =	veq.s32 v13, v11  }
0x1b8: {  	v18 =	vsel vm1, $0x7F800000, v18;
	(xrf1) =	vsort.dscd.msk.f32 $0xffff, v19, v11  }
0x1b9: {  	v21 =	vadd.f32 v24, v21;
	(xrf1) =	vsort.dscd.msk.f32 $0xffff, v18, v11  }
0x1ba: {  	vm1 =	veq.s32 v16, v11  }
0x1bb: {  	v18 =	vsel vm1, $0x7F800000, v21  }
0x1bc: {  	(xrf1) =	vsort.dscd.msk.f32 $0xffff, v18, v11;
	_ =	sdelay $0x2  }
0x1bd: {  	v14 =	vmov v17;
	v18, v19, _ =	vpop (xrf1)  }
0x1be: {  	v21, v22, _ =	vpop (xrf1)  }
0x1bf: {  	v24, v25, _ =	vpop (xrf1)  }
0x1c0: {  	v27, v28, _ =	vpop (xrf1)  }
0x1c1: {  	v30, v31, _ =	vpop (xrf1)  }
0x1c2: {  	v33 =	vld.idx.msk [tilespmem:v14+s2+$0x0], $0xffff;
	vm1 =	vlt.f32 v30, v18  }
0x1c3: {  	v18 =	vsel vm1, v30, v18;
	v30 =	vld.idx.msk [tilespmem:v20+s2+$0x0], $0xffff  }
0x1c4: {  	v34, v36, _ =	vpop (xrf1);
	v19 =	vsel vm1, v31, v19  }
0x1c5: {  	v31, v37, _ =	vpop (xrf1);
	(xrf1) =	vsort.ascd.msk.f32 $0xffff, v18, v19;
	vm1 =	vlt.f32 v34, v21  }
0x1c6: {  	v18 =	vsel vm1, v34, v21;
	v19 =	vsel vm1, v36, v22;
	vm1 =	vlt.f32 v31, v24  }
0x1c7: {  	(xrf1) =	vsort.ascd.msk.f32 $0xffff, v18, v19;
	v18 =	vsel vm1, v31, v24;
	v19 =	vsel vm1, v37, v25  }
0x1c8: {  	v24 =	vsub.f32 v33, v12;
	v21, v22, _ =	vpop (xrf1);
	(xrf1) =	vsort.ascd.msk.f32 $0xffff, v18, v19;
	v19 =	vsub.f32 v30, v10  }
0x1c9: {  	vm1 =	vlt.f32 v21, v27  }
0x1ca: {  	v18 =	vsel vm1, v21, v27;
	v21 =	vmul.f32 v24, v24;
	v19 =	vmul.f32 v19, v19;
	_ =	sdelay $0x1  }
0x1cb: {  	v25 =	vsub.f32 v30, v9;
	v22 =	vsel vm1, v22, v28;
	v19 =	vadd.f32 v19, v21  }
0x1cc: {  	v31 =	vsub.f32 v30, v4;
	v24 =	vsub.f32 v33, v7;
	(xrf1) =	vsort.ascd.msk.f32 $0xffff, v18, v22  }
0x1cd: {  	v27 =	vsub.f32 v33, v6;
	v25 =	vmul.f32 v25, v25;
	(xrf1) =	vsort.dscd.msk.f32 $0xffff, v19, v40  }
0x1ce: {  	v18 =	vsub.f32 v33, v2;
	v22 =	vsub.f32 v30, v3;
	v24 =	vmul.f32 v24, v24  }
0x1cf: {  	v21 =	vmul.f32 v27, v27;
	v27 =	vmul.f32 v31, v31  }
0x1d0: {  	v18 =	vmul.f32 v18, v18;
	v22 =	vmul.f32 v22, v22;
	v24 =	vadd.f32 v25, v24  }
0x1d1: {  	vm1 =	veq.s32 v15, v40;
	v21 =	vadd.f32 v27, v21  }
0x1d2: {  	v18 =	vadd.f32 v22, v18;
	v19 =	vsel vm1, $0x7F800000, v24;
	vm1 =	veq.s32 v13, v40  }
0x1d3: {  	v21 =	vsel vm1, $0x7F800000, v21;
	vm1 =	veq.s32 v16, v40  }
0x1d4: {  	v18 =	vsel vm1, $0x7F800000, v18  }
0x1d5: {  	(xrf1) =	vsort.dscd.msk.f32 $0xffff, v19, v40  }
0x1d6: {  	(xrf1) =	vsort.dscd.msk.f32 $0xffff, v21, v40  }
0x1d7: {  	(xrf1) =	vsort.dscd.msk.f32 $0xffff, v18, v40;
	v18, v19, _ =	vpop (xrf1)  }
0x1d8: {  	v21, v22, _ =	vpop (xrf1)  }
0x1d9: {  	v24, v25, _ =	vpop (xrf1)  }
0x1da: {  	v27, v28, _ =	vpop (xrf1)  }
0x1db: {  	v37 =	vld [tilespmem:$0x1FF20];
	v30, v31, _ =	vpop (xrf1)  }
0x1dc: {  	vm1 =	vlt.f32 v30, v18  }
0x1dd: {  	v18 =	vsel vm1, v30, v18;
	v30 =	vld [tilespmem:$0x1FF30];
	_ =	sdelay $0x5  }
0x1de: {  	v33 =	vld.idx.msk [tilespmem:v37+s2+$0x0], $0xffff  }
0x1df: {  	v34, v36, _ =	vpop (xrf1);
	v19 =	vsel vm1, v31, v19  }
0x1e0: {  	v31, v37, _ =	vpop (xrf1);
	(xrf1) =	vsort.ascd.msk.f32 $0xffff, v18, v19;
	vm1 =	vlt.f32 v34, v21;
	v30 =	vld.idx.msk [tilespmem:v30+s2+$0x0], $0xffff  }
0x1e1: {  	v18 =	vsel vm1, v34, v21;
	v19 =	vsel vm1, v36, v22;
	vm1 =	vlt.f32 v31, v24  }
0x1e2: {  	v21, v22, _ =	vpop (xrf1);
	(xrf1) =	vsort.ascd.msk.f32 $0xffff, v18, v19;
	v18 =	vsel vm1, v31, v24  }
0x1e3: {  	v19 =	vsel vm1, v37, v25;
	vm1 =	vlt.f32 v21, v27;
	v24 =	vsub.f32 v33, v12  }
0x1e4: {  	(xrf1) =	vsort.ascd.msk.f32 $0xffff, v18, v19;
	v18 =	vsel vm1, v21, v27  }
0x1e5: {  	v21 =	vmul.f32 v24, v24;
	v24 =	vsub.f32 v33, v7;
	v25 =	vsub.f32 v30, v9;
	_ =	sdelay $0x1  }
0x1e6: {  	v24 =	vmul.f32 v24, v24;
	v25 =	vmul.f32 v25, v25  }
0x1e7: {  	v19 =	vsub.f32 v30, v10  }
0x1e8: {  	v24 =	vadd.f32 v25, v24;
	v25 =	vld [tilespmem:$0x1FF40]  }
0x1e9: {  	v19 =	vmul.f32 v19, v19;
	_ =	sdelay $0x1  }
0x1ea: {  	v22 =	vsel vm1, v22, v28;
	v19 =	vadd.f32 v19, v21  }
0x1eb: {  	(xrf1) =	vsort.ascd.msk.f32 $0xffff, v18, v22  }
0x1ec: {  	v27 =	vsub.f32 v33, v6;
	v31 =	vsub.f32 v30, v4;
	(xrf1) =	vsort.dscd.msk.f32 $0xffff, v19, v25  }
0x1ed: {  	v18 =	vsub.f32 v33, v2;
	v22 =	vsub.f32 v30, v3  }
0x1ee: {  	v21 =	vmul.f32 v27, v27;
	v27 =	vmul.f32 v31, v31  }
0x1ef: {  	v18 =	vmul.f32 v18, v18;
	v22 =	vmul.f32 v22, v22  }
0x1f0: {  	v21 =	vadd.f32 v27, v21;
	vm1 =	veq.s32 v15, v25  }
0x1f1: {  	v18 =	vadd.f32 v22, v18;
	v19 =	vsel vm1, $0x7F800000, v24;
	vm1 =	veq.s32 v13, v25  }
0x1f2: {  	v21 =	vsel vm1, $0x7F800000, v21;
	vm1 =	veq.s32 v16, v25  }
0x1f3: {  	v18 =	vsel vm1, $0x7F800000, v18  }
0x1f4: {  	(xrf1) =	vsort.dscd.msk.f32 $0xffff, v19, v25  }
0x1f5: {  	(xrf1) =	vsort.dscd.msk.f32 $0xffff, v21, v25  }
0x1f6: {  	(xrf1) =	vsort.dscd.msk.f32 $0xffff, v18, v25;
	v18, v19, _ =	vpop (xrf1)  }
0x1f7: {  	v21, v22, _ =	vpop (xrf1)  }
0x1f8: {  	v24, v25, _ =	vpop (xrf1)  }
0x1f9: {  	v27, v28, _ =	vpop (xrf1)  }
0x1fa: {  	v36 =	vld [tilespmem:$0x1FF50];
	v30, v31, _ =	vpop (xrf1)  }
0x1fb: {  	vm1 =	vlt.f32 v30, v18  }
0x1fc: {  	v18 =	vsel vm1, v30, v18;
	v30 =	vld [tilespmem:$0x1FF60];
	_ =	sdelay $0x5  }
0x1fd: {  	v33 =	vld.idx.msk [tilespmem:v36+s2+$0x0], $0xffff  }
0x1fe: {  	v34, v36, _ =	vpop (xrf1);
	v19 =	vsel vm1, v31, v19  }
0x1ff: {  	v31, v37, _ =	vpop (xrf1);
	(xrf1) =	vsort.ascd.msk.f32 $0xffff, v18, v19;
	vm1 =	vlt.f32 v34, v21;
	v30 =	vld.idx.msk [tilespmem:v30+s2+$0x0], $0xffff  }
0x200: {  	v18 =	vsel vm1, v34, v21;
	v19 =	vsel vm1, v36, v22;
	vm1 =	vlt.f32 v31, v24  }
0x201: {  	v21, v22, _ =	vpop (xrf1);
	(xrf1) =	vsort.ascd.msk.f32 $0xffff, v18, v19;
	v18 =	vsel vm1, v31, v24  }
0x202: {  	v19 =	vsel vm1, v37, v25;
	vm1 =	vlt.f32 v21, v27;
	v24 =	vsub.f32 v33, v12  }
0x203: {  	(xrf1) =	vsort.ascd.msk.f32 $0xffff, v18, v19;
	v18 =	vsel vm1, v21, v27  }
0x204: {  	v21 =	vmul.f32 v24, v24;
	v24 =	vsub.f32 v33, v7;
	v25 =	vsub.f32 v30, v9;
	_ =	sdelay $0x1  }
0x205: {  	v24 =	vmul.f32 v24, v24;
	v25 =	vmul.f32 v25, v25  }
0x206: {  	v19 =	vsub.f32 v30, v10  }
0x207: {  	v24 =	vadd.f32 v25, v24;
	v25 =	vld [tilespmem:$0x1FF70]  }
0x208: {  	v19 =	vmul.f32 v19, v19;
	_ =	sdelay $0x1  }
0x209: {  	v22 =	vsel vm1, v22, v28;
	v19 =	vadd.f32 v19, v21  }
0x20a: {  	(xrf1) =	vsort.ascd.msk.f32 $0xffff, v18, v22  }
0x20b: {  	v27 =	vsub.f32 v33, v6;
	v31 =	vsub.f32 v30, v4;
	(xrf1) =	vsort.dscd.msk.f32 $0xffff, v19, v25  }
0x20c: {  	v18 =	vsub.f32 v33, v2;
	v22 =	vsub.f32 v30, v3  }
0x20d: {  	v21 =	vmul.f32 v27, v27;
	v27 =	vmul.f32 v31, v31  }
0x20e: {  	v18 =	vmul.f32 v18, v18;
	v22 =	vmul.f32 v22, v22  }
0x20f: {  	v21 =	vadd.f32 v27, v21;
	vm1 =	veq.s32 v15, v25  }
0x210: {  	v18 =	vadd.f32 v22, v18;
	v19 =	vsel vm1, $0x7F800000, v24;
	vm1 =	veq.s32 v13, v25  }
0x211: {  	v21 =	vsel vm1, $0x7F800000, v21;
	vm1 =	veq.s32 v16, v25  }
0x212: {  	v18 =	vsel vm1, $0x7F800000, v18  }
0x213: {  	(xrf1) =	vsort.dscd.msk.f32 $0xffff, v19, v25  }
0x214: {  	(xrf1) =	vsort.dscd.msk.f32 $0xffff, v21, v25  }
0x215: {  	(xrf1) =	vsort.dscd.msk.f32 $0xffff, v18, v25;
	v18, v19, _ =	vpop (xrf1)  }
0x216: {  	v21, v22, _ =	vpop (xrf1)  }
0x217: {  	v24, v25, _ =	vpop (xrf1)  }
0x218: {  	v27, v28, _ =	vpop (xrf1)  }
0x219: {  	v37 =	vld [tilespmem:$0x1FF80];
	v30, v31, _ =	vpop (xrf1)  }
0x21a: {  	vm1 =	vlt.f32 v30, v18  }
0x21b: {  	v18 =	vsel vm1, v30, v18;
	v30 =	vld [tilespmem:$0x1FF90];
	_ =	sdelay $0x5  }
0x21c: {  	v33 =	vld.idx.msk [tilespmem:v37+s2+$0x0], $0xffff  }
0x21d: {  	v34, v36, _ =	vpop (xrf1);
	v19 =	vsel vm1, v31, v19  }
0x21e: {  	v31, v37, _ =	vpop (xrf1);
	(xrf1) =	vsort.ascd.msk.f32 $0xffff, v18, v19;
	vm1 =	vlt.f32 v34, v21;
	v30 =	vld.idx.msk [tilespmem:v30+s2+$0x0], $0xffff  }
0x21f: {  	v18 =	vsel vm1, v34, v21;
	v19 =	vsel vm1, v36, v22;
	vm1 =	vlt.f32 v31, v24  }
0x220: {  	v21, v22, _ =	vpop (xrf1);
	(xrf1) =	vsort.ascd.msk.f32 $0xffff, v18, v19;
	v18 =	vsel vm1, v31, v24  }
0x221: {  	v19 =	vsel vm1, v37, v25;
	vm1 =	vlt.f32 v21, v27;
	v24 =	vsub.f32 v33, v12  }
0x222: {  	(xrf1) =	vsort.ascd.msk.f32 $0xffff, v18, v19;
	v18 =	vsel vm1, v21, v27  }
0x223: {  	v21 =	vmul.f32 v24, v24;
	v24 =	vsub.f32 v33, v7;
	v25 =	vsub.f32 v30, v9;
	_ =	sdelay $0x1  }
0x224: {  	v24 =	vmul.f32 v24, v24;
	v25 =	vmul.f32 v25, v25  }
0x225: {  	v19 =	vsub.f32 v30, v10  }
0x226: {  	v24 =	vadd.f32 v25, v24;
	v25 =	vld [tilespmem:$0x1FFA0]  }
0x227: {  	v19 =	vmul.f32 v19, v19;
	_ =	sdelay $0x1  }
0x228: {  	v22 =	vsel vm1, v22, v28;
	v19 =	vadd.f32 v19, v21  }
0x229: {  	(xrf1) =	vsort.ascd.msk.f32 $0xffff, v18, v22  }
0x22a: {  	v27 =	vsub.f32 v33, v6;
	v31 =	vsub.f32 v30, v4;
	(xrf1) =	vsort.dscd.msk.f32 $0xffff, v19, v25  }
0x22b: {  	v18 =	vsub.f32 v33, v2;
	v22 =	vsub.f32 v30, v3  }
0x22c: {  	v21 =	vmul.f32 v27, v27;
	v27 =	vmul.f32 v31, v31  }
0x22d: {  	v18 =	vmul.f32 v18, v18;
	v22 =	vmul.f32 v22, v22  }
0x22e: {  	v21 =	vadd.f32 v27, v21;
	vm1 =	veq.s32 v15, v25  }
0x22f: {  	v18 =	vadd.f32 v22, v18;
	v19 =	vsel vm1, $0x7F800000, v24;
	vm1 =	veq.s32 v13, v25  }
0x230: {  	v21 =	vsel vm1, $0x7F800000, v21;
	vm1 =	veq.s32 v16, v25  }
0x231: {  	v18 =	vsel vm1, $0x7F800000, v18  }
0x232: {  	(xrf1) =	vsort.dscd.msk.f32 $0xffff, v19, v25  }
0x233: {  	(xrf1) =	vsort.dscd.msk.f32 $0xffff, v21, v25  }
0x234: {  	(xrf1) =	vsort.dscd.msk.f32 $0xffff, v18, v25;
	v18, v19, _ =	vpop (xrf1)  }
0x235: {  	v21, v22, _ =	vpop (xrf1)  }
0x236: {  	v24, v25, _ =	vpop (xrf1)  }
0x237: {  	v27, v28, _ =	vpop (xrf1)  }
0x238: {  	v36 =	vld [tilespmem:$0x1FFB0];
	v30, v31, _ =	vpop (xrf1)  }
0x239: {  	vm1 =	vlt.f32 v30, v18  }
0x23a: {  	v18 =	vsel vm1, v30, v18;
	v30 =	vld [tilespmem:$0x1FFC0];
	_ =	sdelay $0x5  }
0x23b: {  	v33 =	vld.idx.msk [tilespmem:v36+s2+$0x0], $0xffff  }
0x23c: {  	v34, v36, _ =	vpop (xrf1);
	v19 =	vsel vm1, v31, v19  }
0x23d: {  	v31, v37, _ =	vpop (xrf1);
	(xrf1) =	vsort.ascd.msk.f32 $0xffff, v18, v19;
	vm1 =	vlt.f32 v34, v21;
	v30 =	vld.idx.msk [tilespmem:v30+s2+$0x0], $0xffff  }
0x23e: {  	v18 =	vsel vm1, v34, v21;
	v19 =	vsel vm1, v36, v22;
	vm1 =	vlt.f32 v31, v24  }
0x23f: {  	v21, v22, _ =	vpop (xrf1);
	(xrf1) =	vsort.ascd.msk.f32 $0xffff, v18, v19;
	v18 =	vsel vm1, v31, v24  }
0x240: {  	v19 =	vsel vm1, v37, v25;
	vm1 =	vlt.f32 v21, v27;
	v24 =	vsub.f32 v33, v12  }
0x241: {  	(xrf1) =	vsort.ascd.msk.f32 $0xffff, v18, v19;
	v18 =	vsel vm1, v21, v27  }
0x242: {  	v21 =	vmul.f32 v24, v24;
	v24 =	vsub.f32 v33, v7;
	v25 =	vsub.f32 v30, v9;
	_ =	sdelay $0x1  }
0x243: {  	v24 =	vmul.f32 v24, v24;
	v25 =	vmul.f32 v25, v25  }
0x244: {  	v19 =	vsub.f32 v30, v10  }
0x245: {  	v27 =	vsub.f32 v33, v6;
	v24 =	vadd.f32 v25, v24;
	v25 =	vld [tilespmem:$0x1FFD0]  }
0x246: {  	v22 =	vsel vm1, v22, v28;
	v31 =	vsub.f32 v30, v4;
	v19 =	vmul.f32 v19, v19  }
0x247: {  	(xrf1) =	vsort.ascd.msk.f32 $0xffff, v18, v22;
	v18 =	vsub.f32 v33, v2;
	v22 =	vsub.f32 v30, v3  }
0x248: {  	v19 =	vadd.f32 v19, v21;
	v21 =	vmul.f32 v27, v27;
	v27 =	vmul.f32 v31, v31  }
0x249: {  	v18 =	vmul.f32 v18, v18;
	v22 =	vmul.f32 v22, v22  }
0x24a: {  	v21 =	vadd.f32 v27, v21;
	vm1 =	veq.s32 v15, v25;
	(xrf1) =	vsort.dscd.msk.f32 $0xffff, v19, v25  }
0x24b: {  	v19 =	vsel vm1, $0x7F800000, v24;
	vm1 =	veq.s32 v13, v25  }
0x24c: {  	v18 =	vadd.f32 v22, v18;
	v21 =	vsel vm1, $0x7F800000, v21;
	(xrf1) =	vsort.dscd.msk.f32 $0xffff, v19, v25  }
0x24d: {  	vm1 =	veq.s32 v16, v25;
	(xrf1) =	vsort.dscd.msk.f32 $0xffff, v21, v25  }
0x24e: {  	v18 =	vsel vm1, $0x7F800000, v18  }
0x24f: {  	(xrf1) =	vsort.dscd.msk.f32 $0xffff, v18, v25;
	_ =	sdelay $0x1  }
0x250: {  	v37 =	vld [tilespmem:$0x1FFE0];
	_ =	sdelay $0x2  }
0x251: {  	v18, v19, _ =	vpop (xrf1)  }
0x252: {  	v24 =	vor.u32 $0x2A1, v1;
	v21, v22, _ =	vpop (xrf1)  }
0x253: {  	v25, v27, _ =	vpop (xrf1)  }
0x254: {  	v28, v30, _ =	vpop (xrf1)  }
0x255: {  	v31, v33, _ =	vpop (xrf1)  }
0x256: {  	v34 =	vld.idx.msk [tilespmem:v37+s2+$0x0], $0xffff;
	vm1 =	vlt.f32 v31, v18  }
0x257: {  	v24 =	vld.idx.msk [tilespmem:v24+s2+$0x0], $0xffff;
	v36, v37, _ =	vpop (xrf1);
	v18 =	vsel vm1, v31, v18;
	v19 =	vsel vm1, v33, v19  }
0x258: {  	v31, v33, _ =	vpop (xrf1);
	(xrf1) =	vsort.ascd.msk.f32 $0xffff, v18, v19;
	vm1 =	vlt.f32 v36, v21  }
0x259: {  	v18 =	vsel vm1, v36, v21;
	v19 =	vsel vm1, v37, v22;
	vm1 =	vlt.f32 v31, v25  }
0x25a: {  	v21, v22, _ =	vpop (xrf1);
	(xrf1) =	vsort.ascd.msk.f32 $0xffff, v18, v19;
	v18 =	vsel vm1, v31, v25  }
0x25b: {  	v19 =	vsel vm1, v33, v27;
	vm1 =	vlt.f32 v21, v28;
	v25 =	vsub.f32 v34, v12  }
0x25c: {  	v0 =	vlaneseq.u32;
	v27 =	vsub.f32 v24, v9;
	v31 =	vsub.f32 v24, v4;
	(xrf1) =	vsort.ascd.msk.f32 $0xffff, v18, v19  }
0x25d: {  	v18 =	vsel vm1, v21, v28;
	v19 =	vsub.f32 v24, v10;
	v28 =	vsub.f32 v34, v6  }
0x25e: {  	v22 =	vsel vm1, v22, v30;
	v21 =	vmul.f32 v25, v25;
	v25 =	vsub.f32 v34, v7  }
0x25f: {  	v24 =	vsub.f32 v24, v3;
	v27 =	vmul.f32 v27, v27;
	v19 =	vmul.f32 v19, v19  }
0x260: {  	(xrf1) =	vsort.ascd.msk.f32 $0xffff, v18, v22;
	v18 =	vor.u32 $0x150, v0;
	v22 =	vsub.f32 v34, v2;
	v25 =	vmul.f32 v25, v25  }
0x261: {  	v19 =	vadd.f32 v19, v21;
	v21 =	vmul.f32 v28, v28;
	v28 =	vmul.f32 v31, v31  }
0x262: {  	vm1 =	veq.s32 v15, v18;
	v24 =	vmul.f32 v24, v24;
	v25 =	vadd.f32 v27, v25  }
0x263: {  	v22 =	vmul.f32 v22, v22;
	v21 =	vadd.f32 v28, v21;
	(xrf1) =	vsort.dscd.msk.f32 $0xffff, v19, v18  }
0x264: {  	v19 =	vsel vm1, $0x7F800000, v25;
	vm1 =	veq.s32 v13, v18  }
0x265: {  	v22 =	vadd.f32 v24, v22;
	v21 =	vsel vm1, $0x7F800000, v21;
	(xrf1) =	vsort.dscd.msk.f32 $0xffff, v19, v18  }
0x266: {  	vm1 =	veq.s32 v16, v18;
	(xrf1) =	vsort.dscd.msk.f32 $0xffff, v21, v18  }
0x267: {  	v19 =	vsel vm1, $0x7F800000, v22  }
0x268: {  	(xrf1) =	vsort.dscd.msk.f32 $0xffff, v19, v18;
	_ =	sdelay $0x3  }
0x269: {  	v25 =	vor.u32 $0x2C1, v1  }
0x26a: {  	v21 =	vor.u32 $0x2C0, v1;
	v18, v19, _ =	vpop (xrf1)  }
0x26b: {  	v22, v24, _ =	vpop (xrf1)  }
0x26c: {  	v27, v28, _ =	vpop (xrf1)  }
0x26d: {  	v30, v31, _ =	vpop (xrf1)  }
0x26e: {  	v25 =	vld.idx.msk [tilespmem:v25+s2+$0x0], $0xffff;
	v33, v34, _ =	vpop (xrf1)  }
0x26f: {  	v21 =	vld.idx.msk [tilespmem:v21+s2+$0x0], $0xffff;
	vm1 =	vlt.f32 v33, v18  }
0x270: {  	v36, v37, _ =	vpop (xrf1);
	v18 =	vsel vm1, v33, v18;
	v19 =	vsel vm1, v34, v19  }
0x271: {  	v33, v34, _ =	vpop (xrf1);
	(xrf1) =	vsort.ascd.msk.f32 $0xffff, v18, v19;
	vm1 =	vlt.f32 v36, v22  }
0x272: {  	v18 =	vsel vm1, v36, v22;
	v19 =	vsel vm1, v37, v24;
	vm1 =	vlt.f32 v33, v27  }
0x273: {  	v22, v24, _ =	vpop (xrf1);
	v36 =	vsub.f32 v25, v4;
	(xrf1) =	vsort.ascd.msk.f32 $0xffff, v18, v19;
	v18 =	vsel vm1, v33, v27  }
0x274: {  	v19 =	vsel vm1, v34, v28;
	vm1 =	vlt.f32 v22, v30;
	v27 =	vsub.f32 v21, v12  }
0x275: {  	v28 =	vsub.f32 v25, v9;
	(xrf1) =	vsort.ascd.msk.f32 $0xffff, v18, v19;
	v19 =	vsub.f32 v25, v10  }
0x276: {  	v18 =	vsel vm1, v22, v30;
	v22 =	vmul.f32 v27, v27;
	v27 =	vsub.f32 v21, v7  }
0x277: {  	v30 =	vsub.f32 v21, v6;
	v24 =	vsel vm1, v24, v31;
	v19 =	vmul.f32 v19, v19  }
0x278: {  	v28 =	vmul.f32 v28, v28;
	v21 =	vsub.f32 v21, v2;
	v27 =	vmul.f32 v27, v27  }
0x279: {  	(xrf1) =	vsort.ascd.msk.f32 $0xffff, v18, v24;
	v18 =	vor.u32 $0x160, v0;
	v24 =	vsub.f32 v25, v3;
	v19 =	vadd.f32 v19, v22  }
0x27a: {  	v22 =	vmul.f32 v30, v30;
	v30 =	vmul.f32 v36, v36;
	v25 =	vadd.f32 v28, v27  }
0x27b: {  	vm1 =	veq.s32 v15, v18;
	v21 =	vmul.f32 v21, v21;
	v24 =	vmul.f32 v24, v24  }
0x27c: {  	v22 =	vadd.f32 v30, v22;
	(xrf1) =	vsort.dscd.msk.f32 $0xffff, v19, v18;
	v19 =	vsel vm1, $0x7F800000, v25  }
0x27d: {  	v21 =	vadd.f32 v24, v21;
	vm1 =	veq.s32 v13, v18;
	(xrf1) =	vsort.dscd.msk.f32 $0xffff, v19, v18  }
0x27e: {  	v22 =	vsel vm1, $0x7F800000, v22;
	vm1 =	veq.s32 v16, v18  }
0x27f: {  	(xrf1) =	vsort.dscd.msk.f32 $0xffff, v22, v18;
	v19 =	vsel vm1, $0x7F800000, v21  }
0x280: {  	(xrf1) =	vsort.dscd.msk.f32 $0xffff, v19, v18;
	_ =	sdelay $0x3  }
0x281: {  	v25 =	vor.u32 $0x2E1, v1;
	_ =	sdelay $0x1  }
0x282: {  	v21 =	vor.u32 $0x2E0, v1;
	v18, v19, _ =	vpop (xrf1)  }
0x283: {  	v22, v24, _ =	vpop (xrf1)  }
0x284: {  	v27, v28, _ =	vpop (xrf1)  }
0x285: {  	v25 =	vld.idx.msk [tilespmem:v25+s2+$0x0], $0xffff;
	v30, v31, _ =	vpop (xrf1)  }
0x286: {  	v33, v34, _ =	vpop (xrf1)  }
0x287: {  	v21 =	vld.idx.msk [tilespmem:v21+s2+$0x0], $0xffff;
	vm1 =	vlt.f32 v33, v18;
	v36, v37, _ =	vpop (xrf1)  }
0x288: {  	v18 =	vsel vm1, v33, v18;
	v19 =	vsel vm1, v34, v19;
	vm1 =	vlt.f32 v36, v22  }
0x289: {  	v33, v34, _ =	vpop (xrf1);
	(xrf1) =	vsort.ascd.msk.f32 $0xffff, v18, v19;
	v18 =	vsel vm1, v36, v22;
	v19 =	vsel vm1, v37, v24  }
0x28a: {  	vm1 =	vlt.f32 v33, v27;
	v22, v24, _ =	vpop (xrf1);
	v37 =	vsub.f32 v25, v4;
	(xrf1) =	vsort.ascd.msk.f32 $0xffff, v18, v19  }
0x28b: {  	v18 =	vsel vm1, v33, v27;
	v19 =	vsel vm1, v34, v28;
	vm1 =	vlt.f32 v22, v30  }
0x28c: {  	v27 =	vsub.f32 v21, v12;
	v28 =	vsub.f32 v25, v9;
	(xrf1) =	vsort.ascd.msk.f32 $0xffff, v18, v19  }
0x28d: {  	v18 =	vsel vm1, v22, v30;
	v19 =	vsub.f32 v25, v10;
	v30 =	vsub.f32 v21, v6  }
0x28e: {  	v24 =	vsel vm1, v24, v31;
	v22 =	vmul.f32 v27, v27;
	v27 =	vsub.f32 v21, v7  }
0x28f: {  	v28 =	vmul.f32 v28, v28;
	(xrf1) =	vsort.ascd.msk.f32 $0xffff, v18, v24;
	v18 =	vor.u32 $0x170, v0;
	v19 =	vmul.f32 v19, v19  }
0x290: {  	v21 =	vsub.f32 v21, v2;
	v24 =	vsub.f32 v25, v3;
	v27 =	vmul.f32 v27, v27  }
0x291: {  	v19 =	vadd.f32 v19, v22;
	v22 =	vmul.f32 v30, v30;
	v30 =	vmul.f32 v37, v37  }
0x292: {  	vm1 =	veq.s32 v15, v18;
	v21 =	vmul.f32 v21, v21;
	v25 =	vadd.f32 v28, v27  }
0x293: {  	v24 =	vmul.f32 v24, v24;
	v22 =	vadd.f32 v30, v22;
	(xrf1) =	vsort.dscd.msk.f32 $0xffff, v19, v18  }
0x294: {  	v19 =	vsel vm1, $0x7F800000, v25;
	vm1 =	veq.s32 v13, v18  }
0x295: {  	v21 =	vadd.f32 v24, v21;
	v22 =	vsel vm1, $0x7F800000, v22;
	(xrf1) =	vsort.dscd.msk.f32 $0xffff, v19, v18  }
0x296: {  	vm1 =	veq.s32 v16, v18;
	(xrf1) =	vsort.dscd.msk.f32 $0xffff, v22, v18  }
0x297: {  	v19 =	vsel vm1, $0x7F800000, v21  }
0x298: {  	(xrf1) =	vsort.dscd.msk.f32 $0xffff, v19, v18;
	_ =	sdelay $0x3  }
0x299: {  	v25 =	vor.u32 $0x301, v1  }
0x29a: {  	v21 =	vor.u32 $0x300, v1;
	v18, v19, _ =	vpop (xrf1)  }
0x29b: {  	v22, v24, _ =	vpop (xrf1)  }
0x29c: {  	v27, v28, _ =	vpop (xrf1)  }
0x29d: {  	v30, v31, _ =	vpop (xrf1)  }
0x29e: {  	v25 =	vld.idx.msk [tilespmem:v25+s2+$0x0], $0xffff;
	v33, v34, _ =	vpop (xrf1)  }
0x29f: {  	v21 =	vld.idx.msk [tilespmem:v21+s2+$0x0], $0xffff;
	vm1 =	vlt.f32 v33, v18  }
0x2a0: {  	v36, v37, _ =	vpop (xrf1);
	v18 =	vsel vm1, v33, v18;
	v19 =	vsel vm1, v34, v19  }
0x2a1: {  	v33, v34, _ =	vpop (xrf1);
	(xrf1) =	vsort.ascd.msk.f32 $0xffff, v18, v19;
	vm1 =	vlt.f32 v36, v22  }
0x2a2: {  	v18 =	vsel vm1, v36, v22;
	v19 =	vsel vm1, v37, v24;
	vm1 =	vlt.f32 v33, v27  }
0x2a3: {  	v22, v24, _ =	vpop (xrf1);
	v36 =	vsub.f32 v25, v4;
	(xrf1) =	vsort.ascd.msk.f32 $0xffff, v18, v19;
	v18 =	vsel vm1, v33, v27  }
0x2a4: {  	v19 =	vsel vm1, v34, v28;
	vm1 =	vlt.f32 v22, v30;
	v27 =	vsub.f32 v21, v12  }
0x2a5: {  	v28 =	vsub.f32 v25, v9;
	(xrf1) =	vsort.ascd.msk.f32 $0xffff, v18, v19;
	v19 =	vsub.f32 v25, v10  }
0x2a6: {  	v18 =	vsel vm1, v22, v30;
	v22 =	vmul.f32 v27, v27;
	v27 =	vsub.f32 v21, v7  }
0x2a7: {  	v30 =	vsub.f32 v21, v6;
	v24 =	vsel vm1, v24, v31;
	v19 =	vmul.f32 v19, v19  }
0x2a8: {  	v28 =	vmul.f32 v28, v28;
	v21 =	vsub.f32 v21, v2;
	v27 =	vmul.f32 v27, v27  }
0x2a9: {  	(xrf1) =	vsort.ascd.msk.f32 $0xffff, v18, v24;
	v18 =	vor.u32 $0x180, v0;
	v24 =	vsub.f32 v25, v3;
	v19 =	vadd.f32 v19, v22  }
0x2aa: {  	v22 =	vmul.f32 v30, v30;
	v30 =	vmul.f32 v36, v36;
	v25 =	vadd.f32 v28, v27  }
0x2ab: {  	vm1 =	veq.s32 v15, v18;
	v21 =	vmul.f32 v21, v21;
	v24 =	vmul.f32 v24, v24  }
0x2ac: {  	v22 =	vadd.f32 v30, v22;
	(xrf1) =	vsort.dscd.msk.f32 $0xffff, v19, v18;
	v19 =	vsel vm1, $0x7F800000, v25  }
0x2ad: {  	v21 =	vadd.f32 v24, v21;
	vm1 =	veq.s32 v13, v18;
	(xrf1) =	vsort.dscd.msk.f32 $0xffff, v19, v18  }
0x2ae: {  	v22 =	vsel vm1, $0x7F800000, v22;
	vm1 =	veq.s32 v16, v18  }
0x2af: {  	(xrf1) =	vsort.dscd.msk.f32 $0xffff, v22, v18;
	v19 =	vsel vm1, $0x7F800000, v21  }
0x2b0: {  	(xrf1) =	vsort.dscd.msk.f32 $0xffff, v19, v18;
	_ =	sdelay $0x3  }
0x2b1: {  	v25 =	vor.u32 $0x321, v1;
	_ =	sdelay $0x1  }
0x2b2: {  	v21 =	vor.u32 $0x320, v1;
	v18, v19, _ =	vpop (xrf1)  }
0x2b3: {  	v22, v24, _ =	vpop (xrf1)  }
0x2b4: {  	v27, v28, _ =	vpop (xrf1)  }
0x2b5: {  	v25 =	vld.idx.msk [tilespmem:v25+s2+$0x0], $0xffff;
	v30, v31, _ =	vpop (xrf1)  }
0x2b6: {  	v33, v34, _ =	vpop (xrf1)  }
0x2b7: {  	v21 =	vld.idx.msk [tilespmem:v21+s2+$0x0], $0xffff;
	vm1 =	vlt.f32 v33, v18;
	v36, v37, _ =	vpop (xrf1)  }
0x2b8: {  	v18 =	vsel vm1, v33, v18;
	v19 =	vsel vm1, v34, v19;
	vm1 =	vlt.f32 v36, v22  }
0x2b9: {  	v33, v34, _ =	vpop (xrf1);
	(xrf1) =	vsort.ascd.msk.f32 $0xffff, v18, v19;
	v18 =	vsel vm1, v36, v22;
	v19 =	vsel vm1, v37, v24  }
0x2ba: {  	vm1 =	vlt.f32 v33, v27;
	v22, v24, _ =	vpop (xrf1);
	v37 =	vsub.f32 v25, v4;
	(xrf1) =	vsort.ascd.msk.f32 $0xffff, v18, v19  }
0x2bb: {  	v18 =	vsel vm1, v33, v27;
	v19 =	vsel vm1, v34, v28;
	vm1 =	vlt.f32 v22, v30  }
0x2bc: {  	v27 =	vsub.f32 v21, v12;
	v28 =	vsub.f32 v25, v9;
	(xrf1) =	vsort.ascd.msk.f32 $0xffff, v18, v19  }
0x2bd: {  	v18 =	vsel vm1, v22, v30;
	v19 =	vsub.f32 v25, v10;
	v30 =	vsub.f32 v21, v6  }
0x2be: {  	v24 =	vsel vm1, v24, v31;
	v22 =	vmul.f32 v27, v27;
	v27 =	vsub.f32 v21, v7  }
0x2bf: {  	v28 =	vmul.f32 v28, v28;
	(xrf1) =	vsort.ascd.msk.f32 $0xffff, v18, v24;
	v18 =	vor.u32 $0x190, v0;
	v19 =	vmul.f32 v19, v19  }
0x2c0: {  	v21 =	vsub.f32 v21, v2;
	v24 =	vsub.f32 v25, v3;
	v27 =	vmul.f32 v27, v27  }
0x2c1: {  	v19 =	vadd.f32 v19, v22;
	v22 =	vmul.f32 v30, v30;
	v30 =	vmul.f32 v37, v37  }
0x2c2: {  	vm1 =	veq.s32 v15, v18;
	v21 =	vmul.f32 v21, v21;
	v25 =	vadd.f32 v28, v27  }
0x2c3: {  	v24 =	vmul.f32 v24, v24;
	v22 =	vadd.f32 v30, v22;
	(xrf1) =	vsort.dscd.msk.f32 $0xffff, v19, v18  }
0x2c4: {  	v19 =	vsel vm1, $0x7F800000, v25;
	vm1 =	veq.s32 v13, v18  }
0x2c5: {  	v21 =	vadd.f32 v24, v21;
	v22 =	vsel vm1, $0x7F800000, v22;
	(xrf1) =	vsort.dscd.msk.f32 $0xffff, v19, v18  }
0x2c6: {  	vm1 =	veq.s32 v16, v18;
	(xrf1) =	vsort.dscd.msk.f32 $0xffff, v22, v18  }
0x2c7: {  	v19 =	vsel vm1, $0x7F800000, v21  }
0x2c8: {  	(xrf1) =	vsort.dscd.msk.f32 $0xffff, v19, v18;
	_ =	sdelay $0x3  }
0x2c9: {  	v25 =	vor.u32 $0x341, v1  }
0x2ca: {  	v21 =	vor.u32 $0x340, v1;
	v18, v19, _ =	vpop (xrf1)  }
0x2cb: {  	v22, v24, _ =	vpop (xrf1)  }
0x2cc: {  	v27, v28, _ =	vpop (xrf1)  }
0x2cd: {  	v30, v31, _ =	vpop (xrf1)  }
0x2ce: {  	v25 =	vld.idx.msk [tilespmem:v25+s2+$0x0], $0xffff;
	v33, v34, _ =	vpop (xrf1)  }
0x2cf: {  	v21 =	vld.idx.msk [tilespmem:v21+s2+$0x0], $0xffff;
	vm1 =	vlt.f32 v33, v18  }
0x2d0: {  	v36, v37, _ =	vpop (xrf1);
	v18 =	vsel vm1, v33, v18;
	v19 =	vsel vm1, v34, v19  }
0x2d1: {  	v33, v34, _ =	vpop (xrf1);
	(xrf1) =	vsort.ascd.msk.f32 $0xffff, v18, v19;
	vm1 =	vlt.f32 v36, v22  }
0x2d2: {  	v18 =	vsel vm1, v36, v22;
	v19 =	vsel vm1, v37, v24;
	vm1 =	vlt.f32 v33, v27  }
0x2d3: {  	v22, v24, _ =	vpop (xrf1);
	v36 =	vsub.f32 v25, v4;
	(xrf1) =	vsort.ascd.msk.f32 $0xffff, v18, v19;
	v18 =	vsel vm1, v33, v27  }
0x2d4: {  	v19 =	vsel vm1, v34, v28;
	vm1 =	vlt.f32 v22, v30;
	v27 =	vsub.f32 v21, v12  }
0x2d5: {  	v28 =	vsub.f32 v25, v9;
	(xrf1) =	vsort.ascd.msk.f32 $0xffff, v18, v19;
	v19 =	vsub.f32 v25, v10  }
0x2d6: {  	v18 =	vsel vm1, v22, v30;
	v22 =	vmul.f32 v27, v27;
	v27 =	vsub.f32 v21, v7  }
0x2d7: {  	v30 =	vsub.f32 v21, v6;
	v24 =	vsel vm1, v24, v31;
	v19 =	vmul.f32 v19, v19  }
0x2d8: {  	v28 =	vmul.f32 v28, v28;
	v21 =	vsub.f32 v21, v2;
	v27 =	vmul.f32 v27, v27  }
0x2d9: {  	(xrf1) =	vsort.ascd.msk.f32 $0xffff, v18, v24;
	v18 =	vor.u32 $0x1A0, v0;
	v24 =	vsub.f32 v25, v3;
	v19 =	vadd.f32 v19, v22  }
0x2da: {  	v22 =	vmul.f32 v30, v30;
	v30 =	vmul.f32 v36, v36;
	v25 =	vadd.f32 v28, v27  }
0x2db: {  	vm1 =	veq.s32 v15, v18;
	v21 =	vmul.f32 v21, v21;
	v24 =	vmul.f32 v24, v24  }
0x2dc: {  	v22 =	vadd.f32 v30, v22;
	(xrf1) =	vsort.dscd.msk.f32 $0xffff, v19, v18;
	v19 =	vsel vm1, $0x7F800000, v25  }
0x2dd: {  	v21 =	vadd.f32 v24, v21;
	vm1 =	veq.s32 v13, v18;
	(xrf1) =	vsort.dscd.msk.f32 $0xffff, v19, v18  }
0x2de: {  	v22 =	vsel vm1, $0x7F800000, v22;
	vm1 =	veq.s32 v16, v18  }
0x2df: {  	(xrf1) =	vsort.dscd.msk.f32 $0xffff, v22, v18;
	v19 =	vsel vm1, $0x7F800000, v21  }
0x2e0: {  	(xrf1) =	vsort.dscd.msk.f32 $0xffff, v19, v18;
	_ =	sdelay $0x3  }
0x2e1: {  	v25 =	vor.u32 $0x361, v1;
	_ =	sdelay $0x1  }
0x2e2: {  	v21 =	vor.u32 $0x360, v1;
	v18, v19, _ =	vpop (xrf1)  }
0x2e3: {  	v22, v24, _ =	vpop (xrf1)  }
0x2e4: {  	v27, v28, _ =	vpop (xrf1)  }
0x2e5: {  	v25 =	vld.idx.msk [tilespmem:v25+s2+$0x0], $0xffff;
	v30, v31, _ =	vpop (xrf1)  }
0x2e6: {  	v33, v34, _ =	vpop (xrf1)  }
0x2e7: {  	v21 =	vld.idx.msk [tilespmem:v21+s2+$0x0], $0xffff;
	vm1 =	vlt.f32 v33, v18;
	v36, v37, _ =	vpop (xrf1)  }
0x2e8: {  	v18 =	vsel vm1, v33, v18;
	v19 =	vsel vm1, v34, v19;
	vm1 =	vlt.f32 v36, v22  }
0x2e9: {  	v33, v34, _ =	vpop (xrf1);
	(xrf1) =	vsort.ascd.msk.f32 $0xffff, v18, v19;
	v18 =	vsel vm1, v36, v22;
	v19 =	vsel vm1, v37, v24  }
0x2ea: {  	vm1 =	vlt.f32 v33, v27;
	v22, v24, _ =	vpop (xrf1);
	v37 =	vsub.f32 v25, v4;
	(xrf1) =	vsort.ascd.msk.f32 $0xffff, v18, v19  }
0x2eb: {  	v18 =	vsel vm1, v33, v27;
	v19 =	vsel vm1, v34, v28;
	vm1 =	vlt.f32 v22, v30  }
0x2ec: {  	v27 =	vsub.f32 v21, v12;
	v28 =	vsub.f32 v25, v9;
	(xrf1) =	vsort.ascd.msk.f32 $0xffff, v18, v19  }
0x2ed: {  	v18 =	vsel vm1, v22, v30;
	v19 =	vsub.f32 v25, v10;
	v30 =	vsub.f32 v21, v6  }
0x2ee: {  	v24 =	vsel vm1, v24, v31;
	v22 =	vmul.f32 v27, v27;
	v27 =	vsub.f32 v21, v7  }
0x2ef: {  	v28 =	vmul.f32 v28, v28;
	(xrf1) =	vsort.ascd.msk.f32 $0xffff, v18, v24;
	v18 =	vor.u32 $0x1B0, v0;
	v19 =	vmul.f32 v19, v19  }
0x2f0: {  	v21 =	vsub.f32 v21, v2;
	v24 =	vsub.f32 v25, v3;
	v27 =	vmul.f32 v27, v27  }
0x2f1: {  	v19 =	vadd.f32 v19, v22;
	v22 =	vmul.f32 v30, v30;
	v30 =	vmul.f32 v37, v37  }
0x2f2: {  	vm1 =	veq.s32 v15, v18;
	v21 =	vmul.f32 v21, v21;
	v25 =	vadd.f32 v28, v27  }
0x2f3: {  	v24 =	vmul.f32 v24, v24;
	v22 =	vadd.f32 v30, v22;
	(xrf1) =	vsort.dscd.msk.f32 $0xffff, v19, v18  }
0x2f4: {  	v19 =	vsel vm1, $0x7F800000, v25;
	vm1 =	veq.s32 v13, v18  }
0x2f5: {  	v21 =	vadd.f32 v24, v21;
	v22 =	vsel vm1, $0x7F800000, v22;
	(xrf1) =	vsort.dscd.msk.f32 $0xffff, v19, v18  }
0x2f6: {  	vm1 =	veq.s32 v16, v18;
	(xrf1) =	vsort.dscd.msk.f32 $0xffff, v22, v18  }
0x2f7: {  	v19 =	vsel vm1, $0x7F800000, v21  }
0x2f8: {  	(xrf1) =	vsort.dscd.msk.f32 $0xffff, v19, v18;
	_ =	sdelay $0x3  }
0x2f9: {  	v25 =	vor.u32 $0x381, v1  }
0x2fa: {  	v21 =	vor.u32 $0x380, v1;
	v18, v19, _ =	vpop (xrf1)  }
0x2fb: {  	v22, v24, _ =	vpop (xrf1)  }
0x2fc: {  	v27, v28, _ =	vpop (xrf1)  }
0x2fd: {  	v30, v31, _ =	vpop (xrf1)  }
0x2fe: {  	v25 =	vld.idx.msk [tilespmem:v25+s2+$0x0], $0xffff;
	v33, v34, _ =	vpop (xrf1)  }
0x2ff: {  	v21 =	vld.idx.msk [tilespmem:v21+s2+$0x0], $0xffff;
	vm1 =	vlt.f32 v33, v18  }
0x300: {  	v36, v37, _ =	vpop (xrf1);
	v18 =	vsel vm1, v33, v18;
	v19 =	vsel vm1, v34, v19  }
0x301: {  	v33, v34, _ =	vpop (xrf1);
	(xrf1) =	vsort.ascd.msk.f32 $0xffff, v18, v19;
	vm1 =	vlt.f32 v36, v22  }
0x302: {  	v18 =	vsel vm1, v36, v22;
	v19 =	vsel vm1, v37, v24;
	vm1 =	vlt.f32 v33, v27  }
0x303: {  	v22, v24, _ =	vpop (xrf1);
	v36 =	vsub.f32 v25, v4;
	(xrf1) =	vsort.ascd.msk.f32 $0xffff, v18, v19;
	v18 =	vsel vm1, v33, v27  }
0x304: {  	v19 =	vsel vm1, v34, v28;
	vm1 =	vlt.f32 v22, v30;
	v27 =	vsub.f32 v21, v12  }
0x305: {  	v28 =	vsub.f32 v25, v9;
	(xrf1) =	vsort.ascd.msk.f32 $0xffff, v18, v19;
	v19 =	vsub.f32 v25, v10  }
0x306: {  	v18 =	vsel vm1, v22, v30;
	v22 =	vmul.f32 v27, v27;
	v27 =	vsub.f32 v21, v7  }
0x307: {  	v30 =	vsub.f32 v21, v6;
	v24 =	vsel vm1, v24, v31;
	v19 =	vmul.f32 v19, v19  }
0x308: {  	v28 =	vmul.f32 v28, v28;
	v21 =	vsub.f32 v21, v2;
	v27 =	vmul.f32 v27, v27  }
0x309: {  	(xrf1) =	vsort.ascd.msk.f32 $0xffff, v18, v24;
	v18 =	vor.u32 $0x1C0, v0;
	v24 =	vsub.f32 v25, v3;
	v19 =	vadd.f32 v19, v22  }
0x30a: {  	v22 =	vmul.f32 v30, v30;
	v30 =	vmul.f32 v36, v36;
	v25 =	vadd.f32 v28, v27  }
0x30b: {  	vm1 =	veq.s32 v15, v18;
	v21 =	vmul.f32 v21, v21  }
0x30c: {  	v24 =	vmul.f32 v24, v24;
	v22 =	vadd.f32 v30, v22;
	(xrf1) =	vsort.dscd.msk.f32 $0xffff, v19, v18;
	v19 =	vsel vm1, $0x7F800000, v25  }
0x30d: {  	vm1 =	veq.s32 v13, v18;
	(xrf1) =	vsort.dscd.msk.f32 $0xffff, v19, v18  }
0x30e: {  	v21 =	vadd.f32 v24, v21;
	v22 =	vsel vm1, $0x7F800000, v22  }
0x30f: {  	vm1 =	veq.s32 v16, v18;
	(xrf1) =	vsort.dscd.msk.f32 $0xffff, v22, v18  }
0x310: {  	v19 =	vsel vm1, $0x7F800000, v21  }
0x311: {  	(xrf1) =	vsort.dscd.msk.f32 $0xffff, v19, v18;
	_ =	sdelay $0x2  }
0x312: {  	v18 =	vor.u32 $0x3A0, v1;
	_ =	sdelay $0x1  }
0x313: {  	v22 =	vor.u32 $0x3A1, v1;
	v19, v21, _ =	vpop (xrf1)  }
0x314: {  	v24, v25, _ =	vpop (xrf1)  }
0x315: {  	v27, v28, _ =	vpop (xrf1)  }
0x316: {  	v30, v31, _ =	vpop (xrf1);
	v18 =	vld.idx.msk [tilespmem:v18+s2+$0x0], $0xffff  }
0x317: {  	v33, v34, _ =	vpop (xrf1)  }
0x318: {  	v22 =	vld.idx.msk [tilespmem:v22+s2+$0x0], $0xffff;
	vm1 =	vlt.f32 v33, v19;
	v36, v37, _ =	vpop (xrf1)  }
0x319: {  	v19 =	vsel vm1, v33, v19;
	v21 =	vsel vm1, v34, v21;
	vm1 =	vlt.f32 v36, v24  }
0x31a: {  	v33, v34, _ =	vpop (xrf1);
	(xrf1) =	vsort.ascd.msk.f32 $0xffff, v19, v21;
	v19 =	vsel vm1, v36, v24;
	v21 =	vsel vm1, v37, v25  }
0x31b: {  	vm1 =	vlt.f32 v33, v27;
	v36 =	vsub.f32 v18, v6;
	(xrf1) =	vsort.ascd.msk.f32 $0xffff, v19, v21  }
0x31c: {  	v24, v25, _ =	vpop (xrf1);
	v19 =	vsel vm1, v33, v27;
	v21 =	vsub.f32 v18, v12;
	v27 =	vsel vm1, v34, v28  }
0x31d: {  	vm1 =	vlt.f32 v24, v30;
	v28 =	vsub.f32 v22, v10;
	v33 =	vsub.f32 v18, v7  }
0x31e: {  	v34 =	vsub.f32 v22, v9;
	v25 =	vsel vm1, v25, v31;
	v31 =	vmul.f32 v36, v36  }
0x31f: {  	v37 =	vsub.f32 v22, v4;
	v21 =	vmul.f32 v21, v21;
	v28 =	vmul.f32 v28, v28  }
0x320: {  	v24 =	vsel vm1, v24, v30;
	v30 =	vmul.f32 v33, v33;
	v33 =	vmul.f32 v34, v34  }
0x321: {  	v37 =	vmul.f32 v37, v37;
	(xrf1) =	vsort.ascd.msk.f32 $0xffff, v19, v27;
	v19 =	vadd.f32 v28, v21  }
0x322: {  	v18 =	vsub.f32 v18, v2;
	v27 =	vor.u32 $0x1D0, v0;
	(xrf1) =	vsort.ascd.msk.f32 $0xffff, v24, v25;
	v21 =	vadd.f32 v33, v30  }
0x323: {  	vm1 =	veq.s32 v15, v27;
	v24 =	vadd.f32 v37, v31;
	(xrf1) =	vsort.dscd.msk.f32 $0xffff, v19, v27  }
0x324: {  	v22 =	vsub.f32 v22, v3;
	v21 =	vsel vm1, $0x7F800000, v21;
	vm1 =	veq.s32 v13, v27  }
0x325: {  	(xrf1) =	vsort.dscd.msk.f32 $0xffff, v21, v27;
	v19 =	vsel vm1, $0x7F800000, v24  }
0x326: {  	v18 =	vmul.f32 v18, v18;
	v21 =	vmul.f32 v22, v22;
	(xrf1) =	vsort.dscd.msk.f32 $0xffff, v19, v27;
	_ =	sdelay $0x1  }
0x327: {  	v18 =	vadd.f32 v21, v18  }
0x328: {  	vm1 =	veq.s32 v16, v27  }
0x329: {  	v18 =	vsel vm1, $0x7F800000, v18  }
0x32a: {  	v19 =	vor.u32 $0x3C1, v1;
	(xrf1) =	vsort.dscd.msk.f32 $0xffff, v18, v27  }
0x32b: {  	v18 =	vor.u32 $0x3C0, v1  }
0x32c: {  	v21, v22, _ =	vpop (xrf1)  }
0x32d: {  	v24, v25, _ =	vpop (xrf1)  }
0x32e: {  	v27, v28, _ =	vpop (xrf1)  }
0x32f: {  	v19 =	vld.idx.msk [tilespmem:v19+s2+$0x0], $0xffff;
	v30, v31, _ =	vpop (xrf1)  }
0x330: {  	v18 =	vld.idx.msk [tilespmem:v18+s2+$0x0], $0xffff;
	v33, v34, _ =	vpop (xrf1)  }
0x331: {  	vm1 =	vlt.f32 v33, v21  }
0x332: {  	v36, v37, _ =	vpop (xrf1);
	v21 =	vsel vm1, v33, v21;
	v22 =	vsel vm1, v34, v22  }
0x333: {  	vm1 =	vlt.f32 v36, v24;
	v33, v34, _ =	vpop (xrf1);
	(xrf1) =	vsort.ascd.msk.f32 $0xffff, v21, v22  }
0x334: {  	v21 =	vsel vm1, v36, v24;
	v22 =	vsel vm1, v37, v25;
	vm1 =	vlt.f32 v33, v27  }
0x335: {  	v24 =	vsub.f32 v19, v10;
	(xrf1) =	vsort.ascd.msk.f32 $0xffff, v21, v22;
	v22 =	vsub.f32 v18, v12  }
0x336: {  	v21 =	vsel vm1, v33, v27;
	v25 =	vsel vm1, v34, v28;
	v27 =	vsub.f32 v18, v7  }
0x337: {  	v28 =	vsub.f32 v19, v9;
	(xrf1) =	vsort.ascd.msk.f32 $0xffff, v21, v25;
	v21 =	vmul.f32 v22, v22  }
0x338: {  	v36, v37, _ =	vpop (xrf1);
	v22 =	vmul.f32 v24, v24;
	v24 =	vmul.f32 v27, v27  }
0x339: {  	v25 =	vmul.f32 v28, v28;
	v28 =	vsub.f32 v18, v6;
	vm1 =	vlt.f32 v36, v30  }
0x33a: {  	v27 =	vsel vm1, v36, v30;
	v31 =	vsel vm1, v37, v31;
	v21 =	vadd.f32 v22, v21  }
0x33b: {  	v30 =	vsub.f32 v19, v4;
	v22 =	vadd.f32 v25, v24;
	v24 =	vor.u32 $0x1E0, v0;
	(xrf1) =	vsort.ascd.msk.f32 $0xffff, v27, v31  }
0x33c: {  	(xrf1) =	vsort.dscd.msk.f32 $0xffff, v21, v24  }
0x33d: {  	v25 =	vmul.f32 v28, v28;
	vm1 =	veq.s32 v15, v24;
	v27 =	vmul.f32 v30, v30  }
0x33e: {  	v18 =	vsub.f32 v18, v2;
	v19 =	vsub.f32 v19, v3;
	v22 =	vsel vm1, $0x7F800000, v22  }
0x33f: {  	(xrf1) =	vsort.dscd.msk.f32 $0xffff, v22, v24;
	v25 =	vadd.f32 v27, v25  }
0x340: {  	v18 =	vmul.f32 v18, v18;
	vm1 =	veq.s32 v13, v24;
	v19 =	vmul.f32 v19, v19  }
0x341: {  	v21 =	vsel vm1, $0x7F800000, v25  }
0x342: {  	v18 =	vadd.f32 v19, v18;
	(xrf1) =	vsort.dscd.msk.f32 $0xffff, v21, v24  }
0x343: {  	vm1 =	veq.s32 v16, v24  }
0x344: {  	v18 =	vsel vm1, $0x7F800000, v18  }
0x345: {  	(xrf1) =	vsort.dscd.msk.f32 $0xffff, v18, v24  }
0x346: {  	v19 =	vor.u32 $0x3E1, v1;
	v21, v22, _ =	vpop (xrf1)  }
0x347: {  	v18 =	vor.u32 $0x3E0, v1;
	v24, v25, _ =	vpop (xrf1)  }
0x348: {  	v27, v28, _ =	vpop (xrf1)  }
0x349: {  	v30, v31, _ =	vpop (xrf1)  }
0x34a: {  	v33, v34, _ =	vpop (xrf1)  }
0x34b: {  	v19 =	vld.idx.msk [tilespmem:v19+s2+$0x0], $0xffff;
	vm1 =	vlt.f32 v33, v21  }
0x34c: {  	v18 =	vld.idx.msk [tilespmem:v18+s2+$0x0], $0xffff;
	v22 =	vsel vm1, v34, v22  }
0x34d: {  	v36, v37, _ =	vpop (xrf1);
	v21 =	vsel vm1, v33, v21  }
0x34e: {  	vm1 =	vlt.f32 v36, v24  }
0x34f: {  	v25 =	vsel vm1, v37, v25  }
0x350: {  	(xrf1) =	vsort.ascd.msk.f32 $0xffff, v21, v22;
	v24 =	vsel vm1, v36, v24;
	v21, v22, _ =	vpop (xrf1)  }
0x351: {  	v36 =	vsub.f32 v18, v12;
	v37 =	vsub.f32 v19, v10;
	vm1 =	vlt.f32 v21, v27  }
0x352: {  	(xrf1) =	vsort.ascd.msk.f32 $0xffff, v24, v25;
	v21 =	vsel vm1, v21, v27  }
0x353: {  	v24, v25, _ =	vpop (xrf1);
	v22 =	vsel vm1, v22, v28;
	v27 =	vmul.f32 v36, v36;
	v28 =	vmul.f32 v37, v37  }
0x354: {  	vm1 =	vlt.f32 v24, v30;
	(xrf1) =	vsort.ascd.msk.f32 $0xffff, v21, v22  }
0x355: {  	v21 =	vsel vm1, v24, v30;
	v22 =	vsel vm1, v25, v31;
	v24 =	vadd.f32 v28, v27  }
0x356: {  	(xrf1) =	vsort.ascd.msk.f32 $0xffff, v21, v22;
	v21 =	vor.u32 $0x1F0, v0  }
0x357: {  	v22 =	vsub.f32 v18, v7;
	(xrf1) =	vsort.dscd.msk.f32 $0xffff, v24, v21;
	v24 =	vsub.f32 v19, v9;
	_ =	sdelay $0x1  }
0x358: {  	v22 =	vmul.f32 v22, v22;
	v24 =	vmul.f32 v24, v24;
	_ =	sdelay $0x1  }
0x359: {  	v22 =	vadd.f32 v24, v22  }
0x35a: {  	vm1 =	veq.s32 v15, v21  }
0x35b: {  	v24 =	vsub.f32 v19, v4;
	v15 =	vsel vm1, $0x7F800000, v22;
	v22 =	vsub.f32 v18, v6;
	_ =	sdelay $0x1  }
0x35c: {  	v24 =	vmul.f32 v24, v24;
	v22 =	vmul.f32 v22, v22  }
0x35d: {  	v19 =	vsub.f32 v19, v3  }
0x35e: {  	v18 =	vsub.f32 v18, v2;
	(xrf1) =	vsort.dscd.msk.f32 $0xffff, v15, v21;
	v22 =	vadd.f32 v24, v22  }
0x35f: {  	v15, v25, _ =	vpop (xrf1)  }
0x360: {  	v19 =	vmul.f32 v19, v19;
	v18 =	vmul.f32 v18, v18;
	v27, v28, _ =	vpop (xrf1)  }
0x361: {  	v30, v31, _ =	vpop (xrf1)  }
0x362: {  	vm1 =	veq.s32 v13, v21;
	v18 =	vadd.f32 v19, v18;
	v13, v24, _ =	vpop (xrf1)  }
0x363: {  	v19 =	vsel vm1, $0x7F800000, v22;
	vm1 =	veq.s32 v16, v21;
	v16, v22, _ =	vpop (xrf1)  }
0x364: {  	(xrf1) =	vsort.dscd.msk.f32 $0xffff, v19, v21;
	v18 =	vsel vm1, $0x7F800000, v18;
	vm1 =	vlt.f32 v16, v15  }
0x365: {  	(xrf1) =	vsort.dscd.msk.f32 $0xffff, v18, v21;
	v15 =	vsel vm1, v16, v15;
	v16 =	vsel vm1, v22, v25  }
0x366: {  	(xrf1) =	vsort.ascd.msk.f32 $0xffff, v15, v16;
	_ =	sdelay $0x5  }
0x367: {  	v15, v16, _ =	vpop (xrf1)  }
0x368: {  	vm1 =	vlt.f32 v15, v27  }
0x369: {  	v15 =	vsel vm1, v15, v27;
	v16 =	vsel vm1, v16, v28  }
0x36a: {  	(xrf1) =	vsort.ascd.msk.f32 $0xffff, v15, v16;
	_ =	sdelay $0x2  }
0x36b: {  	v15, v16, _ =	vpop (xrf1)  }
0x36c: {  	v18, v19, _ =	vpop (xrf1)  }
0x36d: {  	_, v21, _ =	vpop (xrf1)  }
0x36e: {  	v21 =	vshll.u32 v21, $0x1  }
0x36f: {  	vm1 =	vlt.f32 v15, v30;
	v22 =	vor.u32 $0x1, v21  }
0x370: {  	v15 =	vsel vm1, v15, v30;
	v16 =	vsel vm1, v16, v31  }
0x371: {  	(xrf1) =	vsort.ascd.msk.f32 $0xffff, v15, v16;
	_ =	sdelay $0x1  }
0x372: {  	v15 =	vld.idx.msk [tilespmem:v21+s2+$0x0], $0xffff  }
0x373: {  	s29 =	sshll.u32 s14, $0x7;
	v21 =	vadd.s32 $0x2, v1;
	v16 =	vld.idx.msk [tilespmem:v22+s2+$0x0], $0xffff  }
0x374: {  	v25 =	vadd.s32 $0x3, v1;
	v22 =	vor.u32 s29, v21  }
0x375: {  	v28 =	vor.u32 s29, v25;
	_, v27, _ =	vpop (xrf1)  }
0x376: {  	vm1 =	vlt.f32 v18, v13;
	v27 =	vshll.u32 v27, $0x1  }
0x377: {  	v30 =	vsel vm0, v12, v10;
	v12 =	vsub.f32 v15, v12;
	v15 =	vor.u32 $0x1, v27  }
0x378: {  	v13 =	vsel vm1, v18, v13;
	v18 =	vsel vm1, v19, v24;
	[tilespmem:s12+$0xFFFFB800] =	vst v30;
	v10 =	vsub.f32 v16, v10  }
0x379: {  	(xrf1) =	vsort.ascd.msk.f32 $0xffff, v13, v18;
	[tilespmem:v22+s10+$0x0] =	vst.idx.msk $0xffff, v12  }
0x37a: {  	[tilespmem:v28+s10+$0x0] =	vst.idx.msk $0xffff, v10  }
0x37b: {  	v10 =	vld.idx.msk [tilespmem:v27+s2+$0x0], $0xffff  }
0x37c: {  	s30 =	sadd.s32 $0x1800, s29;
	v12 =	vld.idx.msk [tilespmem:v15+s2+$0x0], $0xffff  }
0x37d: {  	v13 =	vor.u32 s30, v21  }
0x37e: {  	v16 =	vor.u32 s30, v25;
	_, v15, _ =	vpop (xrf1)  }
0x37f: {  	v15 =	vshll.u32 v15, $0x1  }
0x380: {  	v18 =	vsel vm0, v7, v9;
	v7 =	vsub.f32 v10, v7;
	v10 =	vor.u32 $0x1, v15  }
0x381: {  	[tilespmem:s12+$0xFFFFD000] =	vst v18;
	v9 =	vsub.f32 v12, v9  }
0x382: {  	[tilespmem:v13+s10+$0x0] =	vst.idx.msk $0xffff, v7  }
0x383: {  	[tilespmem:v16+s10+$0x0] =	vst.idx.msk $0xffff, v9  }
0x384: {  	v7 =	vld.idx.msk [tilespmem:v15+s2+$0x0], $0xffff  }
0x385: {  	s31 =	sadd.s32 $0x3000, s29;
	v9 =	vld.idx.msk [tilespmem:v10+s2+$0x0], $0xffff  }
0x386: {  	v10 =	vor.u32 s31, v21  }
0x387: {  	_, v12, _ =	vpop (xrf1);
	v13 =	vor.u32 s31, v25  }
0x388: {  	v12 =	vshll.u32 v12, $0x1  }
0x389: {  	v15 =	vsel vm0, v6, v4;
	v6 =	vsub.f32 v7, v6;
	v7 =	vor.u32 $0x1, v12  }
0x38a: {  	[tilespmem:s12+$0xFFFFE800] =	vst v15;
	v4 =	vsub.f32 v9, v4  }
0x38b: {  	[tilespmem:v10+s10+$0x0] =	vst.idx.msk $0xffff, v6  }
0x38c: {  	[tilespmem:v13+s10+$0x0] =	vst.idx.msk $0xffff, v4  }
0x38d: {  	v4 =	vld.idx.msk [tilespmem:v12+s2+$0x0], $0xffff  }
0x38e: {  	s15 =	sadd.s32 $0x4800, s29;
	v6 =	vld.idx.msk [tilespmem:v7+s2+$0x0], $0xffff  }
0x38f: {  	v7 =	vor.u32 s15, v21  }
0x390: {  	p0 =	sne.s32 s14, $0x2F;
	v9 =	vor.u32 s15, v25  }
.Ltmp0:
0x391: {  	_ = 	snop;
	(pc) =	sbr.rel @p0 .LBB2_2-.Ltmp0, $4  }
0x392: {  	v4 =	vsub.f32 v4, v2;
	v2 =	vsel vm0, v2, v3  }
0x393: {  	[tilespmem:s12+$0x0] =	vst v2;
	v2 =	vsub.f32 v6, v3  }
0x394: {  	[tilespmem:v7+s10+$0x0] =	vst.idx.msk $0xffff, v4  }
0x395: {  	s13 =	sadd.s32 $0x2, s13;
	s14 =	sadd.s32 $0x1, s14;
	v17 =	vmov v20;
	s12 =	sadd.s32 $0x80, s12;
	v4 =	vld [tilespmem:$0x1FFF0];
	[tilespmem:v9+s10+$0x0] =	vst.idx.msk $0xffff, v2  }
0x396: {  	s11 =	sadd.s32 $0x1, s11  }
0x397: {  	p0 =	sne.s32 s11, s7  }
.Ltmp1:
0x398: {  	_ = 	snop;
	(pc) =	sbr.rel @p0 .LBB2_1-.Ltmp1, $4  }
0x399: {  	[hbm4b:s6+s2] =	stream.linear.scatter [tilespmem:s10], [sflag:$0x1], $0x6000, $0x38;
	[tilespmem:$0x6400] =	vst v63  }
0x39a: {  	_ =	swait.ge [sflag:s3], $0x6000  }
0x39b: {  	[sflag:s3] =	ssyncset.done $0x0  }
0x39c: {  	[sflag:s3] =	ssyncadd.s32 $0xFFFFA000  }
0x39d: {  	_ =	sfence.sel $0x180000  }
0x39e: {  	[bflag:$0x0] =	sbarrier.arrive $0xFFFF  }
0x39f: {  	p0 =	sne.s32 s0, $0x0;
	_ =	strace $0x90000047  }
0x3a0: {  	s0 =	sadd.s32 @!p0 $0x100000, s1;
	[bflag:$0x2] =	sbarrier.arrive $0xFFFF  }
0x3a1: {  	[sflag:s0] =	ssyncadd.tile.s32 @!p0 $0x1;
	_ =	shalt  }
.Lfunc_end2:
_tile_overlayer_lowered:
.L_overlay_start_2:
0x3a2: {  	(tag) =	ssettag $0x2  }
0x3a3: {  	s0 =	rddreg [dreg:$0x0];
	s2 =	stileid.u32  }
0x3a4: {  	s1 =	rddreg [dreg:$0x1];
	p0 =	sne.s32 s2, $0x0  }
0x3a5: {  	s3 =	rddreg [dreg:$0x2];
	[bflag:$0x3] =	sbarrier.arrive $0xFFFF;
	s2 =	simm.s32 @!p0 $0x1C01  }
0x3a6: {  	[timem:s3], [sflag:s2] =	dma.local @!p0 [hbm:s0], s1  }
0x3a7: {  	s0 =	simm.s32 @!p0 $0x1  }
0x3a8: {  	_ =	swait.ge @!p0 [sflag:s0], s1  }
0x3a9: {  	s1 =	ssub.s32 @!p0 $0x0, s1;
	[sflag:s0] =	ssyncset.done @!p0 $0x0  }
0x3aa: {  	[sflag:s0] =	ssyncadd.s32 @!p0 s1  }
0x3ab: {  	[bflag:$0x3] =	sbarrier.arrive $0xFFFF  }
0x3ac: {  	_ =	shalt  }

</sc_bundles>
